<compile_context>
chip_gen: v7x
topology: tpu7x:2x2x1
jax: 0.10.2.dev20260603
libtpu: 0.0.44.dev20260713+nightly
codegen_flags: <defaults>
</compile_context>

<pallas_src>
import functools

import jax
import jax.numpy as jnp
from jax import lax
from jax.experimental import pallas as pl
from jax.experimental.pallas import tpu as pltpu
from jax.experimental.pallas import tpu_sc as plsc

N = 10000
NPAD = 10240
E = 320000
NC, NS = 2, 16
CHW = 500
K = 20
PH = 2
K2 = K // PH
ROWS_PER_TILE = NPAD // NS
ZR = 80


def _sc_mesh():
    return plsc.VectorSubcoreMesh(
        core_axis_name="c", subcore_axis_name="s", num_cores=NC, num_subcores=NS)


def _make_deg_kernel():
    @functools.partial(
        pl.kernel,
        out_type=jax.ShapeDtypeStruct((NC, NPAD, 8), jnp.float32),
        mesh=_sc_mesh(),
        compiler_params=pltpu.CompilerParams(use_tc_tiling_on_sc=False),
        scratch_types=[
            pltpu.VMEM((K, CHW), jnp.int32),
            pltpu.VMEM((CHW, 8), jnp.float32),
            pltpu.VMEM((ZR, 8), jnp.float32),
            pltpu.VMEM_SHARED((NPAD, 8), jnp.float32),
        ],
    )
    def deg_kernel(ei_hbm, ones_hbm, zz_hbm, out_hbm, dst_v, ones_v, stage_v, acc_sh):
        c = lax.axis_index("c")
        s = lax.axis_index("s")
        wid = c * NS + s
        pltpu.sync_copy(zz_hbm, stage_v)
        def zbody(i, carry):
            pltpu.sync_copy(stage_v, acc_sh.at[pl.ds(s * ROWS_PER_TILE + i * ZR, ZR)])
            return carry
        lax.fori_loop(0, ROWS_PER_TILE // ZR, zbody, 0)
        pltpu.sync_copy(ones_hbm, ones_v)
        pltpu.sync_copy(ei_hbm.at[1, wid], dst_v)
        plsc.subcore_barrier()
        def ebody(j, carry):
            pltpu.sync_copy(ones_v, acc_sh.at[dst_v.at[j]], add=True)
            return carry
        lax.fori_loop(0, K, ebody, 0)
        plsc.subcore_barrier()
        def obody(i, carry):
            r0 = s * ROWS_PER_TILE + i * ZR
            pltpu.sync_copy(acc_sh.at[pl.ds(r0, ZR)], stage_v)
            pltpu.sync_copy(stage_v, out_hbm.at[c, pl.ds(r0, ZR)])
            return carry
        lax.fori_loop(0, ROWS_PER_TILE // ZR, obody, 0)

    return deg_kernel


def _make_agg_kernel(d, dtype):
    @functools.partial(
        pl.kernel,
        out_type=jax.ShapeDtypeStruct((NC, NPAD, d), dtype),
        mesh=_sc_mesh(),
        compiler_params=pltpu.CompilerParams(use_tc_tiling_on_sc=False),
        scratch_types=[
            pltpu.VMEM((K2, CHW), jnp.int32),
            pltpu.VMEM((K2, CHW), jnp.int32),
            pltpu.VMEM((CHW, d), dtype),
            pltpu.VMEM((CHW, d), dtype),
            pltpu.VMEM((ZR, d), dtype),
            pltpu.VMEM_SHARED((NPAD, d), dtype),
            pltpu.SemaphoreType.DMA,
            pltpu.SemaphoreType.DMA,
        ],
    )
    def agg_kernel(ei_hbm, h_hbm, zz_hbm, out_hbm,
                   src_v, dst_v, rows_a, rows_b, stage_v, acc_sh, sem_a, sem_b):
        c = lax.axis_index("c")
        s = lax.axis_index("s")
        wid = c * NS + s
        pltpu.sync_copy(zz_hbm, stage_v)
        def zbody(i, carry):
            pltpu.sync_copy(stage_v, acc_sh.at[pl.ds(s * ROWS_PER_TILE + i * ZR, ZR)])
            return carry
        lax.fori_loop(0, ROWS_PER_TILE // ZR, zbody, 0)
        plsc.subcore_barrier()
        for p in range(PH):
            pltpu.sync_copy(ei_hbm.at[0, wid, pl.ds(p * K2, K2)], src_v)
            pltpu.sync_copy(ei_hbm.at[1, wid, pl.ds(p * K2, K2)], dst_v)
            pltpu.async_copy(h_hbm.at[src_v.at[0]], rows_a, sem_a)
            def ebody(i, carry):
                c0 = 2 * i
                c1 = 2 * i + 1
                pltpu.async_copy(h_hbm.at[src_v.at[c1]], rows_b, sem_b)
                pltpu.make_async_copy(h_hbm.at[src_v.at[c0]], rows_a, sem_a).wait()
                pltpu.sync_copy(rows_a, acc_sh.at[dst_v.at[c0]], add=True)
                @pl.when(c0 + 2 < K2)
                def _prefetch():
                    pltpu.async_copy(h_hbm.at[src_v.at[c0 + 2]], rows_a, sem_a)
                pltpu.make_async_copy(h_hbm.at[src_v.at[c1]], rows_b, sem_b).wait()
                pltpu.sync_copy(rows_b, acc_sh.at[dst_v.at[c1]], add=True)
                return carry
            lax.fori_loop(0, K2 // 2, ebody, 0)
        plsc.subcore_barrier()
        def obody(i, carry):
            r0 = s * ROWS_PER_TILE + i * ZR
            pltpu.sync_copy(acc_sh.at[pl.ds(r0, ZR)], stage_v)
            pltpu.sync_copy(stage_v, out_hbm.at[c, pl.ds(r0, ZR)])
            return carry
        lax.fori_loop(0, ROWS_PER_TILE // ZR, obody, 0)

    return agg_kernel



_BLK = 2000
_GRID = N // _BLK


def _dis_from(dg):
    deg = dg[0, :, 0] + dg[1, :, 0] + 1.0
    return lax.rsqrt(deg)


def _mm_scale_body(x_ref, w_ref, dg_ref, o_ref):
    dis = _dis_from(dg_ref[...])
    h = jnp.dot(x_ref[...], w_ref[...], preferred_element_type=jnp.float32)
    o_ref[...] = (h * dis[:, None]).astype(o_ref.dtype)


def _mid_body(agg_ref, hp_ref, dg_ref, w2_ref, b1_ref, o_ref):
    dis = _dis_from(dg_ref[...])
    agg = agg_ref[...].astype(jnp.float32)
    hp = hp_ref[...].astype(jnp.float32)
    h1 = dis[:, None] * (agg[0] + agg[1] + hp) + b1_ref[...]
    h1 = jnp.maximum(h1, 0.0)
    h2 = jnp.dot(h1, w2_ref[...], preferred_element_type=jnp.float32) * dis[:, None]
    o_ref[...] = h2.astype(o_ref.dtype)


def _fin_body(agg_ref, hp_ref, dg_ref, b2_ref, o_ref):
    dis = _dis_from(dg_ref[...])
    agg = agg_ref[...].astype(jnp.float32)
    hp = hp_ref[...].astype(jnp.float32)
    o_ref[...] = dis[:, None] * (agg[0] + agg[1] + hp) + b2_ref[...]


def _row_spec(d):
    return pl.BlockSpec((_BLK, d), lambda i: (i, 0))


def _dg_spec():
    return pl.BlockSpec((2, _BLK, 8), lambda i: (0, i, 0))


def _full_spec(r, cdim):
    return pl.BlockSpec((r, cdim), lambda i: (0, 0))


def _agg_spec(d):
    return pl.BlockSpec((2, _BLK, d), lambda i: (0, i, 0))


@jax.jit
def kernel(x, edge_index, W1, b1, W2, b2):
    d_hid = W1.shape[1]
    d_out = W2.shape[1]

    ei5 = edge_index.reshape(2, NC * NS, K, CHW)

    ones8 = jnp.ones((CHW, 8), jnp.float32)
    z8 = jnp.zeros((ZR, 8), jnp.float32)
    zh = jnp.zeros((ZR, d_hid), jnp.bfloat16)
    zo = jnp.zeros((ZR, d_out), jnp.bfloat16)

    dg = _make_deg_kernel()(ei5, ones8, z8)

    h1p = pl.pallas_call(
        _mm_scale_body,
        grid=(_GRID,),
        in_specs=[_row_spec(x.shape[1]), _full_spec(x.shape[1], d_hid), _dg_spec()],
        out_specs=_row_spec(d_hid),
        out_shape=jax.ShapeDtypeStruct((N, d_hid), jnp.bfloat16),
    )(x, W1, dg)

    agg1 = _make_agg_kernel(d_hid, jnp.bfloat16)(ei5, h1p, zh)

    h2p = pl.pallas_call(
        _mid_body,
        grid=(_GRID,),
        in_specs=[_agg_spec(d_hid), _row_spec(d_hid), _dg_spec(),
                  _full_spec(d_hid, d_out), _full_spec(1, d_hid)],
        out_specs=_row_spec(d_out),
        out_shape=jax.ShapeDtypeStruct((N, d_out), jnp.bfloat16),
    )(agg1, h1p, dg, W2, b1.reshape(1, d_hid))

    agg2 = _make_agg_kernel(d_out, jnp.bfloat16)(ei5, h2p, zo)

    out = pl.pallas_call(
        _fin_body,
        grid=(_GRID,),
        in_specs=[_agg_spec(d_out), _row_spec(d_out), _dg_spec(),
                  _full_spec(1, d_out)],
        out_specs=_row_spec(d_out),
        out_shape=jax.ShapeDtypeStruct((N, d_out), jnp.float32),
    )(agg2, h2p, dg, b2.reshape(1, d_out))

    return out

# --- scband reference (transcript-rebuilt; emitter-appended) ---
"""Pipeline reference for scband-simple-gnn-21380347199513 (READ-ONLY COPY).

The authoritative reference and input builder live on the scoring server;
editing this copy changes nothing except your own understanding.
"""

import jax, jax.numpy as jnp
import numpy as np

N = 10000
E = 320000
D_IN = 128
D_HID = 128
D_OUT = 64


def _glorot(key, fan_in, fan_out):
    limit = np.sqrt(6.0 / (fan_in + fan_out))
    return jax.random.uniform(key, (fan_in, fan_out), dtype=jnp.float32, minval=-limit, maxval=limit)


def setup_inputs(seed: int = 0) -> dict:
    key = jax.random.key(seed)
    k1, k2, k3, k4 = jax.random.split(key, 4)
    x = jax.random.normal(k1, (N, D_IN), dtype=jnp.float32)
    edge_index = jax.random.randint(k2, (2, E), 0, N, dtype=jnp.int32)
    W1 = _glorot(k3, D_IN, D_HID)
    b1 = jnp.zeros((D_HID,), dtype=jnp.float32)
    W2 = _glorot(k4, D_HID, D_OUT)
    b2 = jnp.zeros((D_OUT,), dtype=jnp.float32)
    return {"x": x, "edge_index": edge_index, "W1": W1, "b1": b1, "W2": W2, "b2": b2}


def _gcn_conv(x, edge_index, W, b):
    # Faithful GCNConv: add self-loops, symmetric normalization, linear, scatter-add aggregate, bias.
    n = x.shape[0]
    loop = jnp.arange(n, dtype=edge_index.dtype)
    src = jnp.concatenate([edge_index[0], loop])
    dst = jnp.concatenate([edge_index[1], loop])
    ones = jnp.ones(src.shape[0], dtype=x.dtype)
    deg = jnp.zeros((n,), dtype=x.dtype).at[dst].add(ones)
    deg_inv_sqrt = jnp.where(deg > 0, deg ** -0.5, 0.0)
    norm = deg_inv_sqrt[src] * deg_inv_sqrt[dst]
    h = x @ W
    msg = jnp.take(h, src, axis=0) * norm[:, None]
    out = jnp.zeros((n, W.shape[1]), dtype=x.dtype).at[dst].add(msg)
    return out + b


def reference(x, edge_index, W1, b1, W2, b2):
    # num_layers=2: conv1 -> relu -> dropout(p=0.1, eval mode => identity) -> conv_out; batch=None
    h = _gcn_conv(x, edge_index, W1, b1)
    h = jax.nn.relu(h)
    out = _gcn_conv(h, edge_index, W2, b2)
    return out

if __name__ == "__main__":
    import jax
    _d = setup_inputs()
    print(jax.jit(kernel)(*tuple(_d.values())))

</pallas_src>

<mosaic_0001>
#map = affine_map<(d0, d1) -> (0, 0, 0, 0)>
#map1 = affine_map<(d0, d1) -> (0, 0)>
#map2 = affine_map<(d0, d1) -> (0, 0, 0)>
module attributes {stable_mosaic.version = 14 : i64} {
  func.func @agg_kernel(%arg0: i32, %arg1: i32, %arg2: memref<2x32x20x500xi32, #tpu.memory_space<hbm>>, %arg3: memref<10000x128xbf16, #tpu.memory_space<hbm>>, %arg4: memref<80x128xbf16, #tpu.memory_space<hbm>>, %arg5: memref<2x10240x128xbf16, #tpu.memory_space<hbm>>, %arg6: memref<10x500xi32, #tpu.memory_space<vmem>>, %arg7: memref<10x500xi32, #tpu.memory_space<vmem>>, %arg8: memref<500x128xbf16, #tpu.memory_space<vmem>>, %arg9: memref<500x128xbf16, #tpu.memory_space<vmem>>, %arg10: memref<80x128xbf16, #tpu.memory_space<vmem>>, %arg11: memref<10240x128xbf16, #tpu.memory_space<vmem_shared>>, %arg12: memref<!tpu.dma_semaphore, #tpu.memory_space<semaphore_mem>>, %arg13: memref<!tpu.dma_semaphore, #tpu.memory_space<semaphore_mem>>) attributes {dimension_semantics = [#tpu.dimension_semantics<core_parallel>, #tpu.dimension_semantics<subcore_parallel>], iteration_bounds = array<i64: 2, 16>, scalar_prefetch = 0 : i64, scratch_operands = 8 : i64, tpu.core_type = #tpu.core_type<sc_vector_subcore>, window_params = [{transform_indices = #map}, {transform_indices = #map1}, {transform_indices = #map1}, {transform_indices = #map2}]} {
    %mul3A = arith.constant 16 : i32
    %mul3A_0 = arith.muli %arg0, %mul3A : i32
    %add3A = arith.addi %mul3A_0, %arg1 : i32
    "tpu.region"() ({
      %run_scoped3A_41 = tpu.sem_alloc : memref<!tpu.dma_semaphore, #tpu.memory_space<semaphore_mem>>
      tpu.enqueue_dma source(%arg4 : memref<80x128xbf16, #tpu.memory_space<hbm>>) target(%arg10 : memref<80x128xbf16, #tpu.memory_space<vmem>>) target_semaphore(%run_scoped3A_41 : memref<!tpu.dma_semaphore, #tpu.memory_space<semaphore_mem>>)
      tpu.wait_dma2 semaphore(%run_scoped3A_41 : memref<!tpu.dma_semaphore, #tpu.memory_space<semaphore_mem>>) src(%arg4 : memref<80x128xbf16, #tpu.memory_space<hbm>>) dst(%arg10 : memref<80x128xbf16, #tpu.memory_space<vmem>>)
      tpu.yield
    }) : () -> ()
    %scan3A = arith.constant 0 : i32
    %scan3A_1 = arith.constant 0 : i32
    %scan3A_2 = arith.constant 8 : i32
    %scan3A_3 = arith.addi %scan3A_1, %scan3A_2 : i32
    %scan3A_4 = arith.constant 1 : i32
    scf.for %scan3A_41 = %scan3A_1 to %scan3A_3 step %scan3A_4  : i32 {
      %mul3A_42 = arith.constant 640 : i32
      %mul3A_43 = arith.muli %arg1, %mul3A_42 : i32
      %mul3A_44 = arith.constant 80 : i32
      %mul3A_45 = arith.muli %scan3A_41, %mul3A_44 : i32
      %add3A_46 = arith.addi %mul3A_43, %mul3A_45 : i32
      "tpu.region"() ({
        %run_scoped3A_47 = tpu.sem_alloc : memref<!tpu.dma_semaphore, #tpu.memory_space<semaphore_mem>>
        %dma_start3A_48 = arith.constant 0 : i32
        %dma_start3A_49 = tpu.memref_slice %arg11[%add3A_46, %dma_start3A_48] : memref<10240x128xbf16, #tpu.memory_space<vmem_shared>> -> memref<80x128xbf16, #tpu.memory_space<vmem_shared>>
        %dma_start3A_50 = arith.constant 0 : i32
        %dma_start3A_51 = tpu.memref_slice %arg11[%add3A_46, %dma_start3A_50] : memref<10240x128xbf16, #tpu.memory_space<vmem_shared>> -> memref<80x128xbf16, #tpu.memory_space<vmem_shared>>
        tpu.enqueue_dma source(%arg10 : memref<80x128xbf16, #tpu.memory_space<vmem>>) target(%dma_start3A_51 : memref<80x128xbf16, #tpu.memory_space<vmem_shared>>) target_semaphore(%run_scoped3A_47 : memref<!tpu.dma_semaphore, #tpu.memory_space<semaphore_mem>>)
        %dma_wait3A = arith.constant 0 : i32
        %dma_wait3A_52 = tpu.memref_slice %arg11[%add3A_46, %dma_wait3A] : memref<10240x128xbf16, #tpu.memory_space<vmem_shared>> -> memref<80x128xbf16, #tpu.memory_space<vmem_shared>>
        %dma_wait3A_53 = arith.constant 0 : i32
        %dma_wait3A_54 = tpu.memref_slice %arg11[%add3A_46, %dma_wait3A_53] : memref<10240x128xbf16, #tpu.memory_space<vmem_shared>> -> memref<80x128xbf16, #tpu.memory_space<vmem_shared>>
        tpu.wait_dma2 semaphore(%run_scoped3A_47 : memref<!tpu.dma_semaphore, #tpu.memory_space<semaphore_mem>>) src(%arg10 : memref<80x128xbf16, #tpu.memory_space<vmem>>) dst(%dma_wait3A_54 : memref<80x128xbf16, #tpu.memory_space<vmem_shared>>)
        tpu.yield
      }) : () -> ()
    }
    %scan3A_5 = arith.constant 8 : i32
    %barrier3A = arith.constant 0 : index
    tpu.barrier barrier_id(%barrier3A)
    %run_scoped3A = arith.constant 0 : i32
    "tpu.region"() ({
      %run_scoped3A_41 = tpu.sem_alloc : memref<!tpu.dma_semaphore, #tpu.memory_space<semaphore_mem>>
      %dma_start3A_42 = arith.constant 0 : i32
      %dma_start3A_43 = arith.constant 0 : i32
      %dma_start3A_44 = tpu.memref_slice %arg2[%run_scoped3A, %add3A, %dma_start3A_42, %dma_start3A_43] : memref<2x32x20x500xi32, #tpu.memory_space<hbm>> -> memref<1x1x10x500xi32, #tpu.memory_space<hbm>>
      %dma_start3A_45 = tpu.memref_squeeze %dma_start3A_44 : memref<1x1x10x500xi32, #tpu.memory_space<hbm>> -> memref<10x500xi32, #tpu.memory_space<hbm>>
      %dma_start3A_46 = arith.constant 0 : i32
      %dma_start3A_47 = arith.constant 0 : i32
      %dma_start3A_48 = tpu.memref_slice %arg2[%run_scoped3A, %add3A, %dma_start3A_46, %dma_start3A_47] : memref<2x32x20x500xi32, #tpu.memory_space<hbm>> -> memref<1x1x10x500xi32, #tpu.memory_space<hbm>>
      %dma_start3A_49 = tpu.memref_squeeze %dma_start3A_48 : memref<1x1x10x500xi32, #tpu.memory_space<hbm>> -> memref<10x500xi32, #tpu.memory_space<hbm>>
      tpu.enqueue_dma source(%dma_start3A_49 : memref<10x500xi32, #tpu.memory_space<hbm>>) target(%arg6 : memref<10x500xi32, #tpu.memory_space<vmem>>) target_semaphore(%run_scoped3A_41 : memref<!tpu.dma_semaphore, #tpu.memory_space<semaphore_mem>>)
      %dma_wait3A = arith.constant 0 : i32
      %dma_wait3A_50 = arith.constant 0 : i32
      %dma_wait3A_51 = tpu.memref_slice %arg2[%run_scoped3A, %add3A, %dma_wait3A, %dma_wait3A_50] : memref<2x32x20x500xi32, #tpu.memory_space<hbm>> -> memref<1x1x10x500xi32, #tpu.memory_space<hbm>>
      %dma_wait3A_52 = tpu.memref_squeeze %dma_wait3A_51 : memref<1x1x10x500xi32, #tpu.memory_space<hbm>> -> memref<10x500xi32, #tpu.memory_space<hbm>>
      %dma_wait3A_53 = arith.constant 0 : i32
      %dma_wait3A_54 = arith.constant 0 : i32
      %dma_wait3A_55 = tpu.memref_slice %arg2[%run_scoped3A, %add3A, %dma_wait3A_53, %dma_wait3A_54] : memref<2x32x20x500xi32, #tpu.memory_space<hbm>> -> memref<1x1x10x500xi32, #tpu.memory_space<hbm>>
      %dma_wait3A_56 = tpu.memref_squeeze %dma_wait3A_55 : memref<1x1x10x500xi32, #tpu.memory_space<hbm>> -> memref<10x500xi32, #tpu.memory_space<hbm>>
      tpu.wait_dma2 semaphore(%run_scoped3A_41 : memref<!tpu.dma_semaphore, #tpu.memory_space<semaphore_mem>>) src(%dma_wait3A_56 : memref<10x500xi32, #tpu.memory_space<hbm>>) dst(%arg6 : memref<10x500xi32, #tpu.memory_space<vmem>>)
      tpu.yield
    }) : () -> ()
    %run_scoped3A_6 = arith.constant 1 : i32
    "tpu.region"() ({
      %run_scoped3A_41 = tpu.sem_alloc : memref<!tpu.dma_semaphore, #tpu.memory_space<semaphore_mem>>
      %dma_start3A_42 = arith.constant 0 : i32
      %dma_start3A_43 = arith.constant 0 : i32
      %dma_start3A_44 = tpu.memref_slice %arg2[%run_scoped3A_6, %add3A, %dma_start3A_42, %dma_start3A_43] : memref<2x32x20x500xi32, #tpu.memory_space<hbm>> -> memref<1x1x10x500xi32, #tpu.memory_space<hbm>>
      %dma_start3A_45 = tpu.memref_squeeze %dma_start3A_44 : memref<1x1x10x500xi32, #tpu.memory_space<hbm>> -> memref<10x500xi32, #tpu.memory_space<hbm>>
      %dma_start3A_46 = arith.constant 0 : i32
      %dma_start3A_47 = arith.constant 0 : i32
      %dma_start3A_48 = tpu.memref_slice %arg2[%run_scoped3A_6, %add3A, %dma_start3A_46, %dma_start3A_47] : memref<2x32x20x500xi32, #tpu.memory_space<hbm>> -> memref<1x1x10x500xi32, #tpu.memory_space<hbm>>
      %dma_start3A_49 = tpu.memref_squeeze %dma_start3A_48 : memref<1x1x10x500xi32, #tpu.memory_space<hbm>> -> memref<10x500xi32, #tpu.memory_space<hbm>>
      tpu.enqueue_dma source(%dma_start3A_49 : memref<10x500xi32, #tpu.memory_space<hbm>>) target(%arg7 : memref<10x500xi32, #tpu.memory_space<vmem>>) target_semaphore(%run_scoped3A_41 : memref<!tpu.dma_semaphore, #tpu.memory_space<semaphore_mem>>)
      %dma_wait3A = arith.constant 0 : i32
      %dma_wait3A_50 = arith.constant 0 : i32
      %dma_wait3A_51 = tpu.memref_slice %arg2[%run_scoped3A_6, %add3A, %dma_wait3A, %dma_wait3A_50] : memref<2x32x20x500xi32, #tpu.memory_space<hbm>> -> memref<1x1x10x500xi32, #tpu.memory_space<hbm>>
      %dma_wait3A_52 = tpu.memref_squeeze %dma_wait3A_51 : memref<1x1x10x500xi32, #tpu.memory_space<hbm>> -> memref<10x500xi32, #tpu.memory_space<hbm>>
      %dma_wait3A_53 = arith.constant 0 : i32
      %dma_wait3A_54 = arith.constant 0 : i32
      %dma_wait3A_55 = tpu.memref_slice %arg2[%run_scoped3A_6, %add3A, %dma_wait3A_53, %dma_wait3A_54] : memref<2x32x20x500xi32, #tpu.memory_space<hbm>> -> memref<1x1x10x500xi32, #tpu.memory_space<hbm>>
      %dma_wait3A_56 = tpu.memref_squeeze %dma_wait3A_55 : memref<1x1x10x500xi32, #tpu.memory_space<hbm>> -> memref<10x500xi32, #tpu.memory_space<hbm>>
      tpu.wait_dma2 semaphore(%run_scoped3A_41 : memref<!tpu.dma_semaphore, #tpu.memory_space<semaphore_mem>>) src(%dma_wait3A_56 : memref<10x500xi32, #tpu.memory_space<hbm>>) dst(%arg7 : memref<10x500xi32, #tpu.memory_space<vmem>>)
      tpu.yield
    }) : () -> ()
    %dma_start3A = arith.constant 0 : i32
    %dma_start3A_7 = arith.constant 0 : i32
    %dma_start3A_8 = tpu.memref_slice %arg6[%dma_start3A, %dma_start3A_7] : memref<10x500xi32, #tpu.memory_space<vmem>> -> memref<1x500xi32, #tpu.memory_space<vmem>>
    %dma_start3A_9 = tpu.memref_squeeze %dma_start3A_8 : memref<1x500xi32, #tpu.memory_space<vmem>> -> memref<500xi32, #tpu.memory_space<vmem>>
    %dma_start3A_10 = arith.constant 0 : i32
    %dma_start3A_11 = arith.constant 0 : i32
    %dma_start3A_12 = tpu.memref_slice %arg3[%dma_start3A_10, %dma_start3A_11] : memref<10000x128xbf16, #tpu.memory_space<hbm>> -> memref<10000x128xbf16, #tpu.memory_space<hbm>>
    tpu.enqueue_indirect_dma source(%dma_start3A_12 : memref<10000x128xbf16, #tpu.memory_space<hbm>>) target(%arg8 : memref<500x128xbf16, #tpu.memory_space<vmem>>) offsets(%dma_start3A_9 : memref<500xi32, #tpu.memory_space<vmem>>) semaphore(%arg12 : memref<!tpu.dma_semaphore, #tpu.memory_space<semaphore_mem>>)
    %scan3A_13 = arith.constant 0 : i32
    %scan3A_14 = arith.constant 0 : i32
    %scan3A_15 = arith.constant 5 : i32
    %scan3A_16 = arith.addi %scan3A_14, %scan3A_15 : i32
    %scan3A_17 = arith.constant 1 : i32
    scf.for %scan3A_41 = %scan3A_14 to %scan3A_16 step %scan3A_17  : i32 {
      %mul3A_42 = arith.constant 2 : i32
      %mul3A_43 = arith.muli %mul3A_42, %scan3A_41 : i32
      %mul3A_44 = arith.constant 2 : i32
      %mul3A_45 = arith.muli %mul3A_44, %scan3A_41 : i32
      %add3A_46 = arith.constant 1 : i32
      %add3A_47 = arith.addi %mul3A_45, %add3A_46 : i32
      %dma_start3A_48 = arith.constant 0 : i32
      %dma_start3A_49 = tpu.memref_slice %arg6[%add3A_47, %dma_start3A_48] : memref<10x500xi32, #tpu.memory_space<vmem>> -> memref<1x500xi32, #tpu.memory_space<vmem>>
      %dma_start3A_50 = tpu.memref_squeeze %dma_start3A_49 : memref<1x500xi32, #tpu.memory_space<vmem>> -> memref<500xi32, #tpu.memory_space<vmem>>
      %dma_start3A_51 = arith.constant 0 : i32
      %dma_start3A_52 = arith.constant 0 : i32
      %dma_start3A_53 = tpu.memref_slice %arg3[%dma_start3A_51, %dma_start3A_52] : memref<10000x128xbf16, #tpu.memory_space<hbm>> -> memref<10000x128xbf16, #tpu.memory_space<hbm>>
      tpu.enqueue_indirect_dma source(%dma_start3A_53 : memref<10000x128xbf16, #tpu.memory_space<hbm>>) target(%arg9 : memref<500x128xbf16, #tpu.memory_space<vmem>>) offsets(%dma_start3A_50 : memref<500xi32, #tpu.memory_space<vmem>>) semaphore(%arg13 : memref<!tpu.dma_semaphore, #tpu.memory_space<semaphore_mem>>)
      %dma_wait3A = arith.constant 0 : i32
      %dma_wait3A_54 = tpu.memref_slice %arg6[%mul3A_43, %dma_wait3A] : memref<10x500xi32, #tpu.memory_space<vmem>> -> memref<1x500xi32, #tpu.memory_space<vmem>>
      %dma_wait3A_55 = tpu.memref_squeeze %dma_wait3A_54 : memref<1x500xi32, #tpu.memory_space<vmem>> -> memref<500xi32, #tpu.memory_space<vmem>>
      %dma_wait3A_56 = arith.constant 0 : i32
      %dma_wait3A_57 = arith.constant 0 : i32
      %dma_wait3A_58 = tpu.memref_slice %arg3[%dma_wait3A_56, %dma_wait3A_57] : memref<10000x128xbf16, #tpu.memory_space<hbm>> -> memref<10000x128xbf16, #tpu.memory_space<hbm>>
      tpu.wait_indirect_dma semaphore(%arg12 : memref<!tpu.dma_semaphore, #tpu.memory_space<semaphore_mem>>) src(%dma_wait3A_58 : memref<10000x128xbf16, #tpu.memory_space<hbm>>) dst(%arg8 : memref<500x128xbf16, #tpu.memory_space<vmem>>)
      "tpu.region"() ({
        %run_scoped3A_69 = tpu.sem_alloc : memref<!tpu.dma_semaphore, #tpu.memory_space<semaphore_mem>>
        %dma_start3A_70 = arith.constant 0 : i32
        %dma_start3A_71 = tpu.memref_slice %arg7[%mul3A_43, %dma_start3A_70] : memref<10x500xi32, #tpu.memory_space<vmem>> -> memref<1x500xi32, #tpu.memory_space<vmem>>
        %dma_start3A_72 = tpu.memref_squeeze %dma_start3A_71 : memref<1x500xi32, #tpu.memory_space<vmem>> -> memref<500xi32, #tpu.memory_space<vmem>>
        %dma_start3A_73 = arith.constant 0 : i32
        %dma_start3A_74 = arith.constant 0 : i32
        %dma_start3A_75 = tpu.memref_slice %arg11[%dma_start3A_73, %dma_start3A_74] : memref<10240x128xbf16, #tpu.memory_space<vmem_shared>> -> memref<10240x128xbf16, #tpu.memory_space<vmem_shared>>
        tpu.enqueue_indirect_dma source(%arg8 : memref<500x128xbf16, #tpu.memory_space<vmem>>) target(%dma_start3A_75 : memref<10240x128xbf16, #tpu.memory_space<vmem_shared>>) offsets(%dma_start3A_72 : memref<500xi32, #tpu.memory_space<vmem>>) semaphore(%run_scoped3A_69 : memref<!tpu.dma_semaphore, #tpu.memory_space<semaphore_mem>>) {add = true}
        %dma_wait3A_76 = arith.constant 0 : i32
        %dma_wait3A_77 = tpu.memref_slice %arg7[%mul3A_43, %dma_wait3A_76] : memref<10x500xi32, #tpu.memory_space<vmem>> -> memref<1x500xi32, #tpu.memory_space<vmem>>
        %dma_wait3A_78 = tpu.memref_squeeze %dma_wait3A_77 : memref<1x500xi32, #tpu.memory_space<vmem>> -> memref<500xi32, #tpu.memory_space<vmem>>
        %dma_wait3A_79 = arith.constant 0 : i32
        %dma_wait3A_80 = arith.constant 0 : i32
        %dma_wait3A_81 = tpu.memref_slice %arg11[%dma_wait3A_79, %dma_wait3A_80] : memref<10240x128xbf16, #tpu.memory_space<vmem_shared>> -> memref<10240x128xbf16, #tpu.memory_space<vmem_shared>>
        tpu.wait_indirect_dma semaphore(%run_scoped3A_69 : memref<!tpu.dma_semaphore, #tpu.memory_space<semaphore_mem>>) src(%arg8 : memref<500x128xbf16, #tpu.memory_space<vmem>>) dst(%dma_wait3A_81 : memref<10240x128xbf16, #tpu.memory_space<vmem_shared>>)
        tpu.yield
      }) : () -> ()
      %add3A_59 = arith.constant 2 : i32
      %add3A_60 = arith.addi %mul3A_43, %add3A_59 : i32
      %lt3A = arith.constant 10 : i32
      %lt3A_61 = arith.cmpi slt, %add3A_60, %lt3A : i32
      %convert_element_type3A = arith.extui %lt3A_61 : i1 to i32
      %cond3A = arith.constant 0 : i32
      %cond3A_62 = arith.cmpi ne, %convert_element_type3A, %cond3A : i32
      scf.if %cond3A_62 {
        %add3A_69 = arith.constant 2 : i32
        %add3A_70 = arith.addi %mul3A_43, %add3A_69 : i32
        %dma_start3A_71 = arith.constant 0 : i32
        %dma_start3A_72 = tpu.memref_slice %arg6[%add3A_70, %dma_start3A_71] : memref<10x500xi32, #tpu.memory_space<vmem>> -> memref<1x500xi32, #tpu.memory_space<vmem>>
        %dma_start3A_73 = tpu.memref_squeeze %dma_start3A_72 : memref<1x500xi32, #tpu.memory_space<vmem>> -> memref<500xi32, #tpu.memory_space<vmem>>
        %dma_start3A_74 = arith.constant 0 : i32
        %dma_start3A_75 = arith.constant 0 : i32
        %dma_start3A_76 = tpu.memref_slice %arg3[%dma_start3A_74, %dma_start3A_75] : memref<10000x128xbf16, #tpu.memory_space<hbm>> -> memref<10000x128xbf16, #tpu.memory_space<hbm>>
        tpu.enqueue_indirect_dma source(%dma_start3A_76 : memref<10000x128xbf16, #tpu.memory_space<hbm>>) target(%arg8 : memref<500x128xbf16, #tpu.memory_space<vmem>>) offsets(%dma_start3A_73 : memref<500xi32, #tpu.memory_space<vmem>>) semaphore(%arg12 : memref<!tpu.dma_semaphore, #tpu.memory_space<semaphore_mem>>)
      } else {
      }
      %dma_wait3A_63 = arith.constant 0 : i32
      %dma_wait3A_64 = tpu.memref_slice %arg6[%add3A_47, %dma_wait3A_63] : memref<10x500xi32, #tpu.memory_space<vmem>> -> memref<1x500xi32, #tpu.memory_space<vmem>>
      %dma_wait3A_65 = tpu.memref_squeeze %dma_wait3A_64 : memref<1x500xi32, #tpu.memory_space<vmem>> -> memref<500xi32, #tpu.memory_space<vmem>>
      %dma_wait3A_66 = arith.constant 0 : i32
      %dma_wait3A_67 = arith.constant 0 : i32
      %dma_wait3A_68 = tpu.memref_slice %arg3[%dma_wait3A_66, %dma_wait3A_67] : memref<10000x128xbf16, #tpu.memory_space<hbm>> -> memref<10000x128xbf16, #tpu.memory_space<hbm>>
      tpu.wait_indirect_dma semaphore(%arg13 : memref<!tpu.dma_semaphore, #tpu.memory_space<semaphore_mem>>) src(%dma_wait3A_68 : memref<10000x128xbf16, #tpu.memory_space<hbm>>) dst(%arg9 : memref<500x128xbf16, #tpu.memory_space<vmem>>)
      "tpu.region"() ({
        %run_scoped3A_69 = tpu.sem_alloc : memref<!tpu.dma_semaphore, #tpu.memory_space<semaphore_mem>>
        %dma_start3A_70 = arith.constant 0 : i32
        %dma_start3A_71 = tpu.memref_slice %arg7[%add3A_47, %dma_start3A_70] : memref<10x500xi32, #tpu.memory_space<vmem>> -> memref<1x500xi32, #tpu.memory_space<vmem>>
        %dma_start3A_72 = tpu.memref_squeeze %dma_start3A_71 : memref<1x500xi32, #tpu.memory_space<vmem>> -> memref<500xi32, #tpu.memory_space<vmem>>
        %dma_start3A_73 = arith.constant 0 : i32
        %dma_start3A_74 = arith.constant 0 : i32
        %dma_start3A_75 = tpu.memref_slice %arg11[%dma_start3A_73, %dma_start3A_74] : memref<10240x128xbf16, #tpu.memory_space<vmem_shared>> -> memref<10240x128xbf16, #tpu.memory_space<vmem_shared>>
        tpu.enqueue_indirect_dma source(%arg9 : memref<500x128xbf16, #tpu.memory_space<vmem>>) target(%dma_start3A_75 : memref<10240x128xbf16, #tpu.memory_space<vmem_shared>>) offsets(%dma_start3A_72 : memref<500xi32, #tpu.memory_space<vmem>>) semaphore(%run_scoped3A_69 : memref<!tpu.dma_semaphore, #tpu.memory_space<semaphore_mem>>) {add = true}
        %dma_wait3A_76 = arith.constant 0 : i32
        %dma_wait3A_77 = tpu.memref_slice %arg7[%add3A_47, %dma_wait3A_76] : memref<10x500xi32, #tpu.memory_space<vmem>> -> memref<1x500xi32, #tpu.memory_space<vmem>>
        %dma_wait3A_78 = tpu.memref_squeeze %dma_wait3A_77 : memref<1x500xi32, #tpu.memory_space<vmem>> -> memref<500xi32, #tpu.memory_space<vmem>>
        %dma_wait3A_79 = arith.constant 0 : i32
        %dma_wait3A_80 = arith.constant 0 : i32
        %dma_wait3A_81 = tpu.memref_slice %arg11[%dma_wait3A_79, %dma_wait3A_80] : memref<10240x128xbf16, #tpu.memory_space<vmem_shared>> -> memref<10240x128xbf16, #tpu.memory_space<vmem_shared>>
        tpu.wait_indirect_dma semaphore(%run_scoped3A_69 : memref<!tpu.dma_semaphore, #tpu.memory_space<semaphore_mem>>) src(%arg9 : memref<500x128xbf16, #tpu.memory_space<vmem>>) dst(%dma_wait3A_81 : memref<10240x128xbf16, #tpu.memory_space<vmem_shared>>)
        tpu.yield
      }) : () -> ()
    }
    %scan3A_18 = arith.constant 5 : i32
    %run_scoped3A_19 = arith.constant 0 : i32
    "tpu.region"() ({
      %run_scoped3A_41 = tpu.sem_alloc : memref<!tpu.dma_semaphore, #tpu.memory_space<semaphore_mem>>
      %dma_start3A_42 = arith.constant 10 : i32
      %dma_start3A_43 = arith.constant 0 : i32
      %dma_start3A_44 = tpu.memref_slice %arg2[%run_scoped3A_19, %add3A, %dma_start3A_42, %dma_start3A_43] : memref<2x32x20x500xi32, #tpu.memory_space<hbm>> -> memref<1x1x10x500xi32, #tpu.memory_space<hbm>>
      %dma_start3A_45 = tpu.memref_squeeze %dma_start3A_44 : memref<1x1x10x500xi32, #tpu.memory_space<hbm>> -> memref<10x500xi32, #tpu.memory_space<hbm>>
      %dma_start3A_46 = arith.constant 10 : i32
      %dma_start3A_47 = arith.constant 0 : i32
      %dma_start3A_48 = tpu.memref_slice %arg2[%run_scoped3A_19, %add3A, %dma_start3A_46, %dma_start3A_47] : memref<2x32x20x500xi32, #tpu.memory_space<hbm>> -> memref<1x1x10x500xi32, #tpu.memory_space<hbm>>
      %dma_start3A_49 = tpu.memref_squeeze %dma_start3A_48 : memref<1x1x10x500xi32, #tpu.memory_space<hbm>> -> memref<10x500xi32, #tpu.memory_space<hbm>>
      tpu.enqueue_dma source(%dma_start3A_49 : memref<10x500xi32, #tpu.memory_space<hbm>>) target(%arg6 : memref<10x500xi32, #tpu.memory_space<vmem>>) target_semaphore(%run_scoped3A_41 : memref<!tpu.dma_semaphore, #tpu.memory_space<semaphore_mem>>)
      %dma_wait3A = arith.constant 10 : i32
      %dma_wait3A_50 = arith.constant 0 : i32
      %dma_wait3A_51 = tpu.memref_slice %arg2[%run_scoped3A_19, %add3A, %dma_wait3A, %dma_wait3A_50] : memref<2x32x20x500xi32, #tpu.memory_space<hbm>> -> memref<1x1x10x500xi32, #tpu.memory_space<hbm>>
      %dma_wait3A_52 = tpu.memref_squeeze %dma_wait3A_51 : memref<1x1x10x500xi32, #tpu.memory_space<hbm>> -> memref<10x500xi32, #tpu.memory_space<hbm>>
      %dma_wait3A_53 = arith.constant 10 : i32
      %dma_wait3A_54 = arith.constant 0 : i32
      %dma_wait3A_55 = tpu.memref_slice %arg2[%run_scoped3A_19, %add3A, %dma_wait3A_53, %dma_wait3A_54] : memref<2x32x20x500xi32, #tpu.memory_space<hbm>> -> memref<1x1x10x500xi32, #tpu.memory_space<hbm>>
      %dma_wait3A_56 = tpu.memref_squeeze %dma_wait3A_55 : memref<1x1x10x500xi32, #tpu.memory_space<hbm>> -> memref<10x500xi32, #tpu.memory_space<hbm>>
      tpu.wait_dma2 semaphore(%run_scoped3A_41 : memref<!tpu.dma_semaphore, #tpu.memory_space<semaphore_mem>>) src(%dma_wait3A_56 : memref<10x500xi32, #tpu.memory_space<hbm>>) dst(%arg6 : memref<10x500xi32, #tpu.memory_space<vmem>>)
      tpu.yield
    }) : () -> ()
    %run_scoped3A_20 = arith.constant 1 : i32
    "tpu.region"() ({
      %run_scoped3A_41 = tpu.sem_alloc : memref<!tpu.dma_semaphore, #tpu.memory_space<semaphore_mem>>
      %dma_start3A_42 = arith.constant 10 : i32
      %dma_start3A_43 = arith.constant 0 : i32
      %dma_start3A_44 = tpu.memref_slice %arg2[%run_scoped3A_20, %add3A, %dma_start3A_42, %dma_start3A_43] : memref<2x32x20x500xi32, #tpu.memory_space<hbm>> -> memref<1x1x10x500xi32, #tpu.memory_space<hbm>>
      %dma_start3A_45 = tpu.memref_squeeze %dma_start3A_44 : memref<1x1x10x500xi32, #tpu.memory_space<hbm>> -> memref<10x500xi32, #tpu.memory_space<hbm>>
      %dma_start3A_46 = arith.constant 10 : i32
      %dma_start3A_47 = arith.constant 0 : i32
      %dma_start3A_48 = tpu.memref_slice %arg2[%run_scoped3A_20, %add3A, %dma_start3A_46, %dma_start3A_47] : memref<2x32x20x500xi32, #tpu.memory_space<hbm>> -> memref<1x1x10x500xi32, #tpu.memory_space<hbm>>
      %dma_start3A_49 = tpu.memref_squeeze %dma_start3A_48 : memref<1x1x10x500xi32, #tpu.memory_space<hbm>> -> memref<10x500xi32, #tpu.memory_space<hbm>>
      tpu.enqueue_dma source(%dma_start3A_49 : memref<10x500xi32, #tpu.memory_space<hbm>>) target(%arg7 : memref<10x500xi32, #tpu.memory_space<vmem>>) target_semaphore(%run_scoped3A_41 : memref<!tpu.dma_semaphore, #tpu.memory_space<semaphore_mem>>)
      %dma_wait3A = arith.constant 10 : i32
      %dma_wait3A_50 = arith.constant 0 : i32
      %dma_wait3A_51 = tpu.memref_slice %arg2[%run_scoped3A_20, %add3A, %dma_wait3A, %dma_wait3A_50] : memref<2x32x20x500xi32, #tpu.memory_space<hbm>> -> memref<1x1x10x500xi32, #tpu.memory_space<hbm>>
      %dma_wait3A_52 = tpu.memref_squeeze %dma_wait3A_51 : memref<1x1x10x500xi32, #tpu.memory_space<hbm>> -> memref<10x500xi32, #tpu.memory_space<hbm>>
      %dma_wait3A_53 = arith.constant 10 : i32
      %dma_wait3A_54 = arith.constant 0 : i32
      %dma_wait3A_55 = tpu.memref_slice %arg2[%run_scoped3A_20, %add3A, %dma_wait3A_53, %dma_wait3A_54] : memref<2x32x20x500xi32, #tpu.memory_space<hbm>> -> memref<1x1x10x500xi32, #tpu.memory_space<hbm>>
      %dma_wait3A_56 = tpu.memref_squeeze %dma_wait3A_55 : memref<1x1x10x500xi32, #tpu.memory_space<hbm>> -> memref<10x500xi32, #tpu.memory_space<hbm>>
      tpu.wait_dma2 semaphore(%run_scoped3A_41 : memref<!tpu.dma_semaphore, #tpu.memory_space<semaphore_mem>>) src(%dma_wait3A_56 : memref<10x500xi32, #tpu.memory_space<hbm>>) dst(%arg7 : memref<10x500xi32, #tpu.memory_space<vmem>>)
      tpu.yield
    }) : () -> ()
    %dma_start3A_21 = arith.constant 0 : i32
    %dma_start3A_22 = arith.constant 0 : i32
    %dma_start3A_23 = tpu.memref_slice %arg6[%dma_start3A_21, %dma_start3A_22] : memref<10x500xi32, #tpu.memory_space<vmem>> -> memref<1x500xi32, #tpu.memory_space<vmem>>
    %dma_start3A_24 = tpu.memref_squeeze %dma_start3A_23 : memref<1x500xi32, #tpu.memory_space<vmem>> -> memref<500xi32, #tpu.memory_space<vmem>>
    %dma_start3A_25 = arith.constant 0 : i32
    %dma_start3A_26 = arith.constant 0 : i32
    %dma_start3A_27 = tpu.memref_slice %arg3[%dma_start3A_25, %dma_start3A_26] : memref<10000x128xbf16, #tpu.memory_space<hbm>> -> memref<10000x128xbf16, #tpu.memory_space<hbm>>
    tpu.enqueue_indirect_dma source(%dma_start3A_27 : memref<10000x128xbf16, #tpu.memory_space<hbm>>) target(%arg8 : memref<500x128xbf16, #tpu.memory_space<vmem>>) offsets(%dma_start3A_24 : memref<500xi32, #tpu.memory_space<vmem>>) semaphore(%arg12 : memref<!tpu.dma_semaphore, #tpu.memory_space<semaphore_mem>>)
    %scan3A_28 = arith.constant 0 : i32
    %scan3A_29 = arith.constant 0 : i32
    %scan3A_30 = arith.constant 5 : i32
    %scan3A_31 = arith.addi %scan3A_29, %scan3A_30 : i32
    %scan3A_32 = arith.constant 1 : i32
    scf.for %scan3A_41 = %scan3A_29 to %scan3A_31 step %scan3A_32  : i32 {
      %mul3A_42 = arith.constant 2 : i32
      %mul3A_43 = arith.muli %mul3A_42, %scan3A_41 : i32
      %mul3A_44 = arith.constant 2 : i32
      %mul3A_45 = arith.muli %mul3A_44, %scan3A_41 : i32
      %add3A_46 = arith.constant 1 : i32
      %add3A_47 = arith.addi %mul3A_45, %add3A_46 : i32
      %dma_start3A_48 = arith.constant 0 : i32
      %dma_start3A_49 = tpu.memref_slice %arg6[%add3A_47, %dma_start3A_48] : memref<10x500xi32, #tpu.memory_space<vmem>> -> memref<1x500xi32, #tpu.memory_space<vmem>>
      %dma_start3A_50 = tpu.memref_squeeze %dma_start3A_49 : memref<1x500xi32, #tpu.memory_space<vmem>> -> memref<500xi32, #tpu.memory_space<vmem>>
      %dma_start3A_51 = arith.constant 0 : i32
      %dma_start3A_52 = arith.constant 0 : i32
      %dma_start3A_53 = tpu.memref_slice %arg3[%dma_start3A_51, %dma_start3A_52] : memref<10000x128xbf16, #tpu.memory_space<hbm>> -> memref<10000x128xbf16, #tpu.memory_space<hbm>>
      tpu.enqueue_indirect_dma source(%dma_start3A_53 : memref<10000x128xbf16, #tpu.memory_space<hbm>>) target(%arg9 : memref<500x128xbf16, #tpu.memory_space<vmem>>) offsets(%dma_start3A_50 : memref<500xi32, #tpu.memory_space<vmem>>) semaphore(%arg13 : memref<!tpu.dma_semaphore, #tpu.memory_space<semaphore_mem>>)
      %dma_wait3A = arith.constant 0 : i32
      %dma_wait3A_54 = tpu.memref_slice %arg6[%mul3A_43, %dma_wait3A] : memref<10x500xi32, #tpu.memory_space<vmem>> -> memref<1x500xi32, #tpu.memory_space<vmem>>
      %dma_wait3A_55 = tpu.memref_squeeze %dma_wait3A_54 : memref<1x500xi32, #tpu.memory_space<vmem>> -> memref<500xi32, #tpu.memory_space<vmem>>
      %dma_wait3A_56 = arith.constant 0 : i32
      %dma_wait3A_57 = arith.constant 0 : i32
      %dma_wait3A_58 = tpu.memref_slice %arg3[%dma_wait3A_56, %dma_wait3A_57] : memref<10000x128xbf16, #tpu.memory_space<hbm>> -> memref<10000x128xbf16, #tpu.memory_space<hbm>>
      tpu.wait_indirect_dma semaphore(%arg12 : memref<!tpu.dma_semaphore, #tpu.memory_space<semaphore_mem>>) src(%dma_wait3A_58 : memref<10000x128xbf16, #tpu.memory_space<hbm>>) dst(%arg8 : memref<500x128xbf16, #tpu.memory_space<vmem>>)
      "tpu.region"() ({
        %run_scoped3A_69 = tpu.sem_alloc : memref<!tpu.dma_semaphore, #tpu.memory_space<semaphore_mem>>
        %dma_start3A_70 = arith.constant 0 : i32
        %dma_start3A_71 = tpu.memref_slice %arg7[%mul3A_43, %dma_start3A_70] : memref<10x500xi32, #tpu.memory_space<vmem>> -> memref<1x500xi32, #tpu.memory_space<vmem>>
        %dma_start3A_72 = tpu.memref_squeeze %dma_start3A_71 : memref<1x500xi32, #tpu.memory_space<vmem>> -> memref<500xi32, #tpu.memory_space<vmem>>
        %dma_start3A_73 = arith.constant 0 : i32
        %dma_start3A_74 = arith.constant 0 : i32
        %dma_start3A_75 = tpu.memref_slice %arg11[%dma_start3A_73, %dma_start3A_74] : memref<10240x128xbf16, #tpu.memory_space<vmem_shared>> -> memref<10240x128xbf16, #tpu.memory_space<vmem_shared>>
        tpu.enqueue_indirect_dma source(%arg8 : memref<500x128xbf16, #tpu.memory_space<vmem>>) target(%dma_start3A_75 : memref<10240x128xbf16, #tpu.memory_space<vmem_shared>>) offsets(%dma_start3A_72 : memref<500xi32, #tpu.memory_space<vmem>>) semaphore(%run_scoped3A_69 : memref<!tpu.dma_semaphore, #tpu.memory_space<semaphore_mem>>) {add = true}
        %dma_wait3A_76 = arith.constant 0 : i32
        %dma_wait3A_77 = tpu.memref_slice %arg7[%mul3A_43, %dma_wait3A_76] : memref<10x500xi32, #tpu.memory_space<vmem>> -> memref<1x500xi32, #tpu.memory_space<vmem>>
        %dma_wait3A_78 = tpu.memref_squeeze %dma_wait3A_77 : memref<1x500xi32, #tpu.memory_space<vmem>> -> memref<500xi32, #tpu.memory_space<vmem>>
        %dma_wait3A_79 = arith.constant 0 : i32
        %dma_wait3A_80 = arith.constant 0 : i32
        %dma_wait3A_81 = tpu.memref_slice %arg11[%dma_wait3A_79, %dma_wait3A_80] : memref<10240x128xbf16, #tpu.memory_space<vmem_shared>> -> memref<10240x128xbf16, #tpu.memory_space<vmem_shared>>
        tpu.wait_indirect_dma semaphore(%run_scoped3A_69 : memref<!tpu.dma_semaphore, #tpu.memory_space<semaphore_mem>>) src(%arg8 : memref<500x128xbf16, #tpu.memory_space<vmem>>) dst(%dma_wait3A_81 : memref<10240x128xbf16, #tpu.memory_space<vmem_shared>>)
        tpu.yield
      }) : () -> ()
      %add3A_59 = arith.constant 2 : i32
      %add3A_60 = arith.addi %mul3A_43, %add3A_59 : i32
      %lt3A = arith.constant 10 : i32
      %lt3A_61 = arith.cmpi slt, %add3A_60, %lt3A : i32
      %convert_element_type3A = arith.extui %lt3A_61 : i1 to i32
      %cond3A = arith.constant 0 : i32
      %cond3A_62 = arith.cmpi ne, %convert_element_type3A, %cond3A : i32
      scf.if %cond3A_62 {
        %add3A_69 = arith.constant 2 : i32
        %add3A_70 = arith.addi %mul3A_43, %add3A_69 : i32
        %dma_start3A_71 = arith.constant 0 : i32
        %dma_start3A_72 = tpu.memref_slice %arg6[%add3A_70, %dma_start3A_71] : memref<10x500xi32, #tpu.memory_space<vmem>> -> memref<1x500xi32, #tpu.memory_space<vmem>>
        %dma_start3A_73 = tpu.memref_squeeze %dma_start3A_72 : memref<1x500xi32, #tpu.memory_space<vmem>> -> memref<500xi32, #tpu.memory_space<vmem>>
        %dma_start3A_74 = arith.constant 0 : i32
        %dma_start3A_75 = arith.constant 0 : i32
        %dma_start3A_76 = tpu.memref_slice %arg3[%dma_start3A_74, %dma_start3A_75] : memref<10000x128xbf16, #tpu.memory_space<hbm>> -> memref<10000x128xbf16, #tpu.memory_space<hbm>>
        tpu.enqueue_indirect_dma source(%dma_start3A_76 : memref<10000x128xbf16, #tpu.memory_space<hbm>>) target(%arg8 : memref<500x128xbf16, #tpu.memory_space<vmem>>) offsets(%dma_start3A_73 : memref<500xi32, #tpu.memory_space<vmem>>) semaphore(%arg12 : memref<!tpu.dma_semaphore, #tpu.memory_space<semaphore_mem>>)
      } else {
      }
      %dma_wait3A_63 = arith.constant 0 : i32
      %dma_wait3A_64 = tpu.memref_slice %arg6[%add3A_47, %dma_wait3A_63] : memref<10x500xi32, #tpu.memory_space<vmem>> -> memref<1x500xi32, #tpu.memory_space<vmem>>
      %dma_wait3A_65 = tpu.memref_squeeze %dma_wait3A_64 : memref<1x500xi32, #tpu.memory_space<vmem>> -> memref<500xi32, #tpu.memory_space<vmem>>
      %dma_wait3A_66 = arith.constant 0 : i32
      %dma_wait3A_67 = arith.constant 0 : i32
      %dma_wait3A_68 = tpu.memref_slice %arg3[%dma_wait3A_66, %dma_wait3A_67] : memref<10000x128xbf16, #tpu.memory_space<hbm>> -> memref<10000x128xbf16, #tpu.memory_space<hbm>>
      tpu.wait_indirect_dma semaphore(%arg13 : memref<!tpu.dma_semaphore, #tpu.memory_space<semaphore_mem>>) src(%dma_wait3A_68 : memref<10000x128xbf16, #tpu.memory_space<hbm>>) dst(%arg9 : memref<500x128xbf16, #tpu.memory_space<vmem>>)
      "tpu.region"() ({
        %run_scoped3A_69 = tpu.sem_alloc : memref<!tpu.dma_semaphore, #tpu.memory_space<semaphore_mem>>
        %dma_start3A_70 = arith.constant 0 : i32
        %dma_start3A_71 = tpu.memref_slice %arg7[%add3A_47, %dma_start3A_70] : memref<10x500xi32, #tpu.memory_space<vmem>> -> memref<1x500xi32, #tpu.memory_space<vmem>>
        %dma_start3A_72 = tpu.memref_squeeze %dma_start3A_71 : memref<1x500xi32, #tpu.memory_space<vmem>> -> memref<500xi32, #tpu.memory_space<vmem>>
        %dma_start3A_73 = arith.constant 0 : i32
        %dma_start3A_74 = arith.constant 0 : i32
        %dma_start3A_75 = tpu.memref_slice %arg11[%dma_start3A_73, %dma_start3A_74] : memref<10240x128xbf16, #tpu.memory_space<vmem_shared>> -> memref<10240x128xbf16, #tpu.memory_space<vmem_shared>>
        tpu.enqueue_indirect_dma source(%arg9 : memref<500x128xbf16, #tpu.memory_space<vmem>>) target(%dma_start3A_75 : memref<10240x128xbf16, #tpu.memory_space<vmem_shared>>) offsets(%dma_start3A_72 : memref<500xi32, #tpu.memory_space<vmem>>) semaphore(%run_scoped3A_69 : memref<!tpu.dma_semaphore, #tpu.memory_space<semaphore_mem>>) {add = true}
        %dma_wait3A_76 = arith.constant 0 : i32
        %dma_wait3A_77 = tpu.memref_slice %arg7[%add3A_47, %dma_wait3A_76] : memref<10x500xi32, #tpu.memory_space<vmem>> -> memref<1x500xi32, #tpu.memory_space<vmem>>
        %dma_wait3A_78 = tpu.memref_squeeze %dma_wait3A_77 : memref<1x500xi32, #tpu.memory_space<vmem>> -> memref<500xi32, #tpu.memory_space<vmem>>
        %dma_wait3A_79 = arith.constant 0 : i32
        %dma_wait3A_80 = arith.constant 0 : i32
        %dma_wait3A_81 = tpu.memref_slice %arg11[%dma_wait3A_79, %dma_wait3A_80] : memref<10240x128xbf16, #tpu.memory_space<vmem_shared>> -> memref<10240x128xbf16, #tpu.memory_space<vmem_shared>>
        tpu.wait_indirect_dma semaphore(%run_scoped3A_69 : memref<!tpu.dma_semaphore, #tpu.memory_space<semaphore_mem>>) src(%arg9 : memref<500x128xbf16, #tpu.memory_space<vmem>>) dst(%dma_wait3A_81 : memref<10240x128xbf16, #tpu.memory_space<vmem_shared>>)
        tpu.yield
      }) : () -> ()
    }
    %scan3A_33 = arith.constant 5 : i32
    %barrier3A_34 = arith.constant 0 : index
    tpu.barrier barrier_id(%barrier3A_34)
    %scan3A_35 = arith.constant 0 : i32
    %scan3A_36 = arith.constant 0 : i32
    %scan3A_37 = arith.constant 8 : i32
    %scan3A_38 = arith.addi %scan3A_36, %scan3A_37 : i32
    %scan3A_39 = arith.constant 1 : i32
    scf.for %scan3A_41 = %scan3A_36 to %scan3A_38 step %scan3A_39  : i32 {
      %mul3A_42 = arith.constant 640 : i32
      %mul3A_43 = arith.muli %arg1, %mul3A_42 : i32
      %mul3A_44 = arith.constant 80 : i32
      %mul3A_45 = arith.muli %scan3A_41, %mul3A_44 : i32
      %add3A_46 = arith.addi %mul3A_43, %mul3A_45 : i32
      "tpu.region"() ({
        %run_scoped3A_47 = tpu.sem_alloc : memref<!tpu.dma_semaphore, #tpu.memory_space<semaphore_mem>>
        %dma_start3A_48 = arith.constant 0 : i32
        %dma_start3A_49 = tpu.memref_slice %arg11[%add3A_46, %dma_start3A_48] : memref<10240x128xbf16, #tpu.memory_space<vmem_shared>> -> memref<80x128xbf16, #tpu.memory_space<vmem_shared>>
        %dma_start3A_50 = arith.constant 0 : i32
        %dma_start3A_51 = tpu.memref_slice %arg11[%add3A_46, %dma_start3A_50] : memref<10240x128xbf16, #tpu.memory_space<vmem_shared>> -> memref<80x128xbf16, #tpu.memory_space<vmem_shared>>
        tpu.enqueue_dma source(%dma_start3A_51 : memref<80x128xbf16, #tpu.memory_space<vmem_shared>>) target(%arg10 : memref<80x128xbf16, #tpu.memory_space<vmem>>) target_semaphore(%run_scoped3A_47 : memref<!tpu.dma_semaphore, #tpu.memory_space<semaphore_mem>>)
        %dma_wait3A = arith.constant 0 : i32
        %dma_wait3A_52 = tpu.memref_slice %arg11[%add3A_46, %dma_wait3A] : memref<10240x128xbf16, #tpu.memory_space<vmem_shared>> -> memref<80x128xbf16, #tpu.memory_space<vmem_shared>>
        %dma_wait3A_53 = arith.constant 0 : i32
        %dma_wait3A_54 = tpu.memref_slice %arg11[%add3A_46, %dma_wait3A_53] : memref<10240x128xbf16, #tpu.memory_space<vmem_shared>> -> memref<80x128xbf16, #tpu.memory_space<vmem_shared>>
        tpu.wait_dma2 semaphore(%run_scoped3A_47 : memref<!tpu.dma_semaphore, #tpu.memory_space<semaphore_mem>>) src(%dma_wait3A_54 : memref<80x128xbf16, #tpu.memory_space<vmem_shared>>) dst(%arg10 : memref<80x128xbf16, #tpu.memory_space<vmem>>)
        tpu.yield
      }) : () -> ()
      "tpu.region"() ({
        %run_scoped3A_47 = tpu.sem_alloc : memref<!tpu.dma_semaphore, #tpu.memory_space<semaphore_mem>>
        %dma_start3A_48 = arith.constant 0 : i32
        %dma_start3A_49 = tpu.memref_slice %arg5[%arg0, %add3A_46, %dma_start3A_48] : memref<2x10240x128xbf16, #tpu.memory_space<hbm>> -> memref<1x80x128xbf16, #tpu.memory_space<hbm>>
        %dma_start3A_50 = tpu.memref_squeeze %dma_start3A_49 : memref<1x80x128xbf16, #tpu.memory_space<hbm>> -> memref<80x128xbf16, #tpu.memory_space<hbm>>
        %dma_start3A_51 = arith.constant 0 : i32
        %dma_start3A_52 = tpu.memref_slice %arg5[%arg0, %add3A_46, %dma_start3A_51] : memref<2x10240x128xbf16, #tpu.memory_space<hbm>> -> memref<1x80x128xbf16, #tpu.memory_space<hbm>>
        %dma_start3A_53 = tpu.memref_squeeze %dma_start3A_52 : memref<1x80x128xbf16, #tpu.memory_space<hbm>> -> memref<80x128xbf16, #tpu.memory_space<hbm>>
        tpu.enqueue_dma source(%arg10 : memref<80x128xbf16, #tpu.memory_space<vmem>>) target(%dma_start3A_53 : memref<80x128xbf16, #tpu.memory_space<hbm>>) target_semaphore(%run_scoped3A_47 : memref<!tpu.dma_semaphore, #tpu.memory_space<semaphore_mem>>)
        %dma_wait3A = arith.constant 0 : i32
        %dma_wait3A_54 = tpu.memref_slice %arg5[%arg0, %add3A_46, %dma_wait3A] : memref<2x10240x128xbf16, #tpu.memory_space<hbm>> -> memref<1x80x128xbf16, #tpu.memory_space<hbm>>
        %dma_wait3A_55 = tpu.memref_squeeze %dma_wait3A_54 : memref<1x80x128xbf16, #tpu.memory_space<hbm>> -> memref<80x128xbf16, #tpu.memory_space<hbm>>
        %dma_wait3A_56 = arith.constant 0 : i32
        %dma_wait3A_57 = tpu.memref_slice %arg5[%arg0, %add3A_46, %dma_wait3A_56] : memref<2x10240x128xbf16, #tpu.memory_space<hbm>> -> memref<1x80x128xbf16, #tpu.memory_space<hbm>>
        %dma_wait3A_58 = tpu.memref_squeeze %dma_wait3A_57 : memref<1x80x128xbf16, #tpu.memory_space<hbm>> -> memref<80x128xbf16, #tpu.memory_space<hbm>>
        tpu.wait_dma2 semaphore(%run_scoped3A_47 : memref<!tpu.dma_semaphore, #tpu.memory_space<semaphore_mem>>) src(%arg10 : memref<80x128xbf16, #tpu.memory_space<vmem>>) dst(%dma_wait3A_58 : memref<80x128xbf16, #tpu.memory_space<hbm>>)
        tpu.yield
      }) : () -> ()
    }
    %scan3A_40 = arith.constant 8 : i32
    return
  }
}

#map = affine_map<(d0, d1) -> (0, 0, 0, 0)>
#map1 = affine_map<(d0, d1) -> (0, 0)>
#map2 = affine_map<(d0, d1) -> (0, 0, 0)>
module attributes {stable_mosaic.version = 14 : i64} {
  func.func @deg_kernel(%arg0: i32, %arg1: i32, %arg2: memref<2x32x20x500xi32, #tpu.memory_space<hbm>>, %arg3: memref<500x8xf32, #tpu.memory_space<hbm>>, %arg4: memref<80x8xf32, #tpu.memory_space<hbm>>, %arg5: memref<2x10240x8xf32, #tpu.memory_space<hbm>>, %arg6: memref<20x500xi32, #tpu.memory_space<vmem>>, %arg7: memref<500x8xf32, #tpu.memory_space<vmem>>, %arg8: memref<80x8xf32, #tpu.memory_space<vmem>>, %arg9: memref<10240x8xf32, #tpu.memory_space<vmem_shared>>) attributes {dimension_semantics = [#tpu.dimension_semantics<core_parallel>, #tpu.dimension_semantics<subcore_parallel>], iteration_bounds = array<i64: 2, 16>, scalar_prefetch = 0 : i64, scratch_operands = 4 : i64, tpu.core_type = #tpu.core_type<sc_vector_subcore>, window_params = [{transform_indices = #map}, {transform_indices = #map1}, {transform_indices = #map1}, {transform_indices = #map2}]} {
    %mul3A = arith.constant 16 : i32
    %mul3A_0 = arith.muli %arg0, %mul3A : i32
    %add3A = arith.addi %mul3A_0, %arg1 : i32
    "tpu.region"() ({
      %run_scoped3A_19 = tpu.sem_alloc : memref<!tpu.dma_semaphore, #tpu.memory_space<semaphore_mem>>
      tpu.enqueue_dma source(%arg4 : memref<80x8xf32, #tpu.memory_space<hbm>>) target(%arg8 : memref<80x8xf32, #tpu.memory_space<vmem>>) target_semaphore(%run_scoped3A_19 : memref<!tpu.dma_semaphore, #tpu.memory_space<semaphore_mem>>)
      tpu.wait_dma2 semaphore(%run_scoped3A_19 : memref<!tpu.dma_semaphore, #tpu.memory_space<semaphore_mem>>) src(%arg4 : memref<80x8xf32, #tpu.memory_space<hbm>>) dst(%arg8 : memref<80x8xf32, #tpu.memory_space<vmem>>)
      tpu.yield
    }) : () -> ()
    %scan3A = arith.constant 0 : i32
    %scan3A_1 = arith.constant 0 : i32
    %scan3A_2 = arith.constant 8 : i32
    %scan3A_3 = arith.addi %scan3A_1, %scan3A_2 : i32
    %scan3A_4 = arith.constant 1 : i32
    scf.for %scan3A_19 = %scan3A_1 to %scan3A_3 step %scan3A_4  : i32 {
      %mul3A_20 = arith.constant 640 : i32
      %mul3A_21 = arith.muli %arg1, %mul3A_20 : i32
      %mul3A_22 = arith.constant 80 : i32
      %mul3A_23 = arith.muli %scan3A_19, %mul3A_22 : i32
      %add3A_24 = arith.addi %mul3A_21, %mul3A_23 : i32
      "tpu.region"() ({
        %run_scoped3A_25 = tpu.sem_alloc : memref<!tpu.dma_semaphore, #tpu.memory_space<semaphore_mem>>
        %dma_start3A = arith.constant 0 : i32
        %dma_start3A_26 = tpu.memref_slice %arg9[%add3A_24, %dma_start3A] : memref<10240x8xf32, #tpu.memory_space<vmem_shared>> -> memref<80x8xf32, #tpu.memory_space<vmem_shared>>
        %dma_start3A_27 = arith.constant 0 : i32
        %dma_start3A_28 = tpu.memref_slice %arg9[%add3A_24, %dma_start3A_27] : memref<10240x8xf32, #tpu.memory_space<vmem_shared>> -> memref<80x8xf32, #tpu.memory_space<vmem_shared>>
        tpu.enqueue_dma source(%arg8 : memref<80x8xf32, #tpu.memory_space<vmem>>) target(%dma_start3A_28 : memref<80x8xf32, #tpu.memory_space<vmem_shared>>) target_semaphore(%run_scoped3A_25 : memref<!tpu.dma_semaphore, #tpu.memory_space<semaphore_mem>>)
        %dma_wait3A = arith.constant 0 : i32
        %dma_wait3A_29 = tpu.memref_slice %arg9[%add3A_24, %dma_wait3A] : memref<10240x8xf32, #tpu.memory_space<vmem_shared>> -> memref<80x8xf32, #tpu.memory_space<vmem_shared>>
        %dma_wait3A_30 = arith.constant 0 : i32
        %dma_wait3A_31 = tpu.memref_slice %arg9[%add3A_24, %dma_wait3A_30] : memref<10240x8xf32, #tpu.memory_space<vmem_shared>> -> memref<80x8xf32, #tpu.memory_space<vmem_shared>>
        tpu.wait_dma2 semaphore(%run_scoped3A_25 : memref<!tpu.dma_semaphore, #tpu.memory_space<semaphore_mem>>) src(%arg8 : memref<80x8xf32, #tpu.memory_space<vmem>>) dst(%dma_wait3A_31 : memref<80x8xf32, #tpu.memory_space<vmem_shared>>)
        tpu.yield
      }) : () -> ()
    }
    %scan3A_5 = arith.constant 8 : i32
    "tpu.region"() ({
      %run_scoped3A_19 = tpu.sem_alloc : memref<!tpu.dma_semaphore, #tpu.memory_space<semaphore_mem>>
      tpu.enqueue_dma source(%arg3 : memref<500x8xf32, #tpu.memory_space<hbm>>) target(%arg7 : memref<500x8xf32, #tpu.memory_space<vmem>>) target_semaphore(%run_scoped3A_19 : memref<!tpu.dma_semaphore, #tpu.memory_space<semaphore_mem>>)
      tpu.wait_dma2 semaphore(%run_scoped3A_19 : memref<!tpu.dma_semaphore, #tpu.memory_space<semaphore_mem>>) src(%arg3 : memref<500x8xf32, #tpu.memory_space<hbm>>) dst(%arg7 : memref<500x8xf32, #tpu.memory_space<vmem>>)
      tpu.yield
    }) : () -> ()
    %run_scoped3A = arith.constant 1 : i32
    "tpu.region"() ({
      %run_scoped3A_19 = tpu.sem_alloc : memref<!tpu.dma_semaphore, #tpu.memory_space<semaphore_mem>>
      %dma_start3A = arith.constant 0 : i32
      %dma_start3A_20 = arith.constant 0 : i32
      %dma_start3A_21 = tpu.memref_slice %arg2[%run_scoped3A, %add3A, %dma_start3A, %dma_start3A_20] : memref<2x32x20x500xi32, #tpu.memory_space<hbm>> -> memref<1x1x20x500xi32, #tpu.memory_space<hbm>>
      %dma_start3A_22 = tpu.memref_squeeze %dma_start3A_21 : memref<1x1x20x500xi32, #tpu.memory_space<hbm>> -> memref<20x500xi32, #tpu.memory_space<hbm>>
      %dma_start3A_23 = arith.constant 0 : i32
      %dma_start3A_24 = arith.constant 0 : i32
      %dma_start3A_25 = tpu.memref_slice %arg2[%run_scoped3A, %add3A, %dma_start3A_23, %dma_start3A_24] : memref<2x32x20x500xi32, #tpu.memory_space<hbm>> -> memref<1x1x20x500xi32, #tpu.memory_space<hbm>>
      %dma_start3A_26 = tpu.memref_squeeze %dma_start3A_25 : memref<1x1x20x500xi32, #tpu.memory_space<hbm>> -> memref<20x500xi32, #tpu.memory_space<hbm>>
      tpu.enqueue_dma source(%dma_start3A_26 : memref<20x500xi32, #tpu.memory_space<hbm>>) target(%arg6 : memref<20x500xi32, #tpu.memory_space<vmem>>) target_semaphore(%run_scoped3A_19 : memref<!tpu.dma_semaphore, #tpu.memory_space<semaphore_mem>>)
      %dma_wait3A = arith.constant 0 : i32
      %dma_wait3A_27 = arith.constant 0 : i32
      %dma_wait3A_28 = tpu.memref_slice %arg2[%run_scoped3A, %add3A, %dma_wait3A, %dma_wait3A_27] : memref<2x32x20x500xi32, #tpu.memory_space<hbm>> -> memref<1x1x20x500xi32, #tpu.memory_space<hbm>>
      %dma_wait3A_29 = tpu.memref_squeeze %dma_wait3A_28 : memref<1x1x20x500xi32, #tpu.memory_space<hbm>> -> memref<20x500xi32, #tpu.memory_space<hbm>>
      %dma_wait3A_30 = arith.constant 0 : i32
      %dma_wait3A_31 = arith.constant 0 : i32
      %dma_wait3A_32 = tpu.memref_slice %arg2[%run_scoped3A, %add3A, %dma_wait3A_30, %dma_wait3A_31] : memref<2x32x20x500xi32, #tpu.memory_space<hbm>> -> memref<1x1x20x500xi32, #tpu.memory_space<hbm>>
      %dma_wait3A_33 = tpu.memref_squeeze %dma_wait3A_32 : memref<1x1x20x500xi32, #tpu.memory_space<hbm>> -> memref<20x500xi32, #tpu.memory_space<hbm>>
      tpu.wait_dma2 semaphore(%run_scoped3A_19 : memref<!tpu.dma_semaphore, #tpu.memory_space<semaphore_mem>>) src(%dma_wait3A_33 : memref<20x500xi32, #tpu.memory_space<hbm>>) dst(%arg6 : memref<20x500xi32, #tpu.memory_space<vmem>>)
      tpu.yield
    }) : () -> ()
    %barrier3A = arith.constant 0 : index
    tpu.barrier barrier_id(%barrier3A)
    %scan3A_6 = arith.constant 0 : i32
    %scan3A_7 = arith.constant 0 : i32
    %scan3A_8 = arith.constant 20 : i32
    %scan3A_9 = arith.addi %scan3A_7, %scan3A_8 : i32
    %scan3A_10 = arith.constant 1 : i32
    scf.for %scan3A_19 = %scan3A_7 to %scan3A_9 step %scan3A_10  : i32 {
      "tpu.region"() ({
        %run_scoped3A_20 = tpu.sem_alloc : memref<!tpu.dma_semaphore, #tpu.memory_space<semaphore_mem>>
        %dma_start3A = arith.constant 0 : i32
        %dma_start3A_21 = tpu.memref_slice %arg6[%scan3A_19, %dma_start3A] : memref<20x500xi32, #tpu.memory_space<vmem>> -> memref<1x500xi32, #tpu.memory_space<vmem>>
        %dma_start3A_22 = tpu.memref_squeeze %dma_start3A_21 : memref<1x500xi32, #tpu.memory_space<vmem>> -> memref<500xi32, #tpu.memory_space<vmem>>
        %dma_start3A_23 = arith.constant 0 : i32
        %dma_start3A_24 = arith.constant 0 : i32
        %dma_start3A_25 = tpu.memref_slice %arg9[%dma_start3A_23, %dma_start3A_24] : memref<10240x8xf32, #tpu.memory_space<vmem_shared>> -> memref<10240x8xf32, #tpu.memory_space<vmem_shared>>
        tpu.enqueue_indirect_dma source(%arg7 : memref<500x8xf32, #tpu.memory_space<vmem>>) target(%dma_start3A_25 : memref<10240x8xf32, #tpu.memory_space<vmem_shared>>) offsets(%dma_start3A_22 : memref<500xi32, #tpu.memory_space<vmem>>) semaphore(%run_scoped3A_20 : memref<!tpu.dma_semaphore, #tpu.memory_space<semaphore_mem>>) {add = true}
        %dma_wait3A = arith.constant 0 : i32
        %dma_wait3A_26 = tpu.memref_slice %arg6[%scan3A_19, %dma_wait3A] : memref<20x500xi32, #tpu.memory_space<vmem>> -> memref<1x500xi32, #tpu.memory_space<vmem>>
        %dma_wait3A_27 = tpu.memref_squeeze %dma_wait3A_26 : memref<1x500xi32, #tpu.memory_space<vmem>> -> memref<500xi32, #tpu.memory_space<vmem>>
        %dma_wait3A_28 = arith.constant 0 : i32
        %dma_wait3A_29 = arith.constant 0 : i32
        %dma_wait3A_30 = tpu.memref_slice %arg9[%dma_wait3A_28, %dma_wait3A_29] : memref<10240x8xf32, #tpu.memory_space<vmem_shared>> -> memref<10240x8xf32, #tpu.memory_space<vmem_shared>>
        tpu.wait_indirect_dma semaphore(%run_scoped3A_20 : memref<!tpu.dma_semaphore, #tpu.memory_space<semaphore_mem>>) src(%arg7 : memref<500x8xf32, #tpu.memory_space<vmem>>) dst(%dma_wait3A_30 : memref<10240x8xf32, #tpu.memory_space<vmem_shared>>)
        tpu.yield
      }) : () -> ()
    }
    %scan3A_11 = arith.constant 20 : i32
    %barrier3A_12 = arith.constant 0 : index
    tpu.barrier barrier_id(%barrier3A_12)
    %scan3A_13 = arith.constant 0 : i32
    %scan3A_14 = arith.constant 0 : i32
    %scan3A_15 = arith.constant 8 : i32
    %scan3A_16 = arith.addi %scan3A_14, %scan3A_15 : i32
    %scan3A_17 = arith.constant 1 : i32
    scf.for %scan3A_19 = %scan3A_14 to %scan3A_16 step %scan3A_17  : i32 {
      %mul3A_20 = arith.constant 640 : i32
      %mul3A_21 = arith.muli %arg1, %mul3A_20 : i32
      %mul3A_22 = arith.constant 80 : i32
      %mul3A_23 = arith.muli %scan3A_19, %mul3A_22 : i32
      %add3A_24 = arith.addi %mul3A_21, %mul3A_23 : i32
      "tpu.region"() ({
        %run_scoped3A_25 = tpu.sem_alloc : memref<!tpu.dma_semaphore, #tpu.memory_space<semaphore_mem>>
        %dma_start3A = arith.constant 0 : i32
        %dma_start3A_26 = tpu.memref_slice %arg9[%add3A_24, %dma_start3A] : memref<10240x8xf32, #tpu.memory_space<vmem_shared>> -> memref<80x8xf32, #tpu.memory_space<vmem_shared>>
        %dma_start3A_27 = arith.constant 0 : i32
        %dma_start3A_28 = tpu.memref_slice %arg9[%add3A_24, %dma_start3A_27] : memref<10240x8xf32, #tpu.memory_space<vmem_shared>> -> memref<80x8xf32, #tpu.memory_space<vmem_shared>>
        tpu.enqueue_dma source(%dma_start3A_28 : memref<80x8xf32, #tpu.memory_space<vmem_shared>>) target(%arg8 : memref<80x8xf32, #tpu.memory_space<vmem>>) target_semaphore(%run_scoped3A_25 : memref<!tpu.dma_semaphore, #tpu.memory_space<semaphore_mem>>)
        %dma_wait3A = arith.constant 0 : i32
        %dma_wait3A_29 = tpu.memref_slice %arg9[%add3A_24, %dma_wait3A] : memref<10240x8xf32, #tpu.memory_space<vmem_shared>> -> memref<80x8xf32, #tpu.memory_space<vmem_shared>>
        %dma_wait3A_30 = arith.constant 0 : i32
        %dma_wait3A_31 = tpu.memref_slice %arg9[%add3A_24, %dma_wait3A_30] : memref<10240x8xf32, #tpu.memory_space<vmem_shared>> -> memref<80x8xf32, #tpu.memory_space<vmem_shared>>
        tpu.wait_dma2 semaphore(%run_scoped3A_25 : memref<!tpu.dma_semaphore, #tpu.memory_space<semaphore_mem>>) src(%dma_wait3A_31 : memref<80x8xf32, #tpu.memory_space<vmem_shared>>) dst(%arg8 : memref<80x8xf32, #tpu.memory_space<vmem>>)
        tpu.yield
      }) : () -> ()
      "tpu.region"() ({
        %run_scoped3A_25 = tpu.sem_alloc : memref<!tpu.dma_semaphore, #tpu.memory_space<semaphore_mem>>
        %dma_start3A = arith.constant 0 : i32
        %dma_start3A_26 = tpu.memref_slice %arg5[%arg0, %add3A_24, %dma_start3A] : memref<2x10240x8xf32, #tpu.memory_space<hbm>> -> memref<1x80x8xf32, #tpu.memory_space<hbm>>
        %dma_start3A_27 = tpu.memref_squeeze %dma_start3A_26 : memref<1x80x8xf32, #tpu.memory_space<hbm>> -> memref<80x8xf32, #tpu.memory_space<hbm>>
        %dma_start3A_28 = arith.constant 0 : i32
        %dma_start3A_29 = tpu.memref_slice %arg5[%arg0, %add3A_24, %dma_start3A_28] : memref<2x10240x8xf32, #tpu.memory_space<hbm>> -> memref<1x80x8xf32, #tpu.memory_space<hbm>>
        %dma_start3A_30 = tpu.memref_squeeze %dma_start3A_29 : memref<1x80x8xf32, #tpu.memory_space<hbm>> -> memref<80x8xf32, #tpu.memory_space<hbm>>
        tpu.enqueue_dma source(%arg8 : memref<80x8xf32, #tpu.memory_space<vmem>>) target(%dma_start3A_30 : memref<80x8xf32, #tpu.memory_space<hbm>>) target_semaphore(%run_scoped3A_25 : memref<!tpu.dma_semaphore, #tpu.memory_space<semaphore_mem>>)
        %dma_wait3A = arith.constant 0 : i32
        %dma_wait3A_31 = tpu.memref_slice %arg5[%arg0, %add3A_24, %dma_wait3A] : memref<2x10240x8xf32, #tpu.memory_space<hbm>> -> memref<1x80x8xf32, #tpu.memory_space<hbm>>
        %dma_wait3A_32 = tpu.memref_squeeze %dma_wait3A_31 : memref<1x80x8xf32, #tpu.memory_space<hbm>> -> memref<80x8xf32, #tpu.memory_space<hbm>>
        %dma_wait3A_33 = arith.constant 0 : i32
        %dma_wait3A_34 = tpu.memref_slice %arg5[%arg0, %add3A_24, %dma_wait3A_33] : memref<2x10240x8xf32, #tpu.memory_space<hbm>> -> memref<1x80x8xf32, #tpu.memory_space<hbm>>
        %dma_wait3A_35 = tpu.memref_squeeze %dma_wait3A_34 : memref<1x80x8xf32, #tpu.memory_space<hbm>> -> memref<80x8xf32, #tpu.memory_space<hbm>>
        tpu.wait_dma2 semaphore(%run_scoped3A_25 : memref<!tpu.dma_semaphore, #tpu.memory_space<semaphore_mem>>) src(%arg8 : memref<80x8xf32, #tpu.memory_space<vmem>>) dst(%dma_wait3A_35 : memref<80x8xf32, #tpu.memory_space<hbm>>)
        tpu.yield
      }) : () -> ()
    }
    %scan3A_18 = arith.constant 8 : i32
    return
  }
}

#map = affine_map<(d0, d1) -> (0, 0, 0, 0)>
#map1 = affine_map<(d0, d1) -> (0, 0)>
#map2 = affine_map<(d0, d1) -> (0, 0, 0)>
module attributes {stable_mosaic.version = 14 : i64} {
  func.func @agg_kernel(%arg0: i32, %arg1: i32, %arg2: memref<2x32x20x500xi32, #tpu.memory_space<hbm>>, %arg3: memref<10000x64xbf16, #tpu.memory_space<hbm>>, %arg4: memref<80x64xbf16, #tpu.memory_space<hbm>>, %arg5: memref<2x10240x64xbf16, #tpu.memory_space<hbm>>, %arg6: memref<10x500xi32, #tpu.memory_space<vmem>>, %arg7: memref<10x500xi32, #tpu.memory_space<vmem>>, %arg8: memref<500x64xbf16, #tpu.memory_space<vmem>>, %arg9: memref<500x64xbf16, #tpu.memory_space<vmem>>, %arg10: memref<80x64xbf16, #tpu.memory_space<vmem>>, %arg11: memref<10240x64xbf16, #tpu.memory_space<vmem_shared>>, %arg12: memref<!tpu.dma_semaphore, #tpu.memory_space<semaphore_mem>>, %arg13: memref<!tpu.dma_semaphore, #tpu.memory_space<semaphore_mem>>) attributes {dimension_semantics = [#tpu.dimension_semantics<core_parallel>, #tpu.dimension_semantics<subcore_parallel>], iteration_bounds = array<i64: 2, 16>, scalar_prefetch = 0 : i64, scratch_operands = 8 : i64, tpu.core_type = #tpu.core_type<sc_vector_subcore>, window_params = [{transform_indices = #map}, {transform_indices = #map1}, {transform_indices = #map1}, {transform_indices = #map2}]} {
    %mul3A = arith.constant 16 : i32
    %mul3A_0 = arith.muli %arg0, %mul3A : i32
    %add3A = arith.addi %mul3A_0, %arg1 : i32
    "tpu.region"() ({
      %run_scoped3A_41 = tpu.sem_alloc : memref<!tpu.dma_semaphore, #tpu.memory_space<semaphore_mem>>
      tpu.enqueue_dma source(%arg4 : memref<80x64xbf16, #tpu.memory_space<hbm>>) target(%arg10 : memref<80x64xbf16, #tpu.memory_space<vmem>>) target_semaphore(%run_scoped3A_41 : memref<!tpu.dma_semaphore, #tpu.memory_space<semaphore_mem>>)
      tpu.wait_dma2 semaphore(%run_scoped3A_41 : memref<!tpu.dma_semaphore, #tpu.memory_space<semaphore_mem>>) src(%arg4 : memref<80x64xbf16, #tpu.memory_space<hbm>>) dst(%arg10 : memref<80x64xbf16, #tpu.memory_space<vmem>>)
      tpu.yield
    }) : () -> ()
    %scan3A = arith.constant 0 : i32
    %scan3A_1 = arith.constant 0 : i32
    %scan3A_2 = arith.constant 8 : i32
    %scan3A_3 = arith.addi %scan3A_1, %scan3A_2 : i32
    %scan3A_4 = arith.constant 1 : i32
    scf.for %scan3A_41 = %scan3A_1 to %scan3A_3 step %scan3A_4  : i32 {
      %mul3A_42 = arith.constant 640 : i32
      %mul3A_43 = arith.muli %arg1, %mul3A_42 : i32
      %mul3A_44 = arith.constant 80 : i32
      %mul3A_45 = arith.muli %scan3A_41, %mul3A_44 : i32
      %add3A_46 = arith.addi %mul3A_43, %mul3A_45 : i32
      "tpu.region"() ({
        %run_scoped3A_47 = tpu.sem_alloc : memref<!tpu.dma_semaphore, #tpu.memory_space<semaphore_mem>>
        %dma_start3A_48 = arith.constant 0 : i32
        %dma_start3A_49 = tpu.memref_slice %arg11[%add3A_46, %dma_start3A_48] : memref<10240x64xbf16, #tpu.memory_space<vmem_shared>> -> memref<80x64xbf16, #tpu.memory_space<vmem_shared>>
        %dma_start3A_50 = arith.constant 0 : i32
        %dma_start3A_51 = tpu.memref_slice %arg11[%add3A_46, %dma_start3A_50] : memref<10240x64xbf16, #tpu.memory_space<vmem_shared>> -> memref<80x64xbf16, #tpu.memory_space<vmem_shared>>
        tpu.enqueue_dma source(%arg10 : memref<80x64xbf16, #tpu.memory_space<vmem>>) target(%dma_start3A_51 : memref<80x64xbf16, #tpu.memory_space<vmem_shared>>) target_semaphore(%run_scoped3A_47 : memref<!tpu.dma_semaphore, #tpu.memory_space<semaphore_mem>>)
        %dma_wait3A = arith.constant 0 : i32
        %dma_wait3A_52 = tpu.memref_slice %arg11[%add3A_46, %dma_wait3A] : memref<10240x64xbf16, #tpu.memory_space<vmem_shared>> -> memref<80x64xbf16, #tpu.memory_space<vmem_shared>>
        %dma_wait3A_53 = arith.constant 0 : i32
        %dma_wait3A_54 = tpu.memref_slice %arg11[%add3A_46, %dma_wait3A_53] : memref<10240x64xbf16, #tpu.memory_space<vmem_shared>> -> memref<80x64xbf16, #tpu.memory_space<vmem_shared>>
        tpu.wait_dma2 semaphore(%run_scoped3A_47 : memref<!tpu.dma_semaphore, #tpu.memory_space<semaphore_mem>>) src(%arg10 : memref<80x64xbf16, #tpu.memory_space<vmem>>) dst(%dma_wait3A_54 : memref<80x64xbf16, #tpu.memory_space<vmem_shared>>)
        tpu.yield
      }) : () -> ()
    }
    %scan3A_5 = arith.constant 8 : i32
    %barrier3A = arith.constant 0 : index
    tpu.barrier barrier_id(%barrier3A)
    %run_scoped3A = arith.constant 0 : i32
    "tpu.region"() ({
      %run_scoped3A_41 = tpu.sem_alloc : memref<!tpu.dma_semaphore, #tpu.memory_space<semaphore_mem>>
      %dma_start3A_42 = arith.constant 0 : i32
      %dma_start3A_43 = arith.constant 0 : i32
      %dma_start3A_44 = tpu.memref_slice %arg2[%run_scoped3A, %add3A, %dma_start3A_42, %dma_start3A_43] : memref<2x32x20x500xi32, #tpu.memory_space<hbm>> -> memref<1x1x10x500xi32, #tpu.memory_space<hbm>>
      %dma_start3A_45 = tpu.memref_squeeze %dma_start3A_44 : memref<1x1x10x500xi32, #tpu.memory_space<hbm>> -> memref<10x500xi32, #tpu.memory_space<hbm>>
      %dma_start3A_46 = arith.constant 0 : i32
      %dma_start3A_47 = arith.constant 0 : i32
      %dma_start3A_48 = tpu.memref_slice %arg2[%run_scoped3A, %add3A, %dma_start3A_46, %dma_start3A_47] : memref<2x32x20x500xi32, #tpu.memory_space<hbm>> -> memref<1x1x10x500xi32, #tpu.memory_space<hbm>>
      %dma_start3A_49 = tpu.memref_squeeze %dma_start3A_48 : memref<1x1x10x500xi32, #tpu.memory_space<hbm>> -> memref<10x500xi32, #tpu.memory_space<hbm>>
      tpu.enqueue_dma source(%dma_start3A_49 : memref<10x500xi32, #tpu.memory_space<hbm>>) target(%arg6 : memref<10x500xi32, #tpu.memory_space<vmem>>) target_semaphore(%run_scoped3A_41 : memref<!tpu.dma_semaphore, #tpu.memory_space<semaphore_mem>>)
      %dma_wait3A = arith.constant 0 : i32
      %dma_wait3A_50 = arith.constant 0 : i32
      %dma_wait3A_51 = tpu.memref_slice %arg2[%run_scoped3A, %add3A, %dma_wait3A, %dma_wait3A_50] : memref<2x32x20x500xi32, #tpu.memory_space<hbm>> -> memref<1x1x10x500xi32, #tpu.memory_space<hbm>>
      %dma_wait3A_52 = tpu.memref_squeeze %dma_wait3A_51 : memref<1x1x10x500xi32, #tpu.memory_space<hbm>> -> memref<10x500xi32, #tpu.memory_space<hbm>>
      %dma_wait3A_53 = arith.constant 0 : i32
      %dma_wait3A_54 = arith.constant 0 : i32
      %dma_wait3A_55 = tpu.memref_slice %arg2[%run_scoped3A, %add3A, %dma_wait3A_53, %dma_wait3A_54] : memref<2x32x20x500xi32, #tpu.memory_space<hbm>> -> memref<1x1x10x500xi32, #tpu.memory_space<hbm>>
      %dma_wait3A_56 = tpu.memref_squeeze %dma_wait3A_55 : memref<1x1x10x500xi32, #tpu.memory_space<hbm>> -> memref<10x500xi32, #tpu.memory_space<hbm>>
      tpu.wait_dma2 semaphore(%run_scoped3A_41 : memref<!tpu.dma_semaphore, #tpu.memory_space<semaphore_mem>>) src(%dma_wait3A_56 : memref<10x500xi32, #tpu.memory_space<hbm>>) dst(%arg6 : memref<10x500xi32, #tpu.memory_space<vmem>>)
      tpu.yield
    }) : () -> ()
    %run_scoped3A_6 = arith.constant 1 : i32
    "tpu.region"() ({
      %run_scoped3A_41 = tpu.sem_alloc : memref<!tpu.dma_semaphore, #tpu.memory_space<semaphore_mem>>
      %dma_start3A_42 = arith.constant 0 : i32
      %dma_start3A_43 = arith.constant 0 : i32
      %dma_start3A_44 = tpu.memref_slice %arg2[%run_scoped3A_6, %add3A, %dma_start3A_42, %dma_start3A_43] : memref<2x32x20x500xi32, #tpu.memory_space<hbm>> -> memref<1x1x10x500xi32, #tpu.memory_space<hbm>>
      %dma_start3A_45 = tpu.memref_squeeze %dma_start3A_44 : memref<1x1x10x500xi32, #tpu.memory_space<hbm>> -> memref<10x500xi32, #tpu.memory_space<hbm>>
      %dma_start3A_46 = arith.constant 0 : i32
      %dma_start3A_47 = arith.constant 0 : i32
      %dma_start3A_48 = tpu.memref_slice %arg2[%run_scoped3A_6, %add3A, %dma_start3A_46, %dma_start3A_47] : memref<2x32x20x500xi32, #tpu.memory_space<hbm>> -> memref<1x1x10x500xi32, #tpu.memory_space<hbm>>
      %dma_start3A_49 = tpu.memref_squeeze %dma_start3A_48 : memref<1x1x10x500xi32, #tpu.memory_space<hbm>> -> memref<10x500xi32, #tpu.memory_space<hbm>>
      tpu.enqueue_dma source(%dma_start3A_49 : memref<10x500xi32, #tpu.memory_space<hbm>>) target(%arg7 : memref<10x500xi32, #tpu.memory_space<vmem>>) target_semaphore(%run_scoped3A_41 : memref<!tpu.dma_semaphore, #tpu.memory_space<semaphore_mem>>)
      %dma_wait3A = arith.constant 0 : i32
      %dma_wait3A_50 = arith.constant 0 : i32
      %dma_wait3A_51 = tpu.memref_slice %arg2[%run_scoped3A_6, %add3A, %dma_wait3A, %dma_wait3A_50] : memref<2x32x20x500xi32, #tpu.memory_space<hbm>> -> memref<1x1x10x500xi32, #tpu.memory_space<hbm>>
      %dma_wait3A_52 = tpu.memref_squeeze %dma_wait3A_51 : memref<1x1x10x500xi32, #tpu.memory_space<hbm>> -> memref<10x500xi32, #tpu.memory_space<hbm>>
      %dma_wait3A_53 = arith.constant 0 : i32
      %dma_wait3A_54 = arith.constant 0 : i32
      %dma_wait3A_55 = tpu.memref_slice %arg2[%run_scoped3A_6, %add3A, %dma_wait3A_53, %dma_wait3A_54] : memref<2x32x20x500xi32, #tpu.memory_space<hbm>> -> memref<1x1x10x500xi32, #tpu.memory_space<hbm>>
      %dma_wait3A_56 = tpu.memref_squeeze %dma_wait3A_55 : memref<1x1x10x500xi32, #tpu.memory_space<hbm>> -> memref<10x500xi32, #tpu.memory_space<hbm>>
      tpu.wait_dma2 semaphore(%run_scoped3A_41 : memref<!tpu.dma_semaphore, #tpu.memory_space<semaphore_mem>>) src(%dma_wait3A_56 : memref<10x500xi32, #tpu.memory_space<hbm>>) dst(%arg7 : memref<10x500xi32, #tpu.memory_space<vmem>>)
      tpu.yield
    }) : () -> ()
    %dma_start3A = arith.constant 0 : i32
    %dma_start3A_7 = arith.constant 0 : i32
    %dma_start3A_8 = tpu.memref_slice %arg6[%dma_start3A, %dma_start3A_7] : memref<10x500xi32, #tpu.memory_space<vmem>> -> memref<1x500xi32, #tpu.memory_space<vmem>>
    %dma_start3A_9 = tpu.memref_squeeze %dma_start3A_8 : memref<1x500xi32, #tpu.memory_space<vmem>> -> memref<500xi32, #tpu.memory_space<vmem>>
    %dma_start3A_10 = arith.constant 0 : i32
    %dma_start3A_11 = arith.constant 0 : i32
    %dma_start3A_12 = tpu.memref_slice %arg3[%dma_start3A_10, %dma_start3A_11] : memref<10000x64xbf16, #tpu.memory_space<hbm>> -> memref<10000x64xbf16, #tpu.memory_space<hbm>>
    tpu.enqueue_indirect_dma source(%dma_start3A_12 : memref<10000x64xbf16, #tpu.memory_space<hbm>>) target(%arg8 : memref<500x64xbf16, #tpu.memory_space<vmem>>) offsets(%dma_start3A_9 : memref<500xi32, #tpu.memory_space<vmem>>) semaphore(%arg12 : memref<!tpu.dma_semaphore, #tpu.memory_space<semaphore_mem>>)
    %scan3A_13 = arith.constant 0 : i32
    %scan3A_14 = arith.constant 0 : i32
    %scan3A_15 = arith.constant 5 : i32
    %scan3A_16 = arith.addi %scan3A_14, %scan3A_15 : i32
    %scan3A_17 = arith.constant 1 : i32
    scf.for %scan3A_41 = %scan3A_14 to %scan3A_16 step %scan3A_17  : i32 {
      %mul3A_42 = arith.constant 2 : i32
      %mul3A_43 = arith.muli %mul3A_42, %scan3A_41 : i32
      %mul3A_44 = arith.constant 2 : i32
      %mul3A_45 = arith.muli %mul3A_44, %scan3A_41 : i32
      %add3A_46 = arith.constant 1 : i32
      %add3A_47 = arith.addi %mul3A_45, %add3A_46 : i32
      %dma_start3A_48 = arith.constant 0 : i32
      %dma_start3A_49 = tpu.memref_slice %arg6[%add3A_47, %dma_start3A_48] : memref<10x500xi32, #tpu.memory_space<vmem>> -> memref<1x500xi32, #tpu.memory_space<vmem>>
      %dma_start3A_50 = tpu.memref_squeeze %dma_start3A_49 : memref<1x500xi32, #tpu.memory_space<vmem>> -> memref<500xi32, #tpu.memory_space<vmem>>
      %dma_start3A_51 = arith.constant 0 : i32
      %dma_start3A_52 = arith.constant 0 : i32
      %dma_start3A_53 = tpu.memref_slice %arg3[%dma_start3A_51, %dma_start3A_52] : memref<10000x64xbf16, #tpu.memory_space<hbm>> -> memref<10000x64xbf16, #tpu.memory_space<hbm>>
      tpu.enqueue_indirect_dma source(%dma_start3A_53 : memref<10000x64xbf16, #tpu.memory_space<hbm>>) target(%arg9 : memref<500x64xbf16, #tpu.memory_space<vmem>>) offsets(%dma_start3A_50 : memref<500xi32, #tpu.memory_space<vmem>>) semaphore(%arg13 : memref<!tpu.dma_semaphore, #tpu.memory_space<semaphore_mem>>)
      %dma_wait3A = arith.constant 0 : i32
      %dma_wait3A_54 = tpu.memref_slice %arg6[%mul3A_43, %dma_wait3A] : memref<10x500xi32, #tpu.memory_space<vmem>> -> memref<1x500xi32, #tpu.memory_space<vmem>>
      %dma_wait3A_55 = tpu.memref_squeeze %dma_wait3A_54 : memref<1x500xi32, #tpu.memory_space<vmem>> -> memref<500xi32, #tpu.memory_space<vmem>>
      %dma_wait3A_56 = arith.constant 0 : i32
      %dma_wait3A_57 = arith.constant 0 : i32
      %dma_wait3A_58 = tpu.memref_slice %arg3[%dma_wait3A_56, %dma_wait3A_57] : memref<10000x64xbf16, #tpu.memory_space<hbm>> -> memref<10000x64xbf16, #tpu.memory_space<hbm>>
      tpu.wait_indirect_dma semaphore(%arg12 : memref<!tpu.dma_semaphore, #tpu.memory_space<semaphore_mem>>) src(%dma_wait3A_58 : memref<10000x64xbf16, #tpu.memory_space<hbm>>) dst(%arg8 : memref<500x64xbf16, #tpu.memory_space<vmem>>)
      "tpu.region"() ({
        %run_scoped3A_69 = tpu.sem_alloc : memref<!tpu.dma_semaphore, #tpu.memory_space<semaphore_mem>>
        %dma_start3A_70 = arith.constant 0 : i32
        %dma_start3A_71 = tpu.memref_slice %arg7[%mul3A_43, %dma_start3A_70] : memref<10x500xi32, #tpu.memory_space<vmem>> -> memref<1x500xi32, #tpu.memory_space<vmem>>
        %dma_start3A_72 = tpu.memref_squeeze %dma_start3A_71 : memref<1x500xi32, #tpu.memory_space<vmem>> -> memref<500xi32, #tpu.memory_space<vmem>>
        %dma_start3A_73 = arith.constant 0 : i32
        %dma_start3A_74 = arith.constant 0 : i32
        %dma_start3A_75 = tpu.memref_slice %arg11[%dma_start3A_73, %dma_start3A_74] : memref<10240x64xbf16, #tpu.memory_space<vmem_shared>> -> memref<10240x64xbf16, #tpu.memory_space<vmem_shared>>
        tpu.enqueue_indirect_dma source(%arg8 : memref<500x64xbf16, #tpu.memory_space<vmem>>) target(%dma_start3A_75 : memref<10240x64xbf16, #tpu.memory_space<vmem_shared>>) offsets(%dma_start3A_72 : memref<500xi32, #tpu.memory_space<vmem>>) semaphore(%run_scoped3A_69 : memref<!tpu.dma_semaphore, #tpu.memory_space<semaphore_mem>>) {add = true}
        %dma_wait3A_76 = arith.constant 0 : i32
        %dma_wait3A_77 = tpu.memref_slice %arg7[%mul3A_43, %dma_wait3A_76] : memref<10x500xi32, #tpu.memory_space<vmem>> -> memref<1x500xi32, #tpu.memory_space<vmem>>
        %dma_wait3A_78 = tpu.memref_squeeze %dma_wait3A_77 : memref<1x500xi32, #tpu.memory_space<vmem>> -> memref<500xi32, #tpu.memory_space<vmem>>
        %dma_wait3A_79 = arith.constant 0 : i32
        %dma_wait3A_80 = arith.constant 0 : i32
        %dma_wait3A_81 = tpu.memref_slice %arg11[%dma_wait3A_79, %dma_wait3A_80] : memref<10240x64xbf16, #tpu.memory_space<vmem_shared>> -> memref<10240x64xbf16, #tpu.memory_space<vmem_shared>>
        tpu.wait_indirect_dma semaphore(%run_scoped3A_69 : memref<!tpu.dma_semaphore, #tpu.memory_space<semaphore_mem>>) src(%arg8 : memref<500x64xbf16, #tpu.memory_space<vmem>>) dst(%dma_wait3A_81 : memref<10240x64xbf16, #tpu.memory_space<vmem_shared>>)
        tpu.yield
      }) : () -> ()
      %add3A_59 = arith.constant 2 : i32
      %add3A_60 = arith.addi %mul3A_43, %add3A_59 : i32
      %lt3A = arith.constant 10 : i32
      %lt3A_61 = arith.cmpi slt, %add3A_60, %lt3A : i32
      %convert_element_type3A = arith.extui %lt3A_61 : i1 to i32
      %cond3A = arith.constant 0 : i32
      %cond3A_62 = arith.cmpi ne, %convert_element_type3A, %cond3A : i32
      scf.if %cond3A_62 {
        %add3A_69 = arith.constant 2 : i32
        %add3A_70 = arith.addi %mul3A_43, %add3A_69 : i32
        %dma_start3A_71 = arith.constant 0 : i32
        %dma_start3A_72 = tpu.memref_slice %arg6[%add3A_70, %dma_start3A_71] : memref<10x500xi32, #tpu.memory_space<vmem>> -> memref<1x500xi32, #tpu.memory_space<vmem>>
        %dma_start3A_73 = tpu.memref_squeeze %dma_start3A_72 : memref<1x500xi32, #tpu.memory_space<vmem>> -> memref<500xi32, #tpu.memory_space<vmem>>
        %dma_start3A_74 = arith.constant 0 : i32
        %dma_start3A_75 = arith.constant 0 : i32
        %dma_start3A_76 = tpu.memref_slice %arg3[%dma_start3A_74, %dma_start3A_75] : memref<10000x64xbf16, #tpu.memory_space<hbm>> -> memref<10000x64xbf16, #tpu.memory_space<hbm>>
        tpu.enqueue_indirect_dma source(%dma_start3A_76 : memref<10000x64xbf16, #tpu.memory_space<hbm>>) target(%arg8 : memref<500x64xbf16, #tpu.memory_space<vmem>>) offsets(%dma_start3A_73 : memref<500xi32, #tpu.memory_space<vmem>>) semaphore(%arg12 : memref<!tpu.dma_semaphore, #tpu.memory_space<semaphore_mem>>)
      } else {
      }
      %dma_wait3A_63 = arith.constant 0 : i32
      %dma_wait3A_64 = tpu.memref_slice %arg6[%add3A_47, %dma_wait3A_63] : memref<10x500xi32, #tpu.memory_space<vmem>> -> memref<1x500xi32, #tpu.memory_space<vmem>>
      %dma_wait3A_65 = tpu.memref_squeeze %dma_wait3A_64 : memref<1x500xi32, #tpu.memory_space<vmem>> -> memref<500xi32, #tpu.memory_space<vmem>>
      %dma_wait3A_66 = arith.constant 0 : i32
      %dma_wait3A_67 = arith.constant 0 : i32
      %dma_wait3A_68 = tpu.memref_slice %arg3[%dma_wait3A_66, %dma_wait3A_67] : memref<10000x64xbf16, #tpu.memory_space<hbm>> -> memref<10000x64xbf16, #tpu.memory_space<hbm>>
      tpu.wait_indirect_dma semaphore(%arg13 : memref<!tpu.dma_semaphore, #tpu.memory_space<semaphore_mem>>) src(%dma_wait3A_68 : memref<10000x64xbf16, #tpu.memory_space<hbm>>) dst(%arg9 : memref<500x64xbf16, #tpu.memory_space<vmem>>)
      "tpu.region"() ({
        %run_scoped3A_69 = tpu.sem_alloc : memref<!tpu.dma_semaphore, #tpu.memory_space<semaphore_mem>>
        %dma_start3A_70 = arith.constant 0 : i32
        %dma_start3A_71 = tpu.memref_slice %arg7[%add3A_47, %dma_start3A_70] : memref<10x500xi32, #tpu.memory_space<vmem>> -> memref<1x500xi32, #tpu.memory_space<vmem>>
        %dma_start3A_72 = tpu.memref_squeeze %dma_start3A_71 : memref<1x500xi32, #tpu.memory_space<vmem>> -> memref<500xi32, #tpu.memory_space<vmem>>
        %dma_start3A_73 = arith.constant 0 : i32
        %dma_start3A_74 = arith.constant 0 : i32
        %dma_start3A_75 = tpu.memref_slice %arg11[%dma_start3A_73, %dma_start3A_74] : memref<10240x64xbf16, #tpu.memory_space<vmem_shared>> -> memref<10240x64xbf16, #tpu.memory_space<vmem_shared>>
        tpu.enqueue_indirect_dma source(%arg9 : memref<500x64xbf16, #tpu.memory_space<vmem>>) target(%dma_start3A_75 : memref<10240x64xbf16, #tpu.memory_space<vmem_shared>>) offsets(%dma_start3A_72 : memref<500xi32, #tpu.memory_space<vmem>>) semaphore(%run_scoped3A_69 : memref<!tpu.dma_semaphore, #tpu.memory_space<semaphore_mem>>) {add = true}
        %dma_wait3A_76 = arith.constant 0 : i32
        %dma_wait3A_77 = tpu.memref_slice %arg7[%add3A_47, %dma_wait3A_76] : memref<10x500xi32, #tpu.memory_space<vmem>> -> memref<1x500xi32, #tpu.memory_space<vmem>>
        %dma_wait3A_78 = tpu.memref_squeeze %dma_wait3A_77 : memref<1x500xi32, #tpu.memory_space<vmem>> -> memref<500xi32, #tpu.memory_space<vmem>>
        %dma_wait3A_79 = arith.constant 0 : i32
        %dma_wait3A_80 = arith.constant 0 : i32
        %dma_wait3A_81 = tpu.memref_slice %arg11[%dma_wait3A_79, %dma_wait3A_80] : memref<10240x64xbf16, #tpu.memory_space<vmem_shared>> -> memref<10240x64xbf16, #tpu.memory_space<vmem_shared>>
        tpu.wait_indirect_dma semaphore(%run_scoped3A_69 : memref<!tpu.dma_semaphore, #tpu.memory_space<semaphore_mem>>) src(%arg9 : memref<500x64xbf16, #tpu.memory_space<vmem>>) dst(%dma_wait3A_81 : memref<10240x64xbf16, #tpu.memory_space<vmem_shared>>)
        tpu.yield
      }) : () -> ()
    }
    %scan3A_18 = arith.constant 5 : i32
    %run_scoped3A_19 = arith.constant 0 : i32
    "tpu.region"() ({
      %run_scoped3A_41 = tpu.sem_alloc : memref<!tpu.dma_semaphore, #tpu.memory_space<semaphore_mem>>
      %dma_start3A_42 = arith.constant 10 : i32
      %dma_start3A_43 = arith.constant 0 : i32
      %dma_start3A_44 = tpu.memref_slice %arg2[%run_scoped3A_19, %add3A, %dma_start3A_42, %dma_start3A_43] : memref<2x32x20x500xi32, #tpu.memory_space<hbm>> -> memref<1x1x10x500xi32, #tpu.memory_space<hbm>>
      %dma_start3A_45 = tpu.memref_squeeze %dma_start3A_44 : memref<1x1x10x500xi32, #tpu.memory_space<hbm>> -> memref<10x500xi32, #tpu.memory_space<hbm>>
      %dma_start3A_46 = arith.constant 10 : i32
      %dma_start3A_47 = arith.constant 0 : i32
      %dma_start3A_48 = tpu.memref_slice %arg2[%run_scoped3A_19, %add3A, %dma_start3A_46, %dma_start3A_47] : memref<2x32x20x500xi32, #tpu.memory_space<hbm>> -> memref<1x1x10x500xi32, #tpu.memory_space<hbm>>
      %dma_start3A_49 = tpu.memref_squeeze %dma_start3A_48 : memref<1x1x10x500xi32, #tpu.memory_space<hbm>> -> memref<10x500xi32, #tpu.memory_space<hbm>>
      tpu.enqueue_dma source(%dma_start3A_49 : memref<10x500xi32, #tpu.memory_space<hbm>>) target(%arg6 : memref<10x500xi32, #tpu.memory_space<vmem>>) target_semaphore(%run_scoped3A_41 : memref<!tpu.dma_semaphore, #tpu.memory_space<semaphore_mem>>)
      %dma_wait3A = arith.constant 10 : i32
      %dma_wait3A_50 = arith.constant 0 : i32
      %dma_wait3A_51 = tpu.memref_slice %arg2[%run_scoped3A_19, %add3A, %dma_wait3A, %dma_wait3A_50] : memref<2x32x20x500xi32, #tpu.memory_space<hbm>> -> memref<1x1x10x500xi32, #tpu.memory_space<hbm>>
      %dma_wait3A_52 = tpu.memref_squeeze %dma_wait3A_51 : memref<1x1x10x500xi32, #tpu.memory_space<hbm>> -> memref<10x500xi32, #tpu.memory_space<hbm>>
      %dma_wait3A_53 = arith.constant 10 : i32
      %dma_wait3A_54 = arith.constant 0 : i32
      %dma_wait3A_55 = tpu.memref_slice %arg2[%run_scoped3A_19, %add3A, %dma_wait3A_53, %dma_wait3A_54] : memref<2x32x20x500xi32, #tpu.memory_space<hbm>> -> memref<1x1x10x500xi32, #tpu.memory_space<hbm>>
      %dma_wait3A_56 = tpu.memref_squeeze %dma_wait3A_55 : memref<1x1x10x500xi32, #tpu.memory_space<hbm>> -> memref<10x500xi32, #tpu.memory_space<hbm>>
      tpu.wait_dma2 semaphore(%run_scoped3A_41 : memref<!tpu.dma_semaphore, #tpu.memory_space<semaphore_mem>>) src(%dma_wait3A_56 : memref<10x500xi32, #tpu.memory_space<hbm>>) dst(%arg6 : memref<10x500xi32, #tpu.memory_space<vmem>>)
      tpu.yield
    }) : () -> ()
    %run_scoped3A_20 = arith.constant 1 : i32
    "tpu.region"() ({
      %run_scoped3A_41 = tpu.sem_alloc : memref<!tpu.dma_semaphore, #tpu.memory_space<semaphore_mem>>
      %dma_start3A_42 = arith.constant 10 : i32
      %dma_start3A_43 = arith.constant 0 : i32
      %dma_start3A_44 = tpu.memref_slice %arg2[%run_scoped3A_20, %add3A, %dma_start3A_42, %dma_start3A_43] : memref<2x32x20x500xi32, #tpu.memory_space<hbm>> -> memref<1x1x10x500xi32, #tpu.memory_space<hbm>>
      %dma_start3A_45 = tpu.memref_squeeze %dma_start3A_44 : memref<1x1x10x500xi32, #tpu.memory_space<hbm>> -> memref<10x500xi32, #tpu.memory_space<hbm>>
      %dma_start3A_46 = arith.constant 10 : i32
      %dma_start3A_47 = arith.constant 0 : i32
      %dma_start3A_48 = tpu.memref_slice %arg2[%run_scoped3A_20, %add3A, %dma_start3A_46, %dma_start3A_47] : memref<2x32x20x500xi32, #tpu.memory_space<hbm>> -> memref<1x1x10x500xi32, #tpu.memory_space<hbm>>
      %dma_start3A_49 = tpu.memref_squeeze %dma_start3A_48 : memref<1x1x10x500xi32, #tpu.memory_space<hbm>> -> memref<10x500xi32, #tpu.memory_space<hbm>>
      tpu.enqueue_dma source(%dma_start3A_49 : memref<10x500xi32, #tpu.memory_space<hbm>>) target(%arg7 : memref<10x500xi32, #tpu.memory_space<vmem>>) target_semaphore(%run_scoped3A_41 : memref<!tpu.dma_semaphore, #tpu.memory_space<semaphore_mem>>)
      %dma_wait3A = arith.constant 10 : i32
      %dma_wait3A_50 = arith.constant 0 : i32
      %dma_wait3A_51 = tpu.memref_slice %arg2[%run_scoped3A_20, %add3A, %dma_wait3A, %dma_wait3A_50] : memref<2x32x20x500xi32, #tpu.memory_space<hbm>> -> memref<1x1x10x500xi32, #tpu.memory_space<hbm>>
      %dma_wait3A_52 = tpu.memref_squeeze %dma_wait3A_51 : memref<1x1x10x500xi32, #tpu.memory_space<hbm>> -> memref<10x500xi32, #tpu.memory_space<hbm>>
      %dma_wait3A_53 = arith.constant 10 : i32
      %dma_wait3A_54 = arith.constant 0 : i32
      %dma_wait3A_55 = tpu.memref_slice %arg2[%run_scoped3A_20, %add3A, %dma_wait3A_53, %dma_wait3A_54] : memref<2x32x20x500xi32, #tpu.memory_space<hbm>> -> memref<1x1x10x500xi32, #tpu.memory_space<hbm>>
      %dma_wait3A_56 = tpu.memref_squeeze %dma_wait3A_55 : memref<1x1x10x500xi32, #tpu.memory_space<hbm>> -> memref<10x500xi32, #tpu.memory_space<hbm>>
      tpu.wait_dma2 semaphore(%run_scoped3A_41 : memref<!tpu.dma_semaphore, #tpu.memory_space<semaphore_mem>>) src(%dma_wait3A_56 : memref<10x500xi32, #tpu.memory_space<hbm>>) dst(%arg7 : memref<10x500xi32, #tpu.memory_space<vmem>>)
      tpu.yield
    }) : () -> ()
    %dma_start3A_21 = arith.constant 0 : i32
    %dma_start3A_22 = arith.constant 0 : i32
    %dma_start3A_23 = tpu.memref_slice %arg6[%dma_start3A_21, %dma_start3A_22] : memref<10x500xi32, #tpu.memory_space<vmem>> -> memref<1x500xi32, #tpu.memory_space<vmem>>
    %dma_start3A_24 = tpu.memref_squeeze %dma_start3A_23 : memref<1x500xi32, #tpu.memory_space<vmem>> -> memref<500xi32, #tpu.memory_space<vmem>>
    %dma_start3A_25 = arith.constant 0 : i32
    %dma_start3A_26 = arith.constant 0 : i32
    %dma_start3A_27 = tpu.memref_slice %arg3[%dma_start3A_25, %dma_start3A_26] : memref<10000x64xbf16, #tpu.memory_space<hbm>> -> memref<10000x64xbf16, #tpu.memory_space<hbm>>
    tpu.enqueue_indirect_dma source(%dma_start3A_27 : memref<10000x64xbf16, #tpu.memory_space<hbm>>) target(%arg8 : memref<500x64xbf16, #tpu.memory_space<vmem>>) offsets(%dma_start3A_24 : memref<500xi32, #tpu.memory_space<vmem>>) semaphore(%arg12 : memref<!tpu.dma_semaphore, #tpu.memory_space<semaphore_mem>>)
    %scan3A_28 = arith.constant 0 : i32
    %scan3A_29 = arith.constant 0 : i32
    %scan3A_30 = arith.constant 5 : i32
    %scan3A_31 = arith.addi %scan3A_29, %scan3A_30 : i32
    %scan3A_32 = arith.constant 1 : i32
    scf.for %scan3A_41 = %scan3A_29 to %scan3A_31 step %scan3A_32  : i32 {
      %mul3A_42 = arith.constant 2 : i32
      %mul3A_43 = arith.muli %mul3A_42, %scan3A_41 : i32
      %mul3A_44 = arith.constant 2 : i32
      %mul3A_45 = arith.muli %mul3A_44, %scan3A_41 : i32
      %add3A_46 = arith.constant 1 : i32
      %add3A_47 = arith.addi %mul3A_45, %add3A_46 : i32
      %dma_start3A_48 = arith.constant 0 : i32
      %dma_start3A_49 = tpu.memref_slice %arg6[%add3A_47, %dma_start3A_48] : memref<10x500xi32, #tpu.memory_space<vmem>> -> memref<1x500xi32, #tpu.memory_space<vmem>>
      %dma_start3A_50 = tpu.memref_squeeze %dma_start3A_49 : memref<1x500xi32, #tpu.memory_space<vmem>> -> memref<500xi32, #tpu.memory_space<vmem>>
      %dma_start3A_51 = arith.constant 0 : i32
      %dma_start3A_52 = arith.constant 0 : i32
      %dma_start3A_53 = tpu.memref_slice %arg3[%dma_start3A_51, %dma_start3A_52] : memref<10000x64xbf16, #tpu.memory_space<hbm>> -> memref<10000x64xbf16, #tpu.memory_space<hbm>>
      tpu.enqueue_indirect_dma source(%dma_start3A_53 : memref<10000x64xbf16, #tpu.memory_space<hbm>>) target(%arg9 : memref<500x64xbf16, #tpu.memory_space<vmem>>) offsets(%dma_start3A_50 : memref<500xi32, #tpu.memory_space<vmem>>) semaphore(%arg13 : memref<!tpu.dma_semaphore, #tpu.memory_space<semaphore_mem>>)
      %dma_wait3A = arith.constant 0 : i32
      %dma_wait3A_54 = tpu.memref_slice %arg6[%mul3A_43, %dma_wait3A] : memref<10x500xi32, #tpu.memory_space<vmem>> -> memref<1x500xi32, #tpu.memory_space<vmem>>
      %dma_wait3A_55 = tpu.memref_squeeze %dma_wait3A_54 : memref<1x500xi32, #tpu.memory_space<vmem>> -> memref<500xi32, #tpu.memory_space<vmem>>
      %dma_wait3A_56 = arith.constant 0 : i32
      %dma_wait3A_57 = arith.constant 0 : i32
      %dma_wait3A_58 = tpu.memref_slice %arg3[%dma_wait3A_56, %dma_wait3A_57] : memref<10000x64xbf16, #tpu.memory_space<hbm>> -> memref<10000x64xbf16, #tpu.memory_space<hbm>>
      tpu.wait_indirect_dma semaphore(%arg12 : memref<!tpu.dma_semaphore, #tpu.memory_space<semaphore_mem>>) src(%dma_wait3A_58 : memref<10000x64xbf16, #tpu.memory_space<hbm>>) dst(%arg8 : memref<500x64xbf16, #tpu.memory_space<vmem>>)
      "tpu.region"() ({
        %run_scoped3A_69 = tpu.sem_alloc : memref<!tpu.dma_semaphore, #tpu.memory_space<semaphore_mem>>
        %dma_start3A_70 = arith.constant 0 : i32
        %dma_start3A_71 = tpu.memref_slice %arg7[%mul3A_43, %dma_start3A_70] : memref<10x500xi32, #tpu.memory_space<vmem>> -> memref<1x500xi32, #tpu.memory_space<vmem>>
        %dma_start3A_72 = tpu.memref_squeeze %dma_start3A_71 : memref<1x500xi32, #tpu.memory_space<vmem>> -> memref<500xi32, #tpu.memory_space<vmem>>
        %dma_start3A_73 = arith.constant 0 : i32
        %dma_start3A_74 = arith.constant 0 : i32
        %dma_start3A_75 = tpu.memref_slice %arg11[%dma_start3A_73, %dma_start3A_74] : memref<10240x64xbf16, #tpu.memory_space<vmem_shared>> -> memref<10240x64xbf16, #tpu.memory_space<vmem_shared>>
        tpu.enqueue_indirect_dma source(%arg8 : memref<500x64xbf16, #tpu.memory_space<vmem>>) target(%dma_start3A_75 : memref<10240x64xbf16, #tpu.memory_space<vmem_shared>>) offsets(%dma_start3A_72 : memref<500xi32, #tpu.memory_space<vmem>>) semaphore(%run_scoped3A_69 : memref<!tpu.dma_semaphore, #tpu.memory_space<semaphore_mem>>) {add = true}
        %dma_wait3A_76 = arith.constant 0 : i32
        %dma_wait3A_77 = tpu.memref_slice %arg7[%mul3A_43, %dma_wait3A_76] : memref<10x500xi32, #tpu.memory_space<vmem>> -> memref<1x500xi32, #tpu.memory_space<vmem>>
        %dma_wait3A_78 = tpu.memref_squeeze %dma_wait3A_77 : memref<1x500xi32, #tpu.memory_space<vmem>> -> memref<500xi32, #tpu.memory_space<vmem>>
        %dma_wait3A_79 = arith.constant 0 : i32
        %dma_wait3A_80 = arith.constant 0 : i32
        %dma_wait3A_81 = tpu.memref_slice %arg11[%dma_wait3A_79, %dma_wait3A_80] : memref<10240x64xbf16, #tpu.memory_space<vmem_shared>> -> memref<10240x64xbf16, #tpu.memory_space<vmem_shared>>
        tpu.wait_indirect_dma semaphore(%run_scoped3A_69 : memref<!tpu.dma_semaphore, #tpu.memory_space<semaphore_mem>>) src(%arg8 : memref<500x64xbf16, #tpu.memory_space<vmem>>) dst(%dma_wait3A_81 : memref<10240x64xbf16, #tpu.memory_space<vmem_shared>>)
        tpu.yield
      }) : () -> ()
      %add3A_59 = arith.constant 2 : i32
      %add3A_60 = arith.addi %mul3A_43, %add3A_59 : i32
      %lt3A = arith.constant 10 : i32
      %lt3A_61 = arith.cmpi slt, %add3A_60, %lt3A : i32
      %convert_element_type3A = arith.extui %lt3A_61 : i1 to i32
      %cond3A = arith.constant 0 : i32
      %cond3A_62 = arith.cmpi ne, %convert_element_type3A, %cond3A : i32
      scf.if %cond3A_62 {
        %add3A_69 = arith.constant 2 : i32
        %add3A_70 = arith.addi %mul3A_43, %add3A_69 : i32
        %dma_start3A_71 = arith.constant 0 : i32
        %dma_start3A_72 = tpu.memref_slice %arg6[%add3A_70, %dma_start3A_71] : memref<10x500xi32, #tpu.memory_space<vmem>> -> memref<1x500xi32, #tpu.memory_space<vmem>>
        %dma_start3A_73 = tpu.memref_squeeze %dma_start3A_72 : memref<1x500xi32, #tpu.memory_space<vmem>> -> memref<500xi32, #tpu.memory_space<vmem>>
        %dma_start3A_74 = arith.constant 0 : i32
        %dma_start3A_75 = arith.constant 0 : i32
        %dma_start3A_76 = tpu.memref_slice %arg3[%dma_start3A_74, %dma_start3A_75] : memref<10000x64xbf16, #tpu.memory_space<hbm>> -> memref<10000x64xbf16, #tpu.memory_space<hbm>>
        tpu.enqueue_indirect_dma source(%dma_start3A_76 : memref<10000x64xbf16, #tpu.memory_space<hbm>>) target(%arg8 : memref<500x64xbf16, #tpu.memory_space<vmem>>) offsets(%dma_start3A_73 : memref<500xi32, #tpu.memory_space<vmem>>) semaphore(%arg12 : memref<!tpu.dma_semaphore, #tpu.memory_space<semaphore_mem>>)
      } else {
      }
      %dma_wait3A_63 = arith.constant 0 : i32
      %dma_wait3A_64 = tpu.memref_slice %arg6[%add3A_47, %dma_wait3A_63] : memref<10x500xi32, #tpu.memory_space<vmem>> -> memref<1x500xi32, #tpu.memory_space<vmem>>
      %dma_wait3A_65 = tpu.memref_squeeze %dma_wait3A_64 : memref<1x500xi32, #tpu.memory_space<vmem>> -> memref<500xi32, #tpu.memory_space<vmem>>
      %dma_wait3A_66 = arith.constant 0 : i32
      %dma_wait3A_67 = arith.constant 0 : i32
      %dma_wait3A_68 = tpu.memref_slice %arg3[%dma_wait3A_66, %dma_wait3A_67] : memref<10000x64xbf16, #tpu.memory_space<hbm>> -> memref<10000x64xbf16, #tpu.memory_space<hbm>>
      tpu.wait_indirect_dma semaphore(%arg13 : memref<!tpu.dma_semaphore, #tpu.memory_space<semaphore_mem>>) src(%dma_wait3A_68 : memref<10000x64xbf16, #tpu.memory_space<hbm>>) dst(%arg9 : memref<500x64xbf16, #tpu.memory_space<vmem>>)
      "tpu.region"() ({
        %run_scoped3A_69 = tpu.sem_alloc : memref<!tpu.dma_semaphore, #tpu.memory_space<semaphore_mem>>
        %dma_start3A_70 = arith.constant 0 : i32
        %dma_start3A_71 = tpu.memref_slice %arg7[%add3A_47, %dma_start3A_70] : memref<10x500xi32, #tpu.memory_space<vmem>> -> memref<1x500xi32, #tpu.memory_space<vmem>>
        %dma_start3A_72 = tpu.memref_squeeze %dma_start3A_71 : memref<1x500xi32, #tpu.memory_space<vmem>> -> memref<500xi32, #tpu.memory_space<vmem>>
        %dma_start3A_73 = arith.constant 0 : i32
        %dma_start3A_74 = arith.constant 0 : i32
        %dma_start3A_75 = tpu.memref_slice %arg11[%dma_start3A_73, %dma_start3A_74] : memref<10240x64xbf16, #tpu.memory_space<vmem_shared>> -> memref<10240x64xbf16, #tpu.memory_space<vmem_shared>>
        tpu.enqueue_indirect_dma source(%arg9 : memref<500x64xbf16, #tpu.memory_space<vmem>>) target(%dma_start3A_75 : memref<10240x64xbf16, #tpu.memory_space<vmem_shared>>) offsets(%dma_start3A_72 : memref<500xi32, #tpu.memory_space<vmem>>) semaphore(%run_scoped3A_69 : memref<!tpu.dma_semaphore, #tpu.memory_space<semaphore_mem>>) {add = true}
        %dma_wait3A_76 = arith.constant 0 : i32
        %dma_wait3A_77 = tpu.memref_slice %arg7[%add3A_47, %dma_wait3A_76] : memref<10x500xi32, #tpu.memory_space<vmem>> -> memref<1x500xi32, #tpu.memory_space<vmem>>
        %dma_wait3A_78 = tpu.memref_squeeze %dma_wait3A_77 : memref<1x500xi32, #tpu.memory_space<vmem>> -> memref<500xi32, #tpu.memory_space<vmem>>
        %dma_wait3A_79 = arith.constant 0 : i32
        %dma_wait3A_80 = arith.constant 0 : i32
        %dma_wait3A_81 = tpu.memref_slice %arg11[%dma_wait3A_79, %dma_wait3A_80] : memref<10240x64xbf16, #tpu.memory_space<vmem_shared>> -> memref<10240x64xbf16, #tpu.memory_space<vmem_shared>>
        tpu.wait_indirect_dma semaphore(%run_scoped3A_69 : memref<!tpu.dma_semaphore, #tpu.memory_space<semaphore_mem>>) src(%arg9 : memref<500x64xbf16, #tpu.memory_space<vmem>>) dst(%dma_wait3A_81 : memref<10240x64xbf16, #tpu.memory_space<vmem_shared>>)
        tpu.yield
      }) : () -> ()
    }
    %scan3A_33 = arith.constant 5 : i32
    %barrier3A_34 = arith.constant 0 : index
    tpu.barrier barrier_id(%barrier3A_34)
    %scan3A_35 = arith.constant 0 : i32
    %scan3A_36 = arith.constant 0 : i32
    %scan3A_37 = arith.constant 8 : i32
    %scan3A_38 = arith.addi %scan3A_36, %scan3A_37 : i32
    %scan3A_39 = arith.constant 1 : i32
    scf.for %scan3A_41 = %scan3A_36 to %scan3A_38 step %scan3A_39  : i32 {
      %mul3A_42 = arith.constant 640 : i32
      %mul3A_43 = arith.muli %arg1, %mul3A_42 : i32
      %mul3A_44 = arith.constant 80 : i32
      %mul3A_45 = arith.muli %scan3A_41, %mul3A_44 : i32
      %add3A_46 = arith.addi %mul3A_43, %mul3A_45 : i32
      "tpu.region"() ({
        %run_scoped3A_47 = tpu.sem_alloc : memref<!tpu.dma_semaphore, #tpu.memory_space<semaphore_mem>>
        %dma_start3A_48 = arith.constant 0 : i32
        %dma_start3A_49 = tpu.memref_slice %arg11[%add3A_46, %dma_start3A_48] : memref<10240x64xbf16, #tpu.memory_space<vmem_shared>> -> memref<80x64xbf16, #tpu.memory_space<vmem_shared>>
        %dma_start3A_50 = arith.constant 0 : i32
        %dma_start3A_51 = tpu.memref_slice %arg11[%add3A_46, %dma_start3A_50] : memref<10240x64xbf16, #tpu.memory_space<vmem_shared>> -> memref<80x64xbf16, #tpu.memory_space<vmem_shared>>
        tpu.enqueue_dma source(%dma_start3A_51 : memref<80x64xbf16, #tpu.memory_space<vmem_shared>>) target(%arg10 : memref<80x64xbf16, #tpu.memory_space<vmem>>) target_semaphore(%run_scoped3A_47 : memref<!tpu.dma_semaphore, #tpu.memory_space<semaphore_mem>>)
        %dma_wait3A = arith.constant 0 : i32
        %dma_wait3A_52 = tpu.memref_slice %arg11[%add3A_46, %dma_wait3A] : memref<10240x64xbf16, #tpu.memory_space<vmem_shared>> -> memref<80x64xbf16, #tpu.memory_space<vmem_shared>>
        %dma_wait3A_53 = arith.constant 0 : i32
        %dma_wait3A_54 = tpu.memref_slice %arg11[%add3A_46, %dma_wait3A_53] : memref<10240x64xbf16, #tpu.memory_space<vmem_shared>> -> memref<80x64xbf16, #tpu.memory_space<vmem_shared>>
        tpu.wait_dma2 semaphore(%run_scoped3A_47 : memref<!tpu.dma_semaphore, #tpu.memory_space<semaphore_mem>>) src(%dma_wait3A_54 : memref<80x64xbf16, #tpu.memory_space<vmem_shared>>) dst(%arg10 : memref<80x64xbf16, #tpu.memory_space<vmem>>)
        tpu.yield
      }) : () -> ()
      "tpu.region"() ({
        %run_scoped3A_47 = tpu.sem_alloc : memref<!tpu.dma_semaphore, #tpu.memory_space<semaphore_mem>>
        %dma_start3A_48 = arith.constant 0 : i32
        %dma_start3A_49 = tpu.memref_slice %arg5[%arg0, %add3A_46, %dma_start3A_48] : memref<2x10240x64xbf16, #tpu.memory_space<hbm>> -> memref<1x80x64xbf16, #tpu.memory_space<hbm>>
        %dma_start3A_50 = tpu.memref_squeeze %dma_start3A_49 : memref<1x80x64xbf16, #tpu.memory_space<hbm>> -> memref<80x64xbf16, #tpu.memory_space<hbm>>
        %dma_start3A_51 = arith.constant 0 : i32
        %dma_start3A_52 = tpu.memref_slice %arg5[%arg0, %add3A_46, %dma_start3A_51] : memref<2x10240x64xbf16, #tpu.memory_space<hbm>> -> memref<1x80x64xbf16, #tpu.memory_space<hbm>>
        %dma_start3A_53 = tpu.memref_squeeze %dma_start3A_52 : memref<1x80x64xbf16, #tpu.memory_space<hbm>> -> memref<80x64xbf16, #tpu.memory_space<hbm>>
        tpu.enqueue_dma source(%arg10 : memref<80x64xbf16, #tpu.memory_space<vmem>>) target(%dma_start3A_53 : memref<80x64xbf16, #tpu.memory_space<hbm>>) target_semaphore(%run_scoped3A_47 : memref<!tpu.dma_semaphore, #tpu.memory_space<semaphore_mem>>)
        %dma_wait3A = arith.constant 0 : i32
        %dma_wait3A_54 = tpu.memref_slice %arg5[%arg0, %add3A_46, %dma_wait3A] : memref<2x10240x64xbf16, #tpu.memory_space<hbm>> -> memref<1x80x64xbf16, #tpu.memory_space<hbm>>
        %dma_wait3A_55 = tpu.memref_squeeze %dma_wait3A_54 : memref<1x80x64xbf16, #tpu.memory_space<hbm>> -> memref<80x64xbf16, #tpu.memory_space<hbm>>
        %dma_wait3A_56 = arith.constant 0 : i32
        %dma_wait3A_57 = tpu.memref_slice %arg5[%arg0, %add3A_46, %dma_wait3A_56] : memref<2x10240x64xbf16, #tpu.memory_space<hbm>> -> memref<1x80x64xbf16, #tpu.memory_space<hbm>>
        %dma_wait3A_58 = tpu.memref_squeeze %dma_wait3A_57 : memref<1x80x64xbf16, #tpu.memory_space<hbm>> -> memref<80x64xbf16, #tpu.memory_space<hbm>>
        tpu.wait_dma2 semaphore(%run_scoped3A_47 : memref<!tpu.dma_semaphore, #tpu.memory_space<semaphore_mem>>) src(%arg10 : memref<80x64xbf16, #tpu.memory_space<vmem>>) dst(%dma_wait3A_58 : memref<80x64xbf16, #tpu.memory_space<hbm>>)
        tpu.yield
      }) : () -> ()
    }
    %scan3A_40 = arith.constant 8 : i32
    return
  }
}

module attributes {stable_mosaic.version = 14 : i64} {
  func.func @_mm_scale_body(%arg0: i32, %arg1: memref<2000x128xf32, #tpu.memory_space<vmem>>, %arg2: memref<128x128xf32, #tpu.memory_space<vmem>>, %arg3: memref<2x2000x8xf32, #tpu.memory_space<vmem>>, %arg4: memref<2000x128xbf16, #tpu.memory_space<vmem>>) attributes {dimension_semantics = [#tpu.dimension_semantics<arbitrary>], iteration_bounds = array<i64: 5>, scalar_prefetch = 0 : i64, scratch_operands = 0 : i64, tpu.core_type = #tpu.core_type<tc>, window_params = [{transform_indices = @transform_0, window_bounds = array<i64: 2000, 128>}, {pipeline_mode = #tpu.pipeline_mode<synchronous>, transform_indices = @transform_1, window_bounds = array<i64: 128, 128>}, {transform_indices = @transform_2, window_bounds = array<i64: 2, 2000, 8>}, {transform_indices = @transform_3, window_bounds = array<i64: 2000, 128>}]} {
    %get3A = arith.constant 0 : index
    %get3A_0 = arith.constant 0 : index
    %get3A_1 = arith.constant 0 : index
    %get3A_2 = vector.load %arg3[%get3A, %get3A_0, %get3A_1] : memref<2x2000x8xf32, #tpu.memory_space<vmem>>, vector<2x2000x8xf32>
    %slice3A = vector.extract_strided_slice %get3A_2 {offsets = [0, 0, 0], sizes = [1, 2000, 1], strides = [1, 1, 1]} : vector<2x2000x8xf32> to vector<1x2000x1xf32>
    %squeeze3A = vector.shape_cast %slice3A : vector<1x2000x1xf32> to vector<2000xf32>
    %slice3A_3 = vector.extract_strided_slice %get3A_2 {offsets = [1, 0, 0], sizes = [1, 2000, 1], strides = [1, 1, 1]} : vector<2x2000x8xf32> to vector<1x2000x1xf32>
    %squeeze3A_4 = vector.shape_cast %slice3A_3 : vector<1x2000x1xf32> to vector<2000xf32>
    %add3A = arith.addf %squeeze3A, %squeeze3A_4 : vector<2000xf32>
    %add3A_5 = arith.constant 1.000000e+00 : f32
    %add3A_6 = vector.broadcast %add3A_5 : f32 to vector<2000xf32>
    %add3A_7 = arith.addf %add3A, %add3A_6 : vector<2000xf32>
    %rsqrt3A = math.rsqrt %add3A_7 : vector<2000xf32>
    %get3A_8 = arith.constant 0 : index
    %get3A_9 = arith.constant 0 : index
    %get3A_10 = vector.load %arg1[%get3A_8, %get3A_9] : memref<2000x128xf32, #tpu.memory_space<vmem>>, vector<2000x128xf32>
    %get3A_11 = arith.constant 0 : index
    %get3A_12 = arith.constant 0 : index
    %get3A_13 = vector.load %arg2[%get3A_11, %get3A_12] : memref<128x128xf32, #tpu.memory_space<vmem>>, vector<128x128xf32>
    %dot_general3A = arith.constant dense<0.000000e+00> : vector<2000x128xf32>
    %dot_general3A_14 = tpu.matmul %get3A_10, %get3A_13, %dot_general3A {dimension_numbers = #tpu.dot_dimension_numbers<[1], [0], [0], [1], [0, 0, 1, 1], [], []>, transpose_lhs_hint = false} : vector<2000x128xf32>, vector<128x128xf32>, vector<2000x128xf32> -> vector<2000x128xf32>
    %broadcast_in_dim3A = vector.shape_cast %rsqrt3A : vector<2000xf32> to vector<2000x1xf32>
    %mul3A = vector.broadcast %broadcast_in_dim3A : vector<2000x1xf32> to vector<2000x128xf32>
    %mul3A_15 = arith.mulf %dot_general3A_14, %mul3A : vector<2000x128xf32>
    %convert_element_type3A = arith.truncf %mul3A_15 : vector<2000x128xf32> to vector<2000x128xbf16>
    %swap3A = arith.constant 0 : index
    %swap3A_16 = arith.constant 0 : index
    %swap3A_17 = vector.load %arg4[%swap3A, %swap3A_16] : memref<2000x128xbf16, #tpu.memory_space<vmem>>, vector<2000x128xbf16>
    tpu.vector_store %arg4[%swap3A, %swap3A_16], %convert_element_type3A {strides = array<i32>} : memref<2000x128xbf16, #tpu.memory_space<vmem>>, vector<2000x128xbf16>,
    return
  }
  func.func @transform_0(%arg0: i32) -> (i32, i32) {
    %c0_i32 = arith.constant 0 : i32
    %c0_i32_0 = arith.constant 0 : i32
    return %arg0, %c0_i32 : i32, i32
  }
  func.func @transform_1(%arg0: i32) -> (i32, i32) {
    %c0_i32 = arith.constant 0 : i32
    %c0_i32_0 = arith.constant 0 : i32
    %c0_i32_1 = arith.constant 0 : i32
    return %c0_i32, %c0_i32_0 : i32, i32
  }
  func.func @transform_2(%arg0: i32) -> (i32, i32, i32) {
    %c0_i32 = arith.constant 0 : i32
    %c0_i32_0 = arith.constant 0 : i32
    %c0_i32_1 = arith.constant 0 : i32
    return %c0_i32, %arg0, %c0_i32_0 : i32, i32, i32
  }
  func.func @transform_3(%arg0: i32) -> (i32, i32) {
    %c0_i32 = arith.constant 0 : i32
    %c0_i32_0 = arith.constant 0 : i32
    return %arg0, %c0_i32 : i32, i32
  }
}

module attributes {stable_mosaic.version = 14 : i64} {
  func.func @_mid_body(%arg0: i32, %arg1: memref<2x2000x128xbf16, #tpu.memory_space<vmem>>, %arg2: memref<2000x128xbf16, #tpu.memory_space<vmem>>, %arg3: memref<2x2000x8xf32, #tpu.memory_space<vmem>>, %arg4: memref<128x64xf32, #tpu.memory_space<vmem>>, %arg5: memref<1x128xf32, #tpu.memory_space<vmem>>, %arg6: memref<2000x64xbf16, #tpu.memory_space<vmem>>) attributes {dimension_semantics = [#tpu.dimension_semantics<arbitrary>], iteration_bounds = array<i64: 5>, scalar_prefetch = 0 : i64, scratch_operands = 0 : i64, tpu.core_type = #tpu.core_type<tc>, window_params = [{transform_indices = @transform_0, window_bounds = array<i64: 2, 2000, 128>}, {transform_indices = @transform_1, window_bounds = array<i64: 2000, 128>}, {transform_indices = @transform_2, window_bounds = array<i64: 2, 2000, 8>}, {pipeline_mode = #tpu.pipeline_mode<synchronous>, transform_indices = @transform_3, window_bounds = array<i64: 128, 64>}, {pipeline_mode = #tpu.pipeline_mode<synchronous>, transform_indices = @transform_4, window_bounds = array<i64: 1, 128>}, {transform_indices = @transform_5, window_bounds = array<i64: 2000, 64>}]} {
    %get3A = arith.constant 0 : index
    %get3A_0 = arith.constant 0 : index
    %get3A_1 = arith.constant 0 : index
    %get3A_2 = vector.load %arg3[%get3A, %get3A_0, %get3A_1] : memref<2x2000x8xf32, #tpu.memory_space<vmem>>, vector<2x2000x8xf32>
    %slice3A = vector.extract_strided_slice %get3A_2 {offsets = [0, 0, 0], sizes = [1, 2000, 1], strides = [1, 1, 1]} : vector<2x2000x8xf32> to vector<1x2000x1xf32>
    %squeeze3A = vector.shape_cast %slice3A : vector<1x2000x1xf32> to vector<2000xf32>
    %slice3A_3 = vector.extract_strided_slice %get3A_2 {offsets = [1, 0, 0], sizes = [1, 2000, 1], strides = [1, 1, 1]} : vector<2x2000x8xf32> to vector<1x2000x1xf32>
    %squeeze3A_4 = vector.shape_cast %slice3A_3 : vector<1x2000x1xf32> to vector<2000xf32>
    %add3A = arith.addf %squeeze3A, %squeeze3A_4 : vector<2000xf32>
    %add3A_5 = arith.constant 1.000000e+00 : f32
    %add3A_6 = vector.broadcast %add3A_5 : f32 to vector<2000xf32>
    %add3A_7 = arith.addf %add3A, %add3A_6 : vector<2000xf32>
    %rsqrt3A = math.rsqrt %add3A_7 : vector<2000xf32>
    %get3A_8 = arith.constant 0 : index
    %get3A_9 = arith.constant 0 : index
    %get3A_10 = arith.constant 0 : index
    %get3A_11 = vector.load %arg1[%get3A_8, %get3A_9, %get3A_10] : memref<2x2000x128xbf16, #tpu.memory_space<vmem>>, vector<2x2000x128xbf16>
    %convert_element_type3A = arith.extf %get3A_11 : vector<2x2000x128xbf16> to vector<2x2000x128xf32>
    %get3A_12 = arith.constant 0 : index
    %get3A_13 = arith.constant 0 : index
    %get3A_14 = vector.load %arg2[%get3A_12, %get3A_13] : memref<2000x128xbf16, #tpu.memory_space<vmem>>, vector<2000x128xbf16>
    %convert_element_type3A_15 = arith.extf %get3A_14 : vector<2000x128xbf16> to vector<2000x128xf32>
    %broadcast_in_dim3A = vector.shape_cast %rsqrt3A : vector<2000xf32> to vector<2000x1xf32>
    %slice3A_16 = vector.extract_strided_slice %convert_element_type3A {offsets = [0, 0, 0], sizes = [1, 2000, 128], strides = [1, 1, 1]} : vector<2x2000x128xf32> to vector<1x2000x128xf32>
    %squeeze3A_17 = vector.shape_cast %slice3A_16 : vector<1x2000x128xf32> to vector<2000x128xf32>
    %slice3A_18 = vector.extract_strided_slice %convert_element_type3A {offsets = [1, 0, 0], sizes = [1, 2000, 128], strides = [1, 1, 1]} : vector<2x2000x128xf32> to vector<1x2000x128xf32>
    %squeeze3A_19 = vector.shape_cast %slice3A_18 : vector<1x2000x128xf32> to vector<2000x128xf32>
    %add3A_20 = arith.addf %squeeze3A_17, %squeeze3A_19 : vector<2000x128xf32>
    %add3A_21 = arith.addf %add3A_20, %convert_element_type3A_15 : vector<2000x128xf32>
    %mul3A = vector.broadcast %broadcast_in_dim3A : vector<2000x1xf32> to vector<2000x128xf32>
    %mul3A_22 = arith.mulf %mul3A, %add3A_21 : vector<2000x128xf32>
    %get3A_23 = arith.constant 0 : index
    %get3A_24 = arith.constant 0 : index
    %get3A_25 = vector.load %arg5[%get3A_23, %get3A_24] : memref<1x128xf32, #tpu.memory_space<vmem>>, vector<1x128xf32>
    %add3A_26 = vector.broadcast %get3A_25 : vector<1x128xf32> to vector<2000x128xf32>
    %add3A_27 = arith.addf %mul3A_22, %add3A_26 : vector<2000x128xf32>
    %max3A = arith.constant 0.000000e+00 : f32
    %max3A_28 = vector.broadcast %max3A : f32 to vector<2000x128xf32>
    %max3A_29 = arith.maximumf %add3A_27, %max3A_28 : vector<2000x128xf32>
    %get3A_30 = arith.constant 0 : index
    %get3A_31 = arith.constant 0 : index
    %get3A_32 = vector.load %arg4[%get3A_30, %get3A_31] : memref<128x64xf32, #tpu.memory_space<vmem>>, vector<128x64xf32>
    %dot_general3A = arith.constant dense<0.000000e+00> : vector<2000x64xf32>
    %dot_general3A_33 = tpu.matmul %max3A_29, %get3A_32, %dot_general3A {dimension_numbers = #tpu.dot_dimension_numbers<[1], [0], [0], [1], [0, 0, 1, 1], [], []>, transpose_lhs_hint = false} : vector<2000x128xf32>, vector<128x64xf32>, vector<2000x64xf32> -> vector<2000x64xf32>
    %broadcast_in_dim3A_34 = vector.shape_cast %rsqrt3A : vector<2000xf32> to vector<2000x1xf32>
    %mul3A_35 = vector.broadcast %broadcast_in_dim3A_34 : vector<2000x1xf32> to vector<2000x64xf32>
    %mul3A_36 = arith.mulf %dot_general3A_33, %mul3A_35 : vector<2000x64xf32>
    %convert_element_type3A_37 = arith.truncf %mul3A_36 : vector<2000x64xf32> to vector<2000x64xbf16>
    %swap3A = arith.constant 0 : index
    %swap3A_38 = arith.constant 0 : index
    %swap3A_39 = vector.load %arg6[%swap3A, %swap3A_38] : memref<2000x64xbf16, #tpu.memory_space<vmem>>, vector<2000x64xbf16>
    tpu.vector_store %arg6[%swap3A, %swap3A_38], %convert_element_type3A_37 {strides = array<i32>} : memref<2000x64xbf16, #tpu.memory_space<vmem>>, vector<2000x64xbf16>,
    return
  }
  func.func @transform_0(%arg0: i32) -> (i32, i32, i32) {
    %c0_i32 = arith.constant 0 : i32
    %c0_i32_0 = arith.constant 0 : i32
    %c0_i32_1 = arith.constant 0 : i32
    return %c0_i32, %arg0, %c0_i32_0 : i32, i32, i32
  }
  func.func @transform_1(%arg0: i32) -> (i32, i32) {
    %c0_i32 = arith.constant 0 : i32
    %c0_i32_0 = arith.constant 0 : i32
    return %arg0, %c0_i32 : i32, i32
  }
  func.func @transform_2(%arg0: i32) -> (i32, i32, i32) {
    %c0_i32 = arith.constant 0 : i32
    %c0_i32_0 = arith.constant 0 : i32
    %c0_i32_1 = arith.constant 0 : i32
    return %c0_i32, %arg0, %c0_i32_0 : i32, i32, i32
  }
  func.func @transform_3(%arg0: i32) -> (i32, i32) {
    %c0_i32 = arith.constant 0 : i32
    %c0_i32_0 = arith.constant 0 : i32
    %c0_i32_1 = arith.constant 0 : i32
    return %c0_i32, %c0_i32_0 : i32, i32
  }
  func.func @transform_4(%arg0: i32) -> (i32, i32) {
    %c0_i32 = arith.constant 0 : i32
    %c0_i32_0 = arith.constant 0 : i32
    %c0_i32_1 = arith.constant 0 : i32
    return %c0_i32, %c0_i32_0 : i32, i32
  }
  func.func @transform_5(%arg0: i32) -> (i32, i32) {
    %c0_i32 = arith.constant 0 : i32
    %c0_i32_0 = arith.constant 0 : i32
    return %arg0, %c0_i32 : i32, i32
  }
}

module attributes {stable_mosaic.version = 14 : i64} {
  func.func @_fin_body(%arg0: i32, %arg1: memref<2x2000x64xbf16, #tpu.memory_space<vmem>>, %arg2: memref<2000x64xbf16, #tpu.memory_space<vmem>>, %arg3: memref<2x2000x8xf32, #tpu.memory_space<vmem>>, %arg4: memref<1x64xf32, #tpu.memory_space<vmem>>, %arg5: memref<2000x64xf32, #tpu.memory_space<vmem>>) attributes {dimension_semantics = [#tpu.dimension_semantics<arbitrary>], iteration_bounds = array<i64: 5>, scalar_prefetch = 0 : i64, scratch_operands = 0 : i64, tpu.core_type = #tpu.core_type<tc>, window_params = [{transform_indices = @transform_0, window_bounds = array<i64: 2, 2000, 64>}, {transform_indices = @transform_1, window_bounds = array<i64: 2000, 64>}, {transform_indices = @transform_2, window_bounds = array<i64: 2, 2000, 8>}, {pipeline_mode = #tpu.pipeline_mode<synchronous>, transform_indices = @transform_3, window_bounds = array<i64: 1, 64>}, {transform_indices = @transform_4, window_bounds = array<i64: 2000, 64>}]} {
    %get3A = arith.constant 0 : index
    %get3A_0 = arith.constant 0 : index
    %get3A_1 = arith.constant 0 : index
    %get3A_2 = vector.load %arg3[%get3A, %get3A_0, %get3A_1] : memref<2x2000x8xf32, #tpu.memory_space<vmem>>, vector<2x2000x8xf32>
    %slice3A = vector.extract_strided_slice %get3A_2 {offsets = [0, 0, 0], sizes = [1, 2000, 1], strides = [1, 1, 1]} : vector<2x2000x8xf32> to vector<1x2000x1xf32>
    %squeeze3A = vector.shape_cast %slice3A : vector<1x2000x1xf32> to vector<2000xf32>
    %slice3A_3 = vector.extract_strided_slice %get3A_2 {offsets = [1, 0, 0], sizes = [1, 2000, 1], strides = [1, 1, 1]} : vector<2x2000x8xf32> to vector<1x2000x1xf32>
    %squeeze3A_4 = vector.shape_cast %slice3A_3 : vector<1x2000x1xf32> to vector<2000xf32>
    %add3A = arith.addf %squeeze3A, %squeeze3A_4 : vector<2000xf32>
    %add3A_5 = arith.constant 1.000000e+00 : f32
    %add3A_6 = vector.broadcast %add3A_5 : f32 to vector<2000xf32>
    %add3A_7 = arith.addf %add3A, %add3A_6 : vector<2000xf32>
    %rsqrt3A = math.rsqrt %add3A_7 : vector<2000xf32>
    %get3A_8 = arith.constant 0 : index
    %get3A_9 = arith.constant 0 : index
    %get3A_10 = arith.constant 0 : index
    %get3A_11 = vector.load %arg1[%get3A_8, %get3A_9, %get3A_10] : memref<2x2000x64xbf16, #tpu.memory_space<vmem>>, vector<2x2000x64xbf16>
    %convert_element_type3A = arith.extf %get3A_11 : vector<2x2000x64xbf16> to vector<2x2000x64xf32>
    %get3A_12 = arith.constant 0 : index
    %get3A_13 = arith.constant 0 : index
    %get3A_14 = vector.load %arg2[%get3A_12, %get3A_13] : memref<2000x64xbf16, #tpu.memory_space<vmem>>, vector<2000x64xbf16>
    %convert_element_type3A_15 = arith.extf %get3A_14 : vector<2000x64xbf16> to vector<2000x64xf32>
    %broadcast_in_dim3A = vector.shape_cast %rsqrt3A : vector<2000xf32> to vector<2000x1xf32>
    %slice3A_16 = vector.extract_strided_slice %convert_element_type3A {offsets = [0, 0, 0], sizes = [1, 2000, 64], strides = [1, 1, 1]} : vector<2x2000x64xf32> to vector<1x2000x64xf32>
    %squeeze3A_17 = vector.shape_cast %slice3A_16 : vector<1x2000x64xf32> to vector<2000x64xf32>
    %slice3A_18 = vector.extract_strided_slice %convert_element_type3A {offsets = [1, 0, 0], sizes = [1, 2000, 64], strides = [1, 1, 1]} : vector<2x2000x64xf32> to vector<1x2000x64xf32>
    %squeeze3A_19 = vector.shape_cast %slice3A_18 : vector<1x2000x64xf32> to vector<2000x64xf32>
    %add3A_20 = arith.addf %squeeze3A_17, %squeeze3A_19 : vector<2000x64xf32>
    %add3A_21 = arith.addf %add3A_20, %convert_element_type3A_15 : vector<2000x64xf32>
    %mul3A = vector.broadcast %broadcast_in_dim3A : vector<2000x1xf32> to vector<2000x64xf32>
    %mul3A_22 = arith.mulf %mul3A, %add3A_21 : vector<2000x64xf32>
    %get3A_23 = arith.constant 0 : index
    %get3A_24 = arith.constant 0 : index
    %get3A_25 = vector.load %arg4[%get3A_23, %get3A_24] : memref<1x64xf32, #tpu.memory_space<vmem>>, vector<1x64xf32>
    %add3A_26 = vector.broadcast %get3A_25 : vector<1x64xf32> to vector<2000x64xf32>
    %add3A_27 = arith.addf %mul3A_22, %add3A_26 : vector<2000x64xf32>
    %swap3A = arith.constant 0 : index
    %swap3A_28 = arith.constant 0 : index
    %swap3A_29 = vector.load %arg5[%swap3A, %swap3A_28] : memref<2000x64xf32, #tpu.memory_space<vmem>>, vector<2000x64xf32>
    tpu.vector_store %arg5[%swap3A, %swap3A_28], %add3A_27 {strides = array<i32>} : memref<2000x64xf32, #tpu.memory_space<vmem>>, vector<2000x64xf32>,
    return
  }
  func.func @transform_0(%arg0: i32) -> (i32, i32, i32) {
    %c0_i32 = arith.constant 0 : i32
    %c0_i32_0 = arith.constant 0 : i32
    %c0_i32_1 = arith.constant 0 : i32
    return %c0_i32, %arg0, %c0_i32_0 : i32, i32, i32
  }
  func.func @transform_1(%arg0: i32) -> (i32, i32) {
    %c0_i32 = arith.constant 0 : i32
    %c0_i32_0 = arith.constant 0 : i32
    return %arg0, %c0_i32 : i32, i32
  }
  func.func @transform_2(%arg0: i32) -> (i32, i32, i32) {
    %c0_i32 = arith.constant 0 : i32
    %c0_i32_0 = arith.constant 0 : i32
    %c0_i32_1 = arith.constant 0 : i32
    return %c0_i32, %arg0, %c0_i32_0 : i32, i32, i32
  }
  func.func @transform_3(%arg0: i32) -> (i32, i32) {
    %c0_i32 = arith.constant 0 : i32
    %c0_i32_0 = arith.constant 0 : i32
    %c0_i32_1 = arith.constant 0 : i32
    return %c0_i32, %c0_i32_0 : i32, i32
  }
  func.func @transform_4(%arg0: i32) -> (i32, i32) {
    %c0_i32 = arith.constant 0 : i32
    %c0_i32_0 = arith.constant 0 : i32
    return %arg0, %c0_i32 : i32, i32
  }
}

</mosaic_0001>

<sc_bundles>
// kernel: kernel.11.cloned.1.call-start
scs
__scs_entry_jumppad:
0x0: {  	(pc) =	sbr.rel $0x88, $3  }
0x1: {  	(tag) =	ssettag $0x0;
	lr =	simm.s32 $0x1  }
0x2: {  	[smem:$0x3F9B] =	sst lr;
	_ =	strace $0xD0000000  }
0x3: {  	_ = 	snop  }
0x4: {  	_ = 	snop  }
0x5: {  	_ = 	snop  }
0x6: {  	_ = 	snop  }
0x7: {  	_ = 	snop  }
__scs_overlays_trampoline_lowered:
0x8: {  	[smem:$0x3FAA] =	sst s0  }
0x9: {  	[smem:$0x3FAB] =	sst s1  }
0xa: {  	[smem:$0x3FAC] =	sst s2  }
0xb: {  	[smem:$0x3FAD] =	sst s3  }
0xc: {  	[smem:$0x3FAE] =	sst s4  }
0xd: {  	[smem:$0x3FAF] =	sst s5  }
0xe: {  	[smem:$0x3FB0] =	sst s6  }
0xf: {  	[smem:$0x3FB1] =	sst s7  }
0x10: {  	[smem:$0x3FB2] =	sst s8  }
0x11: {  	[smem:$0x3FB3] =	sst s9;
	s0 =	simm.s32 @!p0 $0x0  }
0x12: {  	s1 =	sld [smem:$0x3F99];
	s0 =	simm.s32 @p0 $0x1  }
0x13: {  	[smem:$0x3FB4] =	sst s0;
	s0 =	simm.s32 @!p1 $0x0  }
0x14: {  	s2 =	sld [smem:$0x3F98];
	s0 =	simm.s32 @p1 $0x1  }
0x15: {  	[smem:$0x3FB5] =	sst s0;
	s0 =	simm.s32 @!p2 $0x0  }
0x16: {  	s3 =	sld [smem:$0x3FDB];
	s0 =	simm.s32 @p2 $0x1  }
0x17: {  	s4 =	simm.s32 $0x1BF5;
	[smem:$0x3FB7] =	sst s0  }
0x18: {  	s0 =	sld [smem:$0x3F9A];
	_ =	swait.ge [sflag:s4], $0x0  }
0x19: {  	s7 =	sld [smem:$0x3F9B]  }
0x1a: {  	s8 =	sadd.s32 $0xFFFFE003, lr  }
0x1b: {  	s9 =	sadd.s32 $0xFFFFFEF7, lr;
	s5 =	simm.s32 $0xFFFFFFFF;
	p2 =	slt.u32 s8, $0xFFFFF086  }
0x1c: {  	p1 =	slt.u32 s9, $0xF7A;
	s5 =	simm.s32 @!p2 $0x0  }
0x1d: {  	s5 =	simm.s32 @p1 $0x1;
	p0 =	seq.s32 s7, s2  }
0x1e: {  	s7 =	smul.u32 @!p0 $0xF7A, s2;
	p2 =	seq.s32 @!p0 s5, $0x0  }
0x1f: {  	s9 =	smul.u32 $0xF7A, s1;
	s8 =	simm.s32 @!p0 $0x1BF5;
	p2 =	por !p2, p0  }
0x20: {  	[sflag:s8] =	ssyncset.s32 @!p0 $0xFFFFF086;
	s6 =	sadd.s32 @!p0 s3, s7;
	s7 =	simm.s32 @!p0 $0x108  }
0x21: {  	s3 =	sadd.s32 s3, s9;
	s6 =	sadd.s32 @!p0 $0x88, s6;
	s7 =	simm.s32 @p2 $0x1082  }
0x22: {  	[simem:s7], [sflag:s8] =	dma.local @!p0 [hbm:s6], $0xF7A  }
0x23: {  	s9 =	sor.u32 $0xD0000000, s2;
	s6 =	simm.s32 $0x108;
	_ =	swait.ge @!p0 [sflag:s8], $0x0  }
0x24: {  	s3 =	sadd.s32 $0x88, s3;
	s6 =	simm.s32 @!p1 $0x1082;
	[sflag:s4] =	ssyncset.s32 $0xFFFFF086  }
0x25: {  	[simem:s6], [sflag:s4] =	dma.local [hbm:s3], $0xF7A  }
0x26: {  	[smem:$0x3F9B] =	sst s1;
	(tag) =	ssettag s2;
	_ =	strace s9  }
0x27: {  	s1 =	sld [smem:$0x3FAB]  }
0x28: {  	s2 =	sld [smem:$0x3FAC]  }
0x29: {  	s4 =	sld [smem:$0x3FAE]  }
0x2a: {  	p0 =	seq.s32 s5, $0x0;
	s5 =	sld [smem:$0x3FAF]  }
0x2b: {  	s6 =	sld [smem:$0x3FB0]  }
0x2c: {  	s7 =	sld [smem:$0x3FB1]  }
0x2d: {  	s3 =	simm.s32 $0x108;
	s8 =	sld [smem:$0x3FB2]  }
0x2e: {  	s3 =	simm.s32 @!p0 $0x1082;
	s9 =	sld [smem:$0x3FB3]  }
0x2f: {  	lr =	sadd.s32 s0, s3;
	s0 =	sld [smem:$0x3FAA]  }
0x30: {  	s3 =	sld [smem:$0x3FAD]  }
0x31: {  	[smem:$0x3FB6] =	sst s10  }
0x32: {  	s10 =	sld [smem:$0x3FB4];
	_ =	sdelay $0x3  }
0x33: {  	p0 =	seq.s32 s10, $0x1;
	s10 =	sld [smem:$0x3FB6];
	_ =	sdelay $0x3  }
0x34: {  	[smem:$0x3FB6] =	sst s10  }
0x35: {  	s10 =	sld [smem:$0x3FB5];
	_ =	sdelay $0x3  }
0x36: {  	p1 =	seq.s32 s10, $0x1;
	s10 =	sld [smem:$0x3FB6];
	_ =	sdelay $0x3  }
0x37: {  	[smem:$0x3FB6] =	sst s10  }
0x38: {  	s10 =	sld [smem:$0x3FB7]  }
0x39: {  	_ = 	snop;
	(pc) =	sbr.ind lr, $3  }
0x3a: {  	_ = 	snop  }
0x3b: {  	_ = 	snop  }
0x3c: {  	p2 =	seq.s32 s10, $0x1;
	s10 =	sld [smem:$0x3FB6]  }
0x3d: {  	_ =	shalt  }
0x3e: {  	_ =	shalt  }
0x3f: {  	_ =	shalt  }
0x40: {  	_ =	shalt  }
0x41: {  	_ =	shalt  }
0x42: {  	_ =	shalt  }
0x43: {  	_ =	shalt  }
0x44: {  	_ =	shalt  }
0x45: {  	_ =	shalt  }
0x46: {  	_ =	shalt  }
0x47: {  	_ =	shalt  }
0x48: {  	_ =	shalt  }
0x49: {  	_ =	shalt  }
0x4a: {  	_ =	shalt  }
0x4b: {  	_ =	shalt  }
0x4c: {  	_ =	shalt  }
0x4d: {  	_ =	shalt  }
0x4e: {  	_ =	shalt  }
0x4f: {  	_ =	shalt  }
0x50: {  	_ =	shalt  }
0x51: {  	_ =	shalt  }
0x52: {  	_ =	shalt  }
0x53: {  	_ =	shalt  }
0x54: {  	_ =	shalt  }
0x55: {  	_ =	shalt  }
0x56: {  	_ =	shalt  }
0x57: {  	_ =	shalt  }
0x58: {  	_ =	shalt  }
0x59: {  	_ =	shalt  }
0x5a: {  	_ =	shalt  }
0x5b: {  	_ =	shalt  }
0x5c: {  	_ =	shalt  }
0x5d: {  	_ =	shalt  }
0x5e: {  	_ =	shalt  }
0x5f: {  	_ =	shalt  }
0x60: {  	_ =	shalt  }
0x61: {  	_ =	shalt  }
0x62: {  	_ =	shalt  }
0x63: {  	_ =	shalt  }
0x64: {  	_ =	shalt  }
0x65: {  	_ =	shalt  }
0x66: {  	_ =	shalt  }
0x67: {  	_ =	shalt  }
0x68: {  	_ =	shalt  }
0x69: {  	_ =	shalt  }
0x6a: {  	_ =	shalt  }
0x6b: {  	_ =	shalt  }
0x6c: {  	_ =	shalt  }
0x6d: {  	_ =	shalt  }
0x6e: {  	_ =	shalt  }
0x6f: {  	_ =	shalt  }
0x70: {  	_ =	shalt  }
0x71: {  	_ =	shalt  }
0x72: {  	_ =	shalt  }
0x73: {  	_ =	shalt  }
0x74: {  	_ =	shalt  }
0x75: {  	_ =	shalt  }
0x76: {  	_ =	shalt  }
0x77: {  	_ =	shalt  }
0x78: {  	_ =	shalt  }
0x79: {  	_ =	shalt  }
0x7a: {  	_ =	shalt  }
0x7b: {  	_ =	shalt  }
0x7c: {  	_ =	shalt  }
0x7d: {  	_ =	shalt  }
0x7e: {  	_ =	shalt  }
0x7f: {  	_ =	shalt  }
0x80: {  	_ =	shalt  }
0x81: {  	_ =	shalt  }
0x82: {  	_ =	shalt  }
0x83: {  	_ =	shalt  }
0x84: {  	_ =	shalt  }
0x85: {  	_ =	shalt  }
0x86: {  	_ =	shalt  }
0x87: {  	_ =	shalt  }
.Lfunc_end0:
.L_simem_size_0:
called_computation.1_lowered:
.L_overlay_start_0:
0x88: {  	s2 =	sld [smem:$0x3FD9]  }
0x89: {  	s3 =	sld [smem:$0x3FFE];
	_ =	sdelay $0x1  }
0x8a: {  	s1 =	srdreg.scid  }
0x8b: {  	s0 =	sand.u32 $0x1, s1  }
0x8c: {  	s17 =	sshll.u32 s0, $0xA;
	s2 =	sadd.s32 s3, s2  }
0x8d: {  	s2 =	sadd.s32 s2, s17  }
0x8e: {  	[smem:$0x3FC2] =	sst s2  }
0x8f: {  	_ = 	snop  }
0x90: {  	s2 =	sld [smem:$0x3FD0];
	(tm) =	ssettm $0x1  }
0x91: {  	s18 =	sld [smem:$0x3FFB];
	_ =	sdelay $0x3  }
0x92: {  	_ =	strace s18  }
0x93: {  	s3 =	sld [smem:$0x3FFC];
	_ =	sdelay $0x3  }
0x94: {  	_ =	strace s3  }
0x95: {  	s3 =	sld [smem:$0x3FFD];
	_ =	sdelay $0x3  }
0x96: {  	_ =	strace s3  }
0x97: {  	_ =	strace $0x8FFFFFFF  }
0x98: {  	s19 =	sld [smem:$0x3FDB];
	_ =	sdelay $0x1  }
0x99: {  	s4 =	simm.s32 $_scs_section_size  }
0x9a: {  	s5 =	simm.s32 $_size__tile_overlayer_lowered;
	s6 =	simm.s32 $_tile_overlayer_lowered  }
0x9b: {  	s22 =	simm.s32 $0x1BFF;
	s21 =	sshll.u32 s6, $0x1;
	s3 =	sadd.s32 s4, s19  }
0x9c: {  	s7 =	simm.s32 $0x0;
	s20 =	sshll.u32 s5, $0x1;
	s5 =	sadd.s32 s21, s3  }
0x9d: {  	[timem:s7], [sflag:s22] =	dma.local [hbm:s5], s20  }
0x9e: {  	_ =	swait.ge [sflag:s22], s20  }
0x9f: {  	s4 =	ssub.s32 $0x0, s20;
	[sflag:s22] =	ssyncset.done $0x0  }
0xa0: {  	[sflag:s22] =	ssyncadd.s32 s4;
	_ =	sdelay $0x1  }
0xa1: {  	s23 =	simm.s32 $0x1B8B  }
0xa2: {  	_ =	swait.ge [sflag:s23], $0x1  }
0xa3: {  	[sflag:s23] =	ssyncset.done $0x0  }
0xa4: {  	s25 =	simm.s32 $0x1B8E;
	s24 =	sld [smem:$0x3FFE];
	[sflag:s23] =	ssyncadd.s32 $0xFFFFFFFF  }
0xa5: {  	s26 =	simm.s32 $execute0_lowered;
	[smem:$0x3FD2] =	sst s25  }
0xa6: {  	s5 =	sshll.u32 s26, $0x1;
	_ =	strace $0x80000049;
	[dreg:$0x1] =	wrdreg $0xFFFFFFFF  }
0xa7: {  	s28 =	simm.s32 $_size_execute0_lowered;
	s3 =	sadd.s32 s3, s5;
	[dreg:$0x0] =	wrdreg $0x0  }
0xa8: {  	s5 =	sshll.u32 s28, $0x1;
	[dreg:$0x2] =	wrdreg s3  }
0xa9: {  	[dreg:$0x3] =	wrdreg s5  }
0xaa: {  	[dreg:$0x4] =	wrdreg $0xC0  }
0xab: {  	_ =	task [dreg:s7], $0x5FFFF  }
0xac: {  	[dreg:$0x1] =	wrdreg $0xFFFFFFFF  }
0xad: {  	[dreg:$0x0] =	wrdreg $0x60  }
0xae: {  	[dreg:$0x2] =	wrdreg s2  }
0xaf: {  	[dreg:$0x3] =	wrdreg s24  }
0xb0: {  	[dreg:$0x4] =	wrdreg $0x135600  }
0xb1: {  	[dreg:$0x5] =	wrdreg $0x9  }
0xb2: {  	_ =	task.clear_ibuf [dreg:s7], $0x6FFFF;
	_ =	strace $0x90000049  }
0xb3: {  	s29 =	simm.s32 $0x9;
	_ =	strace $0x8000004B  }
0xb4: {  	_ =	swait.ge [sflag:s29], $0x1  }
0xb5: {  	[sflag:s29] =	ssyncadd.s32 $0xFFFFFFFF  }
0xb6: {  	_ =	strace $0x9000004B  }
0xb7: {  	_ =	sfence  }
0xb8: {  	s30 =	sld [smem:$0x0];
	_ =	sdelay $0x2  }
0xb9: {  	s31 =	sshll.u32 s1, $0xD;
	s1 =	sshrl.u32 s1, $0x2  }
0xba: {  	s3 =	sand.u32 $0x4000, s31;
	s1 =	sadd.s32 s1, s30  }
0xbb: {  	s0 =	sor.u32 s3, s0;
	s1 =	sshll.u32 s1, $0x11  }
0xbc: {  	s0 =	sor.u32 s1, s0  }
0xbd: {  	s0 =	sadd.s32 $0x8F2B, s0  }
0xbe: {  	[sflag:s0] =	ssyncadd.remote.s32 $0x1  }
0xbf: {  	_ =	sfence.sel $0xFFFF  }
0xc0: {  	[dreg:$0x0] =	wrdreg $0xFFFFFFFF;
	(pc) =	sbr.abs _section_cstart, $3  }
0xc1: {  	[dreg:$0x1] =	wrdreg $0xFFFFFFFF  }
0xc2: {  	_ =	task.clear_ibuf [dreg:s7], $0x2FFFF;
	_ =	strace $0x9FFFFFFF  }
0xc3: {  	(tm) =	ssettm $0x7FFFFFFF  }
tec
execute0_lowered:
.L_overlay_start_1:
0x0: {  	(tag) =	ssettag $0x1  }
0x1: {  	s5 =	rddreg [dreg:$0x0]  }
0x2: {  	s1 =	srdreg.scid;
	s0 =	rddreg [dreg:$0x1]  }
0x3: {  	s3 =	rddreg [dreg:$0x2];
	s10 =	stileid.u32  }
0x4: {  	s2 =	simm.s32 $0x0;
	s29 =	simm.s32 $0x13B0;
	s28 =	simm.s32 $0x1F8  }
0x5: {  	s31 =	simm.s32 $0x15A8;
	s30 =	simm.s32 $0x5E8;
	s6 =	sand.u32 $0x1, s1  }
0x6: {  	[smem:$0x7FF] =	sst s2;
	s4 =	sadd.s32 $0x7200, s0;
	s22 =	smul.u32 $0x280, s10  }
0x7: {  	s9 =	smul.u32 $0x14000, s10;
	s1 =	sshll.u32 s6, $0x4;
	_ =	strace $0x8000004A  }
0x8: {  	[dreg:$0x4] =	wrdreg s4;
	s4 =	ssub.s32 $0x2, s6;
	s6 =	smul.u32 $0x140000, s6  }
0x9: {  	p0 =	por $0x0, $0x0;
	s1 =	sor.u32 s10, s1;
	s10 =	smul.u32 $0x28000, s10  }
0xa: {  	s25 =	sshrl.u32 s9, $0x1;
	s26 =	sor.u32 $0x50, s22;
	s12 =	sadd.s32 $0xF0, s22  }
0xb: {  	s1 =	smul.u32 $0x2760, s1;
	s14 =	sshll.u32 s26, $0x6;
	s9 =	sadd.s32 s6, s9  }
0xc: {  	s10 =	sshrl.u32 s10, $0x2;
	s15 =	sadd.s32 s14, s3;
	s14 =	sadd.s32 $0x140, s22  }
0xd: {  	s7 =	sshrl.u32 s1, $0x3;
	s1 =	sadd.s32 $0x6B000, s0;
	s13 =	sadd.s32 s10, s3  }
0xe: {  	s10 =	sadd.s32 $0xA0, s22;
	[dreg:$0xa] =	wrdreg s15;
	s18 =	sshll.u32 s14, $0x6  }
0xf: {  	s15 =	sadd.s32 $0x1E0, s22;
	s11 =	sadd.s32 s5, s7;
	s5 =	sshrl.u32 s4, $0x1  }
0x10: {  	[dreg:$0x9] =	wrdreg s13;
	s16 =	sshll.u32 s10, $0x6;
	s13 =	sshll.u32 s12, $0x6  }
0x11: {  	s19 =	sadd.s32 s18, s3;
	s7 =	sadd.s32 $0x230, s22;
	s18 =	sshll.u32 s12, $0x7  }
0x12: {  	s12 =	sshll.u32 s15, $0x7;
	s8 =	sadd.s32 $0x9D80, s11;
	[smem:$0x7FD] =	sst s11  }
0x13: {  	s23 =	sadd.s32 $0x276, s11;
	s24 =	sadd.s32 $0x9FF6, s11;
	[dreg:$0xd] =	wrdreg s19  }
0x14: {  	s17 =	sadd.s32 s13, s3;
	s13 =	sadd.s32 $0x190, s22;
	[dreg:$0x5] =	wrdreg s8  }
0x15: {  	s22 =	sshll.u32 s7, $0x6;
	s7 =	sshll.u32 s7, $0x7;
	[dreg:$0x6] =	wrdreg s23  }
0x16: {  	s4 =	ssub.s32 s4, s5;
	s5 =	simm.s32 $0x12160;
	[dreg:$0x7] =	wrdreg s24  }
0x17: {  	s8 =	sadd.s32 s25, s3;
	[dreg:$0xc] =	wrdreg s17;
	s20 =	sshll.u32 s13, $0x6  }
0x18: {  	s23 =	sadd.s32 s22, s3;
	s24 =	sshrl.u32 s9, $0x4;
	s25 =	sshll.u32 s26, $0x7  }
0x19: {  	s22 =	sadd.s32 s6, s18;
	[dreg:$0x8] =	wrdreg s8;
	s8 =	sadd.s32 s16, s3  }
0x1a: {  	s16 =	sshll.u32 s15, $0x6;
	[dreg:$0x10] =	wrdreg s23;
	s11 =	sshrl.u32 s25, $0x1  }
0x1b: {  	s9 =	sadd.s32 s6, s25;
	s23 =	sshrl.u32 s22, $0x4;
	s22 =	simm.s32 $0x1B90  }
0x1c: {  	[dreg:$0xb] =	wrdreg s8;
	s8 =	sadd.s32 s20, s3;
	s21 =	sadd.s32 s16, s3  }
0x1d: {  	s26 =	sadd.s32 s11, s3;
	s9 =	sshrl.u32 s9, $0x4;
	s16 =	sshll.u32 s10, $0x7  }
0x1e: {  	s20 =	sshrl.u32 s18, $0x1;
	s10 =	sshll.u32 s13, $0x7;
	[dreg:$0xe] =	wrdreg s8  }
0x1f: {  	s18 =	sshrl.u32 s7, $0x1;
	[dreg:$0xf] =	wrdreg s21;
	s8 =	sadd.s32 s1, s24  }
0x20: {  	[dreg:$0x12] =	wrdreg s26;
	s11 =	sadd.s32 s1, s9;
	s17 =	sshrl.u32 s16, $0x1  }
0x21: {  	s9 =	sadd.s32 s6, s16;
	s21 =	sadd.s32 s20, s3;
	s24 =	sshll.u32 s14, $0x7  }
0x22: {  	s14 =	sshrl.u32 s12, $0x1;
	s16 =	sadd.s32 s6, s12;
	s12 =	rddreg [dreg:$0x4]  }
0x23: {  	s20 =	smax.u32 s4, $0x1;
	s4 =	simm.s32 $0x3;
	[dreg:$0x11] =	wrdreg s8  }
0x24: {  	[dreg:$0x13] =	wrdreg s11;
	s8 =	sadd.s32 s17, s3;
	s9 =	sshrl.u32 s9, $0x4  }
0x25: {  	[dreg:$0x16] =	wrdreg s21;
	s25 =	sshrl.u32 s24, $0x1;
	s11 =	sshrl.u32 s10, $0x1  }
0x26: {  	s15 =	sadd.s32 s14, s3;
	s17 =	sshrl.u32 s16, $0x4;
	s21 =	simm.s32 $0xBD0  }
0x27: {  	p1 =	sne.s32 s20, $0x1;
	s16 =	simm.s32 $0x2178;
	s14 =	simm.s32 $0x2370  }
0x28: {  	[dreg:$0x14] =	wrdreg s8;
	s19 =	sadd.s32 s1, s9;
	s8 =	sadd.s32 s1, s23  }
0x29: {  	s9 =	sadd.s32 s6, s24;
	s26 =	sadd.s32 s25, s3;
	[dreg:$0x1c] =	wrdreg s15  }
0x2a: {  	s25 =	simm.s32 $0x17A0;
	s24 =	simm.s32 $0x1998;
	[dreg:$0x15] =	wrdreg s19  }
0x2b: {  	s23 =	simm.s32 $0x9D8;
	s15 =	simm.s32 $0x11B8;
	[dreg:$0x17] =	wrdreg s8  }
0x2c: {  	s9 =	sshrl.u32 s9, $0x4;
	[dreg:$0x18] =	wrdreg s26;
	s8 =	sadd.s32 s11, s3  }
0x2d: {  	s19 =	sadd.s32 s18, s3;
	s11 =	simm.s32 $0x1;
	s26 =	simm.s32 $0x7E0  }
0x2e: {  	s18 =	simm.s32 $0x1F80;
	s9 =	sadd.s32 s1, s9;
	[dreg:$0x1a] =	wrdreg s8  }
0x2f: {  	s8 =	sadd.s32 s1, s17;
	[dreg:$0x1e] =	wrdreg s19;
	s19 =	simm.s32 $0x1D88  }
0x30: {  	s17 =	simm.s32 $0xFC0;
	[dreg:$0x19] =	wrdreg s9;
	s9 =	sadd.s32 s6, s10  }
0x31: {  	s6 =	sadd.s32 s6, s7;
	[dreg:$0x1d] =	wrdreg s8;
	s8 =	sadd.s32 $0x57600, s0  }
.Ltmp0:
0x32: {  	s10 =	simm.s32 $0x2760;
	s9 =	sshrl.u32 s9, $0x4;
	(pc) =	sbr.rel @!p1 .LBB2_1-.Ltmp0, $4  }
0x33: {  	s7 =	simm.s32 $0xA460;
	s6 =	sshrl.u32 s6, $0x4;
	s13 =	sadd.s32 s1, s9  }
0x34: {  	s0 =	simm.s32 $0x3F0;
	s1 =	sadd.s32 s1, s6;
	[dreg:$0x1b] =	wrdreg s13  }
0x35: {  	s6 =	simm.s32 $0x1F4;
	s9 =	simm.s32 $0x2;
	[dreg:$0x1f] =	wrdreg s1  }
0x36: {  	s1 =	sadd.s32 $0xFFFFFFFF, s20;
	s20 =	simm.s32 $0xDC8;
	s13 =	simm.s32 $0x2568  }
0x37: {  	[tilespmem:s5], [sflag:$0x3] =	stream.linear.gather [hbm4b:s12+s2], $0x1400, $0x38;
	[tilespmem:$0x1D560] =	vst v63  }
0x38: {  	_ =	swait.ge [sflag:s4], $0x1400  }
0x39: {  	[sflag:s4] =	ssyncset.done $0x0  }
0x3a: {  	s12 =	rddreg [dreg:$0x9];
	[sflag:s4] =	ssyncadd.s32 $0xFFFFEC00  }
0x3b: {  	[spmem:s12] =	stream.linear.scatter [tilespmem:s5], [sflag:$0x3], $0x1400, $0x38;
	[tilespmem:$0x1D560] =	vst v63  }
0x3c: {  	_ =	swait.ge [sflag:s4], $0x1400  }
0x3d: {  	[sflag:s4] =	ssyncset.done $0x0  }
0x3e: {  	s12 =	rddreg [dreg:$0xa];
	[sflag:s4] =	ssyncadd.s32 $0xFFFFEC00  }
0x3f: {  	[spmem:s12] =	stream.linear.scatter [tilespmem:s5], [sflag:$0x3], $0x1400, $0x38;
	[tilespmem:$0x1D560] =	vst v63  }
0x40: {  	_ =	swait.ge [sflag:s4], $0x1400  }
0x41: {  	[sflag:s4] =	ssyncset.done $0x0  }
0x42: {  	s12 =	rddreg [dreg:$0xb];
	[sflag:s4] =	ssyncadd.s32 $0xFFFFEC00  }
0x43: {  	[spmem:s12] =	stream.linear.scatter [tilespmem:s5], [sflag:$0x3], $0x1400, $0x38;
	[tilespmem:$0x1D560] =	vst v63  }
0x44: {  	_ =	swait.ge [sflag:s4], $0x1400  }
0x45: {  	[sflag:s4] =	ssyncset.done $0x0  }
0x46: {  	s12 =	rddreg [dreg:$0xc];
	[sflag:s4] =	ssyncadd.s32 $0xFFFFEC00  }
0x47: {  	[spmem:s12] =	stream.linear.scatter [tilespmem:s5], [sflag:$0x3], $0x1400, $0x38;
	[tilespmem:$0x1D560] =	vst v63  }
0x48: {  	_ =	swait.ge [sflag:s4], $0x1400  }
0x49: {  	[sflag:s4] =	ssyncset.done $0x0  }
0x4a: {  	s12 =	rddreg [dreg:$0xd];
	[sflag:s4] =	ssyncadd.s32 $0xFFFFEC00  }
0x4b: {  	[spmem:s12] =	stream.linear.scatter [tilespmem:s5], [sflag:$0x3], $0x1400, $0x38;
	[tilespmem:$0x1D560] =	vst v63  }
0x4c: {  	_ =	swait.ge [sflag:s4], $0x1400  }
0x4d: {  	[sflag:s4] =	ssyncset.done $0x0  }
0x4e: {  	s12 =	rddreg [dreg:$0xe];
	[sflag:s4] =	ssyncadd.s32 $0xFFFFEC00  }
0x4f: {  	[spmem:s12] =	stream.linear.scatter [tilespmem:s5], [sflag:$0x3], $0x1400, $0x38;
	[tilespmem:$0x1D560] =	vst v63  }
0x50: {  	_ =	swait.ge [sflag:s4], $0x1400  }
0x51: {  	[sflag:s4] =	ssyncset.done $0x0  }
0x52: {  	s12 =	rddreg [dreg:$0xf];
	[sflag:s4] =	ssyncadd.s32 $0xFFFFEC00  }
0x53: {  	[spmem:s12] =	stream.linear.scatter [tilespmem:s5], [sflag:$0x3], $0x1400, $0x38;
	[tilespmem:$0x1D560] =	vst v63  }
0x54: {  	_ =	swait.ge [sflag:s4], $0x1400  }
0x55: {  	[sflag:s4] =	ssyncset.done $0x0  }
0x56: {  	s12 =	rddreg [dreg:$0x10];
	[sflag:s4] =	ssyncadd.s32 $0xFFFFEC00  }
0x57: {  	[spmem:s12] =	stream.linear.scatter [tilespmem:s5], [sflag:$0x3], $0x1400, $0x38;
	[tilespmem:$0x1D560] =	vst v63  }
0x58: {  	_ =	swait.ge [sflag:s4], $0x1400  }
0x59: {  	[sflag:s4] =	ssyncset.done $0x0  }
0x5a: {  	[sflag:s4] =	ssyncadd.s32 $0xFFFFEC00  }
0x5b: {  	[bflag:$0x0] =	sbarrier.arrive $0xFFFF  }
0x5c: {  	s12 =	sld [smem:$0x7FD];
	_ =	sdelay $0x2  }
0x5d: {  	[tilespmem:s2], [sflag:$0x3] =	stream.linear.gather [hbm4b:s12+s2], $0x13B0, $0x38;
	[tilespmem:$0x1D560] =	vst v63  }
0x5e: {  	_ =	swait.ge [sflag:s4], $0x13B0  }
0x5f: {  	[sflag:s4] =	ssyncset.done $0x0  }
0x60: {  	s12 =	rddreg [dreg:$0x5];
	[sflag:s4] =	ssyncadd.s32 $0xFFFFEC50  }
0x61: {  	[tilespmem:s29], [sflag:$0x3] =	stream.linear.gather [hbm4b:s12+s2], $0x13B0, $0x38;
	[tilespmem:$0x1D560] =	vst v63  }
0x62: {  	_ =	swait.ge [sflag:s4], $0x13B0  }
0x63: {  	[sflag:s4] =	ssyncset.done $0x0  }
0x64: {  	[sflag:s4] =	ssyncadd.s32 $0xFFFFEC50  }
0x65: {  	[tilespmem:s10], [sflag:$0x1] =	stream.indirect.gather [hbm4b:s8+s6], $0x40, s2, s6, $0xb8;
	[tilespmem:$0x1D560] =	vst v63  }
0x66: {  	_ = 	snop  }
0x67: {  	[tilespmem:s7], [sflag:$0x2] =	stream.indirect.gather [hbm4b:s8+s6], $0x40, s28, s6, $0xb8;
	[tilespmem:$0x1D560] =	vst v63  }
0x68: {  	_ =	swait.ge [sflag:s11], $0x7D00  }
0x69: {  	[sflag:s11] =	ssyncset.done $0x0  }
0x6a: {  	[sflag:s11] =	ssyncadd.s32 $0xFFFF8300  }
0x6b: {  	[spmem:s3] =	stream.indirect.scatter.add.bf16 [tilespmem:s10], [sflag:$0x3], $0x40, s29, s6, $0xb8;
	[tilespmem:$0x1D560] =	vst v63  }
0x6c: {  	_ =	swait.ge [sflag:s4], $0x7D00  }
0x6d: {  	[sflag:s4] =	ssyncset.done $0x0  }
0x6e: {  	[sflag:s4] =	ssyncadd.s32 $0xFFFF8300  }
0x6f: {  	[tilespmem:s10], [sflag:$0x1] =	stream.indirect.gather [hbm4b:s8+s6], $0x40, s0, s6, $0xb8;
	[tilespmem:$0x1D560] =	vst v63  }
0x70: {  	_ =	swait.ge [sflag:s9], $0x7D00  }
0x71: {  	[sflag:s9] =	ssyncset.done $0x0  }
0x72: {  	[sflag:s9] =	ssyncadd.s32 $0xFFFF8300  }
0x73: {  	[spmem:s3] =	stream.indirect.scatter.add.bf16 [tilespmem:s7], [sflag:$0x3], $0x40, s31, s6, $0xb8;
	[tilespmem:$0x1D560] =	vst v63  }
0x74: {  	_ =	swait.ge [sflag:s4], $0x7D00  }
0x75: {  	[sflag:s4] =	ssyncset.done $0x0  }
0x76: {  	[sflag:s4] =	ssyncadd.s32 $0xFFFF8300  }
0x77: {  	[tilespmem:s7], [sflag:$0x2] =	stream.indirect.gather [hbm4b:s8+s6], $0x40, s30, s6, $0xb8;
	[tilespmem:$0x1D560] =	vst v63  }
0x78: {  	_ =	swait.ge [sflag:s11], $0x7D00  }
0x79: {  	[sflag:s11] =	ssyncset.done $0x0  }
0x7a: {  	[sflag:s11] =	ssyncadd.s32 $0xFFFF8300  }
0x7b: {  	[spmem:s3] =	stream.indirect.scatter.add.bf16 [tilespmem:s10], [sflag:$0x3], $0x40, s25, s6, $0xb8;
	[tilespmem:$0x1D560] =	vst v63  }
0x7c: {  	_ =	swait.ge [sflag:s4], $0x7D00  }
0x7d: {  	[sflag:s4] =	ssyncset.done $0x0  }
0x7e: {  	[sflag:s4] =	ssyncadd.s32 $0xFFFF8300  }
0x7f: {  	[tilespmem:s10], [sflag:$0x1] =	stream.indirect.gather [hbm4b:s8+s6], $0x40, s26, s6, $0xb8;
	[tilespmem:$0x1D560] =	vst v63  }
0x80: {  	_ =	swait.ge [sflag:s9], $0x7D00  }
0x81: {  	[sflag:s9] =	ssyncset.done $0x0  }
0x82: {  	[sflag:s9] =	ssyncadd.s32 $0xFFFF8300  }
0x83: {  	[spmem:s3] =	stream.indirect.scatter.add.bf16 [tilespmem:s7], [sflag:$0x3], $0x40, s24, s6, $0xb8;
	[tilespmem:$0x1D560] =	vst v63  }
0x84: {  	_ =	swait.ge [sflag:s4], $0x7D00  }
0x85: {  	[sflag:s4] =	ssyncset.done $0x0  }
0x86: {  	[sflag:s4] =	ssyncadd.s32 $0xFFFF8300  }
0x87: {  	[tilespmem:s7], [sflag:$0x2] =	stream.indirect.gather [hbm4b:s8+s6], $0x40, s23, s6, $0xb8;
	[tilespmem:$0x1D560] =	vst v63  }
0x88: {  	_ =	swait.ge [sflag:s11], $0x7D00  }
0x89: {  	[sflag:s11] =	ssyncset.done $0x0  }
0x8a: {  	[sflag:s11] =	ssyncadd.s32 $0xFFFF8300  }
0x8b: {  	[spmem:s3] =	stream.indirect.scatter.add.bf16 [tilespmem:s10], [sflag:$0x3], $0x40, s22, s6, $0xb8;
	[tilespmem:$0x1D560] =	vst v63  }
0x8c: {  	_ =	swait.ge [sflag:s4], $0x7D00  }
0x8d: {  	[sflag:s4] =	ssyncset.done $0x0  }
0x8e: {  	[sflag:s4] =	ssyncadd.s32 $0xFFFF8300  }
0x8f: {  	[tilespmem:s10], [sflag:$0x1] =	stream.indirect.gather [hbm4b:s8+s6], $0x40, s21, s6, $0xb8;
	[tilespmem:$0x1D560] =	vst v63  }
0x90: {  	_ =	swait.ge [sflag:s9], $0x7D00  }
0x91: {  	[sflag:s9] =	ssyncset.done $0x0  }
0x92: {  	[sflag:s9] =	ssyncadd.s32 $0xFFFF8300  }
0x93: {  	[spmem:s3] =	stream.indirect.scatter.add.bf16 [tilespmem:s7], [sflag:$0x3], $0x40, s19, s6, $0xb8;
	[tilespmem:$0x1D560] =	vst v63  }
0x94: {  	_ =	swait.ge [sflag:s4], $0x7D00  }
0x95: {  	[sflag:s4] =	ssyncset.done $0x0  }
0x96: {  	[sflag:s4] =	ssyncadd.s32 $0xFFFF8300  }
0x97: {  	[tilespmem:s7], [sflag:$0x2] =	stream.indirect.gather [hbm4b:s8+s6], $0x40, s20, s6, $0xb8;
	[tilespmem:$0x1D560] =	vst v63  }
0x98: {  	_ =	swait.ge [sflag:s11], $0x7D00  }
0x99: {  	[sflag:s11] =	ssyncset.done $0x0  }
0x9a: {  	[sflag:s11] =	ssyncadd.s32 $0xFFFF8300  }
0x9b: {  	[spmem:s3] =	stream.indirect.scatter.add.bf16 [tilespmem:s10], [sflag:$0x3], $0x40, s18, s6, $0xb8;
	[tilespmem:$0x1D560] =	vst v63  }
0x9c: {  	_ =	swait.ge [sflag:s4], $0x7D00  }
0x9d: {  	[sflag:s4] =	ssyncset.done $0x0  }
0x9e: {  	[sflag:s4] =	ssyncadd.s32 $0xFFFF8300  }
0x9f: {  	[tilespmem:s10], [sflag:$0x1] =	stream.indirect.gather [hbm4b:s8+s6], $0x40, s17, s6, $0xb8;
	[tilespmem:$0x1D560] =	vst v63  }
0xa0: {  	_ =	swait.ge [sflag:s9], $0x7D00  }
0xa1: {  	[sflag:s9] =	ssyncset.done $0x0  }
0xa2: {  	[sflag:s9] =	ssyncadd.s32 $0xFFFF8300  }
0xa3: {  	[spmem:s3] =	stream.indirect.scatter.add.bf16 [tilespmem:s7], [sflag:$0x3], $0x40, s16, s6, $0xb8;
	[tilespmem:$0x1D560] =	vst v63  }
0xa4: {  	_ =	swait.ge [sflag:s4], $0x7D00  }
0xa5: {  	[sflag:s4] =	ssyncset.done $0x0  }
0xa6: {  	[sflag:s4] =	ssyncadd.s32 $0xFFFF8300  }
0xa7: {  	[tilespmem:s7], [sflag:$0x2] =	stream.indirect.gather [hbm4b:s8+s6], $0x40, s15, s6, $0xb8;
	[tilespmem:$0x1D560] =	vst v63  }
0xa8: {  	_ =	swait.ge [sflag:s11], $0x7D00  }
0xa9: {  	[sflag:s11] =	ssyncset.done $0x0  }
0xaa: {  	[sflag:s11] =	ssyncadd.s32 $0xFFFF8300  }
0xab: {  	[spmem:s3] =	stream.indirect.scatter.add.bf16 [tilespmem:s10], [sflag:$0x3], $0x40, s14, s6, $0xb8;
	[tilespmem:$0x1D560] =	vst v63  }
0xac: {  	_ =	swait.ge [sflag:s4], $0x7D00  }
0xad: {  	[sflag:s4] =	ssyncset.done $0x0  }
0xae: {  	[sflag:s4] =	ssyncadd.s32 $0xFFFF8300  }
0xaf: {  	_ =	swait.ge [sflag:s9], $0x7D00  }
0xb0: {  	[sflag:s9] =	ssyncset.done $0x0  }
0xb1: {  	[sflag:s9] =	ssyncadd.s32 $0xFFFF8300  }
0xb2: {  	[spmem:s3] =	stream.indirect.scatter.add.bf16 [tilespmem:s7], [sflag:$0x3], $0x40, s13, s6, $0xb8;
	[tilespmem:$0x1D560] =	vst v63  }
0xb3: {  	_ =	swait.ge [sflag:s4], $0x7D00  }
0xb4: {  	[sflag:s4] =	ssyncset.done $0x0  }
0xb5: {  	s12 =	rddreg [dreg:$0x6];
	[sflag:s4] =	ssyncadd.s32 $0xFFFF8300  }
0xb6: {  	[tilespmem:s2], [sflag:$0x3] =	stream.linear.gather [hbm4b:s12+s2], $0x13B0, $0x38;
	[tilespmem:$0x1D560] =	vst v63  }
0xb7: {  	_ =	swait.ge [sflag:s4], $0x13B0  }
0xb8: {  	[sflag:s4] =	ssyncset.done $0x0  }
0xb9: {  	s12 =	rddreg [dreg:$0x7];
	[sflag:s4] =	ssyncadd.s32 $0xFFFFEC50  }
0xba: {  	[tilespmem:s29], [sflag:$0x3] =	stream.linear.gather [hbm4b:s12+s2], $0x13B0, $0x38;
	[tilespmem:$0x1D560] =	vst v63  }
0xbb: {  	_ =	swait.ge [sflag:s4], $0x13B0  }
0xbc: {  	[sflag:s4] =	ssyncset.done $0x0  }
0xbd: {  	[sflag:s4] =	ssyncadd.s32 $0xFFFFEC50  }
0xbe: {  	[tilespmem:s10], [sflag:$0x1] =	stream.indirect.gather [hbm4b:s8+s6], $0x40, s2, s6, $0xb8;
	[tilespmem:$0x1D560] =	vst v63  }
0xbf: {  	_ = 	snop  }
0xc0: {  	[tilespmem:s7], [sflag:$0x2] =	stream.indirect.gather [hbm4b:s8+s6], $0x40, s28, s6, $0xb8;
	[tilespmem:$0x1D560] =	vst v63  }
0xc1: {  	_ =	swait.ge [sflag:s11], $0x7D00  }
0xc2: {  	[sflag:s11] =	ssyncset.done $0x0  }
0xc3: {  	[sflag:s11] =	ssyncadd.s32 $0xFFFF8300  }
0xc4: {  	[spmem:s3] =	stream.indirect.scatter.add.bf16 [tilespmem:s10], [sflag:$0x3], $0x40, s29, s6, $0xb8;
	[tilespmem:$0x1D560] =	vst v63  }
0xc5: {  	_ =	swait.ge [sflag:s4], $0x7D00  }
0xc6: {  	[sflag:s4] =	ssyncset.done $0x0  }
0xc7: {  	[sflag:s4] =	ssyncadd.s32 $0xFFFF8300  }
0xc8: {  	[tilespmem:s10], [sflag:$0x1] =	stream.indirect.gather [hbm4b:s8+s6], $0x40, s0, s6, $0xb8;
	[tilespmem:$0x1D560] =	vst v63  }
0xc9: {  	_ =	swait.ge [sflag:s9], $0x7D00  }
0xca: {  	[sflag:s9] =	ssyncset.done $0x0  }
0xcb: {  	[sflag:s9] =	ssyncadd.s32 $0xFFFF8300  }
0xcc: {  	[spmem:s3] =	stream.indirect.scatter.add.bf16 [tilespmem:s7], [sflag:$0x3], $0x40, s31, s6, $0xb8;
	[tilespmem:$0x1D560] =	vst v63  }
0xcd: {  	_ =	swait.ge [sflag:s4], $0x7D00  }
0xce: {  	[sflag:s4] =	ssyncset.done $0x0  }
0xcf: {  	[sflag:s4] =	ssyncadd.s32 $0xFFFF8300  }
0xd0: {  	[tilespmem:s7], [sflag:$0x2] =	stream.indirect.gather [hbm4b:s8+s6], $0x40, s30, s6, $0xb8;
	[tilespmem:$0x1D560] =	vst v63  }
0xd1: {  	_ =	swait.ge [sflag:s11], $0x7D00  }
0xd2: {  	[sflag:s11] =	ssyncset.done $0x0  }
0xd3: {  	[sflag:s11] =	ssyncadd.s32 $0xFFFF8300  }
0xd4: {  	[spmem:s3] =	stream.indirect.scatter.add.bf16 [tilespmem:s10], [sflag:$0x3], $0x40, s25, s6, $0xb8;
	[tilespmem:$0x1D560] =	vst v63  }
0xd5: {  	_ =	swait.ge [sflag:s4], $0x7D00  }
0xd6: {  	[sflag:s4] =	ssyncset.done $0x0  }
0xd7: {  	[sflag:s4] =	ssyncadd.s32 $0xFFFF8300  }
0xd8: {  	[tilespmem:s10], [sflag:$0x1] =	stream.indirect.gather [hbm4b:s8+s6], $0x40, s26, s6, $0xb8;
	[tilespmem:$0x1D560] =	vst v63  }
0xd9: {  	_ =	swait.ge [sflag:s9], $0x7D00  }
0xda: {  	[sflag:s9] =	ssyncset.done $0x0  }
0xdb: {  	[sflag:s9] =	ssyncadd.s32 $0xFFFF8300  }
0xdc: {  	[spmem:s3] =	stream.indirect.scatter.add.bf16 [tilespmem:s7], [sflag:$0x3], $0x40, s24, s6, $0xb8;
	[tilespmem:$0x1D560] =	vst v63  }
0xdd: {  	_ =	swait.ge [sflag:s4], $0x7D00  }
0xde: {  	[sflag:s4] =	ssyncset.done $0x0  }
0xdf: {  	[sflag:s4] =	ssyncadd.s32 $0xFFFF8300  }
0xe0: {  	[tilespmem:s7], [sflag:$0x2] =	stream.indirect.gather [hbm4b:s8+s6], $0x40, s23, s6, $0xb8;
	[tilespmem:$0x1D560] =	vst v63  }
0xe1: {  	_ =	swait.ge [sflag:s11], $0x7D00  }
0xe2: {  	[sflag:s11] =	ssyncset.done $0x0  }
0xe3: {  	[sflag:s11] =	ssyncadd.s32 $0xFFFF8300  }
0xe4: {  	[spmem:s3] =	stream.indirect.scatter.add.bf16 [tilespmem:s10], [sflag:$0x3], $0x40, s22, s6, $0xb8;
	[tilespmem:$0x1D560] =	vst v63  }
0xe5: {  	_ =	swait.ge [sflag:s4], $0x7D00  }
0xe6: {  	[sflag:s4] =	ssyncset.done $0x0  }
0xe7: {  	[sflag:s4] =	ssyncadd.s32 $0xFFFF8300  }
0xe8: {  	[tilespmem:s10], [sflag:$0x1] =	stream.indirect.gather [hbm4b:s8+s6], $0x40, s21, s6, $0xb8;
	[tilespmem:$0x1D560] =	vst v63  }
0xe9: {  	_ =	swait.ge [sflag:s9], $0x7D00  }
0xea: {  	[sflag:s9] =	ssyncset.done $0x0  }
0xeb: {  	[sflag:s9] =	ssyncadd.s32 $0xFFFF8300  }
0xec: {  	[spmem:s3] =	stream.indirect.scatter.add.bf16 [tilespmem:s7], [sflag:$0x3], $0x40, s19, s6, $0xb8;
	[tilespmem:$0x1D560] =	vst v63  }
0xed: {  	_ =	swait.ge [sflag:s4], $0x7D00  }
0xee: {  	[sflag:s4] =	ssyncset.done $0x0  }
0xef: {  	[sflag:s4] =	ssyncadd.s32 $0xFFFF8300  }
0xf0: {  	[tilespmem:s7], [sflag:$0x2] =	stream.indirect.gather [hbm4b:s8+s6], $0x40, s20, s6, $0xb8;
	[tilespmem:$0x1D560] =	vst v63  }
0xf1: {  	_ =	swait.ge [sflag:s11], $0x7D00  }
0xf2: {  	[sflag:s11] =	ssyncset.done $0x0  }
0xf3: {  	[sflag:s11] =	ssyncadd.s32 $0xFFFF8300  }
0xf4: {  	[spmem:s3] =	stream.indirect.scatter.add.bf16 [tilespmem:s10], [sflag:$0x3], $0x40, s18, s6, $0xb8;
	[tilespmem:$0x1D560] =	vst v63  }
0xf5: {  	_ =	swait.ge [sflag:s4], $0x7D00  }
0xf6: {  	[sflag:s4] =	ssyncset.done $0x0  }
0xf7: {  	[sflag:s4] =	ssyncadd.s32 $0xFFFF8300  }
0xf8: {  	[tilespmem:s10], [sflag:$0x1] =	stream.indirect.gather [hbm4b:s8+s6], $0x40, s17, s6, $0xb8;
	[tilespmem:$0x1D560] =	vst v63  }
0xf9: {  	_ =	swait.ge [sflag:s9], $0x7D00  }
0xfa: {  	[sflag:s9] =	ssyncset.done $0x0  }
0xfb: {  	[sflag:s9] =	ssyncadd.s32 $0xFFFF8300  }
0xfc: {  	[spmem:s3] =	stream.indirect.scatter.add.bf16 [tilespmem:s7], [sflag:$0x3], $0x40, s16, s6, $0xb8;
	[tilespmem:$0x1D560] =	vst v63  }
0xfd: {  	_ =	swait.ge [sflag:s4], $0x7D00  }
0xfe: {  	[sflag:s4] =	ssyncset.done $0x0  }
0xff: {  	[sflag:s4] =	ssyncadd.s32 $0xFFFF8300  }
0x100: {  	[tilespmem:s7], [sflag:$0x2] =	stream.indirect.gather [hbm4b:s8+s6], $0x40, s15, s6, $0xb8;
	[tilespmem:$0x1D560] =	vst v63  }
0x101: {  	_ =	swait.ge [sflag:s11], $0x7D00  }
0x102: {  	[sflag:s11] =	ssyncset.done $0x0  }
0x103: {  	[sflag:s11] =	ssyncadd.s32 $0xFFFF8300  }
0x104: {  	[spmem:s3] =	stream.indirect.scatter.add.bf16 [tilespmem:s10], [sflag:$0x3], $0x40, s14, s6, $0xb8;
	[tilespmem:$0x1D560] =	vst v63  }
0x105: {  	_ =	swait.ge [sflag:s4], $0x7D00  }
0x106: {  	[sflag:s4] =	ssyncset.done $0x0  }
0x107: {  	[sflag:s4] =	ssyncadd.s32 $0xFFFF8300  }
0x108: {  	_ =	swait.ge [sflag:s9], $0x7D00  }
0x109: {  	[sflag:s9] =	ssyncset.done $0x0  }
0x10a: {  	[sflag:s9] =	ssyncadd.s32 $0xFFFF8300  }
0x10b: {  	[spmem:s3] =	stream.indirect.scatter.add.bf16 [tilespmem:s7], [sflag:$0x3], $0x40, s13, s6, $0xb8;
	[tilespmem:$0x1D560] =	vst v63  }
0x10c: {  	_ =	swait.ge [sflag:s4], $0x7D00  }
0x10d: {  	[sflag:s4] =	ssyncset.done $0x0  }
0x10e: {  	[sflag:s4] =	ssyncadd.s32 $0xFFFF8300  }
0x10f: {  	[bflag:$0x0] =	sbarrier.arrive $0xFFFF  }
0x110: {  	s12 =	rddreg [dreg:$0x8]  }
0x111: {  	[tilespmem:s5], [sflag:$0x3] =	stream.linear.gather [spmem:s12], $0x1400, $0x38;
	[tilespmem:$0x1D560] =	vst v63  }
0x112: {  	_ =	swait.ge [sflag:s4], $0x1400  }
0x113: {  	[sflag:s4] =	ssyncset.done $0x0  }
0x114: {  	s12 =	rddreg [dreg:$0x11];
	[sflag:s4] =	ssyncadd.s32 $0xFFFFEC00  }
0x115: {  	[hbm4b:s12+s2] =	stream.linear.scatter [tilespmem:s5], [sflag:$0x3], $0x1400, $0x38;
	[tilespmem:$0x1D560] =	vst v63  }
0x116: {  	_ =	swait.ge [sflag:s4], $0x1400  }
0x117: {  	[sflag:s4] =	ssyncset.done $0x0  }
0x118: {  	s12 =	rddreg [dreg:$0x12];
	[sflag:s4] =	ssyncadd.s32 $0xFFFFEC00  }
0x119: {  	[tilespmem:s5], [sflag:$0x3] =	stream.linear.gather [spmem:s12], $0x1400, $0x38;
	[tilespmem:$0x1D560] =	vst v63  }
0x11a: {  	_ =	swait.ge [sflag:s4], $0x1400  }
0x11b: {  	[sflag:s4] =	ssyncset.done $0x0  }
0x11c: {  	s12 =	rddreg [dreg:$0x13];
	[sflag:s4] =	ssyncadd.s32 $0xFFFFEC00  }
0x11d: {  	[hbm4b:s12+s2] =	stream.linear.scatter [tilespmem:s5], [sflag:$0x3], $0x1400, $0x38;
	[tilespmem:$0x1D560] =	vst v63  }
0x11e: {  	_ =	swait.ge [sflag:s4], $0x1400  }
0x11f: {  	[sflag:s4] =	ssyncset.done $0x0  }
0x120: {  	s12 =	rddreg [dreg:$0x14];
	[sflag:s4] =	ssyncadd.s32 $0xFFFFEC00  }
0x121: {  	[tilespmem:s5], [sflag:$0x3] =	stream.linear.gather [spmem:s12], $0x1400, $0x38;
	[tilespmem:$0x1D560] =	vst v63  }
0x122: {  	_ =	swait.ge [sflag:s4], $0x1400  }
0x123: {  	[sflag:s4] =	ssyncset.done $0x0  }
0x124: {  	s12 =	rddreg [dreg:$0x15];
	[sflag:s4] =	ssyncadd.s32 $0xFFFFEC00  }
0x125: {  	[hbm4b:s12+s2] =	stream.linear.scatter [tilespmem:s5], [sflag:$0x3], $0x1400, $0x38;
	[tilespmem:$0x1D560] =	vst v63  }
0x126: {  	_ =	swait.ge [sflag:s4], $0x1400  }
0x127: {  	[sflag:s4] =	ssyncset.done $0x0  }
0x128: {  	s12 =	rddreg [dreg:$0x16];
	[sflag:s4] =	ssyncadd.s32 $0xFFFFEC00  }
0x129: {  	[tilespmem:s5], [sflag:$0x3] =	stream.linear.gather [spmem:s12], $0x1400, $0x38;
	[tilespmem:$0x1D560] =	vst v63  }
0x12a: {  	_ =	swait.ge [sflag:s4], $0x1400  }
0x12b: {  	[sflag:s4] =	ssyncset.done $0x0  }
0x12c: {  	s12 =	rddreg [dreg:$0x17];
	[sflag:s4] =	ssyncadd.s32 $0xFFFFEC00  }
0x12d: {  	[hbm4b:s12+s2] =	stream.linear.scatter [tilespmem:s5], [sflag:$0x3], $0x1400, $0x38;
	[tilespmem:$0x1D560] =	vst v63  }
0x12e: {  	_ =	swait.ge [sflag:s4], $0x1400  }
0x12f: {  	[sflag:s4] =	ssyncset.done $0x0  }
0x130: {  	s12 =	rddreg [dreg:$0x18];
	[sflag:s4] =	ssyncadd.s32 $0xFFFFEC00  }
0x131: {  	[tilespmem:s5], [sflag:$0x3] =	stream.linear.gather [spmem:s12], $0x1400, $0x38;
	[tilespmem:$0x1D560] =	vst v63  }
0x132: {  	_ =	swait.ge [sflag:s4], $0x1400  }
0x133: {  	[sflag:s4] =	ssyncset.done $0x0  }
0x134: {  	s12 =	rddreg [dreg:$0x19];
	[sflag:s4] =	ssyncadd.s32 $0xFFFFEC00  }
0x135: {  	[hbm4b:s12+s2] =	stream.linear.scatter [tilespmem:s5], [sflag:$0x3], $0x1400, $0x38;
	[tilespmem:$0x1D560] =	vst v63  }
0x136: {  	_ =	swait.ge [sflag:s4], $0x1400  }
0x137: {  	[sflag:s4] =	ssyncset.done $0x0  }
0x138: {  	s12 =	rddreg [dreg:$0x1a];
	[sflag:s4] =	ssyncadd.s32 $0xFFFFEC00  }
0x139: {  	[tilespmem:s5], [sflag:$0x3] =	stream.linear.gather [spmem:s12], $0x1400, $0x38;
	[tilespmem:$0x1D560] =	vst v63  }
0x13a: {  	_ =	swait.ge [sflag:s4], $0x1400  }
0x13b: {  	[sflag:s4] =	ssyncset.done $0x0  }
0x13c: {  	s12 =	rddreg [dreg:$0x1b];
	[sflag:s4] =	ssyncadd.s32 $0xFFFFEC00  }
0x13d: {  	[hbm4b:s12+s2] =	stream.linear.scatter [tilespmem:s5], [sflag:$0x3], $0x1400, $0x38;
	[tilespmem:$0x1D560] =	vst v63  }
0x13e: {  	_ =	swait.ge [sflag:s4], $0x1400  }
0x13f: {  	[sflag:s4] =	ssyncset.done $0x0  }
0x140: {  	s12 =	rddreg [dreg:$0x1c];
	[sflag:s4] =	ssyncadd.s32 $0xFFFFEC00  }
0x141: {  	[tilespmem:s5], [sflag:$0x3] =	stream.linear.gather [spmem:s12], $0x1400, $0x38;
	[tilespmem:$0x1D560] =	vst v63  }
0x142: {  	_ =	swait.ge [sflag:s4], $0x1400  }
0x143: {  	[sflag:s4] =	ssyncset.done $0x0  }
0x144: {  	s12 =	rddreg [dreg:$0x1d];
	[sflag:s4] =	ssyncadd.s32 $0xFFFFEC00  }
0x145: {  	[hbm4b:s12+s2] =	stream.linear.scatter [tilespmem:s5], [sflag:$0x3], $0x1400, $0x38;
	[tilespmem:$0x1D560] =	vst v63  }
0x146: {  	_ =	swait.ge [sflag:s4], $0x1400  }
0x147: {  	[sflag:s4] =	ssyncset.done $0x0  }
0x148: {  	s12 =	rddreg [dreg:$0x1e];
	[sflag:s4] =	ssyncadd.s32 $0xFFFFEC00  }
0x149: {  	[tilespmem:s5], [sflag:$0x3] =	stream.linear.gather [spmem:s12], $0x1400, $0x38;
	[tilespmem:$0x1D560] =	vst v63  }
0x14a: {  	p1 =	sne.s32 s1, $0x1;
	_ =	swait.ge [sflag:s4], $0x1400  }
.Ltmp1:
0x14b: {  	[sflag:s4] =	ssyncset.done $0x0;
	(pc) =	sbr.rel @!p1 .LBB2_3-.Ltmp1, $4  }
0x14c: {  	s12 =	rddreg [dreg:$0x1f];
	[sflag:s4] =	ssyncadd.s32 $0xFFFFEC00  }
0x14d: {  	[hbm4b:s12+s2] =	stream.linear.scatter [tilespmem:s5], [sflag:$0x3], $0x1400, $0x38;
	[tilespmem:$0x1D560] =	vst v63  }
0x14e: {  	s1 =	sadd.s32 $0xFFFFFFFF, s1;
	_ =	swait.ge [sflag:s4], $0x1400  }
0x14f: {  	p0 =	por $0x1, $0x1;
	s12 =	rddreg [dreg:$0x4];
	[sflag:s4] =	ssyncset.done $0x0  }
.LBB2_4:
0x150: {  	[sflag:s4] =	ssyncadd.s32 $0xFFFFEC00  }
0x151: {  	[tilespmem:s5], [sflag:$0x3] =	stream.linear.gather [hbm4b:s12+s2], $0x1400, $0x38;
	[tilespmem:$0x1D560] =	vst v63  }
0x152: {  	_ =	swait.ge [sflag:s4], $0x1400  }
0x153: {  	[sflag:s4] =	ssyncset.done $0x0  }
0x154: {  	s12 =	rddreg [dreg:$0x9];
	[sflag:s4] =	ssyncadd.s32 $0xFFFFEC00  }
0x155: {  	[spmem:s12] =	stream.linear.scatter [tilespmem:s5], [sflag:$0x3], $0x1400, $0x38;
	[tilespmem:$0x1D560] =	vst v63  }
0x156: {  	_ =	swait.ge [sflag:s4], $0x1400  }
0x157: {  	[sflag:s4] =	ssyncset.done $0x0  }
0x158: {  	s12 =	rddreg [dreg:$0xa];
	[sflag:s4] =	ssyncadd.s32 $0xFFFFEC00  }
0x159: {  	[spmem:s12] =	stream.linear.scatter [tilespmem:s5], [sflag:$0x3], $0x1400, $0x38;
	[tilespmem:$0x1D560] =	vst v63  }
0x15a: {  	_ =	swait.ge [sflag:s4], $0x1400  }
0x15b: {  	[sflag:s4] =	ssyncset.done $0x0  }
0x15c: {  	s12 =	rddreg [dreg:$0xb];
	[sflag:s4] =	ssyncadd.s32 $0xFFFFEC00  }
0x15d: {  	[spmem:s12] =	stream.linear.scatter [tilespmem:s5], [sflag:$0x3], $0x1400, $0x38;
	[tilespmem:$0x1D560] =	vst v63  }
0x15e: {  	_ =	swait.ge [sflag:s4], $0x1400  }
0x15f: {  	[sflag:s4] =	ssyncset.done $0x0  }
0x160: {  	s12 =	rddreg [dreg:$0xc];
	[sflag:s4] =	ssyncadd.s32 $0xFFFFEC00  }
0x161: {  	[spmem:s12] =	stream.linear.scatter [tilespmem:s5], [sflag:$0x3], $0x1400, $0x38;
	[tilespmem:$0x1D560] =	vst v63  }
0x162: {  	_ =	swait.ge [sflag:s4], $0x1400  }
0x163: {  	[sflag:s4] =	ssyncset.done $0x0  }
0x164: {  	s12 =	rddreg [dreg:$0xd];
	[sflag:s4] =	ssyncadd.s32 $0xFFFFEC00  }
0x165: {  	[spmem:s12] =	stream.linear.scatter [tilespmem:s5], [sflag:$0x3], $0x1400, $0x38;
	[tilespmem:$0x1D560] =	vst v63  }
0x166: {  	_ =	swait.ge [sflag:s4], $0x1400  }
0x167: {  	[sflag:s4] =	ssyncset.done $0x0  }
0x168: {  	s12 =	rddreg [dreg:$0xe];
	[sflag:s4] =	ssyncadd.s32 $0xFFFFEC00  }
0x169: {  	[spmem:s12] =	stream.linear.scatter [tilespmem:s5], [sflag:$0x3], $0x1400, $0x38;
	[tilespmem:$0x1D560] =	vst v63  }
0x16a: {  	_ =	swait.ge [sflag:s4], $0x1400  }
0x16b: {  	[sflag:s4] =	ssyncset.done $0x0  }
0x16c: {  	s12 =	rddreg [dreg:$0xf];
	[sflag:s4] =	ssyncadd.s32 $0xFFFFEC00  }
0x16d: {  	[spmem:s12] =	stream.linear.scatter [tilespmem:s5], [sflag:$0x3], $0x1400, $0x38;
	[tilespmem:$0x1D560] =	vst v63  }
0x16e: {  	_ =	swait.ge [sflag:s4], $0x1400  }
0x16f: {  	[sflag:s4] =	ssyncset.done $0x0  }
0x170: {  	s12 =	rddreg [dreg:$0x10];
	[sflag:s4] =	ssyncadd.s32 $0xFFFFEC00  }
0x171: {  	[spmem:s12] =	stream.linear.scatter [tilespmem:s5], [sflag:$0x3], $0x1400, $0x38;
	[tilespmem:$0x1D560] =	vst v63  }
0x172: {  	_ =	swait.ge [sflag:s4], $0x1400  }
0x173: {  	[sflag:s4] =	ssyncset.done $0x0  }
0x174: {  	[sflag:s4] =	ssyncadd.s32 $0xFFFFEC00  }
0x175: {  	[bflag:$0x0] =	sbarrier.arrive $0xFFFF  }
0x176: {  	s12 =	sld [smem:$0x7FD];
	_ =	sdelay $0x2  }
0x177: {  	[tilespmem:s2], [sflag:$0x3] =	stream.linear.gather [hbm4b:s12+s2], $0x13B0, $0x38;
	[tilespmem:$0x1D560] =	vst v63  }
0x178: {  	_ =	swait.ge [sflag:s4], $0x13B0  }
0x179: {  	[sflag:s4] =	ssyncset.done $0x0  }
0x17a: {  	s12 =	rddreg [dreg:$0x5];
	[sflag:s4] =	ssyncadd.s32 $0xFFFFEC50  }
0x17b: {  	[tilespmem:s29], [sflag:$0x3] =	stream.linear.gather [hbm4b:s12+s2], $0x13B0, $0x38;
	[tilespmem:$0x1D560] =	vst v63  }
0x17c: {  	_ =	swait.ge [sflag:s4], $0x13B0  }
0x17d: {  	[sflag:s4] =	ssyncset.done $0x0  }
0x17e: {  	[sflag:s4] =	ssyncadd.s32 $0xFFFFEC50  }
0x17f: {  	[tilespmem:s10], [sflag:$0x1] =	stream.indirect.gather [hbm4b:s8+s6], $0x40, s2, s6, $0xb8;
	[tilespmem:$0x1D560] =	vst v63  }
0x180: {  	_ = 	snop  }
0x181: {  	[tilespmem:s7], [sflag:$0x2] =	stream.indirect.gather [hbm4b:s8+s6], $0x40, s28, s6, $0xb8;
	[tilespmem:$0x1D560] =	vst v63  }
0x182: {  	_ =	swait.ge [sflag:s11], $0x7D00  }
0x183: {  	[sflag:s11] =	ssyncset.done $0x0  }
0x184: {  	[sflag:s11] =	ssyncadd.s32 $0xFFFF8300  }
0x185: {  	[spmem:s3] =	stream.indirect.scatter.add.bf16 [tilespmem:s10], [sflag:$0x3], $0x40, s29, s6, $0xb8;
	[tilespmem:$0x1D560] =	vst v63  }
0x186: {  	_ =	swait.ge [sflag:s4], $0x7D00  }
0x187: {  	[sflag:s4] =	ssyncset.done $0x0  }
0x188: {  	[sflag:s4] =	ssyncadd.s32 $0xFFFF8300  }
0x189: {  	[tilespmem:s10], [sflag:$0x1] =	stream.indirect.gather [hbm4b:s8+s6], $0x40, s0, s6, $0xb8;
	[tilespmem:$0x1D560] =	vst v63  }
0x18a: {  	_ =	swait.ge [sflag:s9], $0x7D00  }
0x18b: {  	[sflag:s9] =	ssyncset.done $0x0  }
0x18c: {  	[sflag:s9] =	ssyncadd.s32 $0xFFFF8300  }
0x18d: {  	[spmem:s3] =	stream.indirect.scatter.add.bf16 [tilespmem:s7], [sflag:$0x3], $0x40, s31, s6, $0xb8;
	[tilespmem:$0x1D560] =	vst v63  }
0x18e: {  	_ =	swait.ge [sflag:s4], $0x7D00  }
0x18f: {  	[sflag:s4] =	ssyncset.done $0x0  }
0x190: {  	[sflag:s4] =	ssyncadd.s32 $0xFFFF8300  }
0x191: {  	[tilespmem:s7], [sflag:$0x2] =	stream.indirect.gather [hbm4b:s8+s6], $0x40, s30, s6, $0xb8;
	[tilespmem:$0x1D560] =	vst v63  }
0x192: {  	_ =	swait.ge [sflag:s11], $0x7D00  }
0x193: {  	[sflag:s11] =	ssyncset.done $0x0  }
0x194: {  	[sflag:s11] =	ssyncadd.s32 $0xFFFF8300  }
0x195: {  	[spmem:s3] =	stream.indirect.scatter.add.bf16 [tilespmem:s10], [sflag:$0x3], $0x40, s25, s6, $0xb8;
	[tilespmem:$0x1D560] =	vst v63  }
0x196: {  	_ =	swait.ge [sflag:s4], $0x7D00  }
0x197: {  	[sflag:s4] =	ssyncset.done $0x0  }
0x198: {  	[sflag:s4] =	ssyncadd.s32 $0xFFFF8300  }
0x199: {  	[tilespmem:s10], [sflag:$0x1] =	stream.indirect.gather [hbm4b:s8+s6], $0x40, s26, s6, $0xb8;
	[tilespmem:$0x1D560] =	vst v63  }
0x19a: {  	_ =	swait.ge [sflag:s9], $0x7D00  }
0x19b: {  	[sflag:s9] =	ssyncset.done $0x0  }
0x19c: {  	[sflag:s9] =	ssyncadd.s32 $0xFFFF8300  }
0x19d: {  	[spmem:s3] =	stream.indirect.scatter.add.bf16 [tilespmem:s7], [sflag:$0x3], $0x40, s24, s6, $0xb8;
	[tilespmem:$0x1D560] =	vst v63  }
0x19e: {  	_ =	swait.ge [sflag:s4], $0x7D00  }
0x19f: {  	[sflag:s4] =	ssyncset.done $0x0  }
0x1a0: {  	[sflag:s4] =	ssyncadd.s32 $0xFFFF8300  }
0x1a1: {  	[tilespmem:s7], [sflag:$0x2] =	stream.indirect.gather [hbm4b:s8+s6], $0x40, s23, s6, $0xb8;
	[tilespmem:$0x1D560] =	vst v63  }
0x1a2: {  	_ =	swait.ge [sflag:s11], $0x7D00  }
0x1a3: {  	[sflag:s11] =	ssyncset.done $0x0  }
0x1a4: {  	[sflag:s11] =	ssyncadd.s32 $0xFFFF8300  }
0x1a5: {  	[spmem:s3] =	stream.indirect.scatter.add.bf16 [tilespmem:s10], [sflag:$0x3], $0x40, s22, s6, $0xb8;
	[tilespmem:$0x1D560] =	vst v63  }
0x1a6: {  	_ =	swait.ge [sflag:s4], $0x7D00  }
0x1a7: {  	[sflag:s4] =	ssyncset.done $0x0  }
0x1a8: {  	[sflag:s4] =	ssyncadd.s32 $0xFFFF8300  }
0x1a9: {  	[tilespmem:s10], [sflag:$0x1] =	stream.indirect.gather [hbm4b:s8+s6], $0x40, s21, s6, $0xb8;
	[tilespmem:$0x1D560] =	vst v63  }
0x1aa: {  	_ =	swait.ge [sflag:s9], $0x7D00  }
0x1ab: {  	[sflag:s9] =	ssyncset.done $0x0  }
0x1ac: {  	[sflag:s9] =	ssyncadd.s32 $0xFFFF8300  }
0x1ad: {  	[spmem:s3] =	stream.indirect.scatter.add.bf16 [tilespmem:s7], [sflag:$0x3], $0x40, s19, s6, $0xb8;
	[tilespmem:$0x1D560] =	vst v63  }
0x1ae: {  	_ =	swait.ge [sflag:s4], $0x7D00  }
0x1af: {  	[sflag:s4] =	ssyncset.done $0x0  }
0x1b0: {  	[sflag:s4] =	ssyncadd.s32 $0xFFFF8300  }
0x1b1: {  	[tilespmem:s7], [sflag:$0x2] =	stream.indirect.gather [hbm4b:s8+s6], $0x40, s20, s6, $0xb8;
	[tilespmem:$0x1D560] =	vst v63  }
0x1b2: {  	_ =	swait.ge [sflag:s11], $0x7D00  }
0x1b3: {  	[sflag:s11] =	ssyncset.done $0x0  }
0x1b4: {  	[sflag:s11] =	ssyncadd.s32 $0xFFFF8300  }
0x1b5: {  	[spmem:s3] =	stream.indirect.scatter.add.bf16 [tilespmem:s10], [sflag:$0x3], $0x40, s18, s6, $0xb8;
	[tilespmem:$0x1D560] =	vst v63  }
0x1b6: {  	_ =	swait.ge [sflag:s4], $0x7D00  }
0x1b7: {  	[sflag:s4] =	ssyncset.done $0x0  }
0x1b8: {  	[sflag:s4] =	ssyncadd.s32 $0xFFFF8300  }
0x1b9: {  	[tilespmem:s10], [sflag:$0x1] =	stream.indirect.gather [hbm4b:s8+s6], $0x40, s17, s6, $0xb8;
	[tilespmem:$0x1D560] =	vst v63  }
0x1ba: {  	_ =	swait.ge [sflag:s9], $0x7D00  }
0x1bb: {  	[sflag:s9] =	ssyncset.done $0x0  }
0x1bc: {  	[sflag:s9] =	ssyncadd.s32 $0xFFFF8300  }
0x1bd: {  	[spmem:s3] =	stream.indirect.scatter.add.bf16 [tilespmem:s7], [sflag:$0x3], $0x40, s16, s6, $0xb8;
	[tilespmem:$0x1D560] =	vst v63  }
0x1be: {  	_ =	swait.ge [sflag:s4], $0x7D00  }
0x1bf: {  	[sflag:s4] =	ssyncset.done $0x0  }
0x1c0: {  	[sflag:s4] =	ssyncadd.s32 $0xFFFF8300  }
0x1c1: {  	[tilespmem:s7], [sflag:$0x2] =	stream.indirect.gather [hbm4b:s8+s6], $0x40, s15, s6, $0xb8;
	[tilespmem:$0x1D560] =	vst v63  }
0x1c2: {  	_ =	swait.ge [sflag:s11], $0x7D00  }
0x1c3: {  	[sflag:s11] =	ssyncset.done $0x0  }
0x1c4: {  	[sflag:s11] =	ssyncadd.s32 $0xFFFF8300  }
0x1c5: {  	[spmem:s3] =	stream.indirect.scatter.add.bf16 [tilespmem:s10], [sflag:$0x3], $0x40, s14, s6, $0xb8;
	[tilespmem:$0x1D560] =	vst v63  }
0x1c6: {  	_ =	swait.ge [sflag:s4], $0x7D00  }
0x1c7: {  	[sflag:s4] =	ssyncset.done $0x0  }
0x1c8: {  	[sflag:s4] =	ssyncadd.s32 $0xFFFF8300  }
0x1c9: {  	_ =	swait.ge [sflag:s9], $0x7D00  }
0x1ca: {  	[sflag:s9] =	ssyncset.done $0x0  }
0x1cb: {  	[sflag:s9] =	ssyncadd.s32 $0xFFFF8300  }
0x1cc: {  	[spmem:s3] =	stream.indirect.scatter.add.bf16 [tilespmem:s7], [sflag:$0x3], $0x40, s13, s6, $0xb8;
	[tilespmem:$0x1D560] =	vst v63  }
0x1cd: {  	_ =	swait.ge [sflag:s4], $0x7D00  }
0x1ce: {  	[sflag:s4] =	ssyncset.done $0x0  }
0x1cf: {  	s12 =	rddreg [dreg:$0x6];
	[sflag:s4] =	ssyncadd.s32 $0xFFFF8300  }
0x1d0: {  	[tilespmem:s2], [sflag:$0x3] =	stream.linear.gather [hbm4b:s12+s2], $0x13B0, $0x38;
	[tilespmem:$0x1D560] =	vst v63  }
0x1d1: {  	_ =	swait.ge [sflag:s4], $0x13B0  }
0x1d2: {  	[sflag:s4] =	ssyncset.done $0x0  }
0x1d3: {  	s12 =	rddreg [dreg:$0x7];
	[sflag:s4] =	ssyncadd.s32 $0xFFFFEC50  }
0x1d4: {  	[tilespmem:s29], [sflag:$0x3] =	stream.linear.gather [hbm4b:s12+s2], $0x13B0, $0x38;
	[tilespmem:$0x1D560] =	vst v63  }
0x1d5: {  	_ =	swait.ge [sflag:s4], $0x13B0  }
0x1d6: {  	[sflag:s4] =	ssyncset.done $0x0  }
0x1d7: {  	[sflag:s4] =	ssyncadd.s32 $0xFFFFEC50  }
0x1d8: {  	[tilespmem:s10], [sflag:$0x1] =	stream.indirect.gather [hbm4b:s8+s6], $0x40, s2, s6, $0xb8;
	[tilespmem:$0x1D560] =	vst v63  }
0x1d9: {  	_ = 	snop  }
0x1da: {  	[tilespmem:s7], [sflag:$0x2] =	stream.indirect.gather [hbm4b:s8+s6], $0x40, s28, s6, $0xb8;
	[tilespmem:$0x1D560] =	vst v63  }
0x1db: {  	_ =	swait.ge [sflag:s11], $0x7D00  }
0x1dc: {  	[sflag:s11] =	ssyncset.done $0x0  }
0x1dd: {  	[sflag:s11] =	ssyncadd.s32 $0xFFFF8300  }
0x1de: {  	[spmem:s3] =	stream.indirect.scatter.add.bf16 [tilespmem:s10], [sflag:$0x3], $0x40, s29, s6, $0xb8;
	[tilespmem:$0x1D560] =	vst v63  }
0x1df: {  	_ =	swait.ge [sflag:s4], $0x7D00  }
0x1e0: {  	[sflag:s4] =	ssyncset.done $0x0  }
0x1e1: {  	[sflag:s4] =	ssyncadd.s32 $0xFFFF8300  }
0x1e2: {  	[tilespmem:s10], [sflag:$0x1] =	stream.indirect.gather [hbm4b:s8+s6], $0x40, s0, s6, $0xb8;
	[tilespmem:$0x1D560] =	vst v63  }
0x1e3: {  	_ =	swait.ge [sflag:s9], $0x7D00  }
0x1e4: {  	[sflag:s9] =	ssyncset.done $0x0  }
0x1e5: {  	[sflag:s9] =	ssyncadd.s32 $0xFFFF8300  }
0x1e6: {  	[spmem:s3] =	stream.indirect.scatter.add.bf16 [tilespmem:s7], [sflag:$0x3], $0x40, s31, s6, $0xb8;
	[tilespmem:$0x1D560] =	vst v63  }
0x1e7: {  	_ =	swait.ge [sflag:s4], $0x7D00  }
0x1e8: {  	[sflag:s4] =	ssyncset.done $0x0  }
0x1e9: {  	[sflag:s4] =	ssyncadd.s32 $0xFFFF8300  }
0x1ea: {  	[tilespmem:s7], [sflag:$0x2] =	stream.indirect.gather [hbm4b:s8+s6], $0x40, s30, s6, $0xb8;
	[tilespmem:$0x1D560] =	vst v63  }
0x1eb: {  	_ =	swait.ge [sflag:s11], $0x7D00  }
0x1ec: {  	[sflag:s11] =	ssyncset.done $0x0  }
0x1ed: {  	[sflag:s11] =	ssyncadd.s32 $0xFFFF8300  }
0x1ee: {  	[spmem:s3] =	stream.indirect.scatter.add.bf16 [tilespmem:s10], [sflag:$0x3], $0x40, s25, s6, $0xb8;
	[tilespmem:$0x1D560] =	vst v63  }
0x1ef: {  	_ =	swait.ge [sflag:s4], $0x7D00  }
0x1f0: {  	[sflag:s4] =	ssyncset.done $0x0  }
0x1f1: {  	[sflag:s4] =	ssyncadd.s32 $0xFFFF8300  }
0x1f2: {  	[tilespmem:s10], [sflag:$0x1] =	stream.indirect.gather [hbm4b:s8+s6], $0x40, s26, s6, $0xb8;
	[tilespmem:$0x1D560] =	vst v63  }
0x1f3: {  	_ =	swait.ge [sflag:s9], $0x7D00  }
0x1f4: {  	[sflag:s9] =	ssyncset.done $0x0  }
0x1f5: {  	[sflag:s9] =	ssyncadd.s32 $0xFFFF8300  }
0x1f6: {  	[spmem:s3] =	stream.indirect.scatter.add.bf16 [tilespmem:s7], [sflag:$0x3], $0x40, s24, s6, $0xb8;
	[tilespmem:$0x1D560] =	vst v63  }
0x1f7: {  	_ =	swait.ge [sflag:s4], $0x7D00  }
0x1f8: {  	[sflag:s4] =	ssyncset.done $0x0  }
0x1f9: {  	[sflag:s4] =	ssyncadd.s32 $0xFFFF8300  }
0x1fa: {  	[tilespmem:s7], [sflag:$0x2] =	stream.indirect.gather [hbm4b:s8+s6], $0x40, s23, s6, $0xb8;
	[tilespmem:$0x1D560] =	vst v63  }
0x1fb: {  	_ =	swait.ge [sflag:s11], $0x7D00  }
0x1fc: {  	[sflag:s11] =	ssyncset.done $0x0  }
0x1fd: {  	[sflag:s11] =	ssyncadd.s32 $0xFFFF8300  }
0x1fe: {  	[spmem:s3] =	stream.indirect.scatter.add.bf16 [tilespmem:s10], [sflag:$0x3], $0x40, s22, s6, $0xb8;
	[tilespmem:$0x1D560] =	vst v63  }
0x1ff: {  	_ =	swait.ge [sflag:s4], $0x7D00  }
0x200: {  	[sflag:s4] =	ssyncset.done $0x0  }
0x201: {  	[sflag:s4] =	ssyncadd.s32 $0xFFFF8300  }
0x202: {  	[tilespmem:s10], [sflag:$0x1] =	stream.indirect.gather [hbm4b:s8+s6], $0x40, s21, s6, $0xb8;
	[tilespmem:$0x1D560] =	vst v63  }
0x203: {  	_ =	swait.ge [sflag:s9], $0x7D00  }
0x204: {  	[sflag:s9] =	ssyncset.done $0x0  }
0x205: {  	[sflag:s9] =	ssyncadd.s32 $0xFFFF8300  }
0x206: {  	[spmem:s3] =	stream.indirect.scatter.add.bf16 [tilespmem:s7], [sflag:$0x3], $0x40, s19, s6, $0xb8;
	[tilespmem:$0x1D560] =	vst v63  }
0x207: {  	_ =	swait.ge [sflag:s4], $0x7D00  }
0x208: {  	[sflag:s4] =	ssyncset.done $0x0  }
0x209: {  	[sflag:s4] =	ssyncadd.s32 $0xFFFF8300  }
0x20a: {  	[tilespmem:s7], [sflag:$0x2] =	stream.indirect.gather [hbm4b:s8+s6], $0x40, s20, s6, $0xb8;
	[tilespmem:$0x1D560] =	vst v63  }
0x20b: {  	_ =	swait.ge [sflag:s11], $0x7D00  }
0x20c: {  	[sflag:s11] =	ssyncset.done $0x0  }
0x20d: {  	[sflag:s11] =	ssyncadd.s32 $0xFFFF8300  }
0x20e: {  	[spmem:s3] =	stream.indirect.scatter.add.bf16 [tilespmem:s10], [sflag:$0x3], $0x40, s18, s6, $0xb8;
	[tilespmem:$0x1D560] =	vst v63  }
0x20f: {  	_ =	swait.ge [sflag:s4], $0x7D00  }
0x210: {  	[sflag:s4] =	ssyncset.done $0x0  }
0x211: {  	[sflag:s4] =	ssyncadd.s32 $0xFFFF8300  }
0x212: {  	[tilespmem:s10], [sflag:$0x1] =	stream.indirect.gather [hbm4b:s8+s6], $0x40, s17, s6, $0xb8;
	[tilespmem:$0x1D560] =	vst v63  }
0x213: {  	_ =	swait.ge [sflag:s9], $0x7D00  }
0x214: {  	[sflag:s9] =	ssyncset.done $0x0  }
0x215: {  	[sflag:s9] =	ssyncadd.s32 $0xFFFF8300  }
0x216: {  	[spmem:s3] =	stream.indirect.scatter.add.bf16 [tilespmem:s7], [sflag:$0x3], $0x40, s16, s6, $0xb8;
	[tilespmem:$0x1D560] =	vst v63  }
0x217: {  	_ =	swait.ge [sflag:s4], $0x7D00  }
0x218: {  	[sflag:s4] =	ssyncset.done $0x0  }
0x219: {  	[sflag:s4] =	ssyncadd.s32 $0xFFFF8300  }
0x21a: {  	[tilespmem:s7], [sflag:$0x2] =	stream.indirect.gather [hbm4b:s8+s6], $0x40, s15, s6, $0xb8;
	[tilespmem:$0x1D560] =	vst v63  }
0x21b: {  	_ =	swait.ge [sflag:s11], $0x7D00  }
0x21c: {  	[sflag:s11] =	ssyncset.done $0x0  }
0x21d: {  	[sflag:s11] =	ssyncadd.s32 $0xFFFF8300  }
0x21e: {  	[spmem:s3] =	stream.indirect.scatter.add.bf16 [tilespmem:s10], [sflag:$0x3], $0x40, s14, s6, $0xb8;
	[tilespmem:$0x1D560] =	vst v63  }
0x21f: {  	_ =	swait.ge [sflag:s4], $0x7D00  }
0x220: {  	[sflag:s4] =	ssyncset.done $0x0  }
0x221: {  	[sflag:s4] =	ssyncadd.s32 $0xFFFF8300  }
0x222: {  	_ =	swait.ge [sflag:s9], $0x7D00  }
0x223: {  	[sflag:s9] =	ssyncset.done $0x0  }
0x224: {  	[sflag:s9] =	ssyncadd.s32 $0xFFFF8300  }
0x225: {  	[spmem:s3] =	stream.indirect.scatter.add.bf16 [tilespmem:s7], [sflag:$0x3], $0x40, s13, s6, $0xb8;
	[tilespmem:$0x1D560] =	vst v63  }
0x226: {  	_ =	swait.ge [sflag:s4], $0x7D00  }
0x227: {  	[sflag:s4] =	ssyncset.done $0x0  }
0x228: {  	[sflag:s4] =	ssyncadd.s32 $0xFFFF8300  }
0x229: {  	[bflag:$0x0] =	sbarrier.arrive $0xFFFF  }
0x22a: {  	s12 =	rddreg [dreg:$0x8]  }
0x22b: {  	[tilespmem:s5], [sflag:$0x3] =	stream.linear.gather [spmem:s12], $0x1400, $0x38;
	[tilespmem:$0x1D560] =	vst v63  }
0x22c: {  	_ =	swait.ge [sflag:s4], $0x1400  }
0x22d: {  	[sflag:s4] =	ssyncset.done $0x0  }
0x22e: {  	s12 =	rddreg [dreg:$0x11];
	[sflag:s4] =	ssyncadd.s32 $0xFFFFEC00  }
0x22f: {  	[hbm4b:s12+s2] =	stream.linear.scatter [tilespmem:s5], [sflag:$0x3], $0x1400, $0x38;
	[tilespmem:$0x1D560] =	vst v63  }
0x230: {  	_ =	swait.ge [sflag:s4], $0x1400  }
0x231: {  	[sflag:s4] =	ssyncset.done $0x0  }
0x232: {  	s12 =	rddreg [dreg:$0x12];
	[sflag:s4] =	ssyncadd.s32 $0xFFFFEC00  }
0x233: {  	[tilespmem:s5], [sflag:$0x3] =	stream.linear.gather [spmem:s12], $0x1400, $0x38;
	[tilespmem:$0x1D560] =	vst v63  }
0x234: {  	_ =	swait.ge [sflag:s4], $0x1400  }
0x235: {  	[sflag:s4] =	ssyncset.done $0x0  }
0x236: {  	s12 =	rddreg [dreg:$0x13];
	[sflag:s4] =	ssyncadd.s32 $0xFFFFEC00  }
0x237: {  	[hbm4b:s12+s2] =	stream.linear.scatter [tilespmem:s5], [sflag:$0x3], $0x1400, $0x38;
	[tilespmem:$0x1D560] =	vst v63  }
0x238: {  	_ =	swait.ge [sflag:s4], $0x1400  }
0x239: {  	[sflag:s4] =	ssyncset.done $0x0  }
0x23a: {  	s12 =	rddreg [dreg:$0x14];
	[sflag:s4] =	ssyncadd.s32 $0xFFFFEC00  }
0x23b: {  	[tilespmem:s5], [sflag:$0x3] =	stream.linear.gather [spmem:s12], $0x1400, $0x38;
	[tilespmem:$0x1D560] =	vst v63  }
0x23c: {  	_ =	swait.ge [sflag:s4], $0x1400  }
0x23d: {  	[sflag:s4] =	ssyncset.done $0x0  }
0x23e: {  	s12 =	rddreg [dreg:$0x15];
	[sflag:s4] =	ssyncadd.s32 $0xFFFFEC00  }
0x23f: {  	[hbm4b:s12+s2] =	stream.linear.scatter [tilespmem:s5], [sflag:$0x3], $0x1400, $0x38;
	[tilespmem:$0x1D560] =	vst v63  }
0x240: {  	_ =	swait.ge [sflag:s4], $0x1400  }
0x241: {  	[sflag:s4] =	ssyncset.done $0x0  }
0x242: {  	s12 =	rddreg [dreg:$0x16];
	[sflag:s4] =	ssyncadd.s32 $0xFFFFEC00  }
0x243: {  	[tilespmem:s5], [sflag:$0x3] =	stream.linear.gather [spmem:s12], $0x1400, $0x38;
	[tilespmem:$0x1D560] =	vst v63  }
0x244: {  	_ =	swait.ge [sflag:s4], $0x1400  }
0x245: {  	[sflag:s4] =	ssyncset.done $0x0  }
0x246: {  	s12 =	rddreg [dreg:$0x17];
	[sflag:s4] =	ssyncadd.s32 $0xFFFFEC00  }
0x247: {  	[hbm4b:s12+s2] =	stream.linear.scatter [tilespmem:s5], [sflag:$0x3], $0x1400, $0x38;
	[tilespmem:$0x1D560] =	vst v63  }
0x248: {  	_ =	swait.ge [sflag:s4], $0x1400  }
0x249: {  	[sflag:s4] =	ssyncset.done $0x0  }
0x24a: {  	s12 =	rddreg [dreg:$0x18];
	[sflag:s4] =	ssyncadd.s32 $0xFFFFEC00  }
0x24b: {  	[tilespmem:s5], [sflag:$0x3] =	stream.linear.gather [spmem:s12], $0x1400, $0x38;
	[tilespmem:$0x1D560] =	vst v63  }
0x24c: {  	_ =	swait.ge [sflag:s4], $0x1400  }
0x24d: {  	[sflag:s4] =	ssyncset.done $0x0  }
0x24e: {  	s12 =	rddreg [dreg:$0x19];
	[sflag:s4] =	ssyncadd.s32 $0xFFFFEC00  }
0x24f: {  	[hbm4b:s12+s2] =	stream.linear.scatter [tilespmem:s5], [sflag:$0x3], $0x1400, $0x38;
	[tilespmem:$0x1D560] =	vst v63  }
0x250: {  	_ =	swait.ge [sflag:s4], $0x1400  }
0x251: {  	[sflag:s4] =	ssyncset.done $0x0  }
0x252: {  	s12 =	rddreg [dreg:$0x1a];
	[sflag:s4] =	ssyncadd.s32 $0xFFFFEC00  }
0x253: {  	[tilespmem:s5], [sflag:$0x3] =	stream.linear.gather [spmem:s12], $0x1400, $0x38;
	[tilespmem:$0x1D560] =	vst v63  }
0x254: {  	_ =	swait.ge [sflag:s4], $0x1400  }
0x255: {  	[sflag:s4] =	ssyncset.done $0x0  }
0x256: {  	s12 =	rddreg [dreg:$0x1b];
	[sflag:s4] =	ssyncadd.s32 $0xFFFFEC00  }
0x257: {  	[hbm4b:s12+s2] =	stream.linear.scatter [tilespmem:s5], [sflag:$0x3], $0x1400, $0x38;
	[tilespmem:$0x1D560] =	vst v63  }
0x258: {  	_ =	swait.ge [sflag:s4], $0x1400  }
0x259: {  	[sflag:s4] =	ssyncset.done $0x0  }
0x25a: {  	s12 =	rddreg [dreg:$0x1c];
	[sflag:s4] =	ssyncadd.s32 $0xFFFFEC00  }
0x25b: {  	[tilespmem:s5], [sflag:$0x3] =	stream.linear.gather [spmem:s12], $0x1400, $0x38;
	[tilespmem:$0x1D560] =	vst v63  }
0x25c: {  	_ =	swait.ge [sflag:s4], $0x1400  }
0x25d: {  	[sflag:s4] =	ssyncset.done $0x0  }
0x25e: {  	s12 =	rddreg [dreg:$0x1d];
	[sflag:s4] =	ssyncadd.s32 $0xFFFFEC00  }
0x25f: {  	[hbm4b:s12+s2] =	stream.linear.scatter [tilespmem:s5], [sflag:$0x3], $0x1400, $0x38;
	[tilespmem:$0x1D560] =	vst v63  }
0x260: {  	_ =	swait.ge [sflag:s4], $0x1400  }
0x261: {  	[sflag:s4] =	ssyncset.done $0x0  }
0x262: {  	s12 =	rddreg [dreg:$0x1e];
	[sflag:s4] =	ssyncadd.s32 $0xFFFFEC00  }
0x263: {  	[tilespmem:s5], [sflag:$0x3] =	stream.linear.gather [spmem:s12], $0x1400, $0x38;
	[tilespmem:$0x1D560] =	vst v63  }
0x264: {  	p1 =	sne.s32 s1, $0x1;
	_ =	swait.ge [sflag:s4], $0x1400  }
.Ltmp2:
0x265: {  	[sflag:s4] =	ssyncset.done $0x0;
	(pc) =	sbr.rel @p1 .LBB2_4-.Ltmp2, $4  }
0x266: {  	s12 =	rddreg [dreg:$0x1f];
	[sflag:s4] =	ssyncadd.s32 $0xFFFFEC00  }
0x267: {  	[hbm4b:s12+s2] =	stream.linear.scatter [tilespmem:s5], [sflag:$0x3], $0x1400, $0x38;
	[tilespmem:$0x1D560] =	vst v63  }
0x268: {  	_ =	swait.ge [sflag:s4], $0x1400  }
0x269: {  	s1 =	sadd.s32 $0xFFFFFFFF, s1;
	s12 =	rddreg [dreg:$0x4];
	[sflag:s4] =	ssyncset.done $0x0  }
0x26a: {  	s28 =	sld [smem:$0x7FD]  }
.LBB2_6:
0x26b: {  	[sflag:s4] =	ssyncadd.s32 @p0 $0xFFFFEC00  }
0x26c: {  	[tilespmem:s5], [sflag:$0x3] =	stream.linear.gather [hbm4b:s12+s2], $0x1400, $0x38;
	[tilespmem:$0x1D560] =	vst v63  }
0x26d: {  	_ =	swait.ge [sflag:s4], $0x1400  }
0x26e: {  	[sflag:s4] =	ssyncset.done $0x0  }
0x26f: {  	s1 =	rddreg [dreg:$0x9];
	[sflag:s4] =	ssyncadd.s32 $0xFFFFEC00  }
0x270: {  	[spmem:s1] =	stream.linear.scatter [tilespmem:s5], [sflag:$0x3], $0x1400, $0x38;
	[tilespmem:$0x1D560] =	vst v63  }
0x271: {  	_ =	swait.ge [sflag:s4], $0x1400  }
0x272: {  	[sflag:s4] =	ssyncset.done $0x0  }
0x273: {  	s20 =	rddreg [dreg:$0xa];
	[sflag:s4] =	ssyncadd.s32 $0xFFFFEC00  }
0x274: {  	[spmem:s20] =	stream.linear.scatter [tilespmem:s5], [sflag:$0x3], $0x1400, $0x38;
	[tilespmem:$0x1D560] =	vst v63  }
0x275: {  	_ =	swait.ge [sflag:s4], $0x1400  }
0x276: {  	[sflag:s4] =	ssyncset.done $0x0  }
0x277: {  	s21 =	rddreg [dreg:$0xb];
	[sflag:s4] =	ssyncadd.s32 $0xFFFFEC00  }
0x278: {  	[spmem:s21] =	stream.linear.scatter [tilespmem:s5], [sflag:$0x3], $0x1400, $0x38;
	[tilespmem:$0x1D560] =	vst v63  }
0x279: {  	_ =	swait.ge [sflag:s4], $0x1400  }
0x27a: {  	[sflag:s4] =	ssyncset.done $0x0  }
0x27b: {  	s22 =	rddreg [dreg:$0xc];
	[sflag:s4] =	ssyncadd.s32 $0xFFFFEC00  }
0x27c: {  	[spmem:s22] =	stream.linear.scatter [tilespmem:s5], [sflag:$0x3], $0x1400, $0x38;
	[tilespmem:$0x1D560] =	vst v63  }
0x27d: {  	_ =	swait.ge [sflag:s4], $0x1400  }
0x27e: {  	[sflag:s4] =	ssyncset.done $0x0  }
0x27f: {  	s23 =	rddreg [dreg:$0xd];
	[sflag:s4] =	ssyncadd.s32 $0xFFFFEC00  }
0x280: {  	[spmem:s23] =	stream.linear.scatter [tilespmem:s5], [sflag:$0x3], $0x1400, $0x38;
	[tilespmem:$0x1D560] =	vst v63  }
0x281: {  	_ =	swait.ge [sflag:s4], $0x1400  }
0x282: {  	[sflag:s4] =	ssyncset.done $0x0  }
0x283: {  	s24 =	rddreg [dreg:$0xe];
	[sflag:s4] =	ssyncadd.s32 $0xFFFFEC00  }
0x284: {  	[spmem:s24] =	stream.linear.scatter [tilespmem:s5], [sflag:$0x3], $0x1400, $0x38;
	[tilespmem:$0x1D560] =	vst v63  }
0x285: {  	_ =	swait.ge [sflag:s4], $0x1400  }
0x286: {  	[sflag:s4] =	ssyncset.done $0x0  }
0x287: {  	s25 =	rddreg [dreg:$0xf];
	[sflag:s4] =	ssyncadd.s32 $0xFFFFEC00  }
0x288: {  	[spmem:s25] =	stream.linear.scatter [tilespmem:s5], [sflag:$0x3], $0x1400, $0x38;
	[tilespmem:$0x1D560] =	vst v63  }
0x289: {  	_ =	swait.ge [sflag:s4], $0x1400  }
0x28a: {  	[sflag:s4] =	ssyncset.done $0x0  }
0x28b: {  	s26 =	rddreg [dreg:$0x10];
	[sflag:s4] =	ssyncadd.s32 $0xFFFFEC00  }
0x28c: {  	[spmem:s26] =	stream.linear.scatter [tilespmem:s5], [sflag:$0x3], $0x1400, $0x38;
	[tilespmem:$0x1D560] =	vst v63  }
0x28d: {  	_ =	swait.ge [sflag:s4], $0x1400  }
0x28e: {  	[sflag:s4] =	ssyncset.done $0x0  }
0x28f: {  	[sflag:s4] =	ssyncadd.s32 $0xFFFFEC00  }
0x290: {  	[bflag:$0x0] =	sbarrier.arrive $0xFFFF  }
0x291: {  	[tilespmem:s2], [sflag:$0x3] =	stream.linear.gather [hbm4b:s28+s2], $0x13B0, $0x38;
	[tilespmem:$0x1D560] =	vst v63  }
0x292: {  	_ =	swait.ge [sflag:s4], $0x13B0  }
0x293: {  	[sflag:s4] =	ssyncset.done $0x0  }
0x294: {  	s30 =	rddreg [dreg:$0x5];
	[sflag:s4] =	ssyncadd.s32 $0xFFFFEC50  }
0x295: {  	[tilespmem:s29], [sflag:$0x3] =	stream.linear.gather [hbm4b:s30+s2], $0x13B0, $0x38;
	[tilespmem:$0x1D560] =	vst v63  }
0x296: {  	_ =	swait.ge [sflag:s4], $0x13B0  }
0x297: {  	[sflag:s4] =	ssyncset.done $0x0  }
0x298: {  	[sflag:s4] =	ssyncadd.s32 $0xFFFFEC50  }
0x299: {  	[tilespmem:s10], [sflag:$0x1] =	stream.indirect.gather [hbm4b:s8+s6], $0x40, s2, s6, $0xb8;
	[tilespmem:$0x1D560] =	vst v63  }
0x29a: {  	s30 =	simm.s32 $0x1F8  }
0x29b: {  	[tilespmem:s7], [sflag:$0x2] =	stream.indirect.gather [hbm4b:s8+s6], $0x40, s30, s6, $0xb8;
	[tilespmem:$0x1D560] =	vst v63  }
0x29c: {  	_ =	swait.ge [sflag:s11], $0x7D00  }
0x29d: {  	[sflag:s11] =	ssyncset.done $0x0  }
0x29e: {  	[sflag:s11] =	ssyncadd.s32 $0xFFFF8300  }
0x29f: {  	[spmem:s3] =	stream.indirect.scatter.add.bf16 [tilespmem:s10], [sflag:$0x3], $0x40, s29, s6, $0xb8;
	[tilespmem:$0x1D560] =	vst v63  }
0x2a0: {  	_ =	swait.ge [sflag:s4], $0x7D00  }
0x2a1: {  	[sflag:s4] =	ssyncset.done $0x0  }
0x2a2: {  	s0 =	simm.s32 $0x3F0;
	[sflag:s4] =	ssyncadd.s32 $0xFFFF8300  }
0x2a3: {  	[tilespmem:s10], [sflag:$0x1] =	stream.indirect.gather [hbm4b:s8+s6], $0x40, s0, s6, $0xb8;
	[tilespmem:$0x1D560] =	vst v63  }
0x2a4: {  	_ =	swait.ge [sflag:s9], $0x7D00  }
0x2a5: {  	[sflag:s9] =	ssyncset.done $0x0  }
0x2a6: {  	s28 =	simm.s32 $0x15A8;
	[sflag:s9] =	ssyncadd.s32 $0xFFFF8300  }
0x2a7: {  	[spmem:s3] =	stream.indirect.scatter.add.bf16 [tilespmem:s7], [sflag:$0x3], $0x40, s28, s6, $0xb8;
	[tilespmem:$0x1D560] =	vst v63  }
0x2a8: {  	_ =	swait.ge [sflag:s4], $0x7D00  }
0x2a9: {  	[sflag:s4] =	ssyncset.done $0x0  }
0x2aa: {  	s26 =	simm.s32 $0x5E8;
	[sflag:s4] =	ssyncadd.s32 $0xFFFF8300  }
0x2ab: {  	[tilespmem:s7], [sflag:$0x2] =	stream.indirect.gather [hbm4b:s8+s6], $0x40, s26, s6, $0xb8;
	[tilespmem:$0x1D560] =	vst v63  }
0x2ac: {  	_ =	swait.ge [sflag:s11], $0x7D00  }
0x2ad: {  	[sflag:s11] =	ssyncset.done $0x0  }
0x2ae: {  	s25 =	simm.s32 $0x17A0;
	[sflag:s11] =	ssyncadd.s32 $0xFFFF8300  }
0x2af: {  	[spmem:s3] =	stream.indirect.scatter.add.bf16 [tilespmem:s10], [sflag:$0x3], $0x40, s25, s6, $0xb8;
	[tilespmem:$0x1D560] =	vst v63  }
0x2b0: {  	_ =	swait.ge [sflag:s4], $0x7D00  }
0x2b1: {  	[sflag:s4] =	ssyncset.done $0x0  }
0x2b2: {  	s24 =	simm.s32 $0x7E0;
	[sflag:s4] =	ssyncadd.s32 $0xFFFF8300  }
0x2b3: {  	[tilespmem:s10], [sflag:$0x1] =	stream.indirect.gather [hbm4b:s8+s6], $0x40, s24, s6, $0xb8;
	[tilespmem:$0x1D560] =	vst v63  }
0x2b4: {  	_ =	swait.ge [sflag:s9], $0x7D00  }
0x2b5: {  	[sflag:s9] =	ssyncset.done $0x0  }
0x2b6: {  	s23 =	simm.s32 $0x1998;
	[sflag:s9] =	ssyncadd.s32 $0xFFFF8300  }
0x2b7: {  	[spmem:s3] =	stream.indirect.scatter.add.bf16 [tilespmem:s7], [sflag:$0x3], $0x40, s23, s6, $0xb8;
	[tilespmem:$0x1D560] =	vst v63  }
0x2b8: {  	_ =	swait.ge [sflag:s4], $0x7D00  }
0x2b9: {  	[sflag:s4] =	ssyncset.done $0x0  }
0x2ba: {  	s22 =	simm.s32 $0x9D8;
	[sflag:s4] =	ssyncadd.s32 $0xFFFF8300  }
0x2bb: {  	[tilespmem:s7], [sflag:$0x2] =	stream.indirect.gather [hbm4b:s8+s6], $0x40, s22, s6, $0xb8;
	[tilespmem:$0x1D560] =	vst v63  }
0x2bc: {  	_ =	swait.ge [sflag:s11], $0x7D00  }
0x2bd: {  	[sflag:s11] =	ssyncset.done $0x0  }
0x2be: {  	s21 =	simm.s32 $0x1B90;
	[sflag:s11] =	ssyncadd.s32 $0xFFFF8300  }
0x2bf: {  	[spmem:s3] =	stream.indirect.scatter.add.bf16 [tilespmem:s10], [sflag:$0x3], $0x40, s21, s6, $0xb8;
	[tilespmem:$0x1D560] =	vst v63  }
0x2c0: {  	_ =	swait.ge [sflag:s4], $0x7D00  }
0x2c1: {  	[sflag:s4] =	ssyncset.done $0x0  }
0x2c2: {  	s20 =	simm.s32 $0xBD0;
	[sflag:s4] =	ssyncadd.s32 $0xFFFF8300  }
0x2c3: {  	[tilespmem:s10], [sflag:$0x1] =	stream.indirect.gather [hbm4b:s8+s6], $0x40, s20, s6, $0xb8;
	[tilespmem:$0x1D560] =	vst v63  }
0x2c4: {  	_ =	swait.ge [sflag:s9], $0x7D00  }
0x2c5: {  	[sflag:s9] =	ssyncset.done $0x0  }
0x2c6: {  	s18 =	simm.s32 $0x1D88;
	[sflag:s9] =	ssyncadd.s32 $0xFFFF8300  }
0x2c7: {  	[spmem:s3] =	stream.indirect.scatter.add.bf16 [tilespmem:s7], [sflag:$0x3], $0x40, s18, s6, $0xb8;
	[tilespmem:$0x1D560] =	vst v63  }
0x2c8: {  	_ =	swait.ge [sflag:s4], $0x7D00  }
0x2c9: {  	[sflag:s4] =	ssyncset.done $0x0  }
0x2ca: {  	s19 =	simm.s32 $0xDC8;
	[sflag:s4] =	ssyncadd.s32 $0xFFFF8300  }
0x2cb: {  	[tilespmem:s7], [sflag:$0x2] =	stream.indirect.gather [hbm4b:s8+s6], $0x40, s19, s6, $0xb8;
	[tilespmem:$0x1D560] =	vst v63  }
0x2cc: {  	_ =	swait.ge [sflag:s11], $0x7D00  }
0x2cd: {  	[sflag:s11] =	ssyncset.done $0x0  }
0x2ce: {  	s17 =	simm.s32 $0x1F80;
	[sflag:s11] =	ssyncadd.s32 $0xFFFF8300  }
0x2cf: {  	[spmem:s3] =	stream.indirect.scatter.add.bf16 [tilespmem:s10], [sflag:$0x3], $0x40, s17, s6, $0xb8;
	[tilespmem:$0x1D560] =	vst v63  }
0x2d0: {  	_ =	swait.ge [sflag:s4], $0x7D00  }
0x2d1: {  	[sflag:s4] =	ssyncset.done $0x0  }
0x2d2: {  	s16 =	simm.s32 $0xFC0;
	[sflag:s4] =	ssyncadd.s32 $0xFFFF8300  }
0x2d3: {  	[tilespmem:s10], [sflag:$0x1] =	stream.indirect.gather [hbm4b:s8+s6], $0x40, s16, s6, $0xb8;
	[tilespmem:$0x1D560] =	vst v63  }
0x2d4: {  	_ =	swait.ge [sflag:s9], $0x7D00  }
0x2d5: {  	[sflag:s9] =	ssyncset.done $0x0  }
0x2d6: {  	s15 =	simm.s32 $0x2178;
	[sflag:s9] =	ssyncadd.s32 $0xFFFF8300  }
0x2d7: {  	[spmem:s3] =	stream.indirect.scatter.add.bf16 [tilespmem:s7], [sflag:$0x3], $0x40, s15, s6, $0xb8;
	[tilespmem:$0x1D560] =	vst v63  }
0x2d8: {  	_ =	swait.ge [sflag:s4], $0x7D00  }
0x2d9: {  	[sflag:s4] =	ssyncset.done $0x0  }
0x2da: {  	s14 =	simm.s32 $0x11B8;
	[sflag:s4] =	ssyncadd.s32 $0xFFFF8300  }
0x2db: {  	[tilespmem:s7], [sflag:$0x2] =	stream.indirect.gather [hbm4b:s8+s6], $0x40, s14, s6, $0xb8;
	[tilespmem:$0x1D560] =	vst v63  }
0x2dc: {  	_ =	swait.ge [sflag:s11], $0x7D00  }
0x2dd: {  	[sflag:s11] =	ssyncset.done $0x0  }
0x2de: {  	s13 =	simm.s32 $0x2370;
	[sflag:s11] =	ssyncadd.s32 $0xFFFF8300  }
0x2df: {  	[spmem:s3] =	stream.indirect.scatter.add.bf16 [tilespmem:s10], [sflag:$0x3], $0x40, s13, s6, $0xb8;
	[tilespmem:$0x1D560] =	vst v63  }
0x2e0: {  	_ =	swait.ge [sflag:s4], $0x7D00  }
0x2e1: {  	[sflag:s4] =	ssyncset.done $0x0  }
0x2e2: {  	[sflag:s4] =	ssyncadd.s32 $0xFFFF8300  }
0x2e3: {  	_ =	swait.ge [sflag:s9], $0x7D00  }
0x2e4: {  	[sflag:s9] =	ssyncset.done $0x0  }
0x2e5: {  	s12 =	simm.s32 $0x2568;
	[sflag:s9] =	ssyncadd.s32 $0xFFFF8300  }
0x2e6: {  	[spmem:s3] =	stream.indirect.scatter.add.bf16 [tilespmem:s7], [sflag:$0x3], $0x40, s12, s6, $0xb8;
	[tilespmem:$0x1D560] =	vst v63  }
0x2e7: {  	_ =	swait.ge [sflag:s4], $0x7D00  }
0x2e8: {  	[sflag:s4] =	ssyncset.done $0x0  }
0x2e9: {  	s31 =	rddreg [dreg:$0x6];
	[sflag:s4] =	ssyncadd.s32 $0xFFFF8300  }
0x2ea: {  	[tilespmem:s2], [sflag:$0x3] =	stream.linear.gather [hbm4b:s31+s2], $0x13B0, $0x38;
	[tilespmem:$0x1D560] =	vst v63  }
0x2eb: {  	_ =	swait.ge [sflag:s4], $0x13B0  }
0x2ec: {  	[sflag:s4] =	ssyncset.done $0x0  }
0x2ed: {  	s31 =	rddreg [dreg:$0x7];
	[sflag:s4] =	ssyncadd.s32 $0xFFFFEC50  }
0x2ee: {  	[tilespmem:s29], [sflag:$0x3] =	stream.linear.gather [hbm4b:s31+s2], $0x13B0, $0x38;
	[tilespmem:$0x1D560] =	vst v63  }
0x2ef: {  	_ =	swait.ge [sflag:s4], $0x13B0  }
0x2f0: {  	[sflag:s4] =	ssyncset.done $0x0  }
0x2f1: {  	[sflag:s4] =	ssyncadd.s32 $0xFFFFEC50  }
0x2f2: {  	[tilespmem:s10], [sflag:$0x1] =	stream.indirect.gather [hbm4b:s8+s6], $0x40, s2, s6, $0xb8;
	[tilespmem:$0x1D560] =	vst v63  }
0x2f3: {  	_ = 	snop  }
0x2f4: {  	[tilespmem:s7], [sflag:$0x2] =	stream.indirect.gather [hbm4b:s8+s6], $0x40, s30, s6, $0xb8;
	[tilespmem:$0x1D560] =	vst v63  }
0x2f5: {  	_ =	swait.ge [sflag:s11], $0x7D00  }
0x2f6: {  	[sflag:s11] =	ssyncset.done $0x0  }
0x2f7: {  	[sflag:s11] =	ssyncadd.s32 $0xFFFF8300  }
0x2f8: {  	[spmem:s3] =	stream.indirect.scatter.add.bf16 [tilespmem:s10], [sflag:$0x3], $0x40, s29, s6, $0xb8;
	[tilespmem:$0x1D560] =	vst v63  }
0x2f9: {  	_ =	swait.ge [sflag:s4], $0x7D00  }
0x2fa: {  	[sflag:s4] =	ssyncset.done $0x0  }
0x2fb: {  	[sflag:s4] =	ssyncadd.s32 $0xFFFF8300  }
0x2fc: {  	[tilespmem:s10], [sflag:$0x1] =	stream.indirect.gather [hbm4b:s8+s6], $0x40, s0, s6, $0xb8;
	[tilespmem:$0x1D560] =	vst v63  }
0x2fd: {  	_ =	swait.ge [sflag:s9], $0x7D00  }
0x2fe: {  	[sflag:s9] =	ssyncset.done $0x0  }
0x2ff: {  	[sflag:s9] =	ssyncadd.s32 $0xFFFF8300  }
0x300: {  	[spmem:s3] =	stream.indirect.scatter.add.bf16 [tilespmem:s7], [sflag:$0x3], $0x40, s28, s6, $0xb8;
	[tilespmem:$0x1D560] =	vst v63  }
0x301: {  	_ =	swait.ge [sflag:s4], $0x7D00  }
0x302: {  	[sflag:s4] =	ssyncset.done $0x0  }
0x303: {  	[sflag:s4] =	ssyncadd.s32 $0xFFFF8300  }
0x304: {  	[tilespmem:s7], [sflag:$0x2] =	stream.indirect.gather [hbm4b:s8+s6], $0x40, s26, s6, $0xb8;
	[tilespmem:$0x1D560] =	vst v63  }
0x305: {  	_ =	swait.ge [sflag:s11], $0x7D00  }
0x306: {  	[sflag:s11] =	ssyncset.done $0x0  }
0x307: {  	[sflag:s11] =	ssyncadd.s32 $0xFFFF8300  }
0x308: {  	[spmem:s3] =	stream.indirect.scatter.add.bf16 [tilespmem:s10], [sflag:$0x3], $0x40, s25, s6, $0xb8;
	[tilespmem:$0x1D560] =	vst v63  }
0x309: {  	_ =	swait.ge [sflag:s4], $0x7D00  }
0x30a: {  	[sflag:s4] =	ssyncset.done $0x0  }
0x30b: {  	[sflag:s4] =	ssyncadd.s32 $0xFFFF8300  }
0x30c: {  	[tilespmem:s10], [sflag:$0x1] =	stream.indirect.gather [hbm4b:s8+s6], $0x40, s24, s6, $0xb8;
	[tilespmem:$0x1D560] =	vst v63  }
0x30d: {  	_ =	swait.ge [sflag:s9], $0x7D00  }
0x30e: {  	[sflag:s9] =	ssyncset.done $0x0  }
0x30f: {  	[sflag:s9] =	ssyncadd.s32 $0xFFFF8300  }
0x310: {  	[spmem:s3] =	stream.indirect.scatter.add.bf16 [tilespmem:s7], [sflag:$0x3], $0x40, s23, s6, $0xb8;
	[tilespmem:$0x1D560] =	vst v63  }
0x311: {  	_ =	swait.ge [sflag:s4], $0x7D00  }
0x312: {  	[sflag:s4] =	ssyncset.done $0x0  }
0x313: {  	[sflag:s4] =	ssyncadd.s32 $0xFFFF8300  }
0x314: {  	[tilespmem:s7], [sflag:$0x2] =	stream.indirect.gather [hbm4b:s8+s6], $0x40, s22, s6, $0xb8;
	[tilespmem:$0x1D560] =	vst v63  }
0x315: {  	_ =	swait.ge [sflag:s11], $0x7D00  }
0x316: {  	[sflag:s11] =	ssyncset.done $0x0  }
0x317: {  	[sflag:s11] =	ssyncadd.s32 $0xFFFF8300  }
0x318: {  	[spmem:s3] =	stream.indirect.scatter.add.bf16 [tilespmem:s10], [sflag:$0x3], $0x40, s21, s6, $0xb8;
	[tilespmem:$0x1D560] =	vst v63  }
0x319: {  	_ =	swait.ge [sflag:s4], $0x7D00  }
0x31a: {  	[sflag:s4] =	ssyncset.done $0x0  }
0x31b: {  	[sflag:s4] =	ssyncadd.s32 $0xFFFF8300  }
0x31c: {  	[tilespmem:s10], [sflag:$0x1] =	stream.indirect.gather [hbm4b:s8+s6], $0x40, s20, s6, $0xb8;
	[tilespmem:$0x1D560] =	vst v63  }
0x31d: {  	_ =	swait.ge [sflag:s9], $0x7D00  }
0x31e: {  	[sflag:s9] =	ssyncset.done $0x0  }
0x31f: {  	[sflag:s9] =	ssyncadd.s32 $0xFFFF8300  }
0x320: {  	[spmem:s3] =	stream.indirect.scatter.add.bf16 [tilespmem:s7], [sflag:$0x3], $0x40, s18, s6, $0xb8;
	[tilespmem:$0x1D560] =	vst v63  }
0x321: {  	_ =	swait.ge [sflag:s4], $0x7D00  }
0x322: {  	[sflag:s4] =	ssyncset.done $0x0  }
0x323: {  	[sflag:s4] =	ssyncadd.s32 $0xFFFF8300  }
0x324: {  	[tilespmem:s7], [sflag:$0x2] =	stream.indirect.gather [hbm4b:s8+s6], $0x40, s19, s6, $0xb8;
	[tilespmem:$0x1D560] =	vst v63  }
0x325: {  	_ =	swait.ge [sflag:s11], $0x7D00  }
0x326: {  	[sflag:s11] =	ssyncset.done $0x0  }
0x327: {  	[sflag:s11] =	ssyncadd.s32 $0xFFFF8300  }
0x328: {  	[spmem:s3] =	stream.indirect.scatter.add.bf16 [tilespmem:s10], [sflag:$0x3], $0x40, s17, s6, $0xb8;
	[tilespmem:$0x1D560] =	vst v63  }
0x329: {  	_ =	swait.ge [sflag:s4], $0x7D00  }
0x32a: {  	[sflag:s4] =	ssyncset.done $0x0  }
0x32b: {  	[sflag:s4] =	ssyncadd.s32 $0xFFFF8300  }
0x32c: {  	[tilespmem:s10], [sflag:$0x1] =	stream.indirect.gather [hbm4b:s8+s6], $0x40, s16, s6, $0xb8;
	[tilespmem:$0x1D560] =	vst v63  }
0x32d: {  	_ =	swait.ge [sflag:s9], $0x7D00  }
0x32e: {  	[sflag:s9] =	ssyncset.done $0x0  }
0x32f: {  	[sflag:s9] =	ssyncadd.s32 $0xFFFF8300  }
0x330: {  	[spmem:s3] =	stream.indirect.scatter.add.bf16 [tilespmem:s7], [sflag:$0x3], $0x40, s15, s6, $0xb8;
	[tilespmem:$0x1D560] =	vst v63  }
0x331: {  	_ =	swait.ge [sflag:s4], $0x7D00  }
0x332: {  	[sflag:s4] =	ssyncset.done $0x0  }
0x333: {  	[sflag:s4] =	ssyncadd.s32 $0xFFFF8300  }
0x334: {  	[tilespmem:s7], [sflag:$0x2] =	stream.indirect.gather [hbm4b:s8+s6], $0x40, s14, s6, $0xb8;
	[tilespmem:$0x1D560] =	vst v63  }
0x335: {  	_ =	swait.ge [sflag:s11], $0x7D00  }
0x336: {  	[sflag:s11] =	ssyncset.done $0x0  }
0x337: {  	[sflag:s11] =	ssyncadd.s32 $0xFFFF8300  }
0x338: {  	[spmem:s3] =	stream.indirect.scatter.add.bf16 [tilespmem:s10], [sflag:$0x3], $0x40, s13, s6, $0xb8;
	[tilespmem:$0x1D560] =	vst v63  }
0x339: {  	_ =	swait.ge [sflag:s4], $0x7D00  }
0x33a: {  	[sflag:s4] =	ssyncset.done $0x0  }
0x33b: {  	[sflag:s4] =	ssyncadd.s32 $0xFFFF8300  }
0x33c: {  	_ =	swait.ge [sflag:s9], $0x7D00  }
0x33d: {  	[sflag:s9] =	ssyncset.done $0x0  }
0x33e: {  	[sflag:s9] =	ssyncadd.s32 $0xFFFF8300  }
0x33f: {  	[spmem:s3] =	stream.indirect.scatter.add.bf16 [tilespmem:s7], [sflag:$0x3], $0x40, s12, s6, $0xb8;
	[tilespmem:$0x1D560] =	vst v63  }
0x340: {  	_ =	swait.ge [sflag:s4], $0x7D00  }
0x341: {  	[sflag:s4] =	ssyncset.done $0x0  }
0x342: {  	[sflag:s4] =	ssyncadd.s32 $0xFFFF8300  }
0x343: {  	[bflag:$0x0] =	sbarrier.arrive $0xFFFF  }
0x344: {  	s14 =	rddreg [dreg:$0x8]  }
0x345: {  	[tilespmem:s5], [sflag:$0x3] =	stream.linear.gather [spmem:s14], $0x1400, $0x38;
	[tilespmem:$0x1D560] =	vst v63  }
0x346: {  	_ =	swait.ge [sflag:s4], $0x1400  }
0x347: {  	[sflag:s4] =	ssyncset.done $0x0  }
0x348: {  	s15 =	rddreg [dreg:$0x11];
	[sflag:s4] =	ssyncadd.s32 $0xFFFFEC00  }
0x349: {  	[hbm4b:s15+s2] =	stream.linear.scatter [tilespmem:s5], [sflag:$0x3], $0x1400, $0x38;
	[tilespmem:$0x1D560] =	vst v63  }
0x34a: {  	_ =	swait.ge [sflag:s4], $0x1400  }
0x34b: {  	[sflag:s4] =	ssyncset.done $0x0  }
0x34c: {  	s16 =	rddreg [dreg:$0x12];
	[sflag:s4] =	ssyncadd.s32 $0xFFFFEC00  }
0x34d: {  	[tilespmem:s5], [sflag:$0x3] =	stream.linear.gather [spmem:s16], $0x1400, $0x38;
	[tilespmem:$0x1D560] =	vst v63  }
0x34e: {  	_ =	swait.ge [sflag:s4], $0x1400  }
0x34f: {  	[sflag:s4] =	ssyncset.done $0x0  }
0x350: {  	s17 =	rddreg [dreg:$0x13];
	[sflag:s4] =	ssyncadd.s32 $0xFFFFEC00  }
0x351: {  	[hbm4b:s17+s2] =	stream.linear.scatter [tilespmem:s5], [sflag:$0x3], $0x1400, $0x38;
	[tilespmem:$0x1D560] =	vst v63  }
0x352: {  	_ =	swait.ge [sflag:s4], $0x1400  }
0x353: {  	[sflag:s4] =	ssyncset.done $0x0  }
0x354: {  	s18 =	rddreg [dreg:$0x14];
	[sflag:s4] =	ssyncadd.s32 $0xFFFFEC00  }
0x355: {  	[tilespmem:s5], [sflag:$0x3] =	stream.linear.gather [spmem:s18], $0x1400, $0x38;
	[tilespmem:$0x1D560] =	vst v63  }
0x356: {  	_ =	swait.ge [sflag:s4], $0x1400  }
0x357: {  	[sflag:s4] =	ssyncset.done $0x0  }
0x358: {  	s19 =	rddreg [dreg:$0x15];
	[sflag:s4] =	ssyncadd.s32 $0xFFFFEC00  }
0x359: {  	[hbm4b:s19+s2] =	stream.linear.scatter [tilespmem:s5], [sflag:$0x3], $0x1400, $0x38;
	[tilespmem:$0x1D560] =	vst v63  }
0x35a: {  	_ =	swait.ge [sflag:s4], $0x1400  }
0x35b: {  	[sflag:s4] =	ssyncset.done $0x0  }
0x35c: {  	s20 =	rddreg [dreg:$0x16];
	[sflag:s4] =	ssyncadd.s32 $0xFFFFEC00  }
0x35d: {  	[tilespmem:s5], [sflag:$0x3] =	stream.linear.gather [spmem:s20], $0x1400, $0x38;
	[tilespmem:$0x1D560] =	vst v63  }
0x35e: {  	_ =	swait.ge [sflag:s4], $0x1400  }
0x35f: {  	[sflag:s4] =	ssyncset.done $0x0  }
0x360: {  	s21 =	rddreg [dreg:$0x17];
	[sflag:s4] =	ssyncadd.s32 $0xFFFFEC00  }
0x361: {  	[hbm4b:s21+s2] =	stream.linear.scatter [tilespmem:s5], [sflag:$0x3], $0x1400, $0x38;
	[tilespmem:$0x1D560] =	vst v63  }
0x362: {  	_ =	swait.ge [sflag:s4], $0x1400  }
0x363: {  	[sflag:s4] =	ssyncset.done $0x0  }
0x364: {  	s22 =	rddreg [dreg:$0x18];
	[sflag:s4] =	ssyncadd.s32 $0xFFFFEC00  }
0x365: {  	[tilespmem:s5], [sflag:$0x3] =	stream.linear.gather [spmem:s22], $0x1400, $0x38;
	[tilespmem:$0x1D560] =	vst v63  }
0x366: {  	_ =	swait.ge [sflag:s4], $0x1400  }
0x367: {  	[sflag:s4] =	ssyncset.done $0x0  }
0x368: {  	s23 =	rddreg [dreg:$0x19];
	[sflag:s4] =	ssyncadd.s32 $0xFFFFEC00  }
0x369: {  	[hbm4b:s23+s2] =	stream.linear.scatter [tilespmem:s5], [sflag:$0x3], $0x1400, $0x38;
	[tilespmem:$0x1D560] =	vst v63  }
0x36a: {  	_ =	swait.ge [sflag:s4], $0x1400  }
0x36b: {  	[sflag:s4] =	ssyncset.done $0x0  }
0x36c: {  	s24 =	rddreg [dreg:$0x1a];
	[sflag:s4] =	ssyncadd.s32 $0xFFFFEC00  }
0x36d: {  	[tilespmem:s5], [sflag:$0x3] =	stream.linear.gather [spmem:s24], $0x1400, $0x38;
	[tilespmem:$0x1D560] =	vst v63  }
0x36e: {  	_ =	swait.ge [sflag:s4], $0x1400  }
0x36f: {  	[sflag:s4] =	ssyncset.done $0x0  }
0x370: {  	s25 =	rddreg [dreg:$0x1b];
	[sflag:s4] =	ssyncadd.s32 $0xFFFFEC00  }
0x371: {  	[hbm4b:s25+s2] =	stream.linear.scatter [tilespmem:s5], [sflag:$0x3], $0x1400, $0x38;
	[tilespmem:$0x1D560] =	vst v63  }
0x372: {  	_ =	swait.ge [sflag:s4], $0x1400  }
0x373: {  	[sflag:s4] =	ssyncset.done $0x0  }
0x374: {  	s26 =	rddreg [dreg:$0x1c];
	[sflag:s4] =	ssyncadd.s32 $0xFFFFEC00  }
0x375: {  	[tilespmem:s5], [sflag:$0x3] =	stream.linear.gather [spmem:s26], $0x1400, $0x38;
	[tilespmem:$0x1D560] =	vst v63  }
0x376: {  	_ =	swait.ge [sflag:s4], $0x1400  }
0x377: {  	[sflag:s4] =	ssyncset.done $0x0  }
0x378: {  	s28 =	rddreg [dreg:$0x1d];
	[sflag:s4] =	ssyncadd.s32 $0xFFFFEC00  }
0x379: {  	[hbm4b:s28+s2] =	stream.linear.scatter [tilespmem:s5], [sflag:$0x3], $0x1400, $0x38;
	[tilespmem:$0x1D560] =	vst v63  }
0x37a: {  	_ =	swait.ge [sflag:s4], $0x1400  }
0x37b: {  	[sflag:s4] =	ssyncset.done $0x0  }
0x37c: {  	s29 =	rddreg [dreg:$0x1e];
	[sflag:s4] =	ssyncadd.s32 $0xFFFFEC00  }
0x37d: {  	[tilespmem:s5], [sflag:$0x3] =	stream.linear.gather [spmem:s29], $0x1400, $0x38;
	[tilespmem:$0x1D560] =	vst v63  }
0x37e: {  	_ =	swait.ge [sflag:s4], $0x1400  }
0x37f: {  	[sflag:s4] =	ssyncset.done $0x0  }
0x380: {  	s30 =	rddreg [dreg:$0x1f];
	[sflag:s4] =	ssyncadd.s32 $0xFFFFEC00  }
0x381: {  	[hbm4b:s30+s2] =	stream.linear.scatter [tilespmem:s5], [sflag:$0x3], $0x1400, $0x38;
	[tilespmem:$0x1D560] =	vst v63  }
0x382: {  	_ =	swait.ge [sflag:s4], $0x1400  }
0x383: {  	[sflag:s4] =	ssyncset.done $0x0  }
0x384: {  	[sflag:s4] =	ssyncadd.s32 $0xFFFFEC00  }
0x385: {  	_ =	sfence.sel $0x180000  }
0x386: {  	[bflag:$0x0] =	sbarrier.arrive $0xFFFF  }
0x387: {  	_ =	strace $0x9000004A  }
0x388: {  	s31 =	stileid.u32;
	[bflag:$0x2] =	sbarrier.arrive $0xFFFF  }
0x389: {  	p0 =	sne.s32 s31, $0x0;
	s0 =	rddreg [dreg:$0x3]  }
0x38a: {  	s0 =	sadd.s32 @!p0 $0x100000, s0  }
0x38b: {  	[sflag:s0] =	ssyncadd.tile.s32 @!p0 $0x1;
	_ =	shalt  }
.LBB2_1:
.Ltmp3:
0x38c: {  	(pc) =	sbr.rel .LBB2_6-.Ltmp3, $2  }
0x38d: {  	_ =	sdelay $0x2  }
0x38e: {  	s28 =	sld [smem:$0x7FD]  }
.LBB2_3:
.Ltmp4:
0x38f: {  	(pc) =	sbr.rel .LBB2_6-.Ltmp4, $2  }
0x390: {  	_ =	sdelay $0x2  }
0x391: {  	s28 =	sld [smem:$0x7FD]  }
.Lfunc_end2:
_tile_overlayer_lowered:
.L_overlay_start_2:
0x392: {  	(tag) =	ssettag $0x2  }
0x393: {  	s0 =	rddreg [dreg:$0x0];
	s2 =	stileid.u32  }
0x394: {  	s1 =	rddreg [dreg:$0x1];
	p0 =	sne.s32 s2, $0x0  }
0x395: {  	s3 =	rddreg [dreg:$0x2];
	[bflag:$0x3] =	sbarrier.arrive $0xFFFF;
	s2 =	simm.s32 @!p0 $0x1C03  }
0x396: {  	[timem:s3], [sflag:s2] =	dma.local @!p0 [hbm:s0], s1  }
0x397: {  	s0 =	simm.s32 @!p0 $0x3  }
0x398: {  	_ =	swait.ge @!p0 [sflag:s0], s1  }
0x399: {  	s1 =	ssub.s32 @!p0 $0x0, s1;
	[sflag:s0] =	ssyncset.done @!p0 $0x0  }
0x39a: {  	[sflag:s0] =	ssyncadd.s32 @!p0 s1  }
0x39b: {  	[bflag:$0x3] =	sbarrier.arrive $0xFFFF  }
0x39c: {  	_ =	shalt  }

// kernel: kernel.14.cloned.1.call-start
scs
__scs_entry_jumppad:
0x0: {  	(pc) =	sbr.rel $0x88, $3  }
0x1: {  	(tag) =	ssettag $0x0;
	lr =	simm.s32 $0x1  }
0x2: {  	[smem:$0x3F9B] =	sst lr;
	_ =	strace $0xD0000000  }
0x3: {  	_ = 	snop  }
0x4: {  	_ = 	snop  }
0x5: {  	_ = 	snop  }
0x6: {  	_ = 	snop  }
0x7: {  	_ = 	snop  }
__scs_overlays_trampoline_lowered:
0x8: {  	[smem:$0x3FAA] =	sst s0  }
0x9: {  	[smem:$0x3FAB] =	sst s1  }
0xa: {  	[smem:$0x3FAC] =	sst s2  }
0xb: {  	[smem:$0x3FAD] =	sst s3  }
0xc: {  	[smem:$0x3FAE] =	sst s4  }
0xd: {  	[smem:$0x3FAF] =	sst s5  }
0xe: {  	[smem:$0x3FB0] =	sst s6  }
0xf: {  	[smem:$0x3FB1] =	sst s7  }
0x10: {  	[smem:$0x3FB2] =	sst s8  }
0x11: {  	[smem:$0x3FB3] =	sst s9;
	s0 =	simm.s32 @!p0 $0x0  }
0x12: {  	s1 =	sld [smem:$0x3F99];
	s0 =	simm.s32 @p0 $0x1  }
0x13: {  	[smem:$0x3FB4] =	sst s0;
	s0 =	simm.s32 @!p1 $0x0  }
0x14: {  	s2 =	sld [smem:$0x3F98];
	s0 =	simm.s32 @p1 $0x1  }
0x15: {  	[smem:$0x3FB5] =	sst s0;
	s0 =	simm.s32 @!p2 $0x0  }
0x16: {  	s3 =	sld [smem:$0x3FDB];
	s0 =	simm.s32 @p2 $0x1  }
0x17: {  	s4 =	simm.s32 $0x1BF5;
	[smem:$0x3FB7] =	sst s0  }
0x18: {  	s0 =	sld [smem:$0x3F9A];
	_ =	swait.ge [sflag:s4], $0x0  }
0x19: {  	s7 =	sld [smem:$0x3F9B]  }
0x1a: {  	s8 =	sadd.s32 $0xFFFFE003, lr  }
0x1b: {  	s9 =	sadd.s32 $0xFFFFFEF7, lr;
	s5 =	simm.s32 $0xFFFFFFFF;
	p2 =	slt.u32 s8, $0xFFFFF086  }
0x1c: {  	p1 =	slt.u32 s9, $0xF7A;
	s5 =	simm.s32 @!p2 $0x0  }
0x1d: {  	s5 =	simm.s32 @p1 $0x1;
	p0 =	seq.s32 s7, s2  }
0x1e: {  	s7 =	smul.u32 @!p0 $0xF7A, s2;
	p2 =	seq.s32 @!p0 s5, $0x0  }
0x1f: {  	s9 =	smul.u32 $0xF7A, s1;
	s8 =	simm.s32 @!p0 $0x1BF5;
	p2 =	por !p2, p0  }
0x20: {  	[sflag:s8] =	ssyncset.s32 @!p0 $0xFFFFF086;
	s6 =	sadd.s32 @!p0 s3, s7;
	s7 =	simm.s32 @!p0 $0x108  }
0x21: {  	s3 =	sadd.s32 s3, s9;
	s6 =	sadd.s32 @!p0 $0x88, s6;
	s7 =	simm.s32 @p2 $0x1082  }
0x22: {  	[simem:s7], [sflag:s8] =	dma.local @!p0 [hbm:s6], $0xF7A  }
0x23: {  	s9 =	sor.u32 $0xD0000000, s2;
	s6 =	simm.s32 $0x108;
	_ =	swait.ge @!p0 [sflag:s8], $0x0  }
0x24: {  	s3 =	sadd.s32 $0x88, s3;
	s6 =	simm.s32 @!p1 $0x1082;
	[sflag:s4] =	ssyncset.s32 $0xFFFFF086  }
0x25: {  	[simem:s6], [sflag:s4] =	dma.local [hbm:s3], $0xF7A  }
0x26: {  	[smem:$0x3F9B] =	sst s1;
	(tag) =	ssettag s2;
	_ =	strace s9  }
0x27: {  	s1 =	sld [smem:$0x3FAB]  }
0x28: {  	s2 =	sld [smem:$0x3FAC]  }
0x29: {  	s4 =	sld [smem:$0x3FAE]  }
0x2a: {  	p0 =	seq.s32 s5, $0x0;
	s5 =	sld [smem:$0x3FAF]  }
0x2b: {  	s6 =	sld [smem:$0x3FB0]  }
0x2c: {  	s7 =	sld [smem:$0x3FB1]  }
0x2d: {  	s3 =	simm.s32 $0x108;
	s8 =	sld [smem:$0x3FB2]  }
0x2e: {  	s3 =	simm.s32 @!p0 $0x1082;
	s9 =	sld [smem:$0x3FB3]  }
0x2f: {  	lr =	sadd.s32 s0, s3;
	s0 =	sld [smem:$0x3FAA]  }
0x30: {  	s3 =	sld [smem:$0x3FAD]  }
0x31: {  	[smem:$0x3FB6] =	sst s10  }
0x32: {  	s10 =	sld [smem:$0x3FB4];
	_ =	sdelay $0x3  }
0x33: {  	p0 =	seq.s32 s10, $0x1;
	s10 =	sld [smem:$0x3FB6];
	_ =	sdelay $0x3  }
0x34: {  	[smem:$0x3FB6] =	sst s10  }
0x35: {  	s10 =	sld [smem:$0x3FB5];
	_ =	sdelay $0x3  }
0x36: {  	p1 =	seq.s32 s10, $0x1;
	s10 =	sld [smem:$0x3FB6];
	_ =	sdelay $0x3  }
0x37: {  	[smem:$0x3FB6] =	sst s10  }
0x38: {  	s10 =	sld [smem:$0x3FB7]  }
0x39: {  	_ = 	snop;
	(pc) =	sbr.ind lr, $3  }
0x3a: {  	_ = 	snop  }
0x3b: {  	_ = 	snop  }
0x3c: {  	p2 =	seq.s32 s10, $0x1;
	s10 =	sld [smem:$0x3FB6]  }
0x3d: {  	_ =	shalt  }
0x3e: {  	_ =	shalt  }
0x3f: {  	_ =	shalt  }
0x40: {  	_ =	shalt  }
0x41: {  	_ =	shalt  }
0x42: {  	_ =	shalt  }
0x43: {  	_ =	shalt  }
0x44: {  	_ =	shalt  }
0x45: {  	_ =	shalt  }
0x46: {  	_ =	shalt  }
0x47: {  	_ =	shalt  }
0x48: {  	_ =	shalt  }
0x49: {  	_ =	shalt  }
0x4a: {  	_ =	shalt  }
0x4b: {  	_ =	shalt  }
0x4c: {  	_ =	shalt  }
0x4d: {  	_ =	shalt  }
0x4e: {  	_ =	shalt  }
0x4f: {  	_ =	shalt  }
0x50: {  	_ =	shalt  }
0x51: {  	_ =	shalt  }
0x52: {  	_ =	shalt  }
0x53: {  	_ =	shalt  }
0x54: {  	_ =	shalt  }
0x55: {  	_ =	shalt  }
0x56: {  	_ =	shalt  }
0x57: {  	_ =	shalt  }
0x58: {  	_ =	shalt  }
0x59: {  	_ =	shalt  }
0x5a: {  	_ =	shalt  }
0x5b: {  	_ =	shalt  }
0x5c: {  	_ =	shalt  }
0x5d: {  	_ =	shalt  }
0x5e: {  	_ =	shalt  }
0x5f: {  	_ =	shalt  }
0x60: {  	_ =	shalt  }
0x61: {  	_ =	shalt  }
0x62: {  	_ =	shalt  }
0x63: {  	_ =	shalt  }
0x64: {  	_ =	shalt  }
0x65: {  	_ =	shalt  }
0x66: {  	_ =	shalt  }
0x67: {  	_ =	shalt  }
0x68: {  	_ =	shalt  }
0x69: {  	_ =	shalt  }
0x6a: {  	_ =	shalt  }
0x6b: {  	_ =	shalt  }
0x6c: {  	_ =	shalt  }
0x6d: {  	_ =	shalt  }
0x6e: {  	_ =	shalt  }
0x6f: {  	_ =	shalt  }
0x70: {  	_ =	shalt  }
0x71: {  	_ =	shalt  }
0x72: {  	_ =	shalt  }
0x73: {  	_ =	shalt  }
0x74: {  	_ =	shalt  }
0x75: {  	_ =	shalt  }
0x76: {  	_ =	shalt  }
0x77: {  	_ =	shalt  }
0x78: {  	_ =	shalt  }
0x79: {  	_ =	shalt  }
0x7a: {  	_ =	shalt  }
0x7b: {  	_ =	shalt  }
0x7c: {  	_ =	shalt  }
0x7d: {  	_ =	shalt  }
0x7e: {  	_ =	shalt  }
0x7f: {  	_ =	shalt  }
0x80: {  	_ =	shalt  }
0x81: {  	_ =	shalt  }
0x82: {  	_ =	shalt  }
0x83: {  	_ =	shalt  }
0x84: {  	_ =	shalt  }
0x85: {  	_ =	shalt  }
0x86: {  	_ =	shalt  }
0x87: {  	_ =	shalt  }
.Lfunc_end0:
.L_simem_size_0:
called_computation.2_lowered:
.L_overlay_start_0:
0x88: {  	s2 =	sld [smem:$0x3FD9]  }
0x89: {  	s3 =	sld [smem:$0x3FFE];
	_ =	sdelay $0x1  }
0x8a: {  	s1 =	srdreg.scid  }
0x8b: {  	s0 =	sand.u32 $0x1, s1  }
0x8c: {  	s17 =	sshll.u32 s0, $0xA;
	s2 =	sadd.s32 s3, s2  }
0x8d: {  	s2 =	sadd.s32 s2, s17  }
0x8e: {  	[smem:$0x3FC2] =	sst s2  }
0x8f: {  	_ = 	snop  }
0x90: {  	s2 =	sld [smem:$0x3FD0];
	(tm) =	ssettm $0x1  }
0x91: {  	s18 =	sld [smem:$0x3FFB];
	_ =	sdelay $0x3  }
0x92: {  	_ =	strace s18  }
0x93: {  	s3 =	sld [smem:$0x3FFC];
	_ =	sdelay $0x3  }
0x94: {  	_ =	strace s3  }
0x95: {  	s3 =	sld [smem:$0x3FFD];
	_ =	sdelay $0x3  }
0x96: {  	_ =	strace s3  }
0x97: {  	_ =	strace $0x8FFFFFFF  }
0x98: {  	s19 =	sld [smem:$0x3FDB];
	_ =	sdelay $0x1  }
0x99: {  	s4 =	simm.s32 $_scs_section_size  }
0x9a: {  	s5 =	simm.s32 $_size__tile_overlayer_lowered;
	s6 =	simm.s32 $_tile_overlayer_lowered  }
0x9b: {  	s22 =	simm.s32 $0x1BFF;
	s21 =	sshll.u32 s6, $0x1;
	s3 =	sadd.s32 s4, s19  }
0x9c: {  	s7 =	simm.s32 $0x0;
	s20 =	sshll.u32 s5, $0x1;
	s5 =	sadd.s32 s21, s3  }
0x9d: {  	[timem:s7], [sflag:s22] =	dma.local [hbm:s5], s20  }
0x9e: {  	_ =	swait.ge [sflag:s22], s20  }
0x9f: {  	s4 =	ssub.s32 $0x0, s20;
	[sflag:s22] =	ssyncset.done $0x0  }
0xa0: {  	[sflag:s22] =	ssyncadd.s32 s4;
	_ =	sdelay $0x1  }
0xa1: {  	s23 =	simm.s32 $0x1B8B  }
0xa2: {  	_ =	swait.ge [sflag:s23], $0x1  }
0xa3: {  	[sflag:s23] =	ssyncset.done $0x0  }
0xa4: {  	s25 =	simm.s32 $0x1B8E;
	s24 =	sld [smem:$0x3FFE];
	[sflag:s23] =	ssyncadd.s32 $0xFFFFFFFF  }
0xa5: {  	s26 =	simm.s32 $execute0_lowered;
	[smem:$0x3FD2] =	sst s25  }
0xa6: {  	s5 =	sshll.u32 s26, $0x1;
	_ =	strace $0x8000004C;
	[dreg:$0x1] =	wrdreg $0xFFFFFFFF  }
0xa7: {  	s28 =	simm.s32 $_size_execute0_lowered;
	s3 =	sadd.s32 s3, s5;
	[dreg:$0x0] =	wrdreg $0x0  }
0xa8: {  	s5 =	sshll.u32 s28, $0x1;
	[dreg:$0x2] =	wrdreg s3  }
0xa9: {  	[dreg:$0x3] =	wrdreg s5  }
0xaa: {  	[dreg:$0x4] =	wrdreg $0xC0  }
0xab: {  	_ =	task [dreg:s7], $0x5FFFF  }
0xac: {  	[dreg:$0x1] =	wrdreg $0xFFFFFFFF  }
0xad: {  	[dreg:$0x0] =	wrdreg $0x60  }
0xae: {  	[dreg:$0x2] =	wrdreg s2  }
0xaf: {  	[dreg:$0x3] =	wrdreg s24  }
0xb0: {  	[dreg:$0x4] =	wrdreg $0xAE600  }
0xb1: {  	[dreg:$0x5] =	wrdreg $0x9  }
0xb2: {  	_ =	task.clear_ibuf [dreg:s7], $0x6FFFF;
	_ =	strace $0x9000004C  }
0xb3: {  	s29 =	simm.s32 $0x9;
	_ =	strace $0x8000004E  }
0xb4: {  	_ =	swait.ge [sflag:s29], $0x1  }
0xb5: {  	[sflag:s29] =	ssyncadd.s32 $0xFFFFFFFF  }
0xb6: {  	_ =	strace $0x9000004E  }
0xb7: {  	_ =	sfence  }
0xb8: {  	s30 =	sld [smem:$0x0];
	_ =	sdelay $0x2  }
0xb9: {  	s31 =	sshll.u32 s1, $0xD;
	s1 =	sshrl.u32 s1, $0x2  }
0xba: {  	s3 =	sand.u32 $0x4000, s31;
	s1 =	sadd.s32 s1, s30  }
0xbb: {  	s0 =	sor.u32 s3, s0;
	s1 =	sshll.u32 s1, $0x11  }
0xbc: {  	s0 =	sor.u32 s1, s0  }
0xbd: {  	s0 =	sadd.s32 $0x8F2B, s0  }
0xbe: {  	[sflag:s0] =	ssyncadd.remote.s32 $0x1  }
0xbf: {  	_ =	sfence.sel $0xFFFF  }
0xc0: {  	[dreg:$0x0] =	wrdreg $0xFFFFFFFF;
	(pc) =	sbr.abs _section_cstart, $3  }
0xc1: {  	[dreg:$0x1] =	wrdreg $0xFFFFFFFF  }
0xc2: {  	_ =	task.clear_ibuf [dreg:s7], $0x2FFFF;
	_ =	strace $0x9FFFFFFF  }
0xc3: {  	(tm) =	ssettm $0x7FFFFFFF  }
tec
execute0_lowered:
.L_overlay_start_1:
0x0: {  	(tag) =	ssettag $0x1  }
0x1: {  	s5 =	rddreg [dreg:$0x0]  }
0x2: {  	s1 =	srdreg.scid;
	s0 =	rddreg [dreg:$0x1]  }
0x3: {  	s3 =	rddreg [dreg:$0x2];
	s10 =	stileid.u32  }
0x4: {  	s2 =	simm.s32 $0x0;
	s29 =	simm.s32 $0x13B0;
	s28 =	simm.s32 $0x1F8  }
0x5: {  	s31 =	simm.s32 $0x15A8;
	s30 =	simm.s32 $0x5E8;
	s6 =	sand.u32 $0x1, s1  }
0x6: {  	[smem:$0x7FF] =	sst s2;
	s4 =	sadd.s32 $0x1E00, s0;
	s22 =	smul.u32 $0x280, s10  }
0x7: {  	s9 =	smul.u32 $0xA000, s10;
	s1 =	sshll.u32 s6, $0x4;
	_ =	strace $0x8000004D  }
0x8: {  	[dreg:$0x4] =	wrdreg s4;
	s4 =	ssub.s32 $0x2, s6;
	s6 =	smul.u32 $0xA0000, s6  }
0x9: {  	p0 =	por $0x0, $0x0;
	s1 =	sor.u32 s10, s1;
	s10 =	smul.u32 $0x14000, s10  }
0xa: {  	s25 =	sshrl.u32 s9, $0x1;
	s26 =	sor.u32 $0x50, s22;
	s12 =	sadd.s32 $0xF0, s22  }
0xb: {  	s1 =	smul.u32 $0x2760, s1;
	s14 =	sshll.u32 s26, $0x5;
	s9 =	sadd.s32 s6, s9  }
0xc: {  	s10 =	sshrl.u32 s10, $0x2;
	s15 =	sadd.s32 s14, s3;
	s14 =	sadd.s32 $0x140, s22  }
0xd: {  	s7 =	sshrl.u32 s1, $0x3;
	s1 =	sadd.s32 $0x61400, s0;
	s13 =	sadd.s32 s10, s3  }
0xe: {  	s10 =	sadd.s32 $0xA0, s22;
	[dreg:$0xa] =	wrdreg s15;
	s18 =	sshll.u32 s14, $0x5  }
0xf: {  	s15 =	sadd.s32 $0x1E0, s22;
	s11 =	sadd.s32 s5, s7;
	s5 =	sshrl.u32 s4, $0x1  }
0x10: {  	[dreg:$0x9] =	wrdreg s13;
	s16 =	sshll.u32 s10, $0x5;
	s13 =	sshll.u32 s12, $0x5  }
0x11: {  	s19 =	sadd.s32 s18, s3;
	s7 =	sadd.s32 $0x230, s22;
	s18 =	sshll.u32 s12, $0x6  }
0x12: {  	s12 =	sshll.u32 s15, $0x6;
	s8 =	sadd.s32 $0x9D80, s11;
	[smem:$0x7FD] =	sst s11  }
0x13: {  	s23 =	sadd.s32 $0x276, s11;
	s24 =	sadd.s32 $0x9FF6, s11;
	[dreg:$0xd] =	wrdreg s19  }
0x14: {  	s17 =	sadd.s32 s13, s3;
	s13 =	sadd.s32 $0x190, s22;
	[dreg:$0x5] =	wrdreg s8  }
0x15: {  	s22 =	sshll.u32 s7, $0x5;
	s7 =	sshll.u32 s7, $0x6;
	[dreg:$0x6] =	wrdreg s23  }
0x16: {  	s4 =	ssub.s32 s4, s5;
	s5 =	simm.s32 $0xA460;
	[dreg:$0x7] =	wrdreg s24  }
0x17: {  	s8 =	sadd.s32 s25, s3;
	[dreg:$0xc] =	wrdreg s17;
	s20 =	sshll.u32 s13, $0x5  }
0x18: {  	s23 =	sadd.s32 s22, s3;
	s24 =	sshrl.u32 s9, $0x4;
	s25 =	sshll.u32 s26, $0x6  }
0x19: {  	s22 =	sadd.s32 s6, s18;
	[dreg:$0x8] =	wrdreg s8;
	s8 =	sadd.s32 s16, s3  }
0x1a: {  	s16 =	sshll.u32 s15, $0x5;
	[dreg:$0x10] =	wrdreg s23;
	s11 =	sshrl.u32 s25, $0x1  }
0x1b: {  	s9 =	sadd.s32 s6, s25;
	s23 =	sshrl.u32 s22, $0x4;
	s22 =	simm.s32 $0x1B90  }
0x1c: {  	[dreg:$0xb] =	wrdreg s8;
	s8 =	sadd.s32 s20, s3;
	s21 =	sadd.s32 s16, s3  }
0x1d: {  	s26 =	sadd.s32 s11, s3;
	s9 =	sshrl.u32 s9, $0x4;
	s16 =	sshll.u32 s10, $0x6  }
0x1e: {  	s20 =	sshrl.u32 s18, $0x1;
	s10 =	sshll.u32 s13, $0x6;
	[dreg:$0xe] =	wrdreg s8  }
0x1f: {  	s18 =	sshrl.u32 s7, $0x1;
	[dreg:$0xf] =	wrdreg s21;
	s8 =	sadd.s32 s1, s24  }
0x20: {  	[dreg:$0x12] =	wrdreg s26;
	s11 =	sadd.s32 s1, s9;
	s17 =	sshrl.u32 s16, $0x1  }
0x21: {  	s9 =	sadd.s32 s6, s16;
	s21 =	sadd.s32 s20, s3;
	s24 =	sshll.u32 s14, $0x6  }
0x22: {  	s14 =	sshrl.u32 s12, $0x1;
	s16 =	sadd.s32 s6, s12;
	s12 =	rddreg [dreg:$0x4]  }
0x23: {  	s20 =	smax.u32 s4, $0x1;
	s4 =	simm.s32 $0x3;
	[dreg:$0x11] =	wrdreg s8  }
0x24: {  	[dreg:$0x13] =	wrdreg s11;
	s8 =	sadd.s32 s17, s3;
	s9 =	sshrl.u32 s9, $0x4  }
0x25: {  	[dreg:$0x16] =	wrdreg s21;
	s25 =	sshrl.u32 s24, $0x1;
	s11 =	sshrl.u32 s10, $0x1  }
0x26: {  	s15 =	sadd.s32 s14, s3;
	s17 =	sshrl.u32 s16, $0x4;
	s21 =	simm.s32 $0xBD0  }
0x27: {  	p1 =	sne.s32 s20, $0x1;
	s16 =	simm.s32 $0x2178;
	s14 =	simm.s32 $0x2370  }
0x28: {  	[dreg:$0x14] =	wrdreg s8;
	s19 =	sadd.s32 s1, s9;
	s8 =	sadd.s32 s1, s23  }
0x29: {  	s9 =	sadd.s32 s6, s24;
	s26 =	sadd.s32 s25, s3;
	[dreg:$0x1c] =	wrdreg s15  }
0x2a: {  	s25 =	simm.s32 $0x17A0;
	s24 =	simm.s32 $0x1998;
	[dreg:$0x15] =	wrdreg s19  }
0x2b: {  	s23 =	simm.s32 $0x9D8;
	s15 =	simm.s32 $0x11B8;
	[dreg:$0x17] =	wrdreg s8  }
0x2c: {  	s9 =	sshrl.u32 s9, $0x4;
	[dreg:$0x18] =	wrdreg s26;
	s8 =	sadd.s32 s11, s3  }
0x2d: {  	s19 =	sadd.s32 s18, s3;
	s11 =	simm.s32 $0x1;
	s26 =	simm.s32 $0x7E0  }
0x2e: {  	s18 =	simm.s32 $0x1F80;
	s9 =	sadd.s32 s1, s9;
	[dreg:$0x1a] =	wrdreg s8  }
0x2f: {  	s8 =	sadd.s32 s1, s17;
	[dreg:$0x1e] =	wrdreg s19;
	s19 =	simm.s32 $0x1D88  }
0x30: {  	s17 =	simm.s32 $0xFC0;
	[dreg:$0x19] =	wrdreg s9;
	s9 =	sadd.s32 s6, s10  }
0x31: {  	s6 =	sadd.s32 s6, s7;
	[dreg:$0x1d] =	wrdreg s8;
	s8 =	sadd.s32 $0x57600, s0  }
.Ltmp0:
0x32: {  	s10 =	simm.s32 $0x2760;
	s9 =	sshrl.u32 s9, $0x4;
	(pc) =	sbr.rel @!p1 .LBB2_1-.Ltmp0, $4  }
0x33: {  	s7 =	simm.s32 $0x65E0;
	s6 =	sshrl.u32 s6, $0x4;
	s13 =	sadd.s32 s1, s9  }
0x34: {  	s0 =	simm.s32 $0x3F0;
	s1 =	sadd.s32 s1, s6;
	[dreg:$0x1b] =	wrdreg s13  }
0x35: {  	s6 =	simm.s32 $0x1F4;
	s9 =	simm.s32 $0x2;
	[dreg:$0x1f] =	wrdreg s1  }
0x36: {  	s1 =	sadd.s32 $0xFFFFFFFF, s20;
	s20 =	simm.s32 $0xDC8;
	s13 =	simm.s32 $0x2568  }
0x37: {  	[tilespmem:s5], [sflag:$0x3] =	stream.linear.gather [hbm4b:s12+s2], $0xA00, $0x38;
	[tilespmem:$0xFE60] =	vst v63  }
0x38: {  	_ =	swait.ge [sflag:s4], $0xA00  }
0x39: {  	[sflag:s4] =	ssyncset.done $0x0  }
0x3a: {  	s12 =	rddreg [dreg:$0x9];
	[sflag:s4] =	ssyncadd.s32 $0xFFFFF600  }
0x3b: {  	[spmem:s12] =	stream.linear.scatter [tilespmem:s5], [sflag:$0x3], $0xA00, $0x38;
	[tilespmem:$0xFE60] =	vst v63  }
0x3c: {  	_ =	swait.ge [sflag:s4], $0xA00  }
0x3d: {  	[sflag:s4] =	ssyncset.done $0x0  }
0x3e: {  	s12 =	rddreg [dreg:$0xa];
	[sflag:s4] =	ssyncadd.s32 $0xFFFFF600  }
0x3f: {  	[spmem:s12] =	stream.linear.scatter [tilespmem:s5], [sflag:$0x3], $0xA00, $0x38;
	[tilespmem:$0xFE60] =	vst v63  }
0x40: {  	_ =	swait.ge [sflag:s4], $0xA00  }
0x41: {  	[sflag:s4] =	ssyncset.done $0x0  }
0x42: {  	s12 =	rddreg [dreg:$0xb];
	[sflag:s4] =	ssyncadd.s32 $0xFFFFF600  }
0x43: {  	[spmem:s12] =	stream.linear.scatter [tilespmem:s5], [sflag:$0x3], $0xA00, $0x38;
	[tilespmem:$0xFE60] =	vst v63  }
0x44: {  	_ =	swait.ge [sflag:s4], $0xA00  }
0x45: {  	[sflag:s4] =	ssyncset.done $0x0  }
0x46: {  	s12 =	rddreg [dreg:$0xc];
	[sflag:s4] =	ssyncadd.s32 $0xFFFFF600  }
0x47: {  	[spmem:s12] =	stream.linear.scatter [tilespmem:s5], [sflag:$0x3], $0xA00, $0x38;
	[tilespmem:$0xFE60] =	vst v63  }
0x48: {  	_ =	swait.ge [sflag:s4], $0xA00  }
0x49: {  	[sflag:s4] =	ssyncset.done $0x0  }
0x4a: {  	s12 =	rddreg [dreg:$0xd];
	[sflag:s4] =	ssyncadd.s32 $0xFFFFF600  }
0x4b: {  	[spmem:s12] =	stream.linear.scatter [tilespmem:s5], [sflag:$0x3], $0xA00, $0x38;
	[tilespmem:$0xFE60] =	vst v63  }
0x4c: {  	_ =	swait.ge [sflag:s4], $0xA00  }
0x4d: {  	[sflag:s4] =	ssyncset.done $0x0  }
0x4e: {  	s12 =	rddreg [dreg:$0xe];
	[sflag:s4] =	ssyncadd.s32 $0xFFFFF600  }
0x4f: {  	[spmem:s12] =	stream.linear.scatter [tilespmem:s5], [sflag:$0x3], $0xA00, $0x38;
	[tilespmem:$0xFE60] =	vst v63  }
0x50: {  	_ =	swait.ge [sflag:s4], $0xA00  }
0x51: {  	[sflag:s4] =	ssyncset.done $0x0  }
0x52: {  	s12 =	rddreg [dreg:$0xf];
	[sflag:s4] =	ssyncadd.s32 $0xFFFFF600  }
0x53: {  	[spmem:s12] =	stream.linear.scatter [tilespmem:s5], [sflag:$0x3], $0xA00, $0x38;
	[tilespmem:$0xFE60] =	vst v63  }
0x54: {  	_ =	swait.ge [sflag:s4], $0xA00  }
0x55: {  	[sflag:s4] =	ssyncset.done $0x0  }
0x56: {  	s12 =	rddreg [dreg:$0x10];
	[sflag:s4] =	ssyncadd.s32 $0xFFFFF600  }
0x57: {  	[spmem:s12] =	stream.linear.scatter [tilespmem:s5], [sflag:$0x3], $0xA00, $0x38;
	[tilespmem:$0xFE60] =	vst v63  }
0x58: {  	_ =	swait.ge [sflag:s4], $0xA00  }
0x59: {  	[sflag:s4] =	ssyncset.done $0x0  }
0x5a: {  	[sflag:s4] =	ssyncadd.s32 $0xFFFFF600  }
0x5b: {  	[bflag:$0x0] =	sbarrier.arrive $0xFFFF  }
0x5c: {  	s12 =	sld [smem:$0x7FD];
	_ =	sdelay $0x2  }
0x5d: {  	[tilespmem:s2], [sflag:$0x3] =	stream.linear.gather [hbm4b:s12+s2], $0x13B0, $0x38;
	[tilespmem:$0xFE60] =	vst v63  }
0x5e: {  	_ =	swait.ge [sflag:s4], $0x13B0  }
0x5f: {  	[sflag:s4] =	ssyncset.done $0x0  }
0x60: {  	s12 =	rddreg [dreg:$0x5];
	[sflag:s4] =	ssyncadd.s32 $0xFFFFEC50  }
0x61: {  	[tilespmem:s29], [sflag:$0x3] =	stream.linear.gather [hbm4b:s12+s2], $0x13B0, $0x38;
	[tilespmem:$0xFE60] =	vst v63  }
0x62: {  	_ =	swait.ge [sflag:s4], $0x13B0  }
0x63: {  	[sflag:s4] =	ssyncset.done $0x0  }
0x64: {  	[sflag:s4] =	ssyncadd.s32 $0xFFFFEC50  }
0x65: {  	[tilespmem:s10], [sflag:$0x1] =	stream.indirect.gather [hbm4b:s8+s6], $0x20, s2, s6, $0xb8;
	[tilespmem:$0xFE60] =	vst v63  }
0x66: {  	_ = 	snop  }
0x67: {  	[tilespmem:s7], [sflag:$0x2] =	stream.indirect.gather [hbm4b:s8+s6], $0x20, s28, s6, $0xb8;
	[tilespmem:$0xFE60] =	vst v63  }
0x68: {  	_ =	swait.ge [sflag:s11], $0x3E80  }
0x69: {  	[sflag:s11] =	ssyncset.done $0x0  }
0x6a: {  	[sflag:s11] =	ssyncadd.s32 $0xFFFFC180  }
0x6b: {  	[spmem:s3] =	stream.indirect.scatter.add.bf16 [tilespmem:s10], [sflag:$0x3], $0x20, s29, s6, $0xb8;
	[tilespmem:$0xFE60] =	vst v63  }
0x6c: {  	_ =	swait.ge [sflag:s4], $0x3E80  }
0x6d: {  	[sflag:s4] =	ssyncset.done $0x0  }
0x6e: {  	[sflag:s4] =	ssyncadd.s32 $0xFFFFC180  }
0x6f: {  	[tilespmem:s10], [sflag:$0x1] =	stream.indirect.gather [hbm4b:s8+s6], $0x20, s0, s6, $0xb8;
	[tilespmem:$0xFE60] =	vst v63  }
0x70: {  	_ =	swait.ge [sflag:s9], $0x3E80  }
0x71: {  	[sflag:s9] =	ssyncset.done $0x0  }
0x72: {  	[sflag:s9] =	ssyncadd.s32 $0xFFFFC180  }
0x73: {  	[spmem:s3] =	stream.indirect.scatter.add.bf16 [tilespmem:s7], [sflag:$0x3], $0x20, s31, s6, $0xb8;
	[tilespmem:$0xFE60] =	vst v63  }
0x74: {  	_ =	swait.ge [sflag:s4], $0x3E80  }
0x75: {  	[sflag:s4] =	ssyncset.done $0x0  }
0x76: {  	[sflag:s4] =	ssyncadd.s32 $0xFFFFC180  }
0x77: {  	[tilespmem:s7], [sflag:$0x2] =	stream.indirect.gather [hbm4b:s8+s6], $0x20, s30, s6, $0xb8;
	[tilespmem:$0xFE60] =	vst v63  }
0x78: {  	_ =	swait.ge [sflag:s11], $0x3E80  }
0x79: {  	[sflag:s11] =	ssyncset.done $0x0  }
0x7a: {  	[sflag:s11] =	ssyncadd.s32 $0xFFFFC180  }
0x7b: {  	[spmem:s3] =	stream.indirect.scatter.add.bf16 [tilespmem:s10], [sflag:$0x3], $0x20, s25, s6, $0xb8;
	[tilespmem:$0xFE60] =	vst v63  }
0x7c: {  	_ =	swait.ge [sflag:s4], $0x3E80  }
0x7d: {  	[sflag:s4] =	ssyncset.done $0x0  }
0x7e: {  	[sflag:s4] =	ssyncadd.s32 $0xFFFFC180  }
0x7f: {  	[tilespmem:s10], [sflag:$0x1] =	stream.indirect.gather [hbm4b:s8+s6], $0x20, s26, s6, $0xb8;
	[tilespmem:$0xFE60] =	vst v63  }
0x80: {  	_ =	swait.ge [sflag:s9], $0x3E80  }
0x81: {  	[sflag:s9] =	ssyncset.done $0x0  }
0x82: {  	[sflag:s9] =	ssyncadd.s32 $0xFFFFC180  }
0x83: {  	[spmem:s3] =	stream.indirect.scatter.add.bf16 [tilespmem:s7], [sflag:$0x3], $0x20, s24, s6, $0xb8;
	[tilespmem:$0xFE60] =	vst v63  }
0x84: {  	_ =	swait.ge [sflag:s4], $0x3E80  }
0x85: {  	[sflag:s4] =	ssyncset.done $0x0  }
0x86: {  	[sflag:s4] =	ssyncadd.s32 $0xFFFFC180  }
0x87: {  	[tilespmem:s7], [sflag:$0x2] =	stream.indirect.gather [hbm4b:s8+s6], $0x20, s23, s6, $0xb8;
	[tilespmem:$0xFE60] =	vst v63  }
0x88: {  	_ =	swait.ge [sflag:s11], $0x3E80  }
0x89: {  	[sflag:s11] =	ssyncset.done $0x0  }
0x8a: {  	[sflag:s11] =	ssyncadd.s32 $0xFFFFC180  }
0x8b: {  	[spmem:s3] =	stream.indirect.scatter.add.bf16 [tilespmem:s10], [sflag:$0x3], $0x20, s22, s6, $0xb8;
	[tilespmem:$0xFE60] =	vst v63  }
0x8c: {  	_ =	swait.ge [sflag:s4], $0x3E80  }
0x8d: {  	[sflag:s4] =	ssyncset.done $0x0  }
0x8e: {  	[sflag:s4] =	ssyncadd.s32 $0xFFFFC180  }
0x8f: {  	[tilespmem:s10], [sflag:$0x1] =	stream.indirect.gather [hbm4b:s8+s6], $0x20, s21, s6, $0xb8;
	[tilespmem:$0xFE60] =	vst v63  }
0x90: {  	_ =	swait.ge [sflag:s9], $0x3E80  }
0x91: {  	[sflag:s9] =	ssyncset.done $0x0  }
0x92: {  	[sflag:s9] =	ssyncadd.s32 $0xFFFFC180  }
0x93: {  	[spmem:s3] =	stream.indirect.scatter.add.bf16 [tilespmem:s7], [sflag:$0x3], $0x20, s19, s6, $0xb8;
	[tilespmem:$0xFE60] =	vst v63  }
0x94: {  	_ =	swait.ge [sflag:s4], $0x3E80  }
0x95: {  	[sflag:s4] =	ssyncset.done $0x0  }
0x96: {  	[sflag:s4] =	ssyncadd.s32 $0xFFFFC180  }
0x97: {  	[tilespmem:s7], [sflag:$0x2] =	stream.indirect.gather [hbm4b:s8+s6], $0x20, s20, s6, $0xb8;
	[tilespmem:$0xFE60] =	vst v63  }
0x98: {  	_ =	swait.ge [sflag:s11], $0x3E80  }
0x99: {  	[sflag:s11] =	ssyncset.done $0x0  }
0x9a: {  	[sflag:s11] =	ssyncadd.s32 $0xFFFFC180  }
0x9b: {  	[spmem:s3] =	stream.indirect.scatter.add.bf16 [tilespmem:s10], [sflag:$0x3], $0x20, s18, s6, $0xb8;
	[tilespmem:$0xFE60] =	vst v63  }
0x9c: {  	_ =	swait.ge [sflag:s4], $0x3E80  }
0x9d: {  	[sflag:s4] =	ssyncset.done $0x0  }
0x9e: {  	[sflag:s4] =	ssyncadd.s32 $0xFFFFC180  }
0x9f: {  	[tilespmem:s10], [sflag:$0x1] =	stream.indirect.gather [hbm4b:s8+s6], $0x20, s17, s6, $0xb8;
	[tilespmem:$0xFE60] =	vst v63  }
0xa0: {  	_ =	swait.ge [sflag:s9], $0x3E80  }
0xa1: {  	[sflag:s9] =	ssyncset.done $0x0  }
0xa2: {  	[sflag:s9] =	ssyncadd.s32 $0xFFFFC180  }
0xa3: {  	[spmem:s3] =	stream.indirect.scatter.add.bf16 [tilespmem:s7], [sflag:$0x3], $0x20, s16, s6, $0xb8;
	[tilespmem:$0xFE60] =	vst v63  }
0xa4: {  	_ =	swait.ge [sflag:s4], $0x3E80  }
0xa5: {  	[sflag:s4] =	ssyncset.done $0x0  }
0xa6: {  	[sflag:s4] =	ssyncadd.s32 $0xFFFFC180  }
0xa7: {  	[tilespmem:s7], [sflag:$0x2] =	stream.indirect.gather [hbm4b:s8+s6], $0x20, s15, s6, $0xb8;
	[tilespmem:$0xFE60] =	vst v63  }
0xa8: {  	_ =	swait.ge [sflag:s11], $0x3E80  }
0xa9: {  	[sflag:s11] =	ssyncset.done $0x0  }
0xaa: {  	[sflag:s11] =	ssyncadd.s32 $0xFFFFC180  }
0xab: {  	[spmem:s3] =	stream.indirect.scatter.add.bf16 [tilespmem:s10], [sflag:$0x3], $0x20, s14, s6, $0xb8;
	[tilespmem:$0xFE60] =	vst v63  }
0xac: {  	_ =	swait.ge [sflag:s4], $0x3E80  }
0xad: {  	[sflag:s4] =	ssyncset.done $0x0  }
0xae: {  	[sflag:s4] =	ssyncadd.s32 $0xFFFFC180  }
0xaf: {  	_ =	swait.ge [sflag:s9], $0x3E80  }
0xb0: {  	[sflag:s9] =	ssyncset.done $0x0  }
0xb1: {  	[sflag:s9] =	ssyncadd.s32 $0xFFFFC180  }
0xb2: {  	[spmem:s3] =	stream.indirect.scatter.add.bf16 [tilespmem:s7], [sflag:$0x3], $0x20, s13, s6, $0xb8;
	[tilespmem:$0xFE60] =	vst v63  }
0xb3: {  	_ =	swait.ge [sflag:s4], $0x3E80  }
0xb4: {  	[sflag:s4] =	ssyncset.done $0x0  }
0xb5: {  	s12 =	rddreg [dreg:$0x6];
	[sflag:s4] =	ssyncadd.s32 $0xFFFFC180  }
0xb6: {  	[tilespmem:s2], [sflag:$0x3] =	stream.linear.gather [hbm4b:s12+s2], $0x13B0, $0x38;
	[tilespmem:$0xFE60] =	vst v63  }
0xb7: {  	_ =	swait.ge [sflag:s4], $0x13B0  }
0xb8: {  	[sflag:s4] =	ssyncset.done $0x0  }
0xb9: {  	s12 =	rddreg [dreg:$0x7];
	[sflag:s4] =	ssyncadd.s32 $0xFFFFEC50  }
0xba: {  	[tilespmem:s29], [sflag:$0x3] =	stream.linear.gather [hbm4b:s12+s2], $0x13B0, $0x38;
	[tilespmem:$0xFE60] =	vst v63  }
0xbb: {  	_ =	swait.ge [sflag:s4], $0x13B0  }
0xbc: {  	[sflag:s4] =	ssyncset.done $0x0  }
0xbd: {  	[sflag:s4] =	ssyncadd.s32 $0xFFFFEC50  }
0xbe: {  	[tilespmem:s10], [sflag:$0x1] =	stream.indirect.gather [hbm4b:s8+s6], $0x20, s2, s6, $0xb8;
	[tilespmem:$0xFE60] =	vst v63  }
0xbf: {  	_ = 	snop  }
0xc0: {  	[tilespmem:s7], [sflag:$0x2] =	stream.indirect.gather [hbm4b:s8+s6], $0x20, s28, s6, $0xb8;
	[tilespmem:$0xFE60] =	vst v63  }
0xc1: {  	_ =	swait.ge [sflag:s11], $0x3E80  }
0xc2: {  	[sflag:s11] =	ssyncset.done $0x0  }
0xc3: {  	[sflag:s11] =	ssyncadd.s32 $0xFFFFC180  }
0xc4: {  	[spmem:s3] =	stream.indirect.scatter.add.bf16 [tilespmem:s10], [sflag:$0x3], $0x20, s29, s6, $0xb8;
	[tilespmem:$0xFE60] =	vst v63  }
0xc5: {  	_ =	swait.ge [sflag:s4], $0x3E80  }
0xc6: {  	[sflag:s4] =	ssyncset.done $0x0  }
0xc7: {  	[sflag:s4] =	ssyncadd.s32 $0xFFFFC180  }
0xc8: {  	[tilespmem:s10], [sflag:$0x1] =	stream.indirect.gather [hbm4b:s8+s6], $0x20, s0, s6, $0xb8;
	[tilespmem:$0xFE60] =	vst v63  }
0xc9: {  	_ =	swait.ge [sflag:s9], $0x3E80  }
0xca: {  	[sflag:s9] =	ssyncset.done $0x0  }
0xcb: {  	[sflag:s9] =	ssyncadd.s32 $0xFFFFC180  }
0xcc: {  	[spmem:s3] =	stream.indirect.scatter.add.bf16 [tilespmem:s7], [sflag:$0x3], $0x20, s31, s6, $0xb8;
	[tilespmem:$0xFE60] =	vst v63  }
0xcd: {  	_ =	swait.ge [sflag:s4], $0x3E80  }
0xce: {  	[sflag:s4] =	ssyncset.done $0x0  }
0xcf: {  	[sflag:s4] =	ssyncadd.s32 $0xFFFFC180  }
0xd0: {  	[tilespmem:s7], [sflag:$0x2] =	stream.indirect.gather [hbm4b:s8+s6], $0x20, s30, s6, $0xb8;
	[tilespmem:$0xFE60] =	vst v63  }
0xd1: {  	_ =	swait.ge [sflag:s11], $0x3E80  }
0xd2: {  	[sflag:s11] =	ssyncset.done $0x0  }
0xd3: {  	[sflag:s11] =	ssyncadd.s32 $0xFFFFC180  }
0xd4: {  	[spmem:s3] =	stream.indirect.scatter.add.bf16 [tilespmem:s10], [sflag:$0x3], $0x20, s25, s6, $0xb8;
	[tilespmem:$0xFE60] =	vst v63  }
0xd5: {  	_ =	swait.ge [sflag:s4], $0x3E80  }
0xd6: {  	[sflag:s4] =	ssyncset.done $0x0  }
0xd7: {  	[sflag:s4] =	ssyncadd.s32 $0xFFFFC180  }
0xd8: {  	[tilespmem:s10], [sflag:$0x1] =	stream.indirect.gather [hbm4b:s8+s6], $0x20, s26, s6, $0xb8;
	[tilespmem:$0xFE60] =	vst v63  }
0xd9: {  	_ =	swait.ge [sflag:s9], $0x3E80  }
0xda: {  	[sflag:s9] =	ssyncset.done $0x0  }
0xdb: {  	[sflag:s9] =	ssyncadd.s32 $0xFFFFC180  }
0xdc: {  	[spmem:s3] =	stream.indirect.scatter.add.bf16 [tilespmem:s7], [sflag:$0x3], $0x20, s24, s6, $0xb8;
	[tilespmem:$0xFE60] =	vst v63  }
0xdd: {  	_ =	swait.ge [sflag:s4], $0x3E80  }
0xde: {  	[sflag:s4] =	ssyncset.done $0x0  }
0xdf: {  	[sflag:s4] =	ssyncadd.s32 $0xFFFFC180  }
0xe0: {  	[tilespmem:s7], [sflag:$0x2] =	stream.indirect.gather [hbm4b:s8+s6], $0x20, s23, s6, $0xb8;
	[tilespmem:$0xFE60] =	vst v63  }
0xe1: {  	_ =	swait.ge [sflag:s11], $0x3E80  }
0xe2: {  	[sflag:s11] =	ssyncset.done $0x0  }
0xe3: {  	[sflag:s11] =	ssyncadd.s32 $0xFFFFC180  }
0xe4: {  	[spmem:s3] =	stream.indirect.scatter.add.bf16 [tilespmem:s10], [sflag:$0x3], $0x20, s22, s6, $0xb8;
	[tilespmem:$0xFE60] =	vst v63  }
0xe5: {  	_ =	swait.ge [sflag:s4], $0x3E80  }
0xe6: {  	[sflag:s4] =	ssyncset.done $0x0  }
0xe7: {  	[sflag:s4] =	ssyncadd.s32 $0xFFFFC180  }
0xe8: {  	[tilespmem:s10], [sflag:$0x1] =	stream.indirect.gather [hbm4b:s8+s6], $0x20, s21, s6, $0xb8;
	[tilespmem:$0xFE60] =	vst v63  }
0xe9: {  	_ =	swait.ge [sflag:s9], $0x3E80  }
0xea: {  	[sflag:s9] =	ssyncset.done $0x0  }
0xeb: {  	[sflag:s9] =	ssyncadd.s32 $0xFFFFC180  }
0xec: {  	[spmem:s3] =	stream.indirect.scatter.add.bf16 [tilespmem:s7], [sflag:$0x3], $0x20, s19, s6, $0xb8;
	[tilespmem:$0xFE60] =	vst v63  }
0xed: {  	_ =	swait.ge [sflag:s4], $0x3E80  }
0xee: {  	[sflag:s4] =	ssyncset.done $0x0  }
0xef: {  	[sflag:s4] =	ssyncadd.s32 $0xFFFFC180  }
0xf0: {  	[tilespmem:s7], [sflag:$0x2] =	stream.indirect.gather [hbm4b:s8+s6], $0x20, s20, s6, $0xb8;
	[tilespmem:$0xFE60] =	vst v63  }
0xf1: {  	_ =	swait.ge [sflag:s11], $0x3E80  }
0xf2: {  	[sflag:s11] =	ssyncset.done $0x0  }
0xf3: {  	[sflag:s11] =	ssyncadd.s32 $0xFFFFC180  }
0xf4: {  	[spmem:s3] =	stream.indirect.scatter.add.bf16 [tilespmem:s10], [sflag:$0x3], $0x20, s18, s6, $0xb8;
	[tilespmem:$0xFE60] =	vst v63  }
0xf5: {  	_ =	swait.ge [sflag:s4], $0x3E80  }
0xf6: {  	[sflag:s4] =	ssyncset.done $0x0  }
0xf7: {  	[sflag:s4] =	ssyncadd.s32 $0xFFFFC180  }
0xf8: {  	[tilespmem:s10], [sflag:$0x1] =	stream.indirect.gather [hbm4b:s8+s6], $0x20, s17, s6, $0xb8;
	[tilespmem:$0xFE60] =	vst v63  }
0xf9: {  	_ =	swait.ge [sflag:s9], $0x3E80  }
0xfa: {  	[sflag:s9] =	ssyncset.done $0x0  }
0xfb: {  	[sflag:s9] =	ssyncadd.s32 $0xFFFFC180  }
0xfc: {  	[spmem:s3] =	stream.indirect.scatter.add.bf16 [tilespmem:s7], [sflag:$0x3], $0x20, s16, s6, $0xb8;
	[tilespmem:$0xFE60] =	vst v63  }
0xfd: {  	_ =	swait.ge [sflag:s4], $0x3E80  }
0xfe: {  	[sflag:s4] =	ssyncset.done $0x0  }
0xff: {  	[sflag:s4] =	ssyncadd.s32 $0xFFFFC180  }
0x100: {  	[tilespmem:s7], [sflag:$0x2] =	stream.indirect.gather [hbm4b:s8+s6], $0x20, s15, s6, $0xb8;
	[tilespmem:$0xFE60] =	vst v63  }
0x101: {  	_ =	swait.ge [sflag:s11], $0x3E80  }
0x102: {  	[sflag:s11] =	ssyncset.done $0x0  }
0x103: {  	[sflag:s11] =	ssyncadd.s32 $0xFFFFC180  }
0x104: {  	[spmem:s3] =	stream.indirect.scatter.add.bf16 [tilespmem:s10], [sflag:$0x3], $0x20, s14, s6, $0xb8;
	[tilespmem:$0xFE60] =	vst v63  }
0x105: {  	_ =	swait.ge [sflag:s4], $0x3E80  }
0x106: {  	[sflag:s4] =	ssyncset.done $0x0  }
0x107: {  	[sflag:s4] =	ssyncadd.s32 $0xFFFFC180  }
0x108: {  	_ =	swait.ge [sflag:s9], $0x3E80  }
0x109: {  	[sflag:s9] =	ssyncset.done $0x0  }
0x10a: {  	[sflag:s9] =	ssyncadd.s32 $0xFFFFC180  }
0x10b: {  	[spmem:s3] =	stream.indirect.scatter.add.bf16 [tilespmem:s7], [sflag:$0x3], $0x20, s13, s6, $0xb8;
	[tilespmem:$0xFE60] =	vst v63  }
0x10c: {  	_ =	swait.ge [sflag:s4], $0x3E80  }
0x10d: {  	[sflag:s4] =	ssyncset.done $0x0  }
0x10e: {  	[sflag:s4] =	ssyncadd.s32 $0xFFFFC180  }
0x10f: {  	[bflag:$0x0] =	sbarrier.arrive $0xFFFF  }
0x110: {  	s12 =	rddreg [dreg:$0x8]  }
0x111: {  	[tilespmem:s5], [sflag:$0x3] =	stream.linear.gather [spmem:s12], $0xA00, $0x38;
	[tilespmem:$0xFE60] =	vst v63  }
0x112: {  	_ =	swait.ge [sflag:s4], $0xA00  }
0x113: {  	[sflag:s4] =	ssyncset.done $0x0  }
0x114: {  	s12 =	rddreg [dreg:$0x11];
	[sflag:s4] =	ssyncadd.s32 $0xFFFFF600  }
0x115: {  	[hbm4b:s12+s2] =	stream.linear.scatter [tilespmem:s5], [sflag:$0x3], $0xA00, $0x38;
	[tilespmem:$0xFE60] =	vst v63  }
0x116: {  	_ =	swait.ge [sflag:s4], $0xA00  }
0x117: {  	[sflag:s4] =	ssyncset.done $0x0  }
0x118: {  	s12 =	rddreg [dreg:$0x12];
	[sflag:s4] =	ssyncadd.s32 $0xFFFFF600  }
0x119: {  	[tilespmem:s5], [sflag:$0x3] =	stream.linear.gather [spmem:s12], $0xA00, $0x38;
	[tilespmem:$0xFE60] =	vst v63  }
0x11a: {  	_ =	swait.ge [sflag:s4], $0xA00  }
0x11b: {  	[sflag:s4] =	ssyncset.done $0x0  }
0x11c: {  	s12 =	rddreg [dreg:$0x13];
	[sflag:s4] =	ssyncadd.s32 $0xFFFFF600  }
0x11d: {  	[hbm4b:s12+s2] =	stream.linear.scatter [tilespmem:s5], [sflag:$0x3], $0xA00, $0x38;
	[tilespmem:$0xFE60] =	vst v63  }
0x11e: {  	_ =	swait.ge [sflag:s4], $0xA00  }
0x11f: {  	[sflag:s4] =	ssyncset.done $0x0  }
0x120: {  	s12 =	rddreg [dreg:$0x14];
	[sflag:s4] =	ssyncadd.s32 $0xFFFFF600  }
0x121: {  	[tilespmem:s5], [sflag:$0x3] =	stream.linear.gather [spmem:s12], $0xA00, $0x38;
	[tilespmem:$0xFE60] =	vst v63  }
0x122: {  	_ =	swait.ge [sflag:s4], $0xA00  }
0x123: {  	[sflag:s4] =	ssyncset.done $0x0  }
0x124: {  	s12 =	rddreg [dreg:$0x15];
	[sflag:s4] =	ssyncadd.s32 $0xFFFFF600  }
0x125: {  	[hbm4b:s12+s2] =	stream.linear.scatter [tilespmem:s5], [sflag:$0x3], $0xA00, $0x38;
	[tilespmem:$0xFE60] =	vst v63  }
0x126: {  	_ =	swait.ge [sflag:s4], $0xA00  }
0x127: {  	[sflag:s4] =	ssyncset.done $0x0  }
0x128: {  	s12 =	rddreg [dreg:$0x16];
	[sflag:s4] =	ssyncadd.s32 $0xFFFFF600  }
0x129: {  	[tilespmem:s5], [sflag:$0x3] =	stream.linear.gather [spmem:s12], $0xA00, $0x38;
	[tilespmem:$0xFE60] =	vst v63  }
0x12a: {  	_ =	swait.ge [sflag:s4], $0xA00  }
0x12b: {  	[sflag:s4] =	ssyncset.done $0x0  }
0x12c: {  	s12 =	rddreg [dreg:$0x17];
	[sflag:s4] =	ssyncadd.s32 $0xFFFFF600  }
0x12d: {  	[hbm4b:s12+s2] =	stream.linear.scatter [tilespmem:s5], [sflag:$0x3], $0xA00, $0x38;
	[tilespmem:$0xFE60] =	vst v63  }
0x12e: {  	_ =	swait.ge [sflag:s4], $0xA00  }
0x12f: {  	[sflag:s4] =	ssyncset.done $0x0  }
0x130: {  	s12 =	rddreg [dreg:$0x18];
	[sflag:s4] =	ssyncadd.s32 $0xFFFFF600  }
0x131: {  	[tilespmem:s5], [sflag:$0x3] =	stream.linear.gather [spmem:s12], $0xA00, $0x38;
	[tilespmem:$0xFE60] =	vst v63  }
0x132: {  	_ =	swait.ge [sflag:s4], $0xA00  }
0x133: {  	[sflag:s4] =	ssyncset.done $0x0  }
0x134: {  	s12 =	rddreg [dreg:$0x19];
	[sflag:s4] =	ssyncadd.s32 $0xFFFFF600  }
0x135: {  	[hbm4b:s12+s2] =	stream.linear.scatter [tilespmem:s5], [sflag:$0x3], $0xA00, $0x38;
	[tilespmem:$0xFE60] =	vst v63  }
0x136: {  	_ =	swait.ge [sflag:s4], $0xA00  }
0x137: {  	[sflag:s4] =	ssyncset.done $0x0  }
0x138: {  	s12 =	rddreg [dreg:$0x1a];
	[sflag:s4] =	ssyncadd.s32 $0xFFFFF600  }
0x139: {  	[tilespmem:s5], [sflag:$0x3] =	stream.linear.gather [spmem:s12], $0xA00, $0x38;
	[tilespmem:$0xFE60] =	vst v63  }
0x13a: {  	_ =	swait.ge [sflag:s4], $0xA00  }
0x13b: {  	[sflag:s4] =	ssyncset.done $0x0  }
0x13c: {  	s12 =	rddreg [dreg:$0x1b];
	[sflag:s4] =	ssyncadd.s32 $0xFFFFF600  }
0x13d: {  	[hbm4b:s12+s2] =	stream.linear.scatter [tilespmem:s5], [sflag:$0x3], $0xA00, $0x38;
	[tilespmem:$0xFE60] =	vst v63  }
0x13e: {  	_ =	swait.ge [sflag:s4], $0xA00  }
0x13f: {  	[sflag:s4] =	ssyncset.done $0x0  }
0x140: {  	s12 =	rddreg [dreg:$0x1c];
	[sflag:s4] =	ssyncadd.s32 $0xFFFFF600  }
0x141: {  	[tilespmem:s5], [sflag:$0x3] =	stream.linear.gather [spmem:s12], $0xA00, $0x38;
	[tilespmem:$0xFE60] =	vst v63  }
0x142: {  	_ =	swait.ge [sflag:s4], $0xA00  }
0x143: {  	[sflag:s4] =	ssyncset.done $0x0  }
0x144: {  	s12 =	rddreg [dreg:$0x1d];
	[sflag:s4] =	ssyncadd.s32 $0xFFFFF600  }
0x145: {  	[hbm4b:s12+s2] =	stream.linear.scatter [tilespmem:s5], [sflag:$0x3], $0xA00, $0x38;
	[tilespmem:$0xFE60] =	vst v63  }
0x146: {  	_ =	swait.ge [sflag:s4], $0xA00  }
0x147: {  	[sflag:s4] =	ssyncset.done $0x0  }
0x148: {  	s12 =	rddreg [dreg:$0x1e];
	[sflag:s4] =	ssyncadd.s32 $0xFFFFF600  }
0x149: {  	[tilespmem:s5], [sflag:$0x3] =	stream.linear.gather [spmem:s12], $0xA00, $0x38;
	[tilespmem:$0xFE60] =	vst v63  }
0x14a: {  	p1 =	sne.s32 s1, $0x1;
	_ =	swait.ge [sflag:s4], $0xA00  }
.Ltmp1:
0x14b: {  	[sflag:s4] =	ssyncset.done $0x0;
	(pc) =	sbr.rel @!p1 .LBB2_3-.Ltmp1, $4  }
0x14c: {  	s12 =	rddreg [dreg:$0x1f];
	[sflag:s4] =	ssyncadd.s32 $0xFFFFF600  }
0x14d: {  	[hbm4b:s12+s2] =	stream.linear.scatter [tilespmem:s5], [sflag:$0x3], $0xA00, $0x38;
	[tilespmem:$0xFE60] =	vst v63  }
0x14e: {  	s1 =	sadd.s32 $0xFFFFFFFF, s1;
	_ =	swait.ge [sflag:s4], $0xA00  }
0x14f: {  	p0 =	por $0x1, $0x1;
	s12 =	rddreg [dreg:$0x4];
	[sflag:s4] =	ssyncset.done $0x0  }
.LBB2_4:
0x150: {  	[sflag:s4] =	ssyncadd.s32 $0xFFFFF600  }
0x151: {  	[tilespmem:s5], [sflag:$0x3] =	stream.linear.gather [hbm4b:s12+s2], $0xA00, $0x38;
	[tilespmem:$0xFE60] =	vst v63  }
0x152: {  	_ =	swait.ge [sflag:s4], $0xA00  }
0x153: {  	[sflag:s4] =	ssyncset.done $0x0  }
0x154: {  	s12 =	rddreg [dreg:$0x9];
	[sflag:s4] =	ssyncadd.s32 $0xFFFFF600  }
0x155: {  	[spmem:s12] =	stream.linear.scatter [tilespmem:s5], [sflag:$0x3], $0xA00, $0x38;
	[tilespmem:$0xFE60] =	vst v63  }
0x156: {  	_ =	swait.ge [sflag:s4], $0xA00  }
0x157: {  	[sflag:s4] =	ssyncset.done $0x0  }
0x158: {  	s12 =	rddreg [dreg:$0xa];
	[sflag:s4] =	ssyncadd.s32 $0xFFFFF600  }
0x159: {  	[spmem:s12] =	stream.linear.scatter [tilespmem:s5], [sflag:$0x3], $0xA00, $0x38;
	[tilespmem:$0xFE60] =	vst v63  }
0x15a: {  	_ =	swait.ge [sflag:s4], $0xA00  }
0x15b: {  	[sflag:s4] =	ssyncset.done $0x0  }
0x15c: {  	s12 =	rddreg [dreg:$0xb];
	[sflag:s4] =	ssyncadd.s32 $0xFFFFF600  }
0x15d: {  	[spmem:s12] =	stream.linear.scatter [tilespmem:s5], [sflag:$0x3], $0xA00, $0x38;
	[tilespmem:$0xFE60] =	vst v63  }
0x15e: {  	_ =	swait.ge [sflag:s4], $0xA00  }
0x15f: {  	[sflag:s4] =	ssyncset.done $0x0  }
0x160: {  	s12 =	rddreg [dreg:$0xc];
	[sflag:s4] =	ssyncadd.s32 $0xFFFFF600  }
0x161: {  	[spmem:s12] =	stream.linear.scatter [tilespmem:s5], [sflag:$0x3], $0xA00, $0x38;
	[tilespmem:$0xFE60] =	vst v63  }
0x162: {  	_ =	swait.ge [sflag:s4], $0xA00  }
0x163: {  	[sflag:s4] =	ssyncset.done $0x0  }
0x164: {  	s12 =	rddreg [dreg:$0xd];
	[sflag:s4] =	ssyncadd.s32 $0xFFFFF600  }
0x165: {  	[spmem:s12] =	stream.linear.scatter [tilespmem:s5], [sflag:$0x3], $0xA00, $0x38;
	[tilespmem:$0xFE60] =	vst v63  }
0x166: {  	_ =	swait.ge [sflag:s4], $0xA00  }
0x167: {  	[sflag:s4] =	ssyncset.done $0x0  }
0x168: {  	s12 =	rddreg [dreg:$0xe];
	[sflag:s4] =	ssyncadd.s32 $0xFFFFF600  }
0x169: {  	[spmem:s12] =	stream.linear.scatter [tilespmem:s5], [sflag:$0x3], $0xA00, $0x38;
	[tilespmem:$0xFE60] =	vst v63  }
0x16a: {  	_ =	swait.ge [sflag:s4], $0xA00  }
0x16b: {  	[sflag:s4] =	ssyncset.done $0x0  }
0x16c: {  	s12 =	rddreg [dreg:$0xf];
	[sflag:s4] =	ssyncadd.s32 $0xFFFFF600  }
0x16d: {  	[spmem:s12] =	stream.linear.scatter [tilespmem:s5], [sflag:$0x3], $0xA00, $0x38;
	[tilespmem:$0xFE60] =	vst v63  }
0x16e: {  	_ =	swait.ge [sflag:s4], $0xA00  }
0x16f: {  	[sflag:s4] =	ssyncset.done $0x0  }
0x170: {  	s12 =	rddreg [dreg:$0x10];
	[sflag:s4] =	ssyncadd.s32 $0xFFFFF600  }
0x171: {  	[spmem:s12] =	stream.linear.scatter [tilespmem:s5], [sflag:$0x3], $0xA00, $0x38;
	[tilespmem:$0xFE60] =	vst v63  }
0x172: {  	_ =	swait.ge [sflag:s4], $0xA00  }
0x173: {  	[sflag:s4] =	ssyncset.done $0x0  }
0x174: {  	[sflag:s4] =	ssyncadd.s32 $0xFFFFF600  }
0x175: {  	[bflag:$0x0] =	sbarrier.arrive $0xFFFF  }
0x176: {  	s12 =	sld [smem:$0x7FD];
	_ =	sdelay $0x2  }
0x177: {  	[tilespmem:s2], [sflag:$0x3] =	stream.linear.gather [hbm4b:s12+s2], $0x13B0, $0x38;
	[tilespmem:$0xFE60] =	vst v63  }
0x178: {  	_ =	swait.ge [sflag:s4], $0x13B0  }
0x179: {  	[sflag:s4] =	ssyncset.done $0x0  }
0x17a: {  	s12 =	rddreg [dreg:$0x5];
	[sflag:s4] =	ssyncadd.s32 $0xFFFFEC50  }
0x17b: {  	[tilespmem:s29], [sflag:$0x3] =	stream.linear.gather [hbm4b:s12+s2], $0x13B0, $0x38;
	[tilespmem:$0xFE60] =	vst v63  }
0x17c: {  	_ =	swait.ge [sflag:s4], $0x13B0  }
0x17d: {  	[sflag:s4] =	ssyncset.done $0x0  }
0x17e: {  	[sflag:s4] =	ssyncadd.s32 $0xFFFFEC50  }
0x17f: {  	[tilespmem:s10], [sflag:$0x1] =	stream.indirect.gather [hbm4b:s8+s6], $0x20, s2, s6, $0xb8;
	[tilespmem:$0xFE60] =	vst v63  }
0x180: {  	_ = 	snop  }
0x181: {  	[tilespmem:s7], [sflag:$0x2] =	stream.indirect.gather [hbm4b:s8+s6], $0x20, s28, s6, $0xb8;
	[tilespmem:$0xFE60] =	vst v63  }
0x182: {  	_ =	swait.ge [sflag:s11], $0x3E80  }
0x183: {  	[sflag:s11] =	ssyncset.done $0x0  }
0x184: {  	[sflag:s11] =	ssyncadd.s32 $0xFFFFC180  }
0x185: {  	[spmem:s3] =	stream.indirect.scatter.add.bf16 [tilespmem:s10], [sflag:$0x3], $0x20, s29, s6, $0xb8;
	[tilespmem:$0xFE60] =	vst v63  }
0x186: {  	_ =	swait.ge [sflag:s4], $0x3E80  }
0x187: {  	[sflag:s4] =	ssyncset.done $0x0  }
0x188: {  	[sflag:s4] =	ssyncadd.s32 $0xFFFFC180  }
0x189: {  	[tilespmem:s10], [sflag:$0x1] =	stream.indirect.gather [hbm4b:s8+s6], $0x20, s0, s6, $0xb8;
	[tilespmem:$0xFE60] =	vst v63  }
0x18a: {  	_ =	swait.ge [sflag:s9], $0x3E80  }
0x18b: {  	[sflag:s9] =	ssyncset.done $0x0  }
0x18c: {  	[sflag:s9] =	ssyncadd.s32 $0xFFFFC180  }
0x18d: {  	[spmem:s3] =	stream.indirect.scatter.add.bf16 [tilespmem:s7], [sflag:$0x3], $0x20, s31, s6, $0xb8;
	[tilespmem:$0xFE60] =	vst v63  }
0x18e: {  	_ =	swait.ge [sflag:s4], $0x3E80  }
0x18f: {  	[sflag:s4] =	ssyncset.done $0x0  }
0x190: {  	[sflag:s4] =	ssyncadd.s32 $0xFFFFC180  }
0x191: {  	[tilespmem:s7], [sflag:$0x2] =	stream.indirect.gather [hbm4b:s8+s6], $0x20, s30, s6, $0xb8;
	[tilespmem:$0xFE60] =	vst v63  }
0x192: {  	_ =	swait.ge [sflag:s11], $0x3E80  }
0x193: {  	[sflag:s11] =	ssyncset.done $0x0  }
0x194: {  	[sflag:s11] =	ssyncadd.s32 $0xFFFFC180  }
0x195: {  	[spmem:s3] =	stream.indirect.scatter.add.bf16 [tilespmem:s10], [sflag:$0x3], $0x20, s25, s6, $0xb8;
	[tilespmem:$0xFE60] =	vst v63  }
0x196: {  	_ =	swait.ge [sflag:s4], $0x3E80  }
0x197: {  	[sflag:s4] =	ssyncset.done $0x0  }
0x198: {  	[sflag:s4] =	ssyncadd.s32 $0xFFFFC180  }
0x199: {  	[tilespmem:s10], [sflag:$0x1] =	stream.indirect.gather [hbm4b:s8+s6], $0x20, s26, s6, $0xb8;
	[tilespmem:$0xFE60] =	vst v63  }
0x19a: {  	_ =	swait.ge [sflag:s9], $0x3E80  }
0x19b: {  	[sflag:s9] =	ssyncset.done $0x0  }
0x19c: {  	[sflag:s9] =	ssyncadd.s32 $0xFFFFC180  }
0x19d: {  	[spmem:s3] =	stream.indirect.scatter.add.bf16 [tilespmem:s7], [sflag:$0x3], $0x20, s24, s6, $0xb8;
	[tilespmem:$0xFE60] =	vst v63  }
0x19e: {  	_ =	swait.ge [sflag:s4], $0x3E80  }
0x19f: {  	[sflag:s4] =	ssyncset.done $0x0  }
0x1a0: {  	[sflag:s4] =	ssyncadd.s32 $0xFFFFC180  }
0x1a1: {  	[tilespmem:s7], [sflag:$0x2] =	stream.indirect.gather [hbm4b:s8+s6], $0x20, s23, s6, $0xb8;
	[tilespmem:$0xFE60] =	vst v63  }
0x1a2: {  	_ =	swait.ge [sflag:s11], $0x3E80  }
0x1a3: {  	[sflag:s11] =	ssyncset.done $0x0  }
0x1a4: {  	[sflag:s11] =	ssyncadd.s32 $0xFFFFC180  }
0x1a5: {  	[spmem:s3] =	stream.indirect.scatter.add.bf16 [tilespmem:s10], [sflag:$0x3], $0x20, s22, s6, $0xb8;
	[tilespmem:$0xFE60] =	vst v63  }
0x1a6: {  	_ =	swait.ge [sflag:s4], $0x3E80  }
0x1a7: {  	[sflag:s4] =	ssyncset.done $0x0  }
0x1a8: {  	[sflag:s4] =	ssyncadd.s32 $0xFFFFC180  }
0x1a9: {  	[tilespmem:s10], [sflag:$0x1] =	stream.indirect.gather [hbm4b:s8+s6], $0x20, s21, s6, $0xb8;
	[tilespmem:$0xFE60] =	vst v63  }
0x1aa: {  	_ =	swait.ge [sflag:s9], $0x3E80  }
0x1ab: {  	[sflag:s9] =	ssyncset.done $0x0  }
0x1ac: {  	[sflag:s9] =	ssyncadd.s32 $0xFFFFC180  }
0x1ad: {  	[spmem:s3] =	stream.indirect.scatter.add.bf16 [tilespmem:s7], [sflag:$0x3], $0x20, s19, s6, $0xb8;
	[tilespmem:$0xFE60] =	vst v63  }
0x1ae: {  	_ =	swait.ge [sflag:s4], $0x3E80  }
0x1af: {  	[sflag:s4] =	ssyncset.done $0x0  }
0x1b0: {  	[sflag:s4] =	ssyncadd.s32 $0xFFFFC180  }
0x1b1: {  	[tilespmem:s7], [sflag:$0x2] =	stream.indirect.gather [hbm4b:s8+s6], $0x20, s20, s6, $0xb8;
	[tilespmem:$0xFE60] =	vst v63  }
0x1b2: {  	_ =	swait.ge [sflag:s11], $0x3E80  }
0x1b3: {  	[sflag:s11] =	ssyncset.done $0x0  }
0x1b4: {  	[sflag:s11] =	ssyncadd.s32 $0xFFFFC180  }
0x1b5: {  	[spmem:s3] =	stream.indirect.scatter.add.bf16 [tilespmem:s10], [sflag:$0x3], $0x20, s18, s6, $0xb8;
	[tilespmem:$0xFE60] =	vst v63  }
0x1b6: {  	_ =	swait.ge [sflag:s4], $0x3E80  }
0x1b7: {  	[sflag:s4] =	ssyncset.done $0x0  }
0x1b8: {  	[sflag:s4] =	ssyncadd.s32 $0xFFFFC180  }
0x1b9: {  	[tilespmem:s10], [sflag:$0x1] =	stream.indirect.gather [hbm4b:s8+s6], $0x20, s17, s6, $0xb8;
	[tilespmem:$0xFE60] =	vst v63  }
0x1ba: {  	_ =	swait.ge [sflag:s9], $0x3E80  }
0x1bb: {  	[sflag:s9] =	ssyncset.done $0x0  }
0x1bc: {  	[sflag:s9] =	ssyncadd.s32 $0xFFFFC180  }
0x1bd: {  	[spmem:s3] =	stream.indirect.scatter.add.bf16 [tilespmem:s7], [sflag:$0x3], $0x20, s16, s6, $0xb8;
	[tilespmem:$0xFE60] =	vst v63  }
0x1be: {  	_ =	swait.ge [sflag:s4], $0x3E80  }
0x1bf: {  	[sflag:s4] =	ssyncset.done $0x0  }
0x1c0: {  	[sflag:s4] =	ssyncadd.s32 $0xFFFFC180  }
0x1c1: {  	[tilespmem:s7], [sflag:$0x2] =	stream.indirect.gather [hbm4b:s8+s6], $0x20, s15, s6, $0xb8;
	[tilespmem:$0xFE60] =	vst v63  }
0x1c2: {  	_ =	swait.ge [sflag:s11], $0x3E80  }
0x1c3: {  	[sflag:s11] =	ssyncset.done $0x0  }
0x1c4: {  	[sflag:s11] =	ssyncadd.s32 $0xFFFFC180  }
0x1c5: {  	[spmem:s3] =	stream.indirect.scatter.add.bf16 [tilespmem:s10], [sflag:$0x3], $0x20, s14, s6, $0xb8;
	[tilespmem:$0xFE60] =	vst v63  }
0x1c6: {  	_ =	swait.ge [sflag:s4], $0x3E80  }
0x1c7: {  	[sflag:s4] =	ssyncset.done $0x0  }
0x1c8: {  	[sflag:s4] =	ssyncadd.s32 $0xFFFFC180  }
0x1c9: {  	_ =	swait.ge [sflag:s9], $0x3E80  }
0x1ca: {  	[sflag:s9] =	ssyncset.done $0x0  }
0x1cb: {  	[sflag:s9] =	ssyncadd.s32 $0xFFFFC180  }
0x1cc: {  	[spmem:s3] =	stream.indirect.scatter.add.bf16 [tilespmem:s7], [sflag:$0x3], $0x20, s13, s6, $0xb8;
	[tilespmem:$0xFE60] =	vst v63  }
0x1cd: {  	_ =	swait.ge [sflag:s4], $0x3E80  }
0x1ce: {  	[sflag:s4] =	ssyncset.done $0x0  }
0x1cf: {  	s12 =	rddreg [dreg:$0x6];
	[sflag:s4] =	ssyncadd.s32 $0xFFFFC180  }
0x1d0: {  	[tilespmem:s2], [sflag:$0x3] =	stream.linear.gather [hbm4b:s12+s2], $0x13B0, $0x38;
	[tilespmem:$0xFE60] =	vst v63  }
0x1d1: {  	_ =	swait.ge [sflag:s4], $0x13B0  }
0x1d2: {  	[sflag:s4] =	ssyncset.done $0x0  }
0x1d3: {  	s12 =	rddreg [dreg:$0x7];
	[sflag:s4] =	ssyncadd.s32 $0xFFFFEC50  }
0x1d4: {  	[tilespmem:s29], [sflag:$0x3] =	stream.linear.gather [hbm4b:s12+s2], $0x13B0, $0x38;
	[tilespmem:$0xFE60] =	vst v63  }
0x1d5: {  	_ =	swait.ge [sflag:s4], $0x13B0  }
0x1d6: {  	[sflag:s4] =	ssyncset.done $0x0  }
0x1d7: {  	[sflag:s4] =	ssyncadd.s32 $0xFFFFEC50  }
0x1d8: {  	[tilespmem:s10], [sflag:$0x1] =	stream.indirect.gather [hbm4b:s8+s6], $0x20, s2, s6, $0xb8;
	[tilespmem:$0xFE60] =	vst v63  }
0x1d9: {  	_ = 	snop  }
0x1da: {  	[tilespmem:s7], [sflag:$0x2] =	stream.indirect.gather [hbm4b:s8+s6], $0x20, s28, s6, $0xb8;
	[tilespmem:$0xFE60] =	vst v63  }
0x1db: {  	_ =	swait.ge [sflag:s11], $0x3E80  }
0x1dc: {  	[sflag:s11] =	ssyncset.done $0x0  }
0x1dd: {  	[sflag:s11] =	ssyncadd.s32 $0xFFFFC180  }
0x1de: {  	[spmem:s3] =	stream.indirect.scatter.add.bf16 [tilespmem:s10], [sflag:$0x3], $0x20, s29, s6, $0xb8;
	[tilespmem:$0xFE60] =	vst v63  }
0x1df: {  	_ =	swait.ge [sflag:s4], $0x3E80  }
0x1e0: {  	[sflag:s4] =	ssyncset.done $0x0  }
0x1e1: {  	[sflag:s4] =	ssyncadd.s32 $0xFFFFC180  }
0x1e2: {  	[tilespmem:s10], [sflag:$0x1] =	stream.indirect.gather [hbm4b:s8+s6], $0x20, s0, s6, $0xb8;
	[tilespmem:$0xFE60] =	vst v63  }
0x1e3: {  	_ =	swait.ge [sflag:s9], $0x3E80  }
0x1e4: {  	[sflag:s9] =	ssyncset.done $0x0  }
0x1e5: {  	[sflag:s9] =	ssyncadd.s32 $0xFFFFC180  }
0x1e6: {  	[spmem:s3] =	stream.indirect.scatter.add.bf16 [tilespmem:s7], [sflag:$0x3], $0x20, s31, s6, $0xb8;
	[tilespmem:$0xFE60] =	vst v63  }
0x1e7: {  	_ =	swait.ge [sflag:s4], $0x3E80  }
0x1e8: {  	[sflag:s4] =	ssyncset.done $0x0  }
0x1e9: {  	[sflag:s4] =	ssyncadd.s32 $0xFFFFC180  }
0x1ea: {  	[tilespmem:s7], [sflag:$0x2] =	stream.indirect.gather [hbm4b:s8+s6], $0x20, s30, s6, $0xb8;
	[tilespmem:$0xFE60] =	vst v63  }
0x1eb: {  	_ =	swait.ge [sflag:s11], $0x3E80  }
0x1ec: {  	[sflag:s11] =	ssyncset.done $0x0  }
0x1ed: {  	[sflag:s11] =	ssyncadd.s32 $0xFFFFC180  }
0x1ee: {  	[spmem:s3] =	stream.indirect.scatter.add.bf16 [tilespmem:s10], [sflag:$0x3], $0x20, s25, s6, $0xb8;
	[tilespmem:$0xFE60] =	vst v63  }
0x1ef: {  	_ =	swait.ge [sflag:s4], $0x3E80  }
0x1f0: {  	[sflag:s4] =	ssyncset.done $0x0  }
0x1f1: {  	[sflag:s4] =	ssyncadd.s32 $0xFFFFC180  }
0x1f2: {  	[tilespmem:s10], [sflag:$0x1] =	stream.indirect.gather [hbm4b:s8+s6], $0x20, s26, s6, $0xb8;
	[tilespmem:$0xFE60] =	vst v63  }
0x1f3: {  	_ =	swait.ge [sflag:s9], $0x3E80  }
0x1f4: {  	[sflag:s9] =	ssyncset.done $0x0  }
0x1f5: {  	[sflag:s9] =	ssyncadd.s32 $0xFFFFC180  }
0x1f6: {  	[spmem:s3] =	stream.indirect.scatter.add.bf16 [tilespmem:s7], [sflag:$0x3], $0x20, s24, s6, $0xb8;
	[tilespmem:$0xFE60] =	vst v63  }
0x1f7: {  	_ =	swait.ge [sflag:s4], $0x3E80  }
0x1f8: {  	[sflag:s4] =	ssyncset.done $0x0  }
0x1f9: {  	[sflag:s4] =	ssyncadd.s32 $0xFFFFC180  }
0x1fa: {  	[tilespmem:s7], [sflag:$0x2] =	stream.indirect.gather [hbm4b:s8+s6], $0x20, s23, s6, $0xb8;
	[tilespmem:$0xFE60] =	vst v63  }
0x1fb: {  	_ =	swait.ge [sflag:s11], $0x3E80  }
0x1fc: {  	[sflag:s11] =	ssyncset.done $0x0  }
0x1fd: {  	[sflag:s11] =	ssyncadd.s32 $0xFFFFC180  }
0x1fe: {  	[spmem:s3] =	stream.indirect.scatter.add.bf16 [tilespmem:s10], [sflag:$0x3], $0x20, s22, s6, $0xb8;
	[tilespmem:$0xFE60] =	vst v63  }
0x1ff: {  	_ =	swait.ge [sflag:s4], $0x3E80  }
0x200: {  	[sflag:s4] =	ssyncset.done $0x0  }
0x201: {  	[sflag:s4] =	ssyncadd.s32 $0xFFFFC180  }
0x202: {  	[tilespmem:s10], [sflag:$0x1] =	stream.indirect.gather [hbm4b:s8+s6], $0x20, s21, s6, $0xb8;
	[tilespmem:$0xFE60] =	vst v63  }
0x203: {  	_ =	swait.ge [sflag:s9], $0x3E80  }
0x204: {  	[sflag:s9] =	ssyncset.done $0x0  }
0x205: {  	[sflag:s9] =	ssyncadd.s32 $0xFFFFC180  }
0x206: {  	[spmem:s3] =	stream.indirect.scatter.add.bf16 [tilespmem:s7], [sflag:$0x3], $0x20, s19, s6, $0xb8;
	[tilespmem:$0xFE60] =	vst v63  }
0x207: {  	_ =	swait.ge [sflag:s4], $0x3E80  }
0x208: {  	[sflag:s4] =	ssyncset.done $0x0  }
0x209: {  	[sflag:s4] =	ssyncadd.s32 $0xFFFFC180  }
0x20a: {  	[tilespmem:s7], [sflag:$0x2] =	stream.indirect.gather [hbm4b:s8+s6], $0x20, s20, s6, $0xb8;
	[tilespmem:$0xFE60] =	vst v63  }
0x20b: {  	_ =	swait.ge [sflag:s11], $0x3E80  }
0x20c: {  	[sflag:s11] =	ssyncset.done $0x0  }
0x20d: {  	[sflag:s11] =	ssyncadd.s32 $0xFFFFC180  }
0x20e: {  	[spmem:s3] =	stream.indirect.scatter.add.bf16 [tilespmem:s10], [sflag:$0x3], $0x20, s18, s6, $0xb8;
	[tilespmem:$0xFE60] =	vst v63  }
0x20f: {  	_ =	swait.ge [sflag:s4], $0x3E80  }
0x210: {  	[sflag:s4] =	ssyncset.done $0x0  }
0x211: {  	[sflag:s4] =	ssyncadd.s32 $0xFFFFC180  }
0x212: {  	[tilespmem:s10], [sflag:$0x1] =	stream.indirect.gather [hbm4b:s8+s6], $0x20, s17, s6, $0xb8;
	[tilespmem:$0xFE60] =	vst v63  }
0x213: {  	_ =	swait.ge [sflag:s9], $0x3E80  }
0x214: {  	[sflag:s9] =	ssyncset.done $0x0  }
0x215: {  	[sflag:s9] =	ssyncadd.s32 $0xFFFFC180  }
0x216: {  	[spmem:s3] =	stream.indirect.scatter.add.bf16 [tilespmem:s7], [sflag:$0x3], $0x20, s16, s6, $0xb8;
	[tilespmem:$0xFE60] =	vst v63  }
0x217: {  	_ =	swait.ge [sflag:s4], $0x3E80  }
0x218: {  	[sflag:s4] =	ssyncset.done $0x0  }
0x219: {  	[sflag:s4] =	ssyncadd.s32 $0xFFFFC180  }
0x21a: {  	[tilespmem:s7], [sflag:$0x2] =	stream.indirect.gather [hbm4b:s8+s6], $0x20, s15, s6, $0xb8;
	[tilespmem:$0xFE60] =	vst v63  }
0x21b: {  	_ =	swait.ge [sflag:s11], $0x3E80  }
0x21c: {  	[sflag:s11] =	ssyncset.done $0x0  }
0x21d: {  	[sflag:s11] =	ssyncadd.s32 $0xFFFFC180  }
0x21e: {  	[spmem:s3] =	stream.indirect.scatter.add.bf16 [tilespmem:s10], [sflag:$0x3], $0x20, s14, s6, $0xb8;
	[tilespmem:$0xFE60] =	vst v63  }
0x21f: {  	_ =	swait.ge [sflag:s4], $0x3E80  }
0x220: {  	[sflag:s4] =	ssyncset.done $0x0  }
0x221: {  	[sflag:s4] =	ssyncadd.s32 $0xFFFFC180  }
0x222: {  	_ =	swait.ge [sflag:s9], $0x3E80  }
0x223: {  	[sflag:s9] =	ssyncset.done $0x0  }
0x224: {  	[sflag:s9] =	ssyncadd.s32 $0xFFFFC180  }
0x225: {  	[spmem:s3] =	stream.indirect.scatter.add.bf16 [tilespmem:s7], [sflag:$0x3], $0x20, s13, s6, $0xb8;
	[tilespmem:$0xFE60] =	vst v63  }
0x226: {  	_ =	swait.ge [sflag:s4], $0x3E80  }
0x227: {  	[sflag:s4] =	ssyncset.done $0x0  }
0x228: {  	[sflag:s4] =	ssyncadd.s32 $0xFFFFC180  }
0x229: {  	[bflag:$0x0] =	sbarrier.arrive $0xFFFF  }
0x22a: {  	s12 =	rddreg [dreg:$0x8]  }
0x22b: {  	[tilespmem:s5], [sflag:$0x3] =	stream.linear.gather [spmem:s12], $0xA00, $0x38;
	[tilespmem:$0xFE60] =	vst v63  }
0x22c: {  	_ =	swait.ge [sflag:s4], $0xA00  }
0x22d: {  	[sflag:s4] =	ssyncset.done $0x0  }
0x22e: {  	s12 =	rddreg [dreg:$0x11];
	[sflag:s4] =	ssyncadd.s32 $0xFFFFF600  }
0x22f: {  	[hbm4b:s12+s2] =	stream.linear.scatter [tilespmem:s5], [sflag:$0x3], $0xA00, $0x38;
	[tilespmem:$0xFE60] =	vst v63  }
0x230: {  	_ =	swait.ge [sflag:s4], $0xA00  }
0x231: {  	[sflag:s4] =	ssyncset.done $0x0  }
0x232: {  	s12 =	rddreg [dreg:$0x12];
	[sflag:s4] =	ssyncadd.s32 $0xFFFFF600  }
0x233: {  	[tilespmem:s5], [sflag:$0x3] =	stream.linear.gather [spmem:s12], $0xA00, $0x38;
	[tilespmem:$0xFE60] =	vst v63  }
0x234: {  	_ =	swait.ge [sflag:s4], $0xA00  }
0x235: {  	[sflag:s4] =	ssyncset.done $0x0  }
0x236: {  	s12 =	rddreg [dreg:$0x13];
	[sflag:s4] =	ssyncadd.s32 $0xFFFFF600  }
0x237: {  	[hbm4b:s12+s2] =	stream.linear.scatter [tilespmem:s5], [sflag:$0x3], $0xA00, $0x38;
	[tilespmem:$0xFE60] =	vst v63  }
0x238: {  	_ =	swait.ge [sflag:s4], $0xA00  }
0x239: {  	[sflag:s4] =	ssyncset.done $0x0  }
0x23a: {  	s12 =	rddreg [dreg:$0x14];
	[sflag:s4] =	ssyncadd.s32 $0xFFFFF600  }
0x23b: {  	[tilespmem:s5], [sflag:$0x3] =	stream.linear.gather [spmem:s12], $0xA00, $0x38;
	[tilespmem:$0xFE60] =	vst v63  }
0x23c: {  	_ =	swait.ge [sflag:s4], $0xA00  }
0x23d: {  	[sflag:s4] =	ssyncset.done $0x0  }
0x23e: {  	s12 =	rddreg [dreg:$0x15];
	[sflag:s4] =	ssyncadd.s32 $0xFFFFF600  }
0x23f: {  	[hbm4b:s12+s2] =	stream.linear.scatter [tilespmem:s5], [sflag:$0x3], $0xA00, $0x38;
	[tilespmem:$0xFE60] =	vst v63  }
0x240: {  	_ =	swait.ge [sflag:s4], $0xA00  }
0x241: {  	[sflag:s4] =	ssyncset.done $0x0  }
0x242: {  	s12 =	rddreg [dreg:$0x16];
	[sflag:s4] =	ssyncadd.s32 $0xFFFFF600  }
0x243: {  	[tilespmem:s5], [sflag:$0x3] =	stream.linear.gather [spmem:s12], $0xA00, $0x38;
	[tilespmem:$0xFE60] =	vst v63  }
0x244: {  	_ =	swait.ge [sflag:s4], $0xA00  }
0x245: {  	[sflag:s4] =	ssyncset.done $0x0  }
0x246: {  	s12 =	rddreg [dreg:$0x17];
	[sflag:s4] =	ssyncadd.s32 $0xFFFFF600  }
0x247: {  	[hbm4b:s12+s2] =	stream.linear.scatter [tilespmem:s5], [sflag:$0x3], $0xA00, $0x38;
	[tilespmem:$0xFE60] =	vst v63  }
0x248: {  	_ =	swait.ge [sflag:s4], $0xA00  }
0x249: {  	[sflag:s4] =	ssyncset.done $0x0  }
0x24a: {  	s12 =	rddreg [dreg:$0x18];
	[sflag:s4] =	ssyncadd.s32 $0xFFFFF600  }
0x24b: {  	[tilespmem:s5], [sflag:$0x3] =	stream.linear.gather [spmem:s12], $0xA00, $0x38;
	[tilespmem:$0xFE60] =	vst v63  }
0x24c: {  	_ =	swait.ge [sflag:s4], $0xA00  }
0x24d: {  	[sflag:s4] =	ssyncset.done $0x0  }
0x24e: {  	s12 =	rddreg [dreg:$0x19];
	[sflag:s4] =	ssyncadd.s32 $0xFFFFF600  }
0x24f: {  	[hbm4b:s12+s2] =	stream.linear.scatter [tilespmem:s5], [sflag:$0x3], $0xA00, $0x38;
	[tilespmem:$0xFE60] =	vst v63  }
0x250: {  	_ =	swait.ge [sflag:s4], $0xA00  }
0x251: {  	[sflag:s4] =	ssyncset.done $0x0  }
0x252: {  	s12 =	rddreg [dreg:$0x1a];
	[sflag:s4] =	ssyncadd.s32 $0xFFFFF600  }
0x253: {  	[tilespmem:s5], [sflag:$0x3] =	stream.linear.gather [spmem:s12], $0xA00, $0x38;
	[tilespmem:$0xFE60] =	vst v63  }
0x254: {  	_ =	swait.ge [sflag:s4], $0xA00  }
0x255: {  	[sflag:s4] =	ssyncset.done $0x0  }
0x256: {  	s12 =	rddreg [dreg:$0x1b];
	[sflag:s4] =	ssyncadd.s32 $0xFFFFF600  }
0x257: {  	[hbm4b:s12+s2] =	stream.linear.scatter [tilespmem:s5], [sflag:$0x3], $0xA00, $0x38;
	[tilespmem:$0xFE60] =	vst v63  }
0x258: {  	_ =	swait.ge [sflag:s4], $0xA00  }
0x259: {  	[sflag:s4] =	ssyncset.done $0x0  }
0x25a: {  	s12 =	rddreg [dreg:$0x1c];
	[sflag:s4] =	ssyncadd.s32 $0xFFFFF600  }
0x25b: {  	[tilespmem:s5], [sflag:$0x3] =	stream.linear.gather [spmem:s12], $0xA00, $0x38;
	[tilespmem:$0xFE60] =	vst v63  }
0x25c: {  	_ =	swait.ge [sflag:s4], $0xA00  }
0x25d: {  	[sflag:s4] =	ssyncset.done $0x0  }
0x25e: {  	s12 =	rddreg [dreg:$0x1d];
	[sflag:s4] =	ssyncadd.s32 $0xFFFFF600  }
0x25f: {  	[hbm4b:s12+s2] =	stream.linear.scatter [tilespmem:s5], [sflag:$0x3], $0xA00, $0x38;
	[tilespmem:$0xFE60] =	vst v63  }
0x260: {  	_ =	swait.ge [sflag:s4], $0xA00  }
0x261: {  	[sflag:s4] =	ssyncset.done $0x0  }
0x262: {  	s12 =	rddreg [dreg:$0x1e];
	[sflag:s4] =	ssyncadd.s32 $0xFFFFF600  }
0x263: {  	[tilespmem:s5], [sflag:$0x3] =	stream.linear.gather [spmem:s12], $0xA00, $0x38;
	[tilespmem:$0xFE60] =	vst v63  }
0x264: {  	p1 =	sne.s32 s1, $0x1;
	_ =	swait.ge [sflag:s4], $0xA00  }
.Ltmp2:
0x265: {  	[sflag:s4] =	ssyncset.done $0x0;
	(pc) =	sbr.rel @p1 .LBB2_4-.Ltmp2, $4  }
0x266: {  	s12 =	rddreg [dreg:$0x1f];
	[sflag:s4] =	ssyncadd.s32 $0xFFFFF600  }
0x267: {  	[hbm4b:s12+s2] =	stream.linear.scatter [tilespmem:s5], [sflag:$0x3], $0xA00, $0x38;
	[tilespmem:$0xFE60] =	vst v63  }
0x268: {  	_ =	swait.ge [sflag:s4], $0xA00  }
0x269: {  	s1 =	sadd.s32 $0xFFFFFFFF, s1;
	s12 =	rddreg [dreg:$0x4];
	[sflag:s4] =	ssyncset.done $0x0  }
0x26a: {  	s28 =	sld [smem:$0x7FD]  }
.LBB2_6:
0x26b: {  	[sflag:s4] =	ssyncadd.s32 @p0 $0xFFFFF600  }
0x26c: {  	[tilespmem:s5], [sflag:$0x3] =	stream.linear.gather [hbm4b:s12+s2], $0xA00, $0x38;
	[tilespmem:$0xFE60] =	vst v63  }
0x26d: {  	_ =	swait.ge [sflag:s4], $0xA00  }
0x26e: {  	[sflag:s4] =	ssyncset.done $0x0  }
0x26f: {  	s1 =	rddreg [dreg:$0x9];
	[sflag:s4] =	ssyncadd.s32 $0xFFFFF600  }
0x270: {  	[spmem:s1] =	stream.linear.scatter [tilespmem:s5], [sflag:$0x3], $0xA00, $0x38;
	[tilespmem:$0xFE60] =	vst v63  }
0x271: {  	_ =	swait.ge [sflag:s4], $0xA00  }
0x272: {  	[sflag:s4] =	ssyncset.done $0x0  }
0x273: {  	s20 =	rddreg [dreg:$0xa];
	[sflag:s4] =	ssyncadd.s32 $0xFFFFF600  }
0x274: {  	[spmem:s20] =	stream.linear.scatter [tilespmem:s5], [sflag:$0x3], $0xA00, $0x38;
	[tilespmem:$0xFE60] =	vst v63  }
0x275: {  	_ =	swait.ge [sflag:s4], $0xA00  }
0x276: {  	[sflag:s4] =	ssyncset.done $0x0  }
0x277: {  	s21 =	rddreg [dreg:$0xb];
	[sflag:s4] =	ssyncadd.s32 $0xFFFFF600  }
0x278: {  	[spmem:s21] =	stream.linear.scatter [tilespmem:s5], [sflag:$0x3], $0xA00, $0x38;
	[tilespmem:$0xFE60] =	vst v63  }
0x279: {  	_ =	swait.ge [sflag:s4], $0xA00  }
0x27a: {  	[sflag:s4] =	ssyncset.done $0x0  }
0x27b: {  	s22 =	rddreg [dreg:$0xc];
	[sflag:s4] =	ssyncadd.s32 $0xFFFFF600  }
0x27c: {  	[spmem:s22] =	stream.linear.scatter [tilespmem:s5], [sflag:$0x3], $0xA00, $0x38;
	[tilespmem:$0xFE60] =	vst v63  }
0x27d: {  	_ =	swait.ge [sflag:s4], $0xA00  }
0x27e: {  	[sflag:s4] =	ssyncset.done $0x0  }
0x27f: {  	s23 =	rddreg [dreg:$0xd];
	[sflag:s4] =	ssyncadd.s32 $0xFFFFF600  }
0x280: {  	[spmem:s23] =	stream.linear.scatter [tilespmem:s5], [sflag:$0x3], $0xA00, $0x38;
	[tilespmem:$0xFE60] =	vst v63  }
0x281: {  	_ =	swait.ge [sflag:s4], $0xA00  }
0x282: {  	[sflag:s4] =	ssyncset.done $0x0  }
0x283: {  	s24 =	rddreg [dreg:$0xe];
	[sflag:s4] =	ssyncadd.s32 $0xFFFFF600  }
0x284: {  	[spmem:s24] =	stream.linear.scatter [tilespmem:s5], [sflag:$0x3], $0xA00, $0x38;
	[tilespmem:$0xFE60] =	vst v63  }
0x285: {  	_ =	swait.ge [sflag:s4], $0xA00  }
0x286: {  	[sflag:s4] =	ssyncset.done $0x0  }
0x287: {  	s25 =	rddreg [dreg:$0xf];
	[sflag:s4] =	ssyncadd.s32 $0xFFFFF600  }
0x288: {  	[spmem:s25] =	stream.linear.scatter [tilespmem:s5], [sflag:$0x3], $0xA00, $0x38;
	[tilespmem:$0xFE60] =	vst v63  }
0x289: {  	_ =	swait.ge [sflag:s4], $0xA00  }
0x28a: {  	[sflag:s4] =	ssyncset.done $0x0  }
0x28b: {  	s26 =	rddreg [dreg:$0x10];
	[sflag:s4] =	ssyncadd.s32 $0xFFFFF600  }
0x28c: {  	[spmem:s26] =	stream.linear.scatter [tilespmem:s5], [sflag:$0x3], $0xA00, $0x38;
	[tilespmem:$0xFE60] =	vst v63  }
0x28d: {  	_ =	swait.ge [sflag:s4], $0xA00  }
0x28e: {  	[sflag:s4] =	ssyncset.done $0x0  }
0x28f: {  	[sflag:s4] =	ssyncadd.s32 $0xFFFFF600  }
0x290: {  	[bflag:$0x0] =	sbarrier.arrive $0xFFFF  }
0x291: {  	[tilespmem:s2], [sflag:$0x3] =	stream.linear.gather [hbm4b:s28+s2], $0x13B0, $0x38;
	[tilespmem:$0xFE60] =	vst v63  }
0x292: {  	_ =	swait.ge [sflag:s4], $0x13B0  }
0x293: {  	[sflag:s4] =	ssyncset.done $0x0  }
0x294: {  	s30 =	rddreg [dreg:$0x5];
	[sflag:s4] =	ssyncadd.s32 $0xFFFFEC50  }
0x295: {  	[tilespmem:s29], [sflag:$0x3] =	stream.linear.gather [hbm4b:s30+s2], $0x13B0, $0x38;
	[tilespmem:$0xFE60] =	vst v63  }
0x296: {  	_ =	swait.ge [sflag:s4], $0x13B0  }
0x297: {  	[sflag:s4] =	ssyncset.done $0x0  }
0x298: {  	[sflag:s4] =	ssyncadd.s32 $0xFFFFEC50  }
0x299: {  	[tilespmem:s10], [sflag:$0x1] =	stream.indirect.gather [hbm4b:s8+s6], $0x20, s2, s6, $0xb8;
	[tilespmem:$0xFE60] =	vst v63  }
0x29a: {  	s30 =	simm.s32 $0x1F8  }
0x29b: {  	[tilespmem:s7], [sflag:$0x2] =	stream.indirect.gather [hbm4b:s8+s6], $0x20, s30, s6, $0xb8;
	[tilespmem:$0xFE60] =	vst v63  }
0x29c: {  	_ =	swait.ge [sflag:s11], $0x3E80  }
0x29d: {  	[sflag:s11] =	ssyncset.done $0x0  }
0x29e: {  	[sflag:s11] =	ssyncadd.s32 $0xFFFFC180  }
0x29f: {  	[spmem:s3] =	stream.indirect.scatter.add.bf16 [tilespmem:s10], [sflag:$0x3], $0x20, s29, s6, $0xb8;
	[tilespmem:$0xFE60] =	vst v63  }
0x2a0: {  	_ =	swait.ge [sflag:s4], $0x3E80  }
0x2a1: {  	[sflag:s4] =	ssyncset.done $0x0  }
0x2a2: {  	s0 =	simm.s32 $0x3F0;
	[sflag:s4] =	ssyncadd.s32 $0xFFFFC180  }
0x2a3: {  	[tilespmem:s10], [sflag:$0x1] =	stream.indirect.gather [hbm4b:s8+s6], $0x20, s0, s6, $0xb8;
	[tilespmem:$0xFE60] =	vst v63  }
0x2a4: {  	_ =	swait.ge [sflag:s9], $0x3E80  }
0x2a5: {  	[sflag:s9] =	ssyncset.done $0x0  }
0x2a6: {  	s28 =	simm.s32 $0x15A8;
	[sflag:s9] =	ssyncadd.s32 $0xFFFFC180  }
0x2a7: {  	[spmem:s3] =	stream.indirect.scatter.add.bf16 [tilespmem:s7], [sflag:$0x3], $0x20, s28, s6, $0xb8;
	[tilespmem:$0xFE60] =	vst v63  }
0x2a8: {  	_ =	swait.ge [sflag:s4], $0x3E80  }
0x2a9: {  	[sflag:s4] =	ssyncset.done $0x0  }
0x2aa: {  	s26 =	simm.s32 $0x5E8;
	[sflag:s4] =	ssyncadd.s32 $0xFFFFC180  }
0x2ab: {  	[tilespmem:s7], [sflag:$0x2] =	stream.indirect.gather [hbm4b:s8+s6], $0x20, s26, s6, $0xb8;
	[tilespmem:$0xFE60] =	vst v63  }
0x2ac: {  	_ =	swait.ge [sflag:s11], $0x3E80  }
0x2ad: {  	[sflag:s11] =	ssyncset.done $0x0  }
0x2ae: {  	s25 =	simm.s32 $0x17A0;
	[sflag:s11] =	ssyncadd.s32 $0xFFFFC180  }
0x2af: {  	[spmem:s3] =	stream.indirect.scatter.add.bf16 [tilespmem:s10], [sflag:$0x3], $0x20, s25, s6, $0xb8;
	[tilespmem:$0xFE60] =	vst v63  }
0x2b0: {  	_ =	swait.ge [sflag:s4], $0x3E80  }
0x2b1: {  	[sflag:s4] =	ssyncset.done $0x0  }
0x2b2: {  	s24 =	simm.s32 $0x7E0;
	[sflag:s4] =	ssyncadd.s32 $0xFFFFC180  }
0x2b3: {  	[tilespmem:s10], [sflag:$0x1] =	stream.indirect.gather [hbm4b:s8+s6], $0x20, s24, s6, $0xb8;
	[tilespmem:$0xFE60] =	vst v63  }
0x2b4: {  	_ =	swait.ge [sflag:s9], $0x3E80  }
0x2b5: {  	[sflag:s9] =	ssyncset.done $0x0  }
0x2b6: {  	s23 =	simm.s32 $0x1998;
	[sflag:s9] =	ssyncadd.s32 $0xFFFFC180  }
0x2b7: {  	[spmem:s3] =	stream.indirect.scatter.add.bf16 [tilespmem:s7], [sflag:$0x3], $0x20, s23, s6, $0xb8;
	[tilespmem:$0xFE60] =	vst v63  }
0x2b8: {  	_ =	swait.ge [sflag:s4], $0x3E80  }
0x2b9: {  	[sflag:s4] =	ssyncset.done $0x0  }
0x2ba: {  	s22 =	simm.s32 $0x9D8;
	[sflag:s4] =	ssyncadd.s32 $0xFFFFC180  }
0x2bb: {  	[tilespmem:s7], [sflag:$0x2] =	stream.indirect.gather [hbm4b:s8+s6], $0x20, s22, s6, $0xb8;
	[tilespmem:$0xFE60] =	vst v63  }
0x2bc: {  	_ =	swait.ge [sflag:s11], $0x3E80  }
0x2bd: {  	[sflag:s11] =	ssyncset.done $0x0  }
0x2be: {  	s21 =	simm.s32 $0x1B90;
	[sflag:s11] =	ssyncadd.s32 $0xFFFFC180  }
0x2bf: {  	[spmem:s3] =	stream.indirect.scatter.add.bf16 [tilespmem:s10], [sflag:$0x3], $0x20, s21, s6, $0xb8;
	[tilespmem:$0xFE60] =	vst v63  }
0x2c0: {  	_ =	swait.ge [sflag:s4], $0x3E80  }
0x2c1: {  	[sflag:s4] =	ssyncset.done $0x0  }
0x2c2: {  	s20 =	simm.s32 $0xBD0;
	[sflag:s4] =	ssyncadd.s32 $0xFFFFC180  }
0x2c3: {  	[tilespmem:s10], [sflag:$0x1] =	stream.indirect.gather [hbm4b:s8+s6], $0x20, s20, s6, $0xb8;
	[tilespmem:$0xFE60] =	vst v63  }
0x2c4: {  	_ =	swait.ge [sflag:s9], $0x3E80  }
0x2c5: {  	[sflag:s9] =	ssyncset.done $0x0  }
0x2c6: {  	s18 =	simm.s32 $0x1D88;
	[sflag:s9] =	ssyncadd.s32 $0xFFFFC180  }
0x2c7: {  	[spmem:s3] =	stream.indirect.scatter.add.bf16 [tilespmem:s7], [sflag:$0x3], $0x20, s18, s6, $0xb8;
	[tilespmem:$0xFE60] =	vst v63  }
0x2c8: {  	_ =	swait.ge [sflag:s4], $0x3E80  }
0x2c9: {  	[sflag:s4] =	ssyncset.done $0x0  }
0x2ca: {  	s19 =	simm.s32 $0xDC8;
	[sflag:s4] =	ssyncadd.s32 $0xFFFFC180  }
0x2cb: {  	[tilespmem:s7], [sflag:$0x2] =	stream.indirect.gather [hbm4b:s8+s6], $0x20, s19, s6, $0xb8;
	[tilespmem:$0xFE60] =	vst v63  }
0x2cc: {  	_ =	swait.ge [sflag:s11], $0x3E80  }
0x2cd: {  	[sflag:s11] =	ssyncset.done $0x0  }
0x2ce: {  	s17 =	simm.s32 $0x1F80;
	[sflag:s11] =	ssyncadd.s32 $0xFFFFC180  }
0x2cf: {  	[spmem:s3] =	stream.indirect.scatter.add.bf16 [tilespmem:s10], [sflag:$0x3], $0x20, s17, s6, $0xb8;
	[tilespmem:$0xFE60] =	vst v63  }
0x2d0: {  	_ =	swait.ge [sflag:s4], $0x3E80  }
0x2d1: {  	[sflag:s4] =	ssyncset.done $0x0  }
0x2d2: {  	s16 =	simm.s32 $0xFC0;
	[sflag:s4] =	ssyncadd.s32 $0xFFFFC180  }
0x2d3: {  	[tilespmem:s10], [sflag:$0x1] =	stream.indirect.gather [hbm4b:s8+s6], $0x20, s16, s6, $0xb8;
	[tilespmem:$0xFE60] =	vst v63  }
0x2d4: {  	_ =	swait.ge [sflag:s9], $0x3E80  }
0x2d5: {  	[sflag:s9] =	ssyncset.done $0x0  }
0x2d6: {  	s15 =	simm.s32 $0x2178;
	[sflag:s9] =	ssyncadd.s32 $0xFFFFC180  }
0x2d7: {  	[spmem:s3] =	stream.indirect.scatter.add.bf16 [tilespmem:s7], [sflag:$0x3], $0x20, s15, s6, $0xb8;
	[tilespmem:$0xFE60] =	vst v63  }
0x2d8: {  	_ =	swait.ge [sflag:s4], $0x3E80  }
0x2d9: {  	[sflag:s4] =	ssyncset.done $0x0  }
0x2da: {  	s14 =	simm.s32 $0x11B8;
	[sflag:s4] =	ssyncadd.s32 $0xFFFFC180  }
0x2db: {  	[tilespmem:s7], [sflag:$0x2] =	stream.indirect.gather [hbm4b:s8+s6], $0x20, s14, s6, $0xb8;
	[tilespmem:$0xFE60] =	vst v63  }
0x2dc: {  	_ =	swait.ge [sflag:s11], $0x3E80  }
0x2dd: {  	[sflag:s11] =	ssyncset.done $0x0  }
0x2de: {  	s13 =	simm.s32 $0x2370;
	[sflag:s11] =	ssyncadd.s32 $0xFFFFC180  }
0x2df: {  	[spmem:s3] =	stream.indirect.scatter.add.bf16 [tilespmem:s10], [sflag:$0x3], $0x20, s13, s6, $0xb8;
	[tilespmem:$0xFE60] =	vst v63  }
0x2e0: {  	_ =	swait.ge [sflag:s4], $0x3E80  }
0x2e1: {  	[sflag:s4] =	ssyncset.done $0x0  }
0x2e2: {  	[sflag:s4] =	ssyncadd.s32 $0xFFFFC180  }
0x2e3: {  	_ =	swait.ge [sflag:s9], $0x3E80  }
0x2e4: {  	[sflag:s9] =	ssyncset.done $0x0  }
0x2e5: {  	s12 =	simm.s32 $0x2568;
	[sflag:s9] =	ssyncadd.s32 $0xFFFFC180  }
0x2e6: {  	[spmem:s3] =	stream.indirect.scatter.add.bf16 [tilespmem:s7], [sflag:$0x3], $0x20, s12, s6, $0xb8;
	[tilespmem:$0xFE60] =	vst v63  }
0x2e7: {  	_ =	swait.ge [sflag:s4], $0x3E80  }
0x2e8: {  	[sflag:s4] =	ssyncset.done $0x0  }
0x2e9: {  	s31 =	rddreg [dreg:$0x6];
	[sflag:s4] =	ssyncadd.s32 $0xFFFFC180  }
0x2ea: {  	[tilespmem:s2], [sflag:$0x3] =	stream.linear.gather [hbm4b:s31+s2], $0x13B0, $0x38;
	[tilespmem:$0xFE60] =	vst v63  }
0x2eb: {  	_ =	swait.ge [sflag:s4], $0x13B0  }
0x2ec: {  	[sflag:s4] =	ssyncset.done $0x0  }
0x2ed: {  	s31 =	rddreg [dreg:$0x7];
	[sflag:s4] =	ssyncadd.s32 $0xFFFFEC50  }
0x2ee: {  	[tilespmem:s29], [sflag:$0x3] =	stream.linear.gather [hbm4b:s31+s2], $0x13B0, $0x38;
	[tilespmem:$0xFE60] =	vst v63  }
0x2ef: {  	_ =	swait.ge [sflag:s4], $0x13B0  }
0x2f0: {  	[sflag:s4] =	ssyncset.done $0x0  }
0x2f1: {  	[sflag:s4] =	ssyncadd.s32 $0xFFFFEC50  }
0x2f2: {  	[tilespmem:s10], [sflag:$0x1] =	stream.indirect.gather [hbm4b:s8+s6], $0x20, s2, s6, $0xb8;
	[tilespmem:$0xFE60] =	vst v63  }
0x2f3: {  	_ = 	snop  }
0x2f4: {  	[tilespmem:s7], [sflag:$0x2] =	stream.indirect.gather [hbm4b:s8+s6], $0x20, s30, s6, $0xb8;
	[tilespmem:$0xFE60] =	vst v63  }
0x2f5: {  	_ =	swait.ge [sflag:s11], $0x3E80  }
0x2f6: {  	[sflag:s11] =	ssyncset.done $0x0  }
0x2f7: {  	[sflag:s11] =	ssyncadd.s32 $0xFFFFC180  }
0x2f8: {  	[spmem:s3] =	stream.indirect.scatter.add.bf16 [tilespmem:s10], [sflag:$0x3], $0x20, s29, s6, $0xb8;
	[tilespmem:$0xFE60] =	vst v63  }
0x2f9: {  	_ =	swait.ge [sflag:s4], $0x3E80  }
0x2fa: {  	[sflag:s4] =	ssyncset.done $0x0  }
0x2fb: {  	[sflag:s4] =	ssyncadd.s32 $0xFFFFC180  }
0x2fc: {  	[tilespmem:s10], [sflag:$0x1] =	stream.indirect.gather [hbm4b:s8+s6], $0x20, s0, s6, $0xb8;
	[tilespmem:$0xFE60] =	vst v63  }
0x2fd: {  	_ =	swait.ge [sflag:s9], $0x3E80  }
0x2fe: {  	[sflag:s9] =	ssyncset.done $0x0  }
0x2ff: {  	[sflag:s9] =	ssyncadd.s32 $0xFFFFC180  }
0x300: {  	[spmem:s3] =	stream.indirect.scatter.add.bf16 [tilespmem:s7], [sflag:$0x3], $0x20, s28, s6, $0xb8;
	[tilespmem:$0xFE60] =	vst v63  }
0x301: {  	_ =	swait.ge [sflag:s4], $0x3E80  }
0x302: {  	[sflag:s4] =	ssyncset.done $0x0  }
0x303: {  	[sflag:s4] =	ssyncadd.s32 $0xFFFFC180  }
0x304: {  	[tilespmem:s7], [sflag:$0x2] =	stream.indirect.gather [hbm4b:s8+s6], $0x20, s26, s6, $0xb8;
	[tilespmem:$0xFE60] =	vst v63  }
0x305: {  	_ =	swait.ge [sflag:s11], $0x3E80  }
0x306: {  	[sflag:s11] =	ssyncset.done $0x0  }
0x307: {  	[sflag:s11] =	ssyncadd.s32 $0xFFFFC180  }
0x308: {  	[spmem:s3] =	stream.indirect.scatter.add.bf16 [tilespmem:s10], [sflag:$0x3], $0x20, s25, s6, $0xb8;
	[tilespmem:$0xFE60] =	vst v63  }
0x309: {  	_ =	swait.ge [sflag:s4], $0x3E80  }
0x30a: {  	[sflag:s4] =	ssyncset.done $0x0  }
0x30b: {  	[sflag:s4] =	ssyncadd.s32 $0xFFFFC180  }
0x30c: {  	[tilespmem:s10], [sflag:$0x1] =	stream.indirect.gather [hbm4b:s8+s6], $0x20, s24, s6, $0xb8;
	[tilespmem:$0xFE60] =	vst v63  }
0x30d: {  	_ =	swait.ge [sflag:s9], $0x3E80  }
0x30e: {  	[sflag:s9] =	ssyncset.done $0x0  }
0x30f: {  	[sflag:s9] =	ssyncadd.s32 $0xFFFFC180  }
0x310: {  	[spmem:s3] =	stream.indirect.scatter.add.bf16 [tilespmem:s7], [sflag:$0x3], $0x20, s23, s6, $0xb8;
	[tilespmem:$0xFE60] =	vst v63  }
0x311: {  	_ =	swait.ge [sflag:s4], $0x3E80  }
0x312: {  	[sflag:s4] =	ssyncset.done $0x0  }
0x313: {  	[sflag:s4] =	ssyncadd.s32 $0xFFFFC180  }
0x314: {  	[tilespmem:s7], [sflag:$0x2] =	stream.indirect.gather [hbm4b:s8+s6], $0x20, s22, s6, $0xb8;
	[tilespmem:$0xFE60] =	vst v63  }
0x315: {  	_ =	swait.ge [sflag:s11], $0x3E80  }
0x316: {  	[sflag:s11] =	ssyncset.done $0x0  }
0x317: {  	[sflag:s11] =	ssyncadd.s32 $0xFFFFC180  }
0x318: {  	[spmem:s3] =	stream.indirect.scatter.add.bf16 [tilespmem:s10], [sflag:$0x3], $0x20, s21, s6, $0xb8;
	[tilespmem:$0xFE60] =	vst v63  }
0x319: {  	_ =	swait.ge [sflag:s4], $0x3E80  }
0x31a: {  	[sflag:s4] =	ssyncset.done $0x0  }
0x31b: {  	[sflag:s4] =	ssyncadd.s32 $0xFFFFC180  }
0x31c: {  	[tilespmem:s10], [sflag:$0x1] =	stream.indirect.gather [hbm4b:s8+s6], $0x20, s20, s6, $0xb8;
	[tilespmem:$0xFE60] =	vst v63  }
0x31d: {  	_ =	swait.ge [sflag:s9], $0x3E80  }
0x31e: {  	[sflag:s9] =	ssyncset.done $0x0  }
0x31f: {  	[sflag:s9] =	ssyncadd.s32 $0xFFFFC180  }
0x320: {  	[spmem:s3] =	stream.indirect.scatter.add.bf16 [tilespmem:s7], [sflag:$0x3], $0x20, s18, s6, $0xb8;
	[tilespmem:$0xFE60] =	vst v63  }
0x321: {  	_ =	swait.ge [sflag:s4], $0x3E80  }
0x322: {  	[sflag:s4] =	ssyncset.done $0x0  }
0x323: {  	[sflag:s4] =	ssyncadd.s32 $0xFFFFC180  }
0x324: {  	[tilespmem:s7], [sflag:$0x2] =	stream.indirect.gather [hbm4b:s8+s6], $0x20, s19, s6, $0xb8;
	[tilespmem:$0xFE60] =	vst v63  }
0x325: {  	_ =	swait.ge [sflag:s11], $0x3E80  }
0x326: {  	[sflag:s11] =	ssyncset.done $0x0  }
0x327: {  	[sflag:s11] =	ssyncadd.s32 $0xFFFFC180  }
0x328: {  	[spmem:s3] =	stream.indirect.scatter.add.bf16 [tilespmem:s10], [sflag:$0x3], $0x20, s17, s6, $0xb8;
	[tilespmem:$0xFE60] =	vst v63  }
0x329: {  	_ =	swait.ge [sflag:s4], $0x3E80  }
0x32a: {  	[sflag:s4] =	ssyncset.done $0x0  }
0x32b: {  	[sflag:s4] =	ssyncadd.s32 $0xFFFFC180  }
0x32c: {  	[tilespmem:s10], [sflag:$0x1] =	stream.indirect.gather [hbm4b:s8+s6], $0x20, s16, s6, $0xb8;
	[tilespmem:$0xFE60] =	vst v63  }
0x32d: {  	_ =	swait.ge [sflag:s9], $0x3E80  }
0x32e: {  	[sflag:s9] =	ssyncset.done $0x0  }
0x32f: {  	[sflag:s9] =	ssyncadd.s32 $0xFFFFC180  }
0x330: {  	[spmem:s3] =	stream.indirect.scatter.add.bf16 [tilespmem:s7], [sflag:$0x3], $0x20, s15, s6, $0xb8;
	[tilespmem:$0xFE60] =	vst v63  }
0x331: {  	_ =	swait.ge [sflag:s4], $0x3E80  }
0x332: {  	[sflag:s4] =	ssyncset.done $0x0  }
0x333: {  	[sflag:s4] =	ssyncadd.s32 $0xFFFFC180  }
0x334: {  	[tilespmem:s7], [sflag:$0x2] =	stream.indirect.gather [hbm4b:s8+s6], $0x20, s14, s6, $0xb8;
	[tilespmem:$0xFE60] =	vst v63  }
0x335: {  	_ =	swait.ge [sflag:s11], $0x3E80  }
0x336: {  	[sflag:s11] =	ssyncset.done $0x0  }
0x337: {  	[sflag:s11] =	ssyncadd.s32 $0xFFFFC180  }
0x338: {  	[spmem:s3] =	stream.indirect.scatter.add.bf16 [tilespmem:s10], [sflag:$0x3], $0x20, s13, s6, $0xb8;
	[tilespmem:$0xFE60] =	vst v63  }
0x339: {  	_ =	swait.ge [sflag:s4], $0x3E80  }
0x33a: {  	[sflag:s4] =	ssyncset.done $0x0  }
0x33b: {  	[sflag:s4] =	ssyncadd.s32 $0xFFFFC180  }
0x33c: {  	_ =	swait.ge [sflag:s9], $0x3E80  }
0x33d: {  	[sflag:s9] =	ssyncset.done $0x0  }
0x33e: {  	[sflag:s9] =	ssyncadd.s32 $0xFFFFC180  }
0x33f: {  	[spmem:s3] =	stream.indirect.scatter.add.bf16 [tilespmem:s7], [sflag:$0x3], $0x20, s12, s6, $0xb8;
	[tilespmem:$0xFE60] =	vst v63  }
0x340: {  	_ =	swait.ge [sflag:s4], $0x3E80  }
0x341: {  	[sflag:s4] =	ssyncset.done $0x0  }
0x342: {  	[sflag:s4] =	ssyncadd.s32 $0xFFFFC180  }
0x343: {  	[bflag:$0x0] =	sbarrier.arrive $0xFFFF  }
0x344: {  	s14 =	rddreg [dreg:$0x8]  }
0x345: {  	[tilespmem:s5], [sflag:$0x3] =	stream.linear.gather [spmem:s14], $0xA00, $0x38;
	[tilespmem:$0xFE60] =	vst v63  }
0x346: {  	_ =	swait.ge [sflag:s4], $0xA00  }
0x347: {  	[sflag:s4] =	ssyncset.done $0x0  }
0x348: {  	s15 =	rddreg [dreg:$0x11];
	[sflag:s4] =	ssyncadd.s32 $0xFFFFF600  }
0x349: {  	[hbm4b:s15+s2] =	stream.linear.scatter [tilespmem:s5], [sflag:$0x3], $0xA00, $0x38;
	[tilespmem:$0xFE60] =	vst v63  }
0x34a: {  	_ =	swait.ge [sflag:s4], $0xA00  }
0x34b: {  	[sflag:s4] =	ssyncset.done $0x0  }
0x34c: {  	s16 =	rddreg [dreg:$0x12];
	[sflag:s4] =	ssyncadd.s32 $0xFFFFF600  }
0x34d: {  	[tilespmem:s5], [sflag:$0x3] =	stream.linear.gather [spmem:s16], $0xA00, $0x38;
	[tilespmem:$0xFE60] =	vst v63  }
0x34e: {  	_ =	swait.ge [sflag:s4], $0xA00  }
0x34f: {  	[sflag:s4] =	ssyncset.done $0x0  }
0x350: {  	s17 =	rddreg [dreg:$0x13];
	[sflag:s4] =	ssyncadd.s32 $0xFFFFF600  }
0x351: {  	[hbm4b:s17+s2] =	stream.linear.scatter [tilespmem:s5], [sflag:$0x3], $0xA00, $0x38;
	[tilespmem:$0xFE60] =	vst v63  }
0x352: {  	_ =	swait.ge [sflag:s4], $0xA00  }
0x353: {  	[sflag:s4] =	ssyncset.done $0x0  }
0x354: {  	s18 =	rddreg [dreg:$0x14];
	[sflag:s4] =	ssyncadd.s32 $0xFFFFF600  }
0x355: {  	[tilespmem:s5], [sflag:$0x3] =	stream.linear.gather [spmem:s18], $0xA00, $0x38;
	[tilespmem:$0xFE60] =	vst v63  }
0x356: {  	_ =	swait.ge [sflag:s4], $0xA00  }
0x357: {  	[sflag:s4] =	ssyncset.done $0x0  }
0x358: {  	s19 =	rddreg [dreg:$0x15];
	[sflag:s4] =	ssyncadd.s32 $0xFFFFF600  }
0x359: {  	[hbm4b:s19+s2] =	stream.linear.scatter [tilespmem:s5], [sflag:$0x3], $0xA00, $0x38;
	[tilespmem:$0xFE60] =	vst v63  }
0x35a: {  	_ =	swait.ge [sflag:s4], $0xA00  }
0x35b: {  	[sflag:s4] =	ssyncset.done $0x0  }
0x35c: {  	s20 =	rddreg [dreg:$0x16];
	[sflag:s4] =	ssyncadd.s32 $0xFFFFF600  }
0x35d: {  	[tilespmem:s5], [sflag:$0x3] =	stream.linear.gather [spmem:s20], $0xA00, $0x38;
	[tilespmem:$0xFE60] =	vst v63  }
0x35e: {  	_ =	swait.ge [sflag:s4], $0xA00  }
0x35f: {  	[sflag:s4] =	ssyncset.done $0x0  }
0x360: {  	s21 =	rddreg [dreg:$0x17];
	[sflag:s4] =	ssyncadd.s32 $0xFFFFF600  }
0x361: {  	[hbm4b:s21+s2] =	stream.linear.scatter [tilespmem:s5], [sflag:$0x3], $0xA00, $0x38;
	[tilespmem:$0xFE60] =	vst v63  }
0x362: {  	_ =	swait.ge [sflag:s4], $0xA00  }
0x363: {  	[sflag:s4] =	ssyncset.done $0x0  }
0x364: {  	s22 =	rddreg [dreg:$0x18];
	[sflag:s4] =	ssyncadd.s32 $0xFFFFF600  }
0x365: {  	[tilespmem:s5], [sflag:$0x3] =	stream.linear.gather [spmem:s22], $0xA00, $0x38;
	[tilespmem:$0xFE60] =	vst v63  }
0x366: {  	_ =	swait.ge [sflag:s4], $0xA00  }
0x367: {  	[sflag:s4] =	ssyncset.done $0x0  }
0x368: {  	s23 =	rddreg [dreg:$0x19];
	[sflag:s4] =	ssyncadd.s32 $0xFFFFF600  }
0x369: {  	[hbm4b:s23+s2] =	stream.linear.scatter [tilespmem:s5], [sflag:$0x3], $0xA00, $0x38;
	[tilespmem:$0xFE60] =	vst v63  }
0x36a: {  	_ =	swait.ge [sflag:s4], $0xA00  }
0x36b: {  	[sflag:s4] =	ssyncset.done $0x0  }
0x36c: {  	s24 =	rddreg [dreg:$0x1a];
	[sflag:s4] =	ssyncadd.s32 $0xFFFFF600  }
0x36d: {  	[tilespmem:s5], [sflag:$0x3] =	stream.linear.gather [spmem:s24], $0xA00, $0x38;
	[tilespmem:$0xFE60] =	vst v63  }
0x36e: {  	_ =	swait.ge [sflag:s4], $0xA00  }
0x36f: {  	[sflag:s4] =	ssyncset.done $0x0  }
0x370: {  	s25 =	rddreg [dreg:$0x1b];
	[sflag:s4] =	ssyncadd.s32 $0xFFFFF600  }
0x371: {  	[hbm4b:s25+s2] =	stream.linear.scatter [tilespmem:s5], [sflag:$0x3], $0xA00, $0x38;
	[tilespmem:$0xFE60] =	vst v63  }
0x372: {  	_ =	swait.ge [sflag:s4], $0xA00  }
0x373: {  	[sflag:s4] =	ssyncset.done $0x0  }
0x374: {  	s26 =	rddreg [dreg:$0x1c];
	[sflag:s4] =	ssyncadd.s32 $0xFFFFF600  }
0x375: {  	[tilespmem:s5], [sflag:$0x3] =	stream.linear.gather [spmem:s26], $0xA00, $0x38;
	[tilespmem:$0xFE60] =	vst v63  }
0x376: {  	_ =	swait.ge [sflag:s4], $0xA00  }
0x377: {  	[sflag:s4] =	ssyncset.done $0x0  }
0x378: {  	s28 =	rddreg [dreg:$0x1d];
	[sflag:s4] =	ssyncadd.s32 $0xFFFFF600  }
0x379: {  	[hbm4b:s28+s2] =	stream.linear.scatter [tilespmem:s5], [sflag:$0x3], $0xA00, $0x38;
	[tilespmem:$0xFE60] =	vst v63  }
0x37a: {  	_ =	swait.ge [sflag:s4], $0xA00  }
0x37b: {  	[sflag:s4] =	ssyncset.done $0x0  }
0x37c: {  	s29 =	rddreg [dreg:$0x1e];
	[sflag:s4] =	ssyncadd.s32 $0xFFFFF600  }
0x37d: {  	[tilespmem:s5], [sflag:$0x3] =	stream.linear.gather [spmem:s29], $0xA00, $0x38;
	[tilespmem:$0xFE60] =	vst v63  }
0x37e: {  	_ =	swait.ge [sflag:s4], $0xA00  }
0x37f: {  	[sflag:s4] =	ssyncset.done $0x0  }
0x380: {  	s30 =	rddreg [dreg:$0x1f];
	[sflag:s4] =	ssyncadd.s32 $0xFFFFF600  }
0x381: {  	[hbm4b:s30+s2] =	stream.linear.scatter [tilespmem:s5], [sflag:$0x3], $0xA00, $0x38;
	[tilespmem:$0xFE60] =	vst v63  }
0x382: {  	_ =	swait.ge [sflag:s4], $0xA00  }
0x383: {  	[sflag:s4] =	ssyncset.done $0x0  }
0x384: {  	[sflag:s4] =	ssyncadd.s32 $0xFFFFF600  }
0x385: {  	_ =	sfence.sel $0x180000  }
0x386: {  	[bflag:$0x0] =	sbarrier.arrive $0xFFFF  }
0x387: {  	_ =	strace $0x9000004D  }
0x388: {  	s31 =	stileid.u32;
	[bflag:$0x2] =	sbarrier.arrive $0xFFFF  }
0x389: {  	p0 =	sne.s32 s31, $0x0;
	s0 =	rddreg [dreg:$0x3]  }
0x38a: {  	s0 =	sadd.s32 @!p0 $0x100000, s0  }
0x38b: {  	[sflag:s0] =	ssyncadd.tile.s32 @!p0 $0x1;
	_ =	shalt  }
.LBB2_1:
.Ltmp3:
0x38c: {  	(pc) =	sbr.rel .LBB2_6-.Ltmp3, $2  }
0x38d: {  	_ =	sdelay $0x2  }
0x38e: {  	s28 =	sld [smem:$0x7FD]  }
.LBB2_3:
.Ltmp4:
0x38f: {  	(pc) =	sbr.rel .LBB2_6-.Ltmp4, $2  }
0x390: {  	_ =	sdelay $0x2  }
0x391: {  	s28 =	sld [smem:$0x7FD]  }
.Lfunc_end2:
_tile_overlayer_lowered:
.L_overlay_start_2:
0x392: {  	(tag) =	ssettag $0x2  }
0x393: {  	s0 =	rddreg [dreg:$0x0];
	s2 =	stileid.u32  }
0x394: {  	s1 =	rddreg [dreg:$0x1];
	p0 =	sne.s32 s2, $0x0  }
0x395: {  	s3 =	rddreg [dreg:$0x2];
	[bflag:$0x3] =	sbarrier.arrive $0xFFFF;
	s2 =	simm.s32 @!p0 $0x1C03  }
0x396: {  	[timem:s3], [sflag:s2] =	dma.local @!p0 [hbm:s0], s1  }
0x397: {  	s0 =	simm.s32 @!p0 $0x3  }
0x398: {  	_ =	swait.ge @!p0 [sflag:s0], s1  }
0x399: {  	s1 =	ssub.s32 @!p0 $0x0, s1;
	[sflag:s0] =	ssyncset.done @!p0 $0x0  }
0x39a: {  	[sflag:s0] =	ssyncadd.s32 @!p0 s1  }
0x39b: {  	[bflag:$0x3] =	sbarrier.arrive $0xFFFF  }
0x39c: {  	_ =	shalt  }

// kernel: kernel.8.cloned.1.call-start
scs
__scs_entry_jumppad:
0x0: {  	(pc) =	sbr.rel $0x88, $3  }
0x1: {  	(tag) =	ssettag $0x0;
	lr =	simm.s32 $0x1  }
0x2: {  	[smem:$0x3F9B] =	sst lr;
	_ =	strace $0xD0000000  }
0x3: {  	_ = 	snop  }
0x4: {  	_ = 	snop  }
0x5: {  	_ = 	snop  }
0x6: {  	_ = 	snop  }
0x7: {  	_ = 	snop  }
__scs_overlays_trampoline_lowered:
0x8: {  	[smem:$0x3FAA] =	sst s0  }
0x9: {  	[smem:$0x3FAB] =	sst s1  }
0xa: {  	[smem:$0x3FAC] =	sst s2  }
0xb: {  	[smem:$0x3FAD] =	sst s3  }
0xc: {  	[smem:$0x3FAE] =	sst s4  }
0xd: {  	[smem:$0x3FAF] =	sst s5  }
0xe: {  	[smem:$0x3FB0] =	sst s6  }
0xf: {  	[smem:$0x3FB1] =	sst s7  }
0x10: {  	[smem:$0x3FB2] =	sst s8  }
0x11: {  	[smem:$0x3FB3] =	sst s9;
	s0 =	simm.s32 @!p0 $0x0  }
0x12: {  	s1 =	sld [smem:$0x3F99];
	s0 =	simm.s32 @p0 $0x1  }
0x13: {  	[smem:$0x3FB4] =	sst s0;
	s0 =	simm.s32 @!p1 $0x0  }
0x14: {  	s2 =	sld [smem:$0x3F98];
	s0 =	simm.s32 @p1 $0x1  }
0x15: {  	[smem:$0x3FB5] =	sst s0;
	s0 =	simm.s32 @!p2 $0x0  }
0x16: {  	s3 =	sld [smem:$0x3FDB];
	s0 =	simm.s32 @p2 $0x1  }
0x17: {  	s4 =	simm.s32 $0x1BF5;
	[smem:$0x3FB7] =	sst s0  }
0x18: {  	s0 =	sld [smem:$0x3F9A];
	_ =	swait.ge [sflag:s4], $0x0  }
0x19: {  	s7 =	sld [smem:$0x3F9B]  }
0x1a: {  	s8 =	sadd.s32 $0xFFFFE003, lr  }
0x1b: {  	s9 =	sadd.s32 $0xFFFFFEF7, lr;
	s5 =	simm.s32 $0xFFFFFFFF;
	p2 =	slt.u32 s8, $0xFFFFF086  }
0x1c: {  	p1 =	slt.u32 s9, $0xF7A;
	s5 =	simm.s32 @!p2 $0x0  }
0x1d: {  	s5 =	simm.s32 @p1 $0x1;
	p0 =	seq.s32 s7, s2  }
0x1e: {  	s7 =	smul.u32 @!p0 $0xF7A, s2;
	p2 =	seq.s32 @!p0 s5, $0x0  }
0x1f: {  	s9 =	smul.u32 $0xF7A, s1;
	s8 =	simm.s32 @!p0 $0x1BF5;
	p2 =	por !p2, p0  }
0x20: {  	[sflag:s8] =	ssyncset.s32 @!p0 $0xFFFFF086;
	s6 =	sadd.s32 @!p0 s3, s7;
	s7 =	simm.s32 @!p0 $0x108  }
0x21: {  	s3 =	sadd.s32 s3, s9;
	s6 =	sadd.s32 @!p0 $0x88, s6;
	s7 =	simm.s32 @p2 $0x1082  }
0x22: {  	[simem:s7], [sflag:s8] =	dma.local @!p0 [hbm:s6], $0xF7A  }
0x23: {  	s9 =	sor.u32 $0xD0000000, s2;
	s6 =	simm.s32 $0x108;
	_ =	swait.ge @!p0 [sflag:s8], $0x0  }
0x24: {  	s3 =	sadd.s32 $0x88, s3;
	s6 =	simm.s32 @!p1 $0x1082;
	[sflag:s4] =	ssyncset.s32 $0xFFFFF086  }
0x25: {  	[simem:s6], [sflag:s4] =	dma.local [hbm:s3], $0xF7A  }
0x26: {  	[smem:$0x3F9B] =	sst s1;
	(tag) =	ssettag s2;
	_ =	strace s9  }
0x27: {  	s1 =	sld [smem:$0x3FAB]  }
0x28: {  	s2 =	sld [smem:$0x3FAC]  }
0x29: {  	s4 =	sld [smem:$0x3FAE]  }
0x2a: {  	p0 =	seq.s32 s5, $0x0;
	s5 =	sld [smem:$0x3FAF]  }
0x2b: {  	s6 =	sld [smem:$0x3FB0]  }
0x2c: {  	s7 =	sld [smem:$0x3FB1]  }
0x2d: {  	s3 =	simm.s32 $0x108;
	s8 =	sld [smem:$0x3FB2]  }
0x2e: {  	s3 =	simm.s32 @!p0 $0x1082;
	s9 =	sld [smem:$0x3FB3]  }
0x2f: {  	lr =	sadd.s32 s0, s3;
	s0 =	sld [smem:$0x3FAA]  }
0x30: {  	s3 =	sld [smem:$0x3FAD]  }
0x31: {  	[smem:$0x3FB6] =	sst s10  }
0x32: {  	s10 =	sld [smem:$0x3FB4];
	_ =	sdelay $0x3  }
0x33: {  	p0 =	seq.s32 s10, $0x1;
	s10 =	sld [smem:$0x3FB6];
	_ =	sdelay $0x3  }
0x34: {  	[smem:$0x3FB6] =	sst s10  }
0x35: {  	s10 =	sld [smem:$0x3FB5];
	_ =	sdelay $0x3  }
0x36: {  	p1 =	seq.s32 s10, $0x1;
	s10 =	sld [smem:$0x3FB6];
	_ =	sdelay $0x3  }
0x37: {  	[smem:$0x3FB6] =	sst s10  }
0x38: {  	s10 =	sld [smem:$0x3FB7]  }
0x39: {  	_ = 	snop;
	(pc) =	sbr.ind lr, $3  }
0x3a: {  	_ = 	snop  }
0x3b: {  	_ = 	snop  }
0x3c: {  	p2 =	seq.s32 s10, $0x1;
	s10 =	sld [smem:$0x3FB6]  }
0x3d: {  	_ =	shalt  }
0x3e: {  	_ =	shalt  }
0x3f: {  	_ =	shalt  }
0x40: {  	_ =	shalt  }
0x41: {  	_ =	shalt  }
0x42: {  	_ =	shalt  }
0x43: {  	_ =	shalt  }
0x44: {  	_ =	shalt  }
0x45: {  	_ =	shalt  }
0x46: {  	_ =	shalt  }
0x47: {  	_ =	shalt  }
0x48: {  	_ =	shalt  }
0x49: {  	_ =	shalt  }
0x4a: {  	_ =	shalt  }
0x4b: {  	_ =	shalt  }
0x4c: {  	_ =	shalt  }
0x4d: {  	_ =	shalt  }
0x4e: {  	_ =	shalt  }
0x4f: {  	_ =	shalt  }
0x50: {  	_ =	shalt  }
0x51: {  	_ =	shalt  }
0x52: {  	_ =	shalt  }
0x53: {  	_ =	shalt  }
0x54: {  	_ =	shalt  }
0x55: {  	_ =	shalt  }
0x56: {  	_ =	shalt  }
0x57: {  	_ =	shalt  }
0x58: {  	_ =	shalt  }
0x59: {  	_ =	shalt  }
0x5a: {  	_ =	shalt  }
0x5b: {  	_ =	shalt  }
0x5c: {  	_ =	shalt  }
0x5d: {  	_ =	shalt  }
0x5e: {  	_ =	shalt  }
0x5f: {  	_ =	shalt  }
0x60: {  	_ =	shalt  }
0x61: {  	_ =	shalt  }
0x62: {  	_ =	shalt  }
0x63: {  	_ =	shalt  }
0x64: {  	_ =	shalt  }
0x65: {  	_ =	shalt  }
0x66: {  	_ =	shalt  }
0x67: {  	_ =	shalt  }
0x68: {  	_ =	shalt  }
0x69: {  	_ =	shalt  }
0x6a: {  	_ =	shalt  }
0x6b: {  	_ =	shalt  }
0x6c: {  	_ =	shalt  }
0x6d: {  	_ =	shalt  }
0x6e: {  	_ =	shalt  }
0x6f: {  	_ =	shalt  }
0x70: {  	_ =	shalt  }
0x71: {  	_ =	shalt  }
0x72: {  	_ =	shalt  }
0x73: {  	_ =	shalt  }
0x74: {  	_ =	shalt  }
0x75: {  	_ =	shalt  }
0x76: {  	_ =	shalt  }
0x77: {  	_ =	shalt  }
0x78: {  	_ =	shalt  }
0x79: {  	_ =	shalt  }
0x7a: {  	_ =	shalt  }
0x7b: {  	_ =	shalt  }
0x7c: {  	_ =	shalt  }
0x7d: {  	_ =	shalt  }
0x7e: {  	_ =	shalt  }
0x7f: {  	_ =	shalt  }
0x80: {  	_ =	shalt  }
0x81: {  	_ =	shalt  }
0x82: {  	_ =	shalt  }
0x83: {  	_ =	shalt  }
0x84: {  	_ =	shalt  }
0x85: {  	_ =	shalt  }
0x86: {  	_ =	shalt  }
0x87: {  	_ =	shalt  }
.Lfunc_end0:
.L_simem_size_0:
called_computation_lowered:
.L_overlay_start_0:
0x88: {  	s2 =	sld [smem:$0x3FD9]  }
0x89: {  	s3 =	sld [smem:$0x3FFE];
	_ =	sdelay $0x1  }
0x8a: {  	s1 =	srdreg.scid  }
0x8b: {  	s0 =	sand.u32 $0x1, s1  }
0x8c: {  	s17 =	sshll.u32 s0, $0xA;
	s2 =	sadd.s32 s3, s2  }
0x8d: {  	s2 =	sadd.s32 s2, s17  }
0x8e: {  	[smem:$0x3FC2] =	sst s2  }
0x8f: {  	_ = 	snop  }
0x90: {  	s2 =	sld [smem:$0x3FD0];
	(tm) =	ssettm $0x1  }
0x91: {  	s18 =	sld [smem:$0x3FFB];
	_ =	sdelay $0x3  }
0x92: {  	_ =	strace s18  }
0x93: {  	s3 =	sld [smem:$0x3FFC];
	_ =	sdelay $0x3  }
0x94: {  	_ =	strace s3  }
0x95: {  	s3 =	sld [smem:$0x3FFD];
	_ =	sdelay $0x3  }
0x96: {  	_ =	strace s3  }
0x97: {  	_ =	strace $0x8FFFFFFF  }
0x98: {  	s19 =	sld [smem:$0x3FDB];
	_ =	sdelay $0x1  }
0x99: {  	s4 =	simm.s32 $_scs_section_size  }
0x9a: {  	s5 =	simm.s32 $_size__tile_overlayer_lowered;
	s6 =	simm.s32 $_tile_overlayer_lowered  }
0x9b: {  	s22 =	simm.s32 $0x1BFF;
	s21 =	sshll.u32 s6, $0x1;
	s3 =	sadd.s32 s4, s19  }
0x9c: {  	s7 =	simm.s32 $0x0;
	s20 =	sshll.u32 s5, $0x1;
	s5 =	sadd.s32 s21, s3  }
0x9d: {  	[timem:s7], [sflag:s22] =	dma.local [hbm:s5], s20  }
0x9e: {  	_ =	swait.ge [sflag:s22], s20  }
0x9f: {  	s4 =	ssub.s32 $0x0, s20;
	[sflag:s22] =	ssyncset.done $0x0  }
0xa0: {  	[sflag:s22] =	ssyncadd.s32 s4;
	_ =	sdelay $0x1  }
0xa1: {  	s23 =	simm.s32 $0x1B8B  }
0xa2: {  	_ =	swait.ge [sflag:s23], $0x1  }
0xa3: {  	[sflag:s23] =	ssyncset.done $0x0  }
0xa4: {  	s25 =	simm.s32 $0x1B8E;
	s24 =	sld [smem:$0x3FFE];
	[sflag:s23] =	ssyncadd.s32 $0xFFFFFFFF  }
0xa5: {  	s26 =	simm.s32 $execute0_lowered;
	[smem:$0x3FD2] =	sst s25  }
0xa6: {  	s5 =	sshll.u32 s26, $0x1;
	_ =	strace $0x80000046;
	[dreg:$0x1] =	wrdreg $0xFFFFFFFF  }
0xa7: {  	s28 =	simm.s32 $_size_execute0_lowered;
	s3 =	sadd.s32 s3, s5;
	[dreg:$0x0] =	wrdreg $0x0  }
0xa8: {  	s5 =	sshll.u32 s28, $0x1;
	[dreg:$0x2] =	wrdreg s3  }
0xa9: {  	[dreg:$0x3] =	wrdreg s5  }
0xaa: {  	[dreg:$0x4] =	wrdreg $0xC0  }
0xab: {  	_ =	task [dreg:s7], $0x5FFFF  }
0xac: {  	[dreg:$0x1] =	wrdreg $0xFFFFFFFF  }
0xad: {  	[dreg:$0x0] =	wrdreg $0x60  }
0xae: {  	[dreg:$0x2] =	wrdreg s2  }
0xaf: {  	[dreg:$0x3] =	wrdreg s24  }
0xb0: {  	[dreg:$0x4] =	wrdreg $0x39800  }
0xb1: {  	[dreg:$0x5] =	wrdreg $0x9  }
0xb2: {  	_ =	task.clear_ibuf [dreg:s7], $0x6FFFF;
	_ =	strace $0x90000046  }
0xb3: {  	s29 =	simm.s32 $0x9;
	_ =	strace $0x80000048  }
0xb4: {  	_ =	swait.ge [sflag:s29], $0x1  }
0xb5: {  	[sflag:s29] =	ssyncadd.s32 $0xFFFFFFFF  }
0xb6: {  	_ =	strace $0x90000048  }
0xb7: {  	_ =	sfence  }
0xb8: {  	s30 =	sld [smem:$0x0];
	_ =	sdelay $0x2  }
0xb9: {  	s31 =	sshll.u32 s1, $0xD;
	s1 =	sshrl.u32 s1, $0x2  }
0xba: {  	s3 =	sand.u32 $0x4000, s31;
	s1 =	sadd.s32 s1, s30  }
0xbb: {  	s0 =	sor.u32 s3, s0;
	s1 =	sshll.u32 s1, $0x11  }
0xbc: {  	s0 =	sor.u32 s1, s0  }
0xbd: {  	s0 =	sadd.s32 $0x8F2B, s0  }
0xbe: {  	[sflag:s0] =	ssyncadd.remote.s32 $0x1  }
0xbf: {  	_ =	sfence.sel $0xFFFF  }
0xc0: {  	[dreg:$0x0] =	wrdreg $0xFFFFFFFF;
	(pc) =	sbr.abs _section_cstart, $3  }
0xc1: {  	[dreg:$0x1] =	wrdreg $0xFFFFFFFF  }
0xc2: {  	_ =	task.clear_ibuf [dreg:s7], $0x2FFFF;
	_ =	strace $0x9FFFFFFF  }
0xc3: {  	(tm) =	ssettm $0x7FFFFFFF  }
tec
execute0_lowered:
.L_overlay_start_1:
0x0: {  	(tag) =	ssettag $0x1  }
0x1: {  	s4 =	rddreg [dreg:$0x0]  }
0x2: {  	s5 =	rddreg [dreg:$0x1]  }
0x3: {  	s0 =	srdreg.scid;
	s2 =	rddreg [dreg:$0x2];
	s3 =	simm.s32 $0x0  }
0x4: {  	s1 =	stileid.u32;
	[smem:$0x7FF] =	sst s3;
	s7 =	sadd.s32 $0x1E00, s5  }
0x5: {  	s13 =	sadd.s32 $0x2000, s5;
	_ =	strace $0x80000047;
	[dreg:$0x4] =	wrdreg s7  }
0x6: {  	s23 =	simm.s32 $0x1F8;
	s0 =	sand.u32 $0x1, s0;
	[dreg:$0x5] =	wrdreg s13  }
0x7: {  	s24 =	simm.s32 $0x3F0;
	s8 =	smul.u32 $0x2800, s0;
	[dreg:$0xf] =	wrdreg s23  }
0x8: {  	s25 =	simm.s32 $0x5E8;
	s14 =	smul.u32 $0x280, s1;
	[dreg:$0x10] =	wrdreg s24  }
0x9: {  	s6 =	sshll.u32 s0, $0x4;
	[dreg:$0x11] =	wrdreg s25;
	s5 =	sadd.s32 s8, s5  }
0xa: {  	s6 =	sor.u32 s1, s6;
	s7 =	sor.u32 $0x50, s14;
	s5 =	sadd.s32 $0x2200, s5  }
0xb: {  	s9 =	sadd.s32 $0xA0, s14;
	s26 =	rddreg [dreg:$0x5];
	s15 =	sadd.s32 s14, s5  }
0xc: {  	s10 =	sadd.s32 $0xF0, s14;
	s16 =	sadd.s32 s7, s5;
	[dreg:$0x7] =	wrdreg s15  }
0xd: {  	s11 =	sadd.s32 $0x140, s14;
	s17 =	sadd.s32 s9, s5;
	[dreg:$0x8] =	wrdreg s16  }
0xe: {  	s12 =	sadd.s32 $0x190, s14;
	s18 =	sadd.s32 s10, s5;
	[dreg:$0x9] =	wrdreg s17  }
0xf: {  	s13 =	sadd.s32 $0x1E0, s14;
	s19 =	sadd.s32 s11, s5;
	[dreg:$0xa] =	wrdreg s18  }
0x10: {  	s6 =	smul.u32 $0x2760, s6;
	s20 =	sadd.s32 s12, s5;
	[dreg:$0xb] =	wrdreg s19  }
0x11: {  	s14 =	sadd.s32 $0x230, s14;
	s21 =	sadd.s32 s13, s5;
	[dreg:$0xc] =	wrdreg s20  }
0x12: {  	s6 =	sshrl.u32 s6, $0x3;
	[dreg:$0xd] =	wrdreg s21;
	s22 =	sadd.s32 s14, s5  }
0x13: {  	s4 =	sadd.s32 s4, s6;
	s15 =	simm.s32 $0x7E0;
	[dreg:$0xe] =	wrdreg s22  }
0x14: {  	s5 =	simm.s32 $0x3700;
	s4 =	sadd.s32 $0x9D80, s4;
	[dreg:$0x12] =	wrdreg s15  }
0x15: {  	[tilespmem:s5], [sflag:$0x1] =	stream.linear.gather [hbm4b:s26+s3], $0x280, $0x38;
	[tilespmem:$0x4D80] =	vst v63  }
0x16: {  	s1 =	smul.u32 $0x5000, s1;
	[dreg:$0x6] =	wrdreg s4;
	s4 =	simm.s32 $0x1  }
0x17: {  	_ =	swait.ge [sflag:s4], $0x280  }
0x18: {  	s15 =	sshrl.u32 s1, $0x2;
	[sflag:s4] =	ssyncset.done $0x0  }
0x19: {  	s6 =	sadd.s32 s15, s2;
	[sflag:s4] =	ssyncadd.s32 $0xFFFFFD80  }
0x1a: {  	[spmem:s6] =	stream.linear.scatter [tilespmem:s5], [sflag:$0x1], $0x280, $0x38;
	[tilespmem:$0x4D80] =	vst v63  }
0x1b: {  	_ =	swait.ge [sflag:s4], $0x280  }
0x1c: {  	s7 =	sshll.u32 s7, $0x3;
	[sflag:s4] =	ssyncset.done $0x0  }
0x1d: {  	s7 =	sadd.s32 s7, s2;
	[sflag:s4] =	ssyncadd.s32 $0xFFFFFD80  }
0x1e: {  	[spmem:s7] =	stream.linear.scatter [tilespmem:s5], [sflag:$0x1], $0x280, $0x38;
	[tilespmem:$0x4D80] =	vst v63  }
0x1f: {  	_ =	swait.ge [sflag:s4], $0x280  }
0x20: {  	s16 =	sshll.u32 s9, $0x3;
	[sflag:s4] =	ssyncset.done $0x0  }
0x21: {  	s8 =	sadd.s32 s16, s2;
	[sflag:s4] =	ssyncadd.s32 $0xFFFFFD80  }
0x22: {  	[spmem:s8] =	stream.linear.scatter [tilespmem:s5], [sflag:$0x1], $0x280, $0x38;
	[tilespmem:$0x4D80] =	vst v63  }
0x23: {  	_ =	swait.ge [sflag:s4], $0x280  }
0x24: {  	s17 =	sshll.u32 s10, $0x3;
	[sflag:s4] =	ssyncset.done $0x0  }
0x25: {  	s9 =	sadd.s32 s17, s2;
	[sflag:s4] =	ssyncadd.s32 $0xFFFFFD80  }
0x26: {  	[spmem:s9] =	stream.linear.scatter [tilespmem:s5], [sflag:$0x1], $0x280, $0x38;
	[tilespmem:$0x4D80] =	vst v63  }
0x27: {  	_ =	swait.ge [sflag:s4], $0x280  }
0x28: {  	s18 =	sshll.u32 s11, $0x3;
	[sflag:s4] =	ssyncset.done $0x0  }
0x29: {  	s10 =	sadd.s32 s18, s2;
	[sflag:s4] =	ssyncadd.s32 $0xFFFFFD80  }
0x2a: {  	[spmem:s10] =	stream.linear.scatter [tilespmem:s5], [sflag:$0x1], $0x280, $0x38;
	[tilespmem:$0x4D80] =	vst v63  }
0x2b: {  	_ =	swait.ge [sflag:s4], $0x280  }
0x2c: {  	s19 =	sshll.u32 s12, $0x3;
	[sflag:s4] =	ssyncset.done $0x0  }
0x2d: {  	s11 =	sadd.s32 s19, s2;
	[sflag:s4] =	ssyncadd.s32 $0xFFFFFD80  }
0x2e: {  	[spmem:s11] =	stream.linear.scatter [tilespmem:s5], [sflag:$0x1], $0x280, $0x38;
	[tilespmem:$0x4D80] =	vst v63  }
0x2f: {  	_ =	swait.ge [sflag:s4], $0x280  }
0x30: {  	s20 =	sshll.u32 s13, $0x3;
	[sflag:s4] =	ssyncset.done $0x0  }
0x31: {  	s12 =	sadd.s32 s20, s2;
	[sflag:s4] =	ssyncadd.s32 $0xFFFFFD80  }
0x32: {  	[spmem:s12] =	stream.linear.scatter [tilespmem:s5], [sflag:$0x1], $0x280, $0x38;
	[tilespmem:$0x4D80] =	vst v63  }
0x33: {  	_ =	swait.ge [sflag:s4], $0x280  }
0x34: {  	s21 =	sshll.u32 s14, $0x3;
	[sflag:s4] =	ssyncset.done $0x0  }
0x35: {  	s13 =	sadd.s32 s21, s2;
	[sflag:s4] =	ssyncadd.s32 $0xFFFFFD80  }
0x36: {  	[spmem:s13] =	stream.linear.scatter [tilespmem:s5], [sflag:$0x1], $0x280, $0x38;
	[tilespmem:$0x4D80] =	vst v63  }
0x37: {  	_ =	swait.ge [sflag:s4], $0x280  }
0x38: {  	[sflag:s4] =	ssyncset.done $0x0  }
0x39: {  	s14 =	simm.s32 $0x2760;
	s22 =	rddreg [dreg:$0x4];
	[sflag:s4] =	ssyncadd.s32 $0xFFFFFD80  }
0x3a: {  	[tilespmem:s14], [sflag:$0x1] =	stream.linear.gather [hbm4b:s22+s3], $0xFA0, $0x38;
	[tilespmem:$0x4D80] =	vst v63  }
0x3b: {  	_ =	swait.ge [sflag:s4], $0xFA0  }
0x3c: {  	[sflag:s4] =	ssyncset.done $0x0  }
0x3d: {  	s23 =	rddreg [dreg:$0x6];
	[sflag:s4] =	ssyncadd.s32 $0xFFFFF060  }
0x3e: {  	[tilespmem:s3], [sflag:$0x1] =	stream.linear.gather [hbm4b:s23+s3], $0x2760, $0x38;
	[tilespmem:$0x4D80] =	vst v63  }
0x3f: {  	_ =	swait.ge [sflag:s4], $0x2760  }
0x40: {  	[sflag:s4] =	ssyncset.done $0x0  }
0x41: {  	[sflag:s4] =	ssyncadd.s32 $0xFFFFD8A0  }
0x42: {  	s15 =	simm.s32 $0x1F4;
	[bflag:$0x0] =	sbarrier.arrive $0xFFFF  }
0x43: {  	[spmem:s2] =	stream.indirect.scatter.add.f32 [tilespmem:s14], [sflag:$0x1], $0x8, s3, s15, $0xb8;
	[tilespmem:$0x4D80] =	vst v63  }
0x44: {  	_ =	swait.ge [sflag:s4], $0xFA0  }
0x45: {  	[sflag:s4] =	ssyncset.done $0x0  }
0x46: {  	s16 =	rddreg [dreg:$0xf];
	[sflag:s4] =	ssyncadd.s32 $0xFFFFF060  }
0x47: {  	[spmem:s2] =	stream.indirect.scatter.add.f32 [tilespmem:s14], [sflag:$0x1], $0x8, s16, s15, $0xb8;
	[tilespmem:$0x4D80] =	vst v63  }
0x48: {  	_ =	swait.ge [sflag:s4], $0xFA0  }
0x49: {  	[sflag:s4] =	ssyncset.done $0x0  }
0x4a: {  	s24 =	rddreg [dreg:$0x10];
	[sflag:s4] =	ssyncadd.s32 $0xFFFFF060  }
0x4b: {  	[spmem:s2] =	stream.indirect.scatter.add.f32 [tilespmem:s14], [sflag:$0x1], $0x8, s24, s15, $0xb8;
	[tilespmem:$0x4D80] =	vst v63  }
0x4c: {  	_ =	swait.ge [sflag:s4], $0xFA0  }
0x4d: {  	[sflag:s4] =	ssyncset.done $0x0  }
0x4e: {  	s25 =	rddreg [dreg:$0x11];
	[sflag:s4] =	ssyncadd.s32 $0xFFFFF060  }
0x4f: {  	[spmem:s2] =	stream.indirect.scatter.add.f32 [tilespmem:s14], [sflag:$0x1], $0x8, s25, s15, $0xb8;
	[tilespmem:$0x4D80] =	vst v63  }
0x50: {  	_ =	swait.ge [sflag:s4], $0xFA0  }
0x51: {  	[sflag:s4] =	ssyncset.done $0x0  }
0x52: {  	s26 =	rddreg [dreg:$0x12];
	[sflag:s4] =	ssyncadd.s32 $0xFFFFF060  }
0x53: {  	[spmem:s2] =	stream.indirect.scatter.add.f32 [tilespmem:s14], [sflag:$0x1], $0x8, s26, s15, $0xb8;
	[tilespmem:$0x4D80] =	vst v63  }
0x54: {  	_ =	swait.ge [sflag:s4], $0xFA0  }
0x55: {  	[sflag:s4] =	ssyncset.done $0x0  }
0x56: {  	s16 =	simm.s32 $0x9D8;
	[sflag:s4] =	ssyncadd.s32 $0xFFFFF060  }
0x57: {  	[spmem:s2] =	stream.indirect.scatter.add.f32 [tilespmem:s14], [sflag:$0x1], $0x8, s16, s15, $0xb8;
	[tilespmem:$0x4D80] =	vst v63  }
0x58: {  	_ =	swait.ge [sflag:s4], $0xFA0  }
0x59: {  	[sflag:s4] =	ssyncset.done $0x0  }
0x5a: {  	s17 =	simm.s32 $0xBD0;
	[sflag:s4] =	ssyncadd.s32 $0xFFFFF060  }
0x5b: {  	[spmem:s2] =	stream.indirect.scatter.add.f32 [tilespmem:s14], [sflag:$0x1], $0x8, s17, s15, $0xb8;
	[tilespmem:$0x4D80] =	vst v63  }
0x5c: {  	_ =	swait.ge [sflag:s4], $0xFA0  }
0x5d: {  	[sflag:s4] =	ssyncset.done $0x0  }
0x5e: {  	s18 =	simm.s32 $0xDC8;
	[sflag:s4] =	ssyncadd.s32 $0xFFFFF060  }
0x5f: {  	[spmem:s2] =	stream.indirect.scatter.add.f32 [tilespmem:s14], [sflag:$0x1], $0x8, s18, s15, $0xb8;
	[tilespmem:$0x4D80] =	vst v63  }
0x60: {  	_ =	swait.ge [sflag:s4], $0xFA0  }
0x61: {  	[sflag:s4] =	ssyncset.done $0x0  }
0x62: {  	s19 =	simm.s32 $0xFC0;
	[sflag:s4] =	ssyncadd.s32 $0xFFFFF060  }
0x63: {  	[spmem:s2] =	stream.indirect.scatter.add.f32 [tilespmem:s14], [sflag:$0x1], $0x8, s19, s15, $0xb8;
	[tilespmem:$0x4D80] =	vst v63  }
0x64: {  	_ =	swait.ge [sflag:s4], $0xFA0  }
0x65: {  	[sflag:s4] =	ssyncset.done $0x0  }
0x66: {  	s20 =	simm.s32 $0x11B8;
	[sflag:s4] =	ssyncadd.s32 $0xFFFFF060  }
0x67: {  	[spmem:s2] =	stream.indirect.scatter.add.f32 [tilespmem:s14], [sflag:$0x1], $0x8, s20, s15, $0xb8;
	[tilespmem:$0x4D80] =	vst v63  }
0x68: {  	_ =	swait.ge [sflag:s4], $0xFA0  }
0x69: {  	[sflag:s4] =	ssyncset.done $0x0  }
0x6a: {  	s21 =	simm.s32 $0x13B0;
	[sflag:s4] =	ssyncadd.s32 $0xFFFFF060  }
0x6b: {  	[spmem:s2] =	stream.indirect.scatter.add.f32 [tilespmem:s14], [sflag:$0x1], $0x8, s21, s15, $0xb8;
	[tilespmem:$0x4D80] =	vst v63  }
0x6c: {  	_ =	swait.ge [sflag:s4], $0xFA0  }
0x6d: {  	[sflag:s4] =	ssyncset.done $0x0  }
0x6e: {  	s22 =	simm.s32 $0x15A8;
	[sflag:s4] =	ssyncadd.s32 $0xFFFFF060  }
0x6f: {  	[spmem:s2] =	stream.indirect.scatter.add.f32 [tilespmem:s14], [sflag:$0x1], $0x8, s22, s15, $0xb8;
	[tilespmem:$0x4D80] =	vst v63  }
0x70: {  	_ =	swait.ge [sflag:s4], $0xFA0  }
0x71: {  	[sflag:s4] =	ssyncset.done $0x0  }
0x72: {  	s23 =	simm.s32 $0x17A0;
	[sflag:s4] =	ssyncadd.s32 $0xFFFFF060  }
0x73: {  	[spmem:s2] =	stream.indirect.scatter.add.f32 [tilespmem:s14], [sflag:$0x1], $0x8, s23, s15, $0xb8;
	[tilespmem:$0x4D80] =	vst v63  }
0x74: {  	_ =	swait.ge [sflag:s4], $0xFA0  }
0x75: {  	[sflag:s4] =	ssyncset.done $0x0  }
0x76: {  	s24 =	simm.s32 $0x1998;
	[sflag:s4] =	ssyncadd.s32 $0xFFFFF060  }
0x77: {  	[spmem:s2] =	stream.indirect.scatter.add.f32 [tilespmem:s14], [sflag:$0x1], $0x8, s24, s15, $0xb8;
	[tilespmem:$0x4D80] =	vst v63  }
0x78: {  	_ =	swait.ge [sflag:s4], $0xFA0  }
0x79: {  	[sflag:s4] =	ssyncset.done $0x0  }
0x7a: {  	s25 =	simm.s32 $0x1B90;
	[sflag:s4] =	ssyncadd.s32 $0xFFFFF060  }
0x7b: {  	[spmem:s2] =	stream.indirect.scatter.add.f32 [tilespmem:s14], [sflag:$0x1], $0x8, s25, s15, $0xb8;
	[tilespmem:$0x4D80] =	vst v63  }
0x7c: {  	_ =	swait.ge [sflag:s4], $0xFA0  }
0x7d: {  	[sflag:s4] =	ssyncset.done $0x0  }
0x7e: {  	s26 =	simm.s32 $0x1D88;
	[sflag:s4] =	ssyncadd.s32 $0xFFFFF060  }
0x7f: {  	[spmem:s2] =	stream.indirect.scatter.add.f32 [tilespmem:s14], [sflag:$0x1], $0x8, s26, s15, $0xb8;
	[tilespmem:$0x4D80] =	vst v63  }
0x80: {  	_ =	swait.ge [sflag:s4], $0xFA0  }
0x81: {  	[sflag:s4] =	ssyncset.done $0x0  }
0x82: {  	s28 =	simm.s32 $0x1F80;
	[sflag:s4] =	ssyncadd.s32 $0xFFFFF060  }
0x83: {  	[spmem:s2] =	stream.indirect.scatter.add.f32 [tilespmem:s14], [sflag:$0x1], $0x8, s28, s15, $0xb8;
	[tilespmem:$0x4D80] =	vst v63  }
0x84: {  	_ =	swait.ge [sflag:s4], $0xFA0  }
0x85: {  	[sflag:s4] =	ssyncset.done $0x0  }
0x86: {  	s29 =	simm.s32 $0x2178;
	[sflag:s4] =	ssyncadd.s32 $0xFFFFF060  }
0x87: {  	[spmem:s2] =	stream.indirect.scatter.add.f32 [tilespmem:s14], [sflag:$0x1], $0x8, s29, s15, $0xb8;
	[tilespmem:$0x4D80] =	vst v63  }
0x88: {  	_ =	swait.ge [sflag:s4], $0xFA0  }
0x89: {  	[sflag:s4] =	ssyncset.done $0x0  }
0x8a: {  	s30 =	simm.s32 $0x2370;
	[sflag:s4] =	ssyncadd.s32 $0xFFFFF060  }
0x8b: {  	[spmem:s2] =	stream.indirect.scatter.add.f32 [tilespmem:s14], [sflag:$0x1], $0x8, s30, s15, $0xb8;
	[tilespmem:$0x4D80] =	vst v63  }
0x8c: {  	_ =	swait.ge [sflag:s4], $0xFA0  }
0x8d: {  	[sflag:s4] =	ssyncset.done $0x0  }
0x8e: {  	s31 =	simm.s32 $0x2568;
	[sflag:s4] =	ssyncadd.s32 $0xFFFFF060  }
0x8f: {  	[spmem:s2] =	stream.indirect.scatter.add.f32 [tilespmem:s14], [sflag:$0x1], $0x8, s31, s15, $0xb8;
	[tilespmem:$0x4D80] =	vst v63  }
0x90: {  	_ =	swait.ge [sflag:s4], $0xFA0  }
0x91: {  	[sflag:s4] =	ssyncset.done $0x0  }
0x92: {  	[sflag:s4] =	ssyncadd.s32 $0xFFFFF060  }
0x93: {  	[bflag:$0x0] =	sbarrier.arrive $0xFFFF  }
0x94: {  	[tilespmem:s5], [sflag:$0x1] =	stream.linear.gather [spmem:s6], $0x280, $0x38;
	[tilespmem:$0x4D80] =	vst v63  }
0x95: {  	_ =	swait.ge [sflag:s4], $0x280  }
0x96: {  	[sflag:s4] =	ssyncset.done $0x0  }
0x97: {  	s1 =	rddreg [dreg:$0x7];
	[sflag:s4] =	ssyncadd.s32 $0xFFFFFD80  }
0x98: {  	[hbm4b:s1+s3] =	stream.linear.scatter [tilespmem:s5], [sflag:$0x1], $0x280, $0x38;
	[tilespmem:$0x4D80] =	vst v63  }
0x99: {  	_ =	swait.ge [sflag:s4], $0x280  }
0x9a: {  	[sflag:s4] =	ssyncset.done $0x0  }
0x9b: {  	[sflag:s4] =	ssyncadd.s32 $0xFFFFFD80  }
0x9c: {  	[tilespmem:s5], [sflag:$0x1] =	stream.linear.gather [spmem:s7], $0x280, $0x38;
	[tilespmem:$0x4D80] =	vst v63  }
0x9d: {  	_ =	swait.ge [sflag:s4], $0x280  }
0x9e: {  	[sflag:s4] =	ssyncset.done $0x0  }
0x9f: {  	s1 =	rddreg [dreg:$0x8];
	[sflag:s4] =	ssyncadd.s32 $0xFFFFFD80  }
0xa0: {  	[hbm4b:s1+s3] =	stream.linear.scatter [tilespmem:s5], [sflag:$0x1], $0x280, $0x38;
	[tilespmem:$0x4D80] =	vst v63  }
0xa1: {  	_ =	swait.ge [sflag:s4], $0x280  }
0xa2: {  	[sflag:s4] =	ssyncset.done $0x0  }
0xa3: {  	[sflag:s4] =	ssyncadd.s32 $0xFFFFFD80  }
0xa4: {  	[tilespmem:s5], [sflag:$0x1] =	stream.linear.gather [spmem:s8], $0x280, $0x38;
	[tilespmem:$0x4D80] =	vst v63  }
0xa5: {  	_ =	swait.ge [sflag:s4], $0x280  }
0xa6: {  	[sflag:s4] =	ssyncset.done $0x0  }
0xa7: {  	s1 =	rddreg [dreg:$0x9];
	[sflag:s4] =	ssyncadd.s32 $0xFFFFFD80  }
0xa8: {  	[hbm4b:s1+s3] =	stream.linear.scatter [tilespmem:s5], [sflag:$0x1], $0x280, $0x38;
	[tilespmem:$0x4D80] =	vst v63  }
0xa9: {  	_ =	swait.ge [sflag:s4], $0x280  }
0xaa: {  	[sflag:s4] =	ssyncset.done $0x0  }
0xab: {  	[sflag:s4] =	ssyncadd.s32 $0xFFFFFD80  }
0xac: {  	[tilespmem:s5], [sflag:$0x1] =	stream.linear.gather [spmem:s9], $0x280, $0x38;
	[tilespmem:$0x4D80] =	vst v63  }
0xad: {  	_ =	swait.ge [sflag:s4], $0x280  }
0xae: {  	[sflag:s4] =	ssyncset.done $0x0  }
0xaf: {  	s1 =	rddreg [dreg:$0xa];
	[sflag:s4] =	ssyncadd.s32 $0xFFFFFD80  }
0xb0: {  	[hbm4b:s1+s3] =	stream.linear.scatter [tilespmem:s5], [sflag:$0x1], $0x280, $0x38;
	[tilespmem:$0x4D80] =	vst v63  }
0xb1: {  	_ =	swait.ge [sflag:s4], $0x280  }
0xb2: {  	[sflag:s4] =	ssyncset.done $0x0  }
0xb3: {  	[sflag:s4] =	ssyncadd.s32 $0xFFFFFD80  }
0xb4: {  	[tilespmem:s5], [sflag:$0x1] =	stream.linear.gather [spmem:s10], $0x280, $0x38;
	[tilespmem:$0x4D80] =	vst v63  }
0xb5: {  	_ =	swait.ge [sflag:s4], $0x280  }
0xb6: {  	[sflag:s4] =	ssyncset.done $0x0  }
0xb7: {  	s1 =	rddreg [dreg:$0xb];
	[sflag:s4] =	ssyncadd.s32 $0xFFFFFD80  }
0xb8: {  	[hbm4b:s1+s3] =	stream.linear.scatter [tilespmem:s5], [sflag:$0x1], $0x280, $0x38;
	[tilespmem:$0x4D80] =	vst v63  }
0xb9: {  	_ =	swait.ge [sflag:s4], $0x280  }
0xba: {  	[sflag:s4] =	ssyncset.done $0x0  }
0xbb: {  	[sflag:s4] =	ssyncadd.s32 $0xFFFFFD80  }
0xbc: {  	[tilespmem:s5], [sflag:$0x1] =	stream.linear.gather [spmem:s11], $0x280, $0x38;
	[tilespmem:$0x4D80] =	vst v63  }
0xbd: {  	_ =	swait.ge [sflag:s4], $0x280  }
0xbe: {  	[sflag:s4] =	ssyncset.done $0x0  }
0xbf: {  	s1 =	rddreg [dreg:$0xc];
	[sflag:s4] =	ssyncadd.s32 $0xFFFFFD80  }
0xc0: {  	[hbm4b:s1+s3] =	stream.linear.scatter [tilespmem:s5], [sflag:$0x1], $0x280, $0x38;
	[tilespmem:$0x4D80] =	vst v63  }
0xc1: {  	_ =	swait.ge [sflag:s4], $0x280  }
0xc2: {  	[sflag:s4] =	ssyncset.done $0x0  }
0xc3: {  	[sflag:s4] =	ssyncadd.s32 $0xFFFFFD80  }
0xc4: {  	[tilespmem:s5], [sflag:$0x1] =	stream.linear.gather [spmem:s12], $0x280, $0x38;
	[tilespmem:$0x4D80] =	vst v63  }
0xc5: {  	_ =	swait.ge [sflag:s4], $0x280  }
0xc6: {  	[sflag:s4] =	ssyncset.done $0x0  }
0xc7: {  	s1 =	rddreg [dreg:$0xd];
	[sflag:s4] =	ssyncadd.s32 $0xFFFFFD80  }
0xc8: {  	[hbm4b:s1+s3] =	stream.linear.scatter [tilespmem:s5], [sflag:$0x1], $0x280, $0x38;
	[tilespmem:$0x4D80] =	vst v63  }
0xc9: {  	_ =	swait.ge [sflag:s4], $0x280  }
0xca: {  	[sflag:s4] =	ssyncset.done $0x0  }
0xcb: {  	[sflag:s4] =	ssyncadd.s32 $0xFFFFFD80  }
0xcc: {  	[tilespmem:s5], [sflag:$0x1] =	stream.linear.gather [spmem:s13], $0x280, $0x38;
	[tilespmem:$0x4D80] =	vst v63  }
0xcd: {  	_ =	swait.ge [sflag:s4], $0x280  }
0xce: {  	s0 =	ssub.s32 $0x2, s0;
	s1 =	rddreg [dreg:$0xe]  }
0xcf: {  	[dreg:$0x13] =	wrdreg s1;
	s1 =	sshrl.u32 s0, $0x1  }
0xd0: {  	s0 =	ssub.s32 s0, s1  }
0xd1: {  	s0 =	smax.u32 s0, $0x1  }
0xd2: {  	p0 =	sne.s32 s0, $0x1  }
.Ltmp0:
0xd3: {  	_ = 	snop;
	(pc) =	sbr.rel @!p0 .LBB2_2-.Ltmp0, $4  }
0xd4: {  	[sflag:s4] =	ssyncset.done $0x0  }
0xd5: {  	[sflag:s4] =	ssyncadd.s32 $0xFFFFFD80;
	s1 =	rddreg [dreg:$0x13]  }
0xd6: {  	[hbm4b:s1+s3] =	stream.linear.scatter [tilespmem:s5], [sflag:$0x1], $0x280, $0x38;
	[tilespmem:$0x4D80] =	vst v63  }
0xd7: {  	s0 =	sadd.s32 $0xFFFFFFFF, s0;
	_ =	swait.ge [sflag:s4], $0x280  }
.LBB2_1:
0xd8: {  	[sflag:s4] =	ssyncset.done $0x0  }
0xd9: {  	s1 =	rddreg [dreg:$0x5];
	[sflag:s4] =	ssyncadd.s32 $0xFFFFFD80  }
0xda: {  	[tilespmem:s5], [sflag:$0x1] =	stream.linear.gather [hbm4b:s1+s3], $0x280, $0x38;
	[tilespmem:$0x4D80] =	vst v63  }
0xdb: {  	_ =	swait.ge [sflag:s4], $0x280  }
0xdc: {  	[sflag:s4] =	ssyncset.done $0x0  }
0xdd: {  	[sflag:s4] =	ssyncadd.s32 $0xFFFFFD80  }
0xde: {  	[spmem:s6] =	stream.linear.scatter [tilespmem:s5], [sflag:$0x1], $0x280, $0x38;
	[tilespmem:$0x4D80] =	vst v63  }
0xdf: {  	_ =	swait.ge [sflag:s4], $0x280  }
0xe0: {  	[sflag:s4] =	ssyncset.done $0x0  }
0xe1: {  	[sflag:s4] =	ssyncadd.s32 $0xFFFFFD80  }
0xe2: {  	[spmem:s7] =	stream.linear.scatter [tilespmem:s5], [sflag:$0x1], $0x280, $0x38;
	[tilespmem:$0x4D80] =	vst v63  }
0xe3: {  	_ =	swait.ge [sflag:s4], $0x280  }
0xe4: {  	[sflag:s4] =	ssyncset.done $0x0  }
0xe5: {  	[sflag:s4] =	ssyncadd.s32 $0xFFFFFD80  }
0xe6: {  	[spmem:s8] =	stream.linear.scatter [tilespmem:s5], [sflag:$0x1], $0x280, $0x38;
	[tilespmem:$0x4D80] =	vst v63  }
0xe7: {  	_ =	swait.ge [sflag:s4], $0x280  }
0xe8: {  	[sflag:s4] =	ssyncset.done $0x0  }
0xe9: {  	[sflag:s4] =	ssyncadd.s32 $0xFFFFFD80  }
0xea: {  	[spmem:s9] =	stream.linear.scatter [tilespmem:s5], [sflag:$0x1], $0x280, $0x38;
	[tilespmem:$0x4D80] =	vst v63  }
0xeb: {  	_ =	swait.ge [sflag:s4], $0x280  }
0xec: {  	[sflag:s4] =	ssyncset.done $0x0  }
0xed: {  	[sflag:s4] =	ssyncadd.s32 $0xFFFFFD80  }
0xee: {  	[spmem:s10] =	stream.linear.scatter [tilespmem:s5], [sflag:$0x1], $0x280, $0x38;
	[tilespmem:$0x4D80] =	vst v63  }
0xef: {  	_ =	swait.ge [sflag:s4], $0x280  }
0xf0: {  	[sflag:s4] =	ssyncset.done $0x0  }
0xf1: {  	[sflag:s4] =	ssyncadd.s32 $0xFFFFFD80  }
0xf2: {  	[spmem:s11] =	stream.linear.scatter [tilespmem:s5], [sflag:$0x1], $0x280, $0x38;
	[tilespmem:$0x4D80] =	vst v63  }
0xf3: {  	_ =	swait.ge [sflag:s4], $0x280  }
0xf4: {  	[sflag:s4] =	ssyncset.done $0x0  }
0xf5: {  	[sflag:s4] =	ssyncadd.s32 $0xFFFFFD80  }
0xf6: {  	[spmem:s12] =	stream.linear.scatter [tilespmem:s5], [sflag:$0x1], $0x280, $0x38;
	[tilespmem:$0x4D80] =	vst v63  }
0xf7: {  	_ =	swait.ge [sflag:s4], $0x280  }
0xf8: {  	[sflag:s4] =	ssyncset.done $0x0  }
0xf9: {  	[sflag:s4] =	ssyncadd.s32 $0xFFFFFD80  }
0xfa: {  	[spmem:s13] =	stream.linear.scatter [tilespmem:s5], [sflag:$0x1], $0x280, $0x38;
	[tilespmem:$0x4D80] =	vst v63  }
0xfb: {  	_ =	swait.ge [sflag:s4], $0x280  }
0xfc: {  	[sflag:s4] =	ssyncset.done $0x0  }
0xfd: {  	s1 =	rddreg [dreg:$0x4];
	[sflag:s4] =	ssyncadd.s32 $0xFFFFFD80  }
0xfe: {  	[tilespmem:s14], [sflag:$0x1] =	stream.linear.gather [hbm4b:s1+s3], $0xFA0, $0x38;
	[tilespmem:$0x4D80] =	vst v63  }
0xff: {  	_ =	swait.ge [sflag:s4], $0xFA0  }
0x100: {  	[sflag:s4] =	ssyncset.done $0x0  }
0x101: {  	s1 =	rddreg [dreg:$0x6];
	[sflag:s4] =	ssyncadd.s32 $0xFFFFF060  }
0x102: {  	[tilespmem:s3], [sflag:$0x1] =	stream.linear.gather [hbm4b:s1+s3], $0x2760, $0x38;
	[tilespmem:$0x4D80] =	vst v63  }
0x103: {  	_ =	swait.ge [sflag:s4], $0x2760  }
0x104: {  	[sflag:s4] =	ssyncset.done $0x0  }
0x105: {  	[sflag:s4] =	ssyncadd.s32 $0xFFFFD8A0  }
0x106: {  	[bflag:$0x0] =	sbarrier.arrive $0xFFFF  }
0x107: {  	[spmem:s2] =	stream.indirect.scatter.add.f32 [tilespmem:s14], [sflag:$0x1], $0x8, s3, s15, $0xb8;
	[tilespmem:$0x4D80] =	vst v63  }
0x108: {  	_ =	swait.ge [sflag:s4], $0xFA0  }
0x109: {  	[sflag:s4] =	ssyncset.done $0x0  }
0x10a: {  	s1 =	rddreg [dreg:$0xf];
	[sflag:s4] =	ssyncadd.s32 $0xFFFFF060  }
0x10b: {  	[spmem:s2] =	stream.indirect.scatter.add.f32 [tilespmem:s14], [sflag:$0x1], $0x8, s1, s15, $0xb8;
	[tilespmem:$0x4D80] =	vst v63  }
0x10c: {  	_ =	swait.ge [sflag:s4], $0xFA0  }
0x10d: {  	[sflag:s4] =	ssyncset.done $0x0  }
0x10e: {  	s1 =	rddreg [dreg:$0x10];
	[sflag:s4] =	ssyncadd.s32 $0xFFFFF060  }
0x10f: {  	[spmem:s2] =	stream.indirect.scatter.add.f32 [tilespmem:s14], [sflag:$0x1], $0x8, s1, s15, $0xb8;
	[tilespmem:$0x4D80] =	vst v63  }
0x110: {  	_ =	swait.ge [sflag:s4], $0xFA0  }
0x111: {  	[sflag:s4] =	ssyncset.done $0x0  }
0x112: {  	s1 =	rddreg [dreg:$0x11];
	[sflag:s4] =	ssyncadd.s32 $0xFFFFF060  }
0x113: {  	[spmem:s2] =	stream.indirect.scatter.add.f32 [tilespmem:s14], [sflag:$0x1], $0x8, s1, s15, $0xb8;
	[tilespmem:$0x4D80] =	vst v63  }
0x114: {  	_ =	swait.ge [sflag:s4], $0xFA0  }
0x115: {  	[sflag:s4] =	ssyncset.done $0x0  }
0x116: {  	s1 =	rddreg [dreg:$0x12];
	[sflag:s4] =	ssyncadd.s32 $0xFFFFF060  }
0x117: {  	[spmem:s2] =	stream.indirect.scatter.add.f32 [tilespmem:s14], [sflag:$0x1], $0x8, s1, s15, $0xb8;
	[tilespmem:$0x4D80] =	vst v63  }
0x118: {  	_ =	swait.ge [sflag:s4], $0xFA0  }
0x119: {  	[sflag:s4] =	ssyncset.done $0x0  }
0x11a: {  	[sflag:s4] =	ssyncadd.s32 $0xFFFFF060  }
0x11b: {  	[spmem:s2] =	stream.indirect.scatter.add.f32 [tilespmem:s14], [sflag:$0x1], $0x8, s16, s15, $0xb8;
	[tilespmem:$0x4D80] =	vst v63  }
0x11c: {  	_ =	swait.ge [sflag:s4], $0xFA0  }
0x11d: {  	[sflag:s4] =	ssyncset.done $0x0  }
0x11e: {  	[sflag:s4] =	ssyncadd.s32 $0xFFFFF060  }
0x11f: {  	[spmem:s2] =	stream.indirect.scatter.add.f32 [tilespmem:s14], [sflag:$0x1], $0x8, s17, s15, $0xb8;
	[tilespmem:$0x4D80] =	vst v63  }
0x120: {  	_ =	swait.ge [sflag:s4], $0xFA0  }
0x121: {  	[sflag:s4] =	ssyncset.done $0x0  }
0x122: {  	[sflag:s4] =	ssyncadd.s32 $0xFFFFF060  }
0x123: {  	[spmem:s2] =	stream.indirect.scatter.add.f32 [tilespmem:s14], [sflag:$0x1], $0x8, s18, s15, $0xb8;
	[tilespmem:$0x4D80] =	vst v63  }
0x124: {  	_ =	swait.ge [sflag:s4], $0xFA0  }
0x125: {  	[sflag:s4] =	ssyncset.done $0x0  }
0x126: {  	[sflag:s4] =	ssyncadd.s32 $0xFFFFF060  }
0x127: {  	[spmem:s2] =	stream.indirect.scatter.add.f32 [tilespmem:s14], [sflag:$0x1], $0x8, s19, s15, $0xb8;
	[tilespmem:$0x4D80] =	vst v63  }
0x128: {  	_ =	swait.ge [sflag:s4], $0xFA0  }
0x129: {  	[sflag:s4] =	ssyncset.done $0x0  }
0x12a: {  	[sflag:s4] =	ssyncadd.s32 $0xFFFFF060  }
0x12b: {  	[spmem:s2] =	stream.indirect.scatter.add.f32 [tilespmem:s14], [sflag:$0x1], $0x8, s20, s15, $0xb8;
	[tilespmem:$0x4D80] =	vst v63  }
0x12c: {  	_ =	swait.ge [sflag:s4], $0xFA0  }
0x12d: {  	[sflag:s4] =	ssyncset.done $0x0  }
0x12e: {  	[sflag:s4] =	ssyncadd.s32 $0xFFFFF060  }
0x12f: {  	[spmem:s2] =	stream.indirect.scatter.add.f32 [tilespmem:s14], [sflag:$0x1], $0x8, s21, s15, $0xb8;
	[tilespmem:$0x4D80] =	vst v63  }
0x130: {  	_ =	swait.ge [sflag:s4], $0xFA0  }
0x131: {  	[sflag:s4] =	ssyncset.done $0x0  }
0x132: {  	[sflag:s4] =	ssyncadd.s32 $0xFFFFF060  }
0x133: {  	[spmem:s2] =	stream.indirect.scatter.add.f32 [tilespmem:s14], [sflag:$0x1], $0x8, s22, s15, $0xb8;
	[tilespmem:$0x4D80] =	vst v63  }
0x134: {  	_ =	swait.ge [sflag:s4], $0xFA0  }
0x135: {  	[sflag:s4] =	ssyncset.done $0x0  }
0x136: {  	[sflag:s4] =	ssyncadd.s32 $0xFFFFF060  }
0x137: {  	[spmem:s2] =	stream.indirect.scatter.add.f32 [tilespmem:s14], [sflag:$0x1], $0x8, s23, s15, $0xb8;
	[tilespmem:$0x4D80] =	vst v63  }
0x138: {  	_ =	swait.ge [sflag:s4], $0xFA0  }
0x139: {  	[sflag:s4] =	ssyncset.done $0x0  }
0x13a: {  	[sflag:s4] =	ssyncadd.s32 $0xFFFFF060  }
0x13b: {  	[spmem:s2] =	stream.indirect.scatter.add.f32 [tilespmem:s14], [sflag:$0x1], $0x8, s24, s15, $0xb8;
	[tilespmem:$0x4D80] =	vst v63  }
0x13c: {  	_ =	swait.ge [sflag:s4], $0xFA0  }
0x13d: {  	[sflag:s4] =	ssyncset.done $0x0  }
0x13e: {  	[sflag:s4] =	ssyncadd.s32 $0xFFFFF060  }
0x13f: {  	[spmem:s2] =	stream.indirect.scatter.add.f32 [tilespmem:s14], [sflag:$0x1], $0x8, s25, s15, $0xb8;
	[tilespmem:$0x4D80] =	vst v63  }
0x140: {  	_ =	swait.ge [sflag:s4], $0xFA0  }
0x141: {  	[sflag:s4] =	ssyncset.done $0x0  }
0x142: {  	[sflag:s4] =	ssyncadd.s32 $0xFFFFF060  }
0x143: {  	[spmem:s2] =	stream.indirect.scatter.add.f32 [tilespmem:s14], [sflag:$0x1], $0x8, s26, s15, $0xb8;
	[tilespmem:$0x4D80] =	vst v63  }
0x144: {  	_ =	swait.ge [sflag:s4], $0xFA0  }
0x145: {  	[sflag:s4] =	ssyncset.done $0x0  }
0x146: {  	[sflag:s4] =	ssyncadd.s32 $0xFFFFF060  }
0x147: {  	[spmem:s2] =	stream.indirect.scatter.add.f32 [tilespmem:s14], [sflag:$0x1], $0x8, s28, s15, $0xb8;
	[tilespmem:$0x4D80] =	vst v63  }
0x148: {  	_ =	swait.ge [sflag:s4], $0xFA0  }
0x149: {  	[sflag:s4] =	ssyncset.done $0x0  }
0x14a: {  	[sflag:s4] =	ssyncadd.s32 $0xFFFFF060  }
0x14b: {  	[spmem:s2] =	stream.indirect.scatter.add.f32 [tilespmem:s14], [sflag:$0x1], $0x8, s29, s15, $0xb8;
	[tilespmem:$0x4D80] =	vst v63  }
0x14c: {  	_ =	swait.ge [sflag:s4], $0xFA0  }
0x14d: {  	[sflag:s4] =	ssyncset.done $0x0  }
0x14e: {  	[sflag:s4] =	ssyncadd.s32 $0xFFFFF060  }
0x14f: {  	[spmem:s2] =	stream.indirect.scatter.add.f32 [tilespmem:s14], [sflag:$0x1], $0x8, s30, s15, $0xb8;
	[tilespmem:$0x4D80] =	vst v63  }
0x150: {  	_ =	swait.ge [sflag:s4], $0xFA0  }
0x151: {  	[sflag:s4] =	ssyncset.done $0x0  }
0x152: {  	[sflag:s4] =	ssyncadd.s32 $0xFFFFF060  }
0x153: {  	[spmem:s2] =	stream.indirect.scatter.add.f32 [tilespmem:s14], [sflag:$0x1], $0x8, s31, s15, $0xb8;
	[tilespmem:$0x4D80] =	vst v63  }
0x154: {  	_ =	swait.ge [sflag:s4], $0xFA0  }
0x155: {  	[sflag:s4] =	ssyncset.done $0x0  }
0x156: {  	[sflag:s4] =	ssyncadd.s32 $0xFFFFF060  }
0x157: {  	[bflag:$0x0] =	sbarrier.arrive $0xFFFF  }
0x158: {  	[tilespmem:s5], [sflag:$0x1] =	stream.linear.gather [spmem:s6], $0x280, $0x38;
	[tilespmem:$0x4D80] =	vst v63  }
0x159: {  	_ =	swait.ge [sflag:s4], $0x280  }
0x15a: {  	[sflag:s4] =	ssyncset.done $0x0  }
0x15b: {  	s1 =	rddreg [dreg:$0x7];
	[sflag:s4] =	ssyncadd.s32 $0xFFFFFD80  }
0x15c: {  	[hbm4b:s1+s3] =	stream.linear.scatter [tilespmem:s5], [sflag:$0x1], $0x280, $0x38;
	[tilespmem:$0x4D80] =	vst v63  }
0x15d: {  	_ =	swait.ge [sflag:s4], $0x280  }
0x15e: {  	[sflag:s4] =	ssyncset.done $0x0  }
0x15f: {  	[sflag:s4] =	ssyncadd.s32 $0xFFFFFD80  }
0x160: {  	[tilespmem:s5], [sflag:$0x1] =	stream.linear.gather [spmem:s7], $0x280, $0x38;
	[tilespmem:$0x4D80] =	vst v63  }
0x161: {  	_ =	swait.ge [sflag:s4], $0x280  }
0x162: {  	[sflag:s4] =	ssyncset.done $0x0  }
0x163: {  	s1 =	rddreg [dreg:$0x8];
	[sflag:s4] =	ssyncadd.s32 $0xFFFFFD80  }
0x164: {  	[hbm4b:s1+s3] =	stream.linear.scatter [tilespmem:s5], [sflag:$0x1], $0x280, $0x38;
	[tilespmem:$0x4D80] =	vst v63  }
0x165: {  	_ =	swait.ge [sflag:s4], $0x280  }
0x166: {  	[sflag:s4] =	ssyncset.done $0x0  }
0x167: {  	[sflag:s4] =	ssyncadd.s32 $0xFFFFFD80  }
0x168: {  	[tilespmem:s5], [sflag:$0x1] =	stream.linear.gather [spmem:s8], $0x280, $0x38;
	[tilespmem:$0x4D80] =	vst v63  }
0x169: {  	_ =	swait.ge [sflag:s4], $0x280  }
0x16a: {  	[sflag:s4] =	ssyncset.done $0x0  }
0x16b: {  	s1 =	rddreg [dreg:$0x9];
	[sflag:s4] =	ssyncadd.s32 $0xFFFFFD80  }
0x16c: {  	[hbm4b:s1+s3] =	stream.linear.scatter [tilespmem:s5], [sflag:$0x1], $0x280, $0x38;
	[tilespmem:$0x4D80] =	vst v63  }
0x16d: {  	_ =	swait.ge [sflag:s4], $0x280  }
0x16e: {  	[sflag:s4] =	ssyncset.done $0x0  }
0x16f: {  	[sflag:s4] =	ssyncadd.s32 $0xFFFFFD80  }
0x170: {  	[tilespmem:s5], [sflag:$0x1] =	stream.linear.gather [spmem:s9], $0x280, $0x38;
	[tilespmem:$0x4D80] =	vst v63  }
0x171: {  	_ =	swait.ge [sflag:s4], $0x280  }
0x172: {  	[sflag:s4] =	ssyncset.done $0x0  }
0x173: {  	s1 =	rddreg [dreg:$0xa];
	[sflag:s4] =	ssyncadd.s32 $0xFFFFFD80  }
0x174: {  	[hbm4b:s1+s3] =	stream.linear.scatter [tilespmem:s5], [sflag:$0x1], $0x280, $0x38;
	[tilespmem:$0x4D80] =	vst v63  }
0x175: {  	_ =	swait.ge [sflag:s4], $0x280  }
0x176: {  	[sflag:s4] =	ssyncset.done $0x0  }
0x177: {  	[sflag:s4] =	ssyncadd.s32 $0xFFFFFD80  }
0x178: {  	[tilespmem:s5], [sflag:$0x1] =	stream.linear.gather [spmem:s10], $0x280, $0x38;
	[tilespmem:$0x4D80] =	vst v63  }
0x179: {  	_ =	swait.ge [sflag:s4], $0x280  }
0x17a: {  	[sflag:s4] =	ssyncset.done $0x0  }
0x17b: {  	s1 =	rddreg [dreg:$0xb];
	[sflag:s4] =	ssyncadd.s32 $0xFFFFFD80  }
0x17c: {  	[hbm4b:s1+s3] =	stream.linear.scatter [tilespmem:s5], [sflag:$0x1], $0x280, $0x38;
	[tilespmem:$0x4D80] =	vst v63  }
0x17d: {  	_ =	swait.ge [sflag:s4], $0x280  }
0x17e: {  	[sflag:s4] =	ssyncset.done $0x0  }
0x17f: {  	[sflag:s4] =	ssyncadd.s32 $0xFFFFFD80  }
0x180: {  	[tilespmem:s5], [sflag:$0x1] =	stream.linear.gather [spmem:s11], $0x280, $0x38;
	[tilespmem:$0x4D80] =	vst v63  }
0x181: {  	_ =	swait.ge [sflag:s4], $0x280  }
0x182: {  	[sflag:s4] =	ssyncset.done $0x0  }
0x183: {  	s1 =	rddreg [dreg:$0xc];
	[sflag:s4] =	ssyncadd.s32 $0xFFFFFD80  }
0x184: {  	[hbm4b:s1+s3] =	stream.linear.scatter [tilespmem:s5], [sflag:$0x1], $0x280, $0x38;
	[tilespmem:$0x4D80] =	vst v63  }
0x185: {  	_ =	swait.ge [sflag:s4], $0x280  }
0x186: {  	[sflag:s4] =	ssyncset.done $0x0  }
0x187: {  	[sflag:s4] =	ssyncadd.s32 $0xFFFFFD80  }
0x188: {  	[tilespmem:s5], [sflag:$0x1] =	stream.linear.gather [spmem:s12], $0x280, $0x38;
	[tilespmem:$0x4D80] =	vst v63  }
0x189: {  	_ =	swait.ge [sflag:s4], $0x280  }
0x18a: {  	[sflag:s4] =	ssyncset.done $0x0  }
0x18b: {  	s1 =	rddreg [dreg:$0xd];
	[sflag:s4] =	ssyncadd.s32 $0xFFFFFD80  }
0x18c: {  	[hbm4b:s1+s3] =	stream.linear.scatter [tilespmem:s5], [sflag:$0x1], $0x280, $0x38;
	[tilespmem:$0x4D80] =	vst v63  }
0x18d: {  	_ =	swait.ge [sflag:s4], $0x280  }
0x18e: {  	[sflag:s4] =	ssyncset.done $0x0  }
0x18f: {  	p0 =	sne.s32 s0, $0x1;
	[sflag:s4] =	ssyncadd.s32 $0xFFFFFD80  }
0x190: {  	[tilespmem:s5], [sflag:$0x1] =	stream.linear.gather [spmem:s13], $0x280, $0x38;
	[tilespmem:$0x4D80] =	vst v63  }
.Ltmp1:
0x191: {  	_ =	swait.ge [sflag:s4], $0x280;
	(pc) =	sbr.rel @p0 .LBB2_1-.Ltmp1, $4  }
0x192: {  	[sflag:s4] =	ssyncset.done $0x0  }
0x193: {  	s1 =	rddreg [dreg:$0xe];
	[sflag:s4] =	ssyncadd.s32 $0xFFFFFD80  }
0x194: {  	[hbm4b:s1+s3] =	stream.linear.scatter [tilespmem:s5], [sflag:$0x1], $0x280, $0x38;
	[tilespmem:$0x4D80] =	vst v63  }
0x195: {  	s0 =	sadd.s32 $0xFFFFFFFF, s0;
	_ =	swait.ge [sflag:s4], $0x280  }
.LBB2_2:
0x196: {  	[sflag:s4] =	ssyncset.done $0x0  }
0x197: {  	[sflag:s4] =	ssyncadd.s32 $0xFFFFFD80  }
0x198: {  	_ =	sfence.sel $0x180000  }
0x199: {  	[bflag:$0x0] =	sbarrier.arrive $0xFFFF  }
0x19a: {  	_ =	strace $0x90000047  }
0x19b: {  	s0 =	stileid.u32;
	[bflag:$0x2] =	sbarrier.arrive $0xFFFF  }
0x19c: {  	p0 =	sne.s32 s0, $0x0;
	s0 =	rddreg [dreg:$0x3]  }
0x19d: {  	s0 =	sadd.s32 @!p0 $0x100000, s0  }
0x19e: {  	[sflag:s0] =	ssyncadd.tile.s32 @!p0 $0x1;
	_ =	shalt  }
.Lfunc_end2:
_tile_overlayer_lowered:
.L_overlay_start_2:
0x19f: {  	(tag) =	ssettag $0x2  }
0x1a0: {  	s0 =	rddreg [dreg:$0x0];
	s2 =	stileid.u32  }
0x1a1: {  	s1 =	rddreg [dreg:$0x1];
	p0 =	sne.s32 s2, $0x0  }
0x1a2: {  	s3 =	rddreg [dreg:$0x2];
	[bflag:$0x3] =	sbarrier.arrive $0xFFFF;
	s2 =	simm.s32 @!p0 $0x1C01  }
0x1a3: {  	[timem:s3], [sflag:s2] =	dma.local @!p0 [hbm:s0], s1  }
0x1a4: {  	s0 =	simm.s32 @!p0 $0x1  }
0x1a5: {  	_ =	swait.ge @!p0 [sflag:s0], s1  }
0x1a6: {  	s1 =	ssub.s32 @!p0 $0x0, s1;
	[sflag:s0] =	ssyncset.done @!p0 $0x0  }
0x1a7: {  	[sflag:s0] =	ssyncadd.s32 @!p0 s1  }
0x1a8: {  	[bflag:$0x3] =	sbarrier.arrive $0xFFFF  }
0x1a9: {  	_ =	shalt  }

</sc_bundles>
